<compile_context>
chip_gen: v7x
topology: tpu7x:2x2x1
jax: 0.10.2.dev20260603
libtpu: 0.0.44.dev20260713+nightly
codegen_flags: <defaults>
</compile_context>

<pallas_src>
import functools

import jax
import jax.numpy as jnp
from jax import lax
from jax.experimental import pallas as pl
from jax.experimental.pallas import tpu as pltpu
from jax.experimental.pallas import tpu_sc as plsc

_T = 64
_H = 192
_NM = _T * (_T + 1) // 2
_SCALE = 0.5
_EPS = 1e-12

_OFF = tuple(i * _T - i * (i - 1) // 2 - i for i in range(_T))
_DIAG = tuple(off + i for i, off in enumerate(_OFF))


def _tc_body(x_ref, colg_ref, wrT_ref, br_ref, wcT_ref, bc_ref, g_ref, bb_ref,
             out_ref):
    row_proj = jnp.dot(x_ref[0, :_T, :], wrT_ref[...],
                       preferred_element_type=jnp.float32) + br_ref[...]
    col_proj = jnp.dot(colg_ref[0], wcT_ref[...],
                       preferred_element_type=jnp.float32) + bc_ref[...]
    g = g_ref[...]
    bb = bb_ref[...]
    inv_h = 1.0 / _H
    for i in range(_T):
        xw = x_ref[0, _OFF[i] + i:_OFF[i] + _T, :]
        z = jnp.maximum(row_proj[i:_T, :] + col_proj[i, :][None, :], 0.0) + xw
        s1 = jnp.sum(z, axis=-1, keepdims=True)
        s2 = jnp.sum(z * z, axis=-1, keepdims=True)
        mu = s1 * inv_h
        var = jnp.maximum(s2 * inv_h - mu * mu, 0.0)
        inv = lax.rsqrt(var + _EPS)
        y = (z - mu) * (inv * g) + bb
        if i:
            out_ref[0, i * _T:i * _T + i, :] = jnp.zeros((i, _H), jnp.float32)
        out_ref[0, i * _T + i:(i + 1) * _T, :] = y


def _make_sc_gather(n_rows: int, h: int):
    info = plsc.get_sparse_core_info()
    nw = info.num_cores * info.num_subcores
    rows_per_w = n_rows // nw
    mesh = plsc.VectorSubcoreMesh(core_axis_name="c", subcore_axis_name="s")

    @functools.partial(
        pl.kernel,
        mesh=mesh,
        out_type=jax.ShapeDtypeStruct((n_rows, h), jnp.float32),
        scratch_types=[
            pltpu.VMEM((rows_per_w,), jnp.int32),
            pltpu.VMEM((rows_per_w, h), jnp.float32),
            pltpu.SemaphoreType.DMA,
        ],
        compiler_params=pltpu.CompilerParams(use_tc_tiling_on_sc=False),
    )
    def gather(table_hbm, idx_hbm, out_hbm, idx_v, rows_v, sem):
        wid = lax.axis_index("s") * info.num_cores + lax.axis_index("c")
        base = wid * rows_per_w
        pltpu.sync_copy(idx_hbm.at[pl.ds(base, rows_per_w)], idx_v)
        pltpu.async_copy(table_hbm.at[idx_v], rows_v, sem).wait()
        pltpu.sync_copy(rows_v, out_hbm.at[pl.ds(base, rows_per_w)])

    return gather


def kernel(input_tensor, W_row, b_row, W_col, b_col, ln_g, ln_b, row_conn,
           col_conn, out_indexes):
    x = input_tensor
    b_sz = x.shape[0]

    col_src = col_conn[jnp.asarray(_DIAG, dtype=jnp.int32)]
    gidx = (jnp.arange(b_sz, dtype=jnp.int32) * _NM)[:, None] + col_src[None, :]
    colg = _make_sc_gather(b_sz * _T, _H)(x.reshape(b_sz * _NM, _H),
                                          gidx.reshape(-1))
    colg = colg.reshape(b_sz, _T, _H)

    out = pl.pallas_call(
        _tc_body,
        grid=(b_sz,),
        in_specs=[
            pl.BlockSpec((1, _NM, _H), lambda b: (b, 0, 0)),
            pl.BlockSpec((1, _T, _H), lambda b: (b, 0, 0)),
            pl.BlockSpec((_H, _H), lambda b: (0, 0)),
            pl.BlockSpec((1, _H), lambda b: (0, 0)),
            pl.BlockSpec((_H, _H), lambda b: (0, 0)),
            pl.BlockSpec((1, _H), lambda b: (0, 0)),
            pl.BlockSpec((1, _H), lambda b: (0, 0)),
            pl.BlockSpec((1, _H), lambda b: (0, 0)),
        ],
        out_specs=pl.BlockSpec((1, _T * _T, _H), lambda b: (b, 0, 0)),
        out_shape=jax.ShapeDtypeStruct((b_sz, _T * _T, _H), jnp.float32),
    )(x, colg, _SCALE * W_row.T, _SCALE * b_row.reshape(1, _H),
      _SCALE * W_col.T, _SCALE * b_col.reshape(1, _H),
      ln_g.reshape(1, _H), ln_b.reshape(1, _H))

    return out.reshape(b_sz, _T, _T, _H)

# --- scband reference (transcript-rebuilt; emitter-appended) ---
"""Pipeline reference for scband-dcgcn-47081431499382 (READ-ONLY COPY).

The authoritative reference and input builder live on the scoring server;
editing this copy changes nothing except your own understanding.
"""

import jax, jax.numpy as jnp
import numpy as np

T = 64
H = 192
B = 64
SCALE = 0.5
LAYERS = 1

def _build_graph(t):
    mask = np.triu(np.ones((t, t), dtype=np.int64))
    idx_map = -np.ones((t, t), dtype=np.int64)
    c = 0
    for i in range(t):
        for j in range(t):
            if mask[i, j] == 1:
                idx_map[i, j] = c
                c += 1
    row, col = [], []
    for i in range(t):
        for j in range(t):
            if mask[i, j] == 1:
                tj = j
                while mask[0, tj] == 0:
                    tj += 1
                ti = i
                while mask[ti, t - 1] == 0:
                    ti -= 1
                row.append(idx_map[0, tj])
                col.append(idx_map[ti, t - 1])
    indexes = np.flatnonzero(mask.reshape(-1))
    return np.asarray(row, dtype=np.int32), np.asarray(col, dtype=np.int32), indexes.astype(np.int32), c

ROW, COL, OUT_IDX, NM = _build_graph(T)

def setup_inputs(seed: int = 0):
    key = jax.random.key(seed)
    ks = jax.random.split(key, 4)
    return {
        "input_tensor": jax.random.normal(ks[0], (B, NM, H), dtype=jnp.float32),
        "W_row": jax.random.normal(ks[1], (H, H), dtype=jnp.float32) * 0.02,
        "b_row": jnp.zeros((H,), dtype=jnp.float32),
        "W_col": jax.random.normal(ks[2], (H, H), dtype=jnp.float32) * 0.02,
        "b_col": jnp.zeros((H,), dtype=jnp.float32),
        "ln_g": jnp.ones((H,), dtype=jnp.float32),
        "ln_b": jnp.zeros((H,), dtype=jnp.float32),
        "row_conn": jnp.asarray(ROW, dtype=jnp.int32),
        "col_conn": jnp.asarray(COL, dtype=jnp.int32),
        "out_indexes": jnp.asarray(OUT_IDX, dtype=jnp.int32),
    }

def _layer_norm(x, g, b, eps=1e-12):
    mu = jnp.mean(x, axis=-1, keepdims=True)
    var = jnp.mean((x - mu) ** 2, axis=-1, keepdims=True)
    return g * (x - mu) / jnp.sqrt(var + eps) + b

def reference(input_tensor, W_row, b_row, W_col, b_col, ln_g, ln_b, row_conn, col_conn, out_indexes):
    nodes = input_tensor
    for _ in range(LAYERS):
        first_row = jnp.take(nodes, row_conn, axis=1)
        last_col = jnp.take(nodes, col_conn, axis=1)
        new_nodes = jax.nn.relu(first_row @ W_row.T + b_row + last_col @ W_col.T + b_col)
        nodes = _layer_norm(SCALE * new_nodes + nodes, ln_g, ln_b)
    tb = nodes.shape[0]
    out = jnp.zeros((tb, T * T, H), dtype=jnp.float32).at[:, out_indexes, :].set(nodes)
    return out.reshape(tb, T, T, H)

if __name__ == "__main__":
    import jax
    _d = setup_inputs()
    print(jax.jit(kernel)(*tuple(_d.values())))

</pallas_src>

<mosaic_0001>
#map = affine_map<(d0, d1) -> (0, 0)>
#map1 = affine_map<(d0, d1) -> (0)>
module attributes {stable_mosaic.version = 14 : i64} {
  func.func @gather(%arg0: i32, %arg1: i32, %arg2: memref<133120x192xf32, #tpu.memory_space<hbm>>, %arg3: memref<4096xi32, #tpu.memory_space<hbm>>, %arg4: memref<4096x192xf32, #tpu.memory_space<hbm>>, %arg5: memref<128xi32, #tpu.memory_space<vmem>>, %arg6: memref<128x192xf32, #tpu.memory_space<vmem>>, %arg7: memref<!tpu.dma_semaphore, #tpu.memory_space<semaphore_mem>>) attributes {dimension_semantics = [#tpu.dimension_semantics<core_parallel>, #tpu.dimension_semantics<subcore_parallel>], iteration_bounds = array<i64: 2, 16>, scalar_prefetch = 0 : i64, scratch_operands = 3 : i64, tpu.core_type = #tpu.core_type<sc_vector_subcore>, window_params = [{transform_indices = #map}, {transform_indices = #map1}, {transform_indices = #map}]} {
    %mul3A = arith.constant 2 : i32
    %mul3A_0 = arith.muli %arg1, %mul3A : i32
    %add3A = arith.addi %mul3A_0, %arg0 : i32
    %mul3A_1 = arith.constant 128 : i32
    %mul3A_2 = arith.muli %add3A, %mul3A_1 : i32
    "tpu.region"() ({
      %run_scoped3A = tpu.sem_alloc : memref<!tpu.dma_semaphore, #tpu.memory_space<semaphore_mem>>
      %dma_start3A_7 = tpu.memref_slice %arg3[%mul3A_2] : memref<4096xi32, #tpu.memory_space<hbm>> -> memref<128xi32, #tpu.memory_space<hbm>>
      %dma_start3A_8 = tpu.memref_slice %arg3[%mul3A_2] : memref<4096xi32, #tpu.memory_space<hbm>> -> memref<128xi32, #tpu.memory_space<hbm>>
      tpu.enqueue_dma source(%dma_start3A_8 : memref<128xi32, #tpu.memory_space<hbm>>) target(%arg5 : memref<128xi32, #tpu.memory_space<vmem>>) target_semaphore(%run_scoped3A : memref<!tpu.dma_semaphore, #tpu.memory_space<semaphore_mem>>)
      %dma_wait3A_9 = tpu.memref_slice %arg3[%mul3A_2] : memref<4096xi32, #tpu.memory_space<hbm>> -> memref<128xi32, #tpu.memory_space<hbm>>
      %dma_wait3A_10 = tpu.memref_slice %arg3[%mul3A_2] : memref<4096xi32, #tpu.memory_space<hbm>> -> memref<128xi32, #tpu.memory_space<hbm>>
      tpu.wait_dma2 semaphore(%run_scoped3A : memref<!tpu.dma_semaphore, #tpu.memory_space<semaphore_mem>>) src(%dma_wait3A_10 : memref<128xi32, #tpu.memory_space<hbm>>) dst(%arg5 : memref<128xi32, #tpu.memory_space<vmem>>)
      tpu.yield
    }) : () -> ()
    %dma_start3A = arith.constant 0 : i32
    %dma_start3A_3 = arith.constant 0 : i32
    %dma_start3A_4 = tpu.memref_slice %arg2[%dma_start3A, %dma_start3A_3] : memref<133120x192xf32, #tpu.memory_space<hbm>> -> memref<133120x192xf32, #tpu.memory_space<hbm>>
    tpu.enqueue_indirect_dma source(%dma_start3A_4 : memref<133120x192xf32, #tpu.memory_space<hbm>>) target(%arg6 : memref<128x192xf32, #tpu.memory_space<vmem>>) offsets(%arg5 : memref<128xi32, #tpu.memory_space<vmem>>) semaphore(%arg7 : memref<!tpu.dma_semaphore, #tpu.memory_space<semaphore_mem>>)
    %dma_wait3A = arith.constant 0 : i32
    %dma_wait3A_5 = arith.constant 0 : i32
    %dma_wait3A_6 = tpu.memref_slice %arg2[%dma_wait3A, %dma_wait3A_5] : memref<133120x192xf32, #tpu.memory_space<hbm>> -> memref<133120x192xf32, #tpu.memory_space<hbm>>
    tpu.wait_indirect_dma semaphore(%arg7 : memref<!tpu.dma_semaphore, #tpu.memory_space<semaphore_mem>>) src(%dma_wait3A_6 : memref<133120x192xf32, #tpu.memory_space<hbm>>) dst(%arg6 : memref<128x192xf32, #tpu.memory_space<vmem>>)
    "tpu.region"() ({
      %run_scoped3A = tpu.sem_alloc : memref<!tpu.dma_semaphore, #tpu.memory_space<semaphore_mem>>
      %dma_start3A_7 = arith.constant 0 : i32
      %dma_start3A_8 = tpu.memref_slice %arg4[%mul3A_2, %dma_start3A_7] : memref<4096x192xf32, #tpu.memory_space<hbm>> -> memref<128x192xf32, #tpu.memory_space<hbm>>
      %dma_start3A_9 = arith.constant 0 : i32
      %dma_start3A_10 = tpu.memref_slice %arg4[%mul3A_2, %dma_start3A_9] : memref<4096x192xf32, #tpu.memory_space<hbm>> -> memref<128x192xf32, #tpu.memory_space<hbm>>
      tpu.enqueue_dma source(%arg6 : memref<128x192xf32, #tpu.memory_space<vmem>>) target(%dma_start3A_10 : memref<128x192xf32, #tpu.memory_space<hbm>>) target_semaphore(%run_scoped3A : memref<!tpu.dma_semaphore, #tpu.memory_space<semaphore_mem>>)
      %dma_wait3A_11 = arith.constant 0 : i32
      %dma_wait3A_12 = tpu.memref_slice %arg4[%mul3A_2, %dma_wait3A_11] : memref<4096x192xf32, #tpu.memory_space<hbm>> -> memref<128x192xf32, #tpu.memory_space<hbm>>
      %dma_wait3A_13 = arith.constant 0 : i32
      %dma_wait3A_14 = tpu.memref_slice %arg4[%mul3A_2, %dma_wait3A_13] : memref<4096x192xf32, #tpu.memory_space<hbm>> -> memref<128x192xf32, #tpu.memory_space<hbm>>
      tpu.wait_dma2 semaphore(%run_scoped3A : memref<!tpu.dma_semaphore, #tpu.memory_space<semaphore_mem>>) src(%arg6 : memref<128x192xf32, #tpu.memory_space<vmem>>) dst(%dma_wait3A_14 : memref<128x192xf32, #tpu.memory_space<hbm>>)
      tpu.yield
    }) : () -> ()
    return
  }
}

module attributes {stable_mosaic.version = 14 : i64} {
  func.func @_tc_body(%arg0: i32, %arg1: memref<1x2080x192xf32, #tpu.memory_space<vmem>>, %arg2: memref<1x64x192xf32, #tpu.memory_space<vmem>>, %arg3: memref<192x192xf32, #tpu.memory_space<vmem>>, %arg4: memref<1x192xf32, #tpu.memory_space<vmem>>, %arg5: memref<192x192xf32, #tpu.memory_space<vmem>>, %arg6: memref<1x192xf32, #tpu.memory_space<vmem>>, %arg7: memref<1x192xf32, #tpu.memory_space<vmem>>, %arg8: memref<1x192xf32, #tpu.memory_space<vmem>>, %arg9: memref<1x4096x192xf32, #tpu.memory_space<vmem>>) attributes {dimension_semantics = [#tpu.dimension_semantics<arbitrary>], iteration_bounds = array<i64: 64>, scalar_prefetch = 0 : i64, scratch_operands = 0 : i64, tpu.core_type = #tpu.core_type<tc>, window_params = [{transform_indices = @transform_0, window_bounds = array<i64: 1, 2080, 192>}, {transform_indices = @transform_1, window_bounds = array<i64: 1, 64, 192>}, {pipeline_mode = #tpu.pipeline_mode<synchronous>, transform_indices = @transform_2, window_bounds = array<i64: 192, 192>}, {pipeline_mode = #tpu.pipeline_mode<synchronous>, transform_indices = @transform_3, window_bounds = array<i64: 1, 192>}, {pipeline_mode = #tpu.pipeline_mode<synchronous>, transform_indices = @transform_4, window_bounds = array<i64: 192, 192>}, {pipeline_mode = #tpu.pipeline_mode<synchronous>, transform_indices = @transform_5, window_bounds = array<i64: 1, 192>}, {pipeline_mode = #tpu.pipeline_mode<synchronous>, transform_indices = @transform_6, window_bounds = array<i64: 1, 192>}, {pipeline_mode = #tpu.pipeline_mode<synchronous>, transform_indices = @transform_7, window_bounds = array<i64: 1, 192>}, {transform_indices = @transform_8, window_bounds = array<i64: 1, 4096, 192>}]} {
    %get3A = arith.constant 0 : index
    %get3A_0 = arith.constant 0 : index
    %get3A_1 = arith.constant 0 : index
    %get3A_2 = vector.load %arg1[%get3A, %get3A_0, %get3A_1] : memref<1x2080x192xf32, #tpu.memory_space<vmem>>, vector<1x64x192xf32>
    %get3A_3 = vector.shape_cast %get3A_2 : vector<1x64x192xf32> to vector<64x192xf32>
    %get3A_4 = arith.constant 0 : index
    %get3A_5 = arith.constant 0 : index
    %get3A_6 = vector.load %arg3[%get3A_4, %get3A_5] : memref<192x192xf32, #tpu.memory_space<vmem>>, vector<192x192xf32>
    %dot_general3A = arith.constant dense<0.000000e+00> : vector<64x192xf32>
    %dot_general3A_7 = tpu.matmul %get3A_3, %get3A_6, %dot_general3A {dimension_numbers = #tpu.dot_dimension_numbers<[1], [0], [0], [1], [0, 0, 1, 1], [], []>, transpose_lhs_hint = false} : vector<64x192xf32>, vector<192x192xf32>, vector<64x192xf32> -> vector<64x192xf32>
    %get3A_8 = arith.constant 0 : index
    %get3A_9 = arith.constant 0 : index
    %get3A_10 = vector.load %arg4[%get3A_8, %get3A_9] : memref<1x192xf32, #tpu.memory_space<vmem>>, vector<1x192xf32>
    %add3A = vector.broadcast %get3A_10 : vector<1x192xf32> to vector<64x192xf32>
    %add3A_11 = arith.addf %dot_general3A_7, %add3A : vector<64x192xf32>
    %get3A_12 = arith.constant 0 : index
    %get3A_13 = arith.constant 0 : index
    %get3A_14 = arith.constant 0 : index
    %get3A_15 = vector.load %arg2[%get3A_12, %get3A_13, %get3A_14] : memref<1x64x192xf32, #tpu.memory_space<vmem>>, vector<1x64x192xf32>
    %get3A_16 = vector.shape_cast %get3A_15 : vector<1x64x192xf32> to vector<64x192xf32>
    %get3A_17 = arith.constant 0 : index
    %get3A_18 = arith.constant 0 : index
    %get3A_19 = vector.load %arg5[%get3A_17, %get3A_18] : memref<192x192xf32, #tpu.memory_space<vmem>>, vector<192x192xf32>
    %dot_general3A_20 = arith.constant dense<0.000000e+00> : vector<64x192xf32>
    %dot_general3A_21 = tpu.matmul %get3A_16, %get3A_19, %dot_general3A_20 {dimension_numbers = #tpu.dot_dimension_numbers<[1], [0], [0], [1], [0, 0, 1, 1], [], []>, transpose_lhs_hint = false} : vector<64x192xf32>, vector<192x192xf32>, vector<64x192xf32> -> vector<64x192xf32>
    %get3A_22 = arith.constant 0 : index
    %get3A_23 = arith.constant 0 : index
    %get3A_24 = vector.load %arg6[%get3A_22, %get3A_23] : memref<1x192xf32, #tpu.memory_space<vmem>>, vector<1x192xf32>
    %add3A_25 = vector.broadcast %get3A_24 : vector<1x192xf32> to vector<64x192xf32>
    %add3A_26 = arith.addf %dot_general3A_21, %add3A_25 : vector<64x192xf32>
    %get3A_27 = arith.constant 0 : index
    %get3A_28 = arith.constant 0 : index
    %get3A_29 = vector.load %arg7[%get3A_27, %get3A_28] : memref<1x192xf32, #tpu.memory_space<vmem>>, vector<1x192xf32>
    %get3A_30 = arith.constant 0 : index
    %get3A_31 = arith.constant 0 : index
    %get3A_32 = vector.load %arg8[%get3A_30, %get3A_31] : memref<1x192xf32, #tpu.memory_space<vmem>>, vector<1x192xf32>
    %get3A_33 = arith.constant 0 : index
    %get3A_34 = arith.constant 0 : index
    %get3A_35 = arith.constant 0 : index
    %get3A_36 = vector.load %arg1[%get3A_33, %get3A_34, %get3A_35] : memref<1x2080x192xf32, #tpu.memory_space<vmem>>, vector<1x64x192xf32>
    %get3A_37 = vector.shape_cast %get3A_36 : vector<1x64x192xf32> to vector<64x192xf32>
    %slice3A = vector.extract_strided_slice %add3A_26 {offsets = [0, 0], sizes = [1, 192], strides = [1, 1]} : vector<64x192xf32> to vector<1x192xf32>
    %squeeze3A = vector.shape_cast %slice3A : vector<1x192xf32> to vector<192xf32>
    %broadcast_in_dim3A = vector.shape_cast %squeeze3A : vector<192xf32> to vector<1x192xf32>
    %add3A_38 = vector.broadcast %broadcast_in_dim3A : vector<1x192xf32> to vector<64x192xf32>
    %add3A_39 = arith.addf %add3A_11, %add3A_38 : vector<64x192xf32>
    %max3A = arith.constant 0.000000e+00 : f32
    %max3A_40 = vector.broadcast %max3A : f32 to vector<64x192xf32>
    %max3A_41 = arith.maximumf %add3A_39, %max3A_40 : vector<64x192xf32>
    %add3A_42 = arith.addf %max3A_41, %get3A_37 : vector<64x192xf32>
    %reduce_sum3A = arith.constant dense<0.000000e+00> : vector<64xf32>
    %reduce_sum3A_43 = vector.multi_reduction <add>, %add3A_42, %reduce_sum3A [1] : vector<64x192xf32> to vector<64xf32>
    %broadcast_in_dim3A_44 = vector.shape_cast %reduce_sum3A_43 : vector<64xf32> to vector<64x1xf32>
    %mul3A = arith.mulf %add3A_42, %add3A_42 : vector<64x192xf32>
    %reduce_sum3A_45 = arith.constant dense<0.000000e+00> : vector<64xf32>
    %reduce_sum3A_46 = vector.multi_reduction <add>, %mul3A, %reduce_sum3A_45 [1] : vector<64x192xf32> to vector<64xf32>
    %broadcast_in_dim3A_47 = vector.shape_cast %reduce_sum3A_46 : vector<64xf32> to vector<64x1xf32>
    %mul3A_48 = arith.constant 0.00520833349 : f32
    %mul3A_49 = vector.broadcast %mul3A_48 : f32 to vector<64x1xf32>
    %mul3A_50 = arith.mulf %broadcast_in_dim3A_44, %mul3A_49 : vector<64x1xf32>
    %mul3A_51 = arith.constant 0.00520833349 : f32
    %mul3A_52 = vector.broadcast %mul3A_51 : f32 to vector<64x1xf32>
    %mul3A_53 = arith.mulf %broadcast_in_dim3A_47, %mul3A_52 : vector<64x1xf32>
    %mul3A_54 = arith.mulf %mul3A_50, %mul3A_50 : vector<64x1xf32>
    %sub3A = arith.subf %mul3A_53, %mul3A_54 : vector<64x1xf32>
    %max3A_55 = arith.constant 0.000000e+00 : f32
    %max3A_56 = vector.broadcast %max3A_55 : f32 to vector<64x1xf32>
    %max3A_57 = arith.maximumf %sub3A, %max3A_56 : vector<64x1xf32>
    %add3A_58 = arith.constant 9.99999996E-13 : f32
    %add3A_59 = vector.broadcast %add3A_58 : f32 to vector<64x1xf32>
    %add3A_60 = arith.addf %max3A_57, %add3A_59 : vector<64x1xf32>
    %rsqrt3A = math.rsqrt %add3A_60 : vector<64x1xf32>
    %sub3A_61 = vector.broadcast %mul3A_50 : vector<64x1xf32> to vector<64x192xf32>
    %sub3A_62 = arith.subf %add3A_42, %sub3A_61 : vector<64x192xf32>
    %mul3A_63 = vector.broadcast %rsqrt3A : vector<64x1xf32> to vector<64x192xf32>
    %mul3A_64 = vector.broadcast %get3A_29 : vector<1x192xf32> to vector<64x192xf32>
    %mul3A_65 = arith.mulf %mul3A_63, %mul3A_64 : vector<64x192xf32>
    %mul3A_66 = arith.mulf %sub3A_62, %mul3A_65 : vector<64x192xf32>
    %add3A_67 = vector.broadcast %get3A_32 : vector<1x192xf32> to vector<64x192xf32>
    %add3A_68 = arith.addf %mul3A_66, %add3A_67 : vector<64x192xf32>
    %swap3A = arith.constant 0 : index
    %swap3A_69 = arith.constant 0 : index
    %swap3A_70 = arith.constant 0 : index
    %swap3A_71 = vector.load %arg9[%swap3A, %swap3A_69, %swap3A_70] : memref<1x4096x192xf32, #tpu.memory_space<vmem>>, vector<1x64x192xf32>
    %swap3A_72 = vector.shape_cast %swap3A_71 : vector<1x64x192xf32> to vector<64x192xf32>
    %swap3A_73 = vector.shape_cast %add3A_68 : vector<64x192xf32> to vector<1x64x192xf32>
    tpu.vector_store %arg9[%swap3A, %swap3A_69, %swap3A_70], %swap3A_73 {strides = array<i32>} : memref<1x4096x192xf32, #tpu.memory_space<vmem>>, vector<1x64x192xf32>,
    %get3A_74 = arith.constant 0 : index
    %get3A_75 = arith.constant 64 : index
    %get3A_76 = arith.constant 0 : index
    %get3A_77 = vector.load %arg1[%get3A_74, %get3A_75, %get3A_76] : memref<1x2080x192xf32, #tpu.memory_space<vmem>>, vector<1x63x192xf32>
    %get3A_78 = vector.shape_cast %get3A_77 : vector<1x63x192xf32> to vector<63x192xf32>
    %slice3A_79 = vector.extract_strided_slice %add3A_11 {offsets = [1, 0], sizes = [63, 192], strides = [1, 1]} : vector<64x192xf32> to vector<63x192xf32>
    %slice3A_80 = vector.extract_strided_slice %add3A_26 {offsets = [1, 0], sizes = [1, 192], strides = [1, 1]} : vector<64x192xf32> to vector<1x192xf32>
    %squeeze3A_81 = vector.shape_cast %slice3A_80 : vector<1x192xf32> to vector<192xf32>
    %broadcast_in_dim3A_82 = vector.shape_cast %squeeze3A_81 : vector<192xf32> to vector<1x192xf32>
    %add3A_83 = vector.broadcast %broadcast_in_dim3A_82 : vector<1x192xf32> to vector<63x192xf32>
    %add3A_84 = arith.addf %slice3A_79, %add3A_83 : vector<63x192xf32>
    %max3A_85 = arith.constant 0.000000e+00 : f32
    %max3A_86 = vector.broadcast %max3A_85 : f32 to vector<63x192xf32>
    %max3A_87 = arith.maximumf %add3A_84, %max3A_86 : vector<63x192xf32>
    %add3A_88 = arith.addf %max3A_87, %get3A_78 : vector<63x192xf32>
    %reduce_sum3A_89 = arith.constant dense<0.000000e+00> : vector<63xf32>
    %reduce_sum3A_90 = vector.multi_reduction <add>, %add3A_88, %reduce_sum3A_89 [1] : vector<63x192xf32> to vector<63xf32>
    %broadcast_in_dim3A_91 = vector.shape_cast %reduce_sum3A_90 : vector<63xf32> to vector<63x1xf32>
    %mul3A_92 = arith.mulf %add3A_88, %add3A_88 : vector<63x192xf32>
    %reduce_sum3A_93 = arith.constant dense<0.000000e+00> : vector<63xf32>
    %reduce_sum3A_94 = vector.multi_reduction <add>, %mul3A_92, %reduce_sum3A_93 [1] : vector<63x192xf32> to vector<63xf32>
    %broadcast_in_dim3A_95 = vector.shape_cast %reduce_sum3A_94 : vector<63xf32> to vector<63x1xf32>
    %mul3A_96 = arith.constant 0.00520833349 : f32
    %mul3A_97 = vector.broadcast %mul3A_96 : f32 to vector<63x1xf32>
    %mul3A_98 = arith.mulf %broadcast_in_dim3A_91, %mul3A_97 : vector<63x1xf32>
    %mul3A_99 = arith.constant 0.00520833349 : f32
    %mul3A_100 = vector.broadcast %mul3A_99 : f32 to vector<63x1xf32>
    %mul3A_101 = arith.mulf %broadcast_in_dim3A_95, %mul3A_100 : vector<63x1xf32>
    %mul3A_102 = arith.mulf %mul3A_98, %mul3A_98 : vector<63x1xf32>
    %sub3A_103 = arith.subf %mul3A_101, %mul3A_102 : vector<63x1xf32>
    %max3A_104 = arith.constant 0.000000e+00 : f32
    %max3A_105 = vector.broadcast %max3A_104 : f32 to vector<63x1xf32>
    %max3A_106 = arith.maximumf %sub3A_103, %max3A_105 : vector<63x1xf32>
    %add3A_107 = arith.constant 9.99999996E-13 : f32
    %add3A_108 = vector.broadcast %add3A_107 : f32 to vector<63x1xf32>
    %add3A_109 = arith.addf %max3A_106, %add3A_108 : vector<63x1xf32>
    %rsqrt3A_110 = math.rsqrt %add3A_109 : vector<63x1xf32>
    %sub3A_111 = vector.broadcast %mul3A_98 : vector<63x1xf32> to vector<63x192xf32>
    %sub3A_112 = arith.subf %add3A_88, %sub3A_111 : vector<63x192xf32>
    %mul3A_113 = vector.broadcast %rsqrt3A_110 : vector<63x1xf32> to vector<63x192xf32>
    %mul3A_114 = vector.broadcast %get3A_29 : vector<1x192xf32> to vector<63x192xf32>
    %mul3A_115 = arith.mulf %mul3A_113, %mul3A_114 : vector<63x192xf32>
    %mul3A_116 = arith.mulf %sub3A_112, %mul3A_115 : vector<63x192xf32>
    %add3A_117 = vector.broadcast %get3A_32 : vector<1x192xf32> to vector<63x192xf32>
    %add3A_118 = arith.addf %mul3A_116, %add3A_117 : vector<63x192xf32>
    %broadcast_in_dim3A_119 = arith.constant 0.000000e+00 : f32
    %broadcast_in_dim3A_120 = vector.broadcast %broadcast_in_dim3A_119 : f32 to vector<1x192xf32>
    %swap3A_121 = arith.constant 0 : index
    %swap3A_122 = arith.constant 64 : index
    %swap3A_123 = arith.constant 0 : index
    %swap3A_124 = vector.load %arg9[%swap3A_121, %swap3A_122, %swap3A_123] : memref<1x4096x192xf32, #tpu.memory_space<vmem>>, vector<1x1x192xf32>
    %swap3A_125 = vector.shape_cast %swap3A_124 : vector<1x1x192xf32> to vector<1x192xf32>
    %swap3A_126 = vector.shape_cast %broadcast_in_dim3A_120 : vector<1x192xf32> to vector<1x1x192xf32>
    tpu.vector_store %arg9[%swap3A_121, %swap3A_122, %swap3A_123], %swap3A_126 {strides = array<i32>} : memref<1x4096x192xf32, #tpu.memory_space<vmem>>, vector<1x1x192xf32>,
    %swap3A_127 = arith.constant 0 : index
    %swap3A_128 = arith.constant 65 : index
    %swap3A_129 = arith.constant 0 : index
    %swap3A_130 = vector.load %arg9[%swap3A_127, %swap3A_128, %swap3A_129] : memref<1x4096x192xf32, #tpu.memory_space<vmem>>, vector<1x63x192xf32>
    %swap3A_131 = vector.shape_cast %swap3A_130 : vector<1x63x192xf32> to vector<63x192xf32>
    %swap3A_132 = vector.shape_cast %add3A_118 : vector<63x192xf32> to vector<1x63x192xf32>
    tpu.vector_store %arg9[%swap3A_127, %swap3A_128, %swap3A_129], %swap3A_132 {strides = array<i32>} : memref<1x4096x192xf32, #tpu.memory_space<vmem>>, vector<1x63x192xf32>,
    %get3A_133 = arith.constant 0 : index
    %get3A_134 = arith.constant 127 : index
    %get3A_135 = arith.constant 0 : index
    %get3A_136 = vector.load %arg1[%get3A_133, %get3A_134, %get3A_135] : memref<1x2080x192xf32, #tpu.memory_space<vmem>>, vector<1x62x192xf32>
    %get3A_137 = vector.shape_cast %get3A_136 : vector<1x62x192xf32> to vector<62x192xf32>
    %slice3A_138 = vector.extract_strided_slice %add3A_11 {offsets = [2, 0], sizes = [62, 192], strides = [1, 1]} : vector<64x192xf32> to vector<62x192xf32>
    %slice3A_139 = vector.extract_strided_slice %add3A_26 {offsets = [2, 0], sizes = [1, 192], strides = [1, 1]} : vector<64x192xf32> to vector<1x192xf32>
    %squeeze3A_140 = vector.shape_cast %slice3A_139 : vector<1x192xf32> to vector<192xf32>
    %broadcast_in_dim3A_141 = vector.shape_cast %squeeze3A_140 : vector<192xf32> to vector<1x192xf32>
    %add3A_142 = vector.broadcast %broadcast_in_dim3A_141 : vector<1x192xf32> to vector<62x192xf32>
    %add3A_143 = arith.addf %slice3A_138, %add3A_142 : vector<62x192xf32>
    %max3A_144 = arith.constant 0.000000e+00 : f32
    %max3A_145 = vector.broadcast %max3A_144 : f32 to vector<62x192xf32>
    %max3A_146 = arith.maximumf %add3A_143, %max3A_145 : vector<62x192xf32>
    %add3A_147 = arith.addf %max3A_146, %get3A_137 : vector<62x192xf32>
    %reduce_sum3A_148 = arith.constant dense<0.000000e+00> : vector<62xf32>
    %reduce_sum3A_149 = vector.multi_reduction <add>, %add3A_147, %reduce_sum3A_148 [1] : vector<62x192xf32> to vector<62xf32>
    %broadcast_in_dim3A_150 = vector.shape_cast %reduce_sum3A_149 : vector<62xf32> to vector<62x1xf32>
    %mul3A_151 = arith.mulf %add3A_147, %add3A_147 : vector<62x192xf32>
    %reduce_sum3A_152 = arith.constant dense<0.000000e+00> : vector<62xf32>
    %reduce_sum3A_153 = vector.multi_reduction <add>, %mul3A_151, %reduce_sum3A_152 [1] : vector<62x192xf32> to vector<62xf32>
    %broadcast_in_dim3A_154 = vector.shape_cast %reduce_sum3A_153 : vector<62xf32> to vector<62x1xf32>
    %mul3A_155 = arith.constant 0.00520833349 : f32
    %mul3A_156 = vector.broadcast %mul3A_155 : f32 to vector<62x1xf32>
    %mul3A_157 = arith.mulf %broadcast_in_dim3A_150, %mul3A_156 : vector<62x1xf32>
    %mul3A_158 = arith.constant 0.00520833349 : f32
    %mul3A_159 = vector.broadcast %mul3A_158 : f32 to vector<62x1xf32>
    %mul3A_160 = arith.mulf %broadcast_in_dim3A_154, %mul3A_159 : vector<62x1xf32>
    %mul3A_161 = arith.mulf %mul3A_157, %mul3A_157 : vector<62x1xf32>
    %sub3A_162 = arith.subf %mul3A_160, %mul3A_161 : vector<62x1xf32>
    %max3A_163 = arith.constant 0.000000e+00 : f32
    %max3A_164 = vector.broadcast %max3A_163 : f32 to vector<62x1xf32>
    %max3A_165 = arith.maximumf %sub3A_162, %max3A_164 : vector<62x1xf32>
    %add3A_166 = arith.constant 9.99999996E-13 : f32
    %add3A_167 = vector.broadcast %add3A_166 : f32 to vector<62x1xf32>
    %add3A_168 = arith.addf %max3A_165, %add3A_167 : vector<62x1xf32>
    %rsqrt3A_169 = math.rsqrt %add3A_168 : vector<62x1xf32>
    %sub3A_170 = vector.broadcast %mul3A_157 : vector<62x1xf32> to vector<62x192xf32>
    %sub3A_171 = arith.subf %add3A_147, %sub3A_170 : vector<62x192xf32>
    %mul3A_172 = vector.broadcast %rsqrt3A_169 : vector<62x1xf32> to vector<62x192xf32>
    %mul3A_173 = vector.broadcast %get3A_29 : vector<1x192xf32> to vector<62x192xf32>
    %mul3A_174 = arith.mulf %mul3A_172, %mul3A_173 : vector<62x192xf32>
    %mul3A_175 = arith.mulf %sub3A_171, %mul3A_174 : vector<62x192xf32>
    %add3A_176 = vector.broadcast %get3A_32 : vector<1x192xf32> to vector<62x192xf32>
    %add3A_177 = arith.addf %mul3A_175, %add3A_176 : vector<62x192xf32>
    %broadcast_in_dim3A_178 = arith.constant 0.000000e+00 : f32
    %broadcast_in_dim3A_179 = vector.broadcast %broadcast_in_dim3A_178 : f32 to vector<2x192xf32>
    %swap3A_180 = arith.constant 0 : index
    %swap3A_181 = arith.constant 128 : index
    %swap3A_182 = arith.constant 0 : index
    %swap3A_183 = vector.load %arg9[%swap3A_180, %swap3A_181, %swap3A_182] : memref<1x4096x192xf32, #tpu.memory_space<vmem>>, vector<1x2x192xf32>
    %swap3A_184 = vector.shape_cast %swap3A_183 : vector<1x2x192xf32> to vector<2x192xf32>
    %swap3A_185 = vector.shape_cast %broadcast_in_dim3A_179 : vector<2x192xf32> to vector<1x2x192xf32>
    tpu.vector_store %arg9[%swap3A_180, %swap3A_181, %swap3A_182], %swap3A_185 {strides = array<i32>} : memref<1x4096x192xf32, #tpu.memory_space<vmem>>, vector<1x2x192xf32>,
    %swap3A_186 = arith.constant 0 : index
    %swap3A_187 = arith.constant 130 : index
    %swap3A_188 = arith.constant 0 : index
    %swap3A_189 = vector.load %arg9[%swap3A_186, %swap3A_187, %swap3A_188] : memref<1x4096x192xf32, #tpu.memory_space<vmem>>, vector<1x62x192xf32>
    %swap3A_190 = vector.shape_cast %swap3A_189 : vector<1x62x192xf32> to vector<62x192xf32>
    %swap3A_191 = vector.shape_cast %add3A_177 : vector<62x192xf32> to vector<1x62x192xf32>
    tpu.vector_store %arg9[%swap3A_186, %swap3A_187, %swap3A_188], %swap3A_191 {strides = array<i32>} : memref<1x4096x192xf32, #tpu.memory_space<vmem>>, vector<1x62x192xf32>,
    %get3A_192 = arith.constant 0 : index
    %get3A_193 = arith.constant 189 : index
    %get3A_194 = arith.constant 0 : index
    %get3A_195 = vector.load %arg1[%get3A_192, %get3A_193, %get3A_194] : memref<1x2080x192xf32, #tpu.memory_space<vmem>>, vector<1x61x192xf32>
    %get3A_196 = vector.shape_cast %get3A_195 : vector<1x61x192xf32> to vector<61x192xf32>
    %slice3A_197 = vector.extract_strided_slice %add3A_11 {offsets = [3, 0], sizes = [61, 192], strides = [1, 1]} : vector<64x192xf32> to vector<61x192xf32>
    %slice3A_198 = vector.extract_strided_slice %add3A_26 {offsets = [3, 0], sizes = [1, 192], strides = [1, 1]} : vector<64x192xf32> to vector<1x192xf32>
    %squeeze3A_199 = vector.shape_cast %slice3A_198 : vector<1x192xf32> to vector<192xf32>
    %broadcast_in_dim3A_200 = vector.shape_cast %squeeze3A_199 : vector<192xf32> to vector<1x192xf32>
    %add3A_201 = vector.broadcast %broadcast_in_dim3A_200 : vector<1x192xf32> to vector<61x192xf32>
    %add3A_202 = arith.addf %slice3A_197, %add3A_201 : vector<61x192xf32>
    %max3A_203 = arith.constant 0.000000e+00 : f32
    %max3A_204 = vector.broadcast %max3A_203 : f32 to vector<61x192xf32>
    %max3A_205 = arith.maximumf %add3A_202, %max3A_204 : vector<61x192xf32>
    %add3A_206 = arith.addf %max3A_205, %get3A_196 : vector<61x192xf32>
    %reduce_sum3A_207 = arith.constant dense<0.000000e+00> : vector<61xf32>
    %reduce_sum3A_208 = vector.multi_reduction <add>, %add3A_206, %reduce_sum3A_207 [1] : vector<61x192xf32> to vector<61xf32>
    %broadcast_in_dim3A_209 = vector.shape_cast %reduce_sum3A_208 : vector<61xf32> to vector<61x1xf32>
    %mul3A_210 = arith.mulf %add3A_206, %add3A_206 : vector<61x192xf32>
    %reduce_sum3A_211 = arith.constant dense<0.000000e+00> : vector<61xf32>
    %reduce_sum3A_212 = vector.multi_reduction <add>, %mul3A_210, %reduce_sum3A_211 [1] : vector<61x192xf32> to vector<61xf32>
    %broadcast_in_dim3A_213 = vector.shape_cast %reduce_sum3A_212 : vector<61xf32> to vector<61x1xf32>
    %mul3A_214 = arith.constant 0.00520833349 : f32
    %mul3A_215 = vector.broadcast %mul3A_214 : f32 to vector<61x1xf32>
    %mul3A_216 = arith.mulf %broadcast_in_dim3A_209, %mul3A_215 : vector<61x1xf32>
    %mul3A_217 = arith.constant 0.00520833349 : f32
    %mul3A_218 = vector.broadcast %mul3A_217 : f32 to vector<61x1xf32>
    %mul3A_219 = arith.mulf %broadcast_in_dim3A_213, %mul3A_218 : vector<61x1xf32>
    %mul3A_220 = arith.mulf %mul3A_216, %mul3A_216 : vector<61x1xf32>
    %sub3A_221 = arith.subf %mul3A_219, %mul3A_220 : vector<61x1xf32>
    %max3A_222 = arith.constant 0.000000e+00 : f32
    %max3A_223 = vector.broadcast %max3A_222 : f32 to vector<61x1xf32>
    %max3A_224 = arith.maximumf %sub3A_221, %max3A_223 : vector<61x1xf32>
    %add3A_225 = arith.constant 9.99999996E-13 : f32
    %add3A_226 = vector.broadcast %add3A_225 : f32 to vector<61x1xf32>
    %add3A_227 = arith.addf %max3A_224, %add3A_226 : vector<61x1xf32>
    %rsqrt3A_228 = math.rsqrt %add3A_227 : vector<61x1xf32>
    %sub3A_229 = vector.broadcast %mul3A_216 : vector<61x1xf32> to vector<61x192xf32>
    %sub3A_230 = arith.subf %add3A_206, %sub3A_229 : vector<61x192xf32>
    %mul3A_231 = vector.broadcast %rsqrt3A_228 : vector<61x1xf32> to vector<61x192xf32>
    %mul3A_232 = vector.broadcast %get3A_29 : vector<1x192xf32> to vector<61x192xf32>
    %mul3A_233 = arith.mulf %mul3A_231, %mul3A_232 : vector<61x192xf32>
    %mul3A_234 = arith.mulf %sub3A_230, %mul3A_233 : vector<61x192xf32>
    %add3A_235 = vector.broadcast %get3A_32 : vector<1x192xf32> to vector<61x192xf32>
    %add3A_236 = arith.addf %mul3A_234, %add3A_235 : vector<61x192xf32>
    %broadcast_in_dim3A_237 = arith.constant 0.000000e+00 : f32
    %broadcast_in_dim3A_238 = vector.broadcast %broadcast_in_dim3A_237 : f32 to vector<3x192xf32>
    %swap3A_239 = arith.constant 0 : index
    %swap3A_240 = arith.constant 192 : index
    %swap3A_241 = arith.constant 0 : index
    %swap3A_242 = vector.load %arg9[%swap3A_239, %swap3A_240, %swap3A_241] : memref<1x4096x192xf32, #tpu.memory_space<vmem>>, vector<1x3x192xf32>
    %swap3A_243 = vector.shape_cast %swap3A_242 : vector<1x3x192xf32> to vector<3x192xf32>
    %swap3A_244 = vector.shape_cast %broadcast_in_dim3A_238 : vector<3x192xf32> to vector<1x3x192xf32>
    tpu.vector_store %arg9[%swap3A_239, %swap3A_240, %swap3A_241], %swap3A_244 {strides = array<i32>} : memref<1x4096x192xf32, #tpu.memory_space<vmem>>, vector<1x3x192xf32>,
    %swap3A_245 = arith.constant 0 : index
    %swap3A_246 = arith.constant 195 : index
    %swap3A_247 = arith.constant 0 : index
    %swap3A_248 = vector.load %arg9[%swap3A_245, %swap3A_246, %swap3A_247] : memref<1x4096x192xf32, #tpu.memory_space<vmem>>, vector<1x61x192xf32>
    %swap3A_249 = vector.shape_cast %swap3A_248 : vector<1x61x192xf32> to vector<61x192xf32>
    %swap3A_250 = vector.shape_cast %add3A_236 : vector<61x192xf32> to vector<1x61x192xf32>
    tpu.vector_store %arg9[%swap3A_245, %swap3A_246, %swap3A_247], %swap3A_250 {strides = array<i32>} : memref<1x4096x192xf32, #tpu.memory_space<vmem>>, vector<1x61x192xf32>,
    %get3A_251 = arith.constant 0 : index
    %get3A_252 = arith.constant 250 : index
    %get3A_253 = arith.constant 0 : index
    %get3A_254 = vector.load %arg1[%get3A_251, %get3A_252, %get3A_253] : memref<1x2080x192xf32, #tpu.memory_space<vmem>>, vector<1x60x192xf32>
    %get3A_255 = vector.shape_cast %get3A_254 : vector<1x60x192xf32> to vector<60x192xf32>
    %slice3A_256 = vector.extract_strided_slice %add3A_11 {offsets = [4, 0], sizes = [60, 192], strides = [1, 1]} : vector<64x192xf32> to vector<60x192xf32>
    %slice3A_257 = vector.extract_strided_slice %add3A_26 {offsets = [4, 0], sizes = [1, 192], strides = [1, 1]} : vector<64x192xf32> to vector<1x192xf32>
    %squeeze3A_258 = vector.shape_cast %slice3A_257 : vector<1x192xf32> to vector<192xf32>
    %broadcast_in_dim3A_259 = vector.shape_cast %squeeze3A_258 : vector<192xf32> to vector<1x192xf32>
    %add3A_260 = vector.broadcast %broadcast_in_dim3A_259 : vector<1x192xf32> to vector<60x192xf32>
    %add3A_261 = arith.addf %slice3A_256, %add3A_260 : vector<60x192xf32>
    %max3A_262 = arith.constant 0.000000e+00 : f32
    %max3A_263 = vector.broadcast %max3A_262 : f32 to vector<60x192xf32>
    %max3A_264 = arith.maximumf %add3A_261, %max3A_263 : vector<60x192xf32>
    %add3A_265 = arith.addf %max3A_264, %get3A_255 : vector<60x192xf32>
    %reduce_sum3A_266 = arith.constant dense<0.000000e+00> : vector<60xf32>
    %reduce_sum3A_267 = vector.multi_reduction <add>, %add3A_265, %reduce_sum3A_266 [1] : vector<60x192xf32> to vector<60xf32>
    %broadcast_in_dim3A_268 = vector.shape_cast %reduce_sum3A_267 : vector<60xf32> to vector<60x1xf32>
    %mul3A_269 = arith.mulf %add3A_265, %add3A_265 : vector<60x192xf32>
    %reduce_sum3A_270 = arith.constant dense<0.000000e+00> : vector<60xf32>
    %reduce_sum3A_271 = vector.multi_reduction <add>, %mul3A_269, %reduce_sum3A_270 [1] : vector<60x192xf32> to vector<60xf32>
    %broadcast_in_dim3A_272 = vector.shape_cast %reduce_sum3A_271 : vector<60xf32> to vector<60x1xf32>
    %mul3A_273 = arith.constant 0.00520833349 : f32
    %mul3A_274 = vector.broadcast %mul3A_273 : f32 to vector<60x1xf32>
    %mul3A_275 = arith.mulf %broadcast_in_dim3A_268, %mul3A_274 : vector<60x1xf32>
    %mul3A_276 = arith.constant 0.00520833349 : f32
    %mul3A_277 = vector.broadcast %mul3A_276 : f32 to vector<60x1xf32>
    %mul3A_278 = arith.mulf %broadcast_in_dim3A_272, %mul3A_277 : vector<60x1xf32>
    %mul3A_279 = arith.mulf %mul3A_275, %mul3A_275 : vector<60x1xf32>
    %sub3A_280 = arith.subf %mul3A_278, %mul3A_279 : vector<60x1xf32>
    %max3A_281 = arith.constant 0.000000e+00 : f32
    %max3A_282 = vector.broadcast %max3A_281 : f32 to vector<60x1xf32>
    %max3A_283 = arith.maximumf %sub3A_280, %max3A_282 : vector<60x1xf32>
    %add3A_284 = arith.constant 9.99999996E-13 : f32
    %add3A_285 = vector.broadcast %add3A_284 : f32 to vector<60x1xf32>
    %add3A_286 = arith.addf %max3A_283, %add3A_285 : vector<60x1xf32>
    %rsqrt3A_287 = math.rsqrt %add3A_286 : vector<60x1xf32>
    %sub3A_288 = vector.broadcast %mul3A_275 : vector<60x1xf32> to vector<60x192xf32>
    %sub3A_289 = arith.subf %add3A_265, %sub3A_288 : vector<60x192xf32>
    %mul3A_290 = vector.broadcast %rsqrt3A_287 : vector<60x1xf32> to vector<60x192xf32>
    %mul3A_291 = vector.broadcast %get3A_29 : vector<1x192xf32> to vector<60x192xf32>
    %mul3A_292 = arith.mulf %mul3A_290, %mul3A_291 : vector<60x192xf32>
    %mul3A_293 = arith.mulf %sub3A_289, %mul3A_292 : vector<60x192xf32>
    %add3A_294 = vector.broadcast %get3A_32 : vector<1x192xf32> to vector<60x192xf32>
    %add3A_295 = arith.addf %mul3A_293, %add3A_294 : vector<60x192xf32>
    %broadcast_in_dim3A_296 = arith.constant 0.000000e+00 : f32
    %broadcast_in_dim3A_297 = vector.broadcast %broadcast_in_dim3A_296 : f32 to vector<4x192xf32>
    %swap3A_298 = arith.constant 0 : index
    %swap3A_299 = arith.constant 256 : index
    %swap3A_300 = arith.constant 0 : index
    %swap3A_301 = vector.load %arg9[%swap3A_298, %swap3A_299, %swap3A_300] : memref<1x4096x192xf32, #tpu.memory_space<vmem>>, vector<1x4x192xf32>
    %swap3A_302 = vector.shape_cast %swap3A_301 : vector<1x4x192xf32> to vector<4x192xf32>
    %swap3A_303 = vector.shape_cast %broadcast_in_dim3A_297 : vector<4x192xf32> to vector<1x4x192xf32>
    tpu.vector_store %arg9[%swap3A_298, %swap3A_299, %swap3A_300], %swap3A_303 {strides = array<i32>} : memref<1x4096x192xf32, #tpu.memory_space<vmem>>, vector<1x4x192xf32>,
    %swap3A_304 = arith.constant 0 : index
    %swap3A_305 = arith.constant 260 : index
    %swap3A_306 = arith.constant 0 : index
    %swap3A_307 = vector.load %arg9[%swap3A_304, %swap3A_305, %swap3A_306] : memref<1x4096x192xf32, #tpu.memory_space<vmem>>, vector<1x60x192xf32>
    %swap3A_308 = vector.shape_cast %swap3A_307 : vector<1x60x192xf32> to vector<60x192xf32>
    %swap3A_309 = vector.shape_cast %add3A_295 : vector<60x192xf32> to vector<1x60x192xf32>
    tpu.vector_store %arg9[%swap3A_304, %swap3A_305, %swap3A_306], %swap3A_309 {strides = array<i32>} : memref<1x4096x192xf32, #tpu.memory_space<vmem>>, vector<1x60x192xf32>,
    %get3A_310 = arith.constant 0 : index
    %get3A_311 = arith.constant 310 : index
    %get3A_312 = arith.constant 0 : index
    %get3A_313 = vector.load %arg1[%get3A_310, %get3A_311, %get3A_312] : memref<1x2080x192xf32, #tpu.memory_space<vmem>>, vector<1x59x192xf32>
    %get3A_314 = vector.shape_cast %get3A_313 : vector<1x59x192xf32> to vector<59x192xf32>
    %slice3A_315 = vector.extract_strided_slice %add3A_11 {offsets = [5, 0], sizes = [59, 192], strides = [1, 1]} : vector<64x192xf32> to vector<59x192xf32>
    %slice3A_316 = vector.extract_strided_slice %add3A_26 {offsets = [5, 0], sizes = [1, 192], strides = [1, 1]} : vector<64x192xf32> to vector<1x192xf32>
    %squeeze3A_317 = vector.shape_cast %slice3A_316 : vector<1x192xf32> to vector<192xf32>
    %broadcast_in_dim3A_318 = vector.shape_cast %squeeze3A_317 : vector<192xf32> to vector<1x192xf32>
    %add3A_319 = vector.broadcast %broadcast_in_dim3A_318 : vector<1x192xf32> to vector<59x192xf32>
    %add3A_320 = arith.addf %slice3A_315, %add3A_319 : vector<59x192xf32>
    %max3A_321 = arith.constant 0.000000e+00 : f32
    %max3A_322 = vector.broadcast %max3A_321 : f32 to vector<59x192xf32>
    %max3A_323 = arith.maximumf %add3A_320, %max3A_322 : vector<59x192xf32>
    %add3A_324 = arith.addf %max3A_323, %get3A_314 : vector<59x192xf32>
    %reduce_sum3A_325 = arith.constant dense<0.000000e+00> : vector<59xf32>
    %reduce_sum3A_326 = vector.multi_reduction <add>, %add3A_324, %reduce_sum3A_325 [1] : vector<59x192xf32> to vector<59xf32>
    %broadcast_in_dim3A_327 = vector.shape_cast %reduce_sum3A_326 : vector<59xf32> to vector<59x1xf32>
    %mul3A_328 = arith.mulf %add3A_324, %add3A_324 : vector<59x192xf32>
    %reduce_sum3A_329 = arith.constant dense<0.000000e+00> : vector<59xf32>
    %reduce_sum3A_330 = vector.multi_reduction <add>, %mul3A_328, %reduce_sum3A_329 [1] : vector<59x192xf32> to vector<59xf32>
    %broadcast_in_dim3A_331 = vector.shape_cast %reduce_sum3A_330 : vector<59xf32> to vector<59x1xf32>
    %mul3A_332 = arith.constant 0.00520833349 : f32
    %mul3A_333 = vector.broadcast %mul3A_332 : f32 to vector<59x1xf32>
    %mul3A_334 = arith.mulf %broadcast_in_dim3A_327, %mul3A_333 : vector<59x1xf32>
    %mul3A_335 = arith.constant 0.00520833349 : f32
    %mul3A_336 = vector.broadcast %mul3A_335 : f32 to vector<59x1xf32>
    %mul3A_337 = arith.mulf %broadcast_in_dim3A_331, %mul3A_336 : vector<59x1xf32>
    %mul3A_338 = arith.mulf %mul3A_334, %mul3A_334 : vector<59x1xf32>
    %sub3A_339 = arith.subf %mul3A_337, %mul3A_338 : vector<59x1xf32>
    %max3A_340 = arith.constant 0.000000e+00 : f32
    %max3A_341 = vector.broadcast %max3A_340 : f32 to vector<59x1xf32>
    %max3A_342 = arith.maximumf %sub3A_339, %max3A_341 : vector<59x1xf32>
    %add3A_343 = arith.constant 9.99999996E-13 : f32
    %add3A_344 = vector.broadcast %add3A_343 : f32 to vector<59x1xf32>
    %add3A_345 = arith.addf %max3A_342, %add3A_344 : vector<59x1xf32>
    %rsqrt3A_346 = math.rsqrt %add3A_345 : vector<59x1xf32>
    %sub3A_347 = vector.broadcast %mul3A_334 : vector<59x1xf32> to vector<59x192xf32>
    %sub3A_348 = arith.subf %add3A_324, %sub3A_347 : vector<59x192xf32>
    %mul3A_349 = vector.broadcast %rsqrt3A_346 : vector<59x1xf32> to vector<59x192xf32>
    %mul3A_350 = vector.broadcast %get3A_29 : vector<1x192xf32> to vector<59x192xf32>
    %mul3A_351 = arith.mulf %mul3A_349, %mul3A_350 : vector<59x192xf32>
    %mul3A_352 = arith.mulf %sub3A_348, %mul3A_351 : vector<59x192xf32>
    %add3A_353 = vector.broadcast %get3A_32 : vector<1x192xf32> to vector<59x192xf32>
    %add3A_354 = arith.addf %mul3A_352, %add3A_353 : vector<59x192xf32>
    %broadcast_in_dim3A_355 = arith.constant 0.000000e+00 : f32
    %broadcast_in_dim3A_356 = vector.broadcast %broadcast_in_dim3A_355 : f32 to vector<5x192xf32>
    %swap3A_357 = arith.constant 0 : index
    %swap3A_358 = arith.constant 320 : index
    %swap3A_359 = arith.constant 0 : index
    %swap3A_360 = vector.load %arg9[%swap3A_357, %swap3A_358, %swap3A_359] : memref<1x4096x192xf32, #tpu.memory_space<vmem>>, vector<1x5x192xf32>
    %swap3A_361 = vector.shape_cast %swap3A_360 : vector<1x5x192xf32> to vector<5x192xf32>
    %swap3A_362 = vector.shape_cast %broadcast_in_dim3A_356 : vector<5x192xf32> to vector<1x5x192xf32>
    tpu.vector_store %arg9[%swap3A_357, %swap3A_358, %swap3A_359], %swap3A_362 {strides = array<i32>} : memref<1x4096x192xf32, #tpu.memory_space<vmem>>, vector<1x5x192xf32>,
    %swap3A_363 = arith.constant 0 : index
    %swap3A_364 = arith.constant 325 : index
    %swap3A_365 = arith.constant 0 : index
    %swap3A_366 = vector.load %arg9[%swap3A_363, %swap3A_364, %swap3A_365] : memref<1x4096x192xf32, #tpu.memory_space<vmem>>, vector<1x59x192xf32>
    %swap3A_367 = vector.shape_cast %swap3A_366 : vector<1x59x192xf32> to vector<59x192xf32>
    %swap3A_368 = vector.shape_cast %add3A_354 : vector<59x192xf32> to vector<1x59x192xf32>
    tpu.vector_store %arg9[%swap3A_363, %swap3A_364, %swap3A_365], %swap3A_368 {strides = array<i32>} : memref<1x4096x192xf32, #tpu.memory_space<vmem>>, vector<1x59x192xf32>,
    %get3A_369 = arith.constant 0 : index
    %get3A_370 = arith.constant 369 : index
    %get3A_371 = arith.constant 0 : index
    %get3A_372 = vector.load %arg1[%get3A_369, %get3A_370, %get3A_371] : memref<1x2080x192xf32, #tpu.memory_space<vmem>>, vector<1x58x192xf32>
    %get3A_373 = vector.shape_cast %get3A_372 : vector<1x58x192xf32> to vector<58x192xf32>
    %slice3A_374 = vector.extract_strided_slice %add3A_11 {offsets = [6, 0], sizes = [58, 192], strides = [1, 1]} : vector<64x192xf32> to vector<58x192xf32>
    %slice3A_375 = vector.extract_strided_slice %add3A_26 {offsets = [6, 0], sizes = [1, 192], strides = [1, 1]} : vector<64x192xf32> to vector<1x192xf32>
    %squeeze3A_376 = vector.shape_cast %slice3A_375 : vector<1x192xf32> to vector<192xf32>
    %broadcast_in_dim3A_377 = vector.shape_cast %squeeze3A_376 : vector<192xf32> to vector<1x192xf32>
    %add3A_378 = vector.broadcast %broadcast_in_dim3A_377 : vector<1x192xf32> to vector<58x192xf32>
    %add3A_379 = arith.addf %slice3A_374, %add3A_378 : vector<58x192xf32>
    %max3A_380 = arith.constant 0.000000e+00 : f32
    %max3A_381 = vector.broadcast %max3A_380 : f32 to vector<58x192xf32>
    %max3A_382 = arith.maximumf %add3A_379, %max3A_381 : vector<58x192xf32>
    %add3A_383 = arith.addf %max3A_382, %get3A_373 : vector<58x192xf32>
    %reduce_sum3A_384 = arith.constant dense<0.000000e+00> : vector<58xf32>
    %reduce_sum3A_385 = vector.multi_reduction <add>, %add3A_383, %reduce_sum3A_384 [1] : vector<58x192xf32> to vector<58xf32>
    %broadcast_in_dim3A_386 = vector.shape_cast %reduce_sum3A_385 : vector<58xf32> to vector<58x1xf32>
    %mul3A_387 = arith.mulf %add3A_383, %add3A_383 : vector<58x192xf32>
    %reduce_sum3A_388 = arith.constant dense<0.000000e+00> : vector<58xf32>
    %reduce_sum3A_389 = vector.multi_reduction <add>, %mul3A_387, %reduce_sum3A_388 [1] : vector<58x192xf32> to vector<58xf32>
    %broadcast_in_dim3A_390 = vector.shape_cast %reduce_sum3A_389 : vector<58xf32> to vector<58x1xf32>
    %mul3A_391 = arith.constant 0.00520833349 : f32
    %mul3A_392 = vector.broadcast %mul3A_391 : f32 to vector<58x1xf32>
    %mul3A_393 = arith.mulf %broadcast_in_dim3A_386, %mul3A_392 : vector<58x1xf32>
    %mul3A_394 = arith.constant 0.00520833349 : f32
    %mul3A_395 = vector.broadcast %mul3A_394 : f32 to vector<58x1xf32>
    %mul3A_396 = arith.mulf %broadcast_in_dim3A_390, %mul3A_395 : vector<58x1xf32>
    %mul3A_397 = arith.mulf %mul3A_393, %mul3A_393 : vector<58x1xf32>
    %sub3A_398 = arith.subf %mul3A_396, %mul3A_397 : vector<58x1xf32>
    %max3A_399 = arith.constant 0.000000e+00 : f32
    %max3A_400 = vector.broadcast %max3A_399 : f32 to vector<58x1xf32>
    %max3A_401 = arith.maximumf %sub3A_398, %max3A_400 : vector<58x1xf32>
    %add3A_402 = arith.constant 9.99999996E-13 : f32
    %add3A_403 = vector.broadcast %add3A_402 : f32 to vector<58x1xf32>
    %add3A_404 = arith.addf %max3A_401, %add3A_403 : vector<58x1xf32>
    %rsqrt3A_405 = math.rsqrt %add3A_404 : vector<58x1xf32>
    %sub3A_406 = vector.broadcast %mul3A_393 : vector<58x1xf32> to vector<58x192xf32>
    %sub3A_407 = arith.subf %add3A_383, %sub3A_406 : vector<58x192xf32>
    %mul3A_408 = vector.broadcast %rsqrt3A_405 : vector<58x1xf32> to vector<58x192xf32>
    %mul3A_409 = vector.broadcast %get3A_29 : vector<1x192xf32> to vector<58x192xf32>
    %mul3A_410 = arith.mulf %mul3A_408, %mul3A_409 : vector<58x192xf32>
    %mul3A_411 = arith.mulf %sub3A_407, %mul3A_410 : vector<58x192xf32>
    %add3A_412 = vector.broadcast %get3A_32 : vector<1x192xf32> to vector<58x192xf32>
    %add3A_413 = arith.addf %mul3A_411, %add3A_412 : vector<58x192xf32>
    %broadcast_in_dim3A_414 = arith.constant 0.000000e+00 : f32
    %broadcast_in_dim3A_415 = vector.broadcast %broadcast_in_dim3A_414 : f32 to vector<6x192xf32>
    %swap3A_416 = arith.constant 0 : index
    %swap3A_417 = arith.constant 384 : index
    %swap3A_418 = arith.constant 0 : index
    %swap3A_419 = vector.load %arg9[%swap3A_416, %swap3A_417, %swap3A_418] : memref<1x4096x192xf32, #tpu.memory_space<vmem>>, vector<1x6x192xf32>
    %swap3A_420 = vector.shape_cast %swap3A_419 : vector<1x6x192xf32> to vector<6x192xf32>
    %swap3A_421 = vector.shape_cast %broadcast_in_dim3A_415 : vector<6x192xf32> to vector<1x6x192xf32>
    tpu.vector_store %arg9[%swap3A_416, %swap3A_417, %swap3A_418], %swap3A_421 {strides = array<i32>} : memref<1x4096x192xf32, #tpu.memory_space<vmem>>, vector<1x6x192xf32>,
    %swap3A_422 = arith.constant 0 : index
    %swap3A_423 = arith.constant 390 : index
    %swap3A_424 = arith.constant 0 : index
    %swap3A_425 = vector.load %arg9[%swap3A_422, %swap3A_423, %swap3A_424] : memref<1x4096x192xf32, #tpu.memory_space<vmem>>, vector<1x58x192xf32>
    %swap3A_426 = vector.shape_cast %swap3A_425 : vector<1x58x192xf32> to vector<58x192xf32>
    %swap3A_427 = vector.shape_cast %add3A_413 : vector<58x192xf32> to vector<1x58x192xf32>
    tpu.vector_store %arg9[%swap3A_422, %swap3A_423, %swap3A_424], %swap3A_427 {strides = array<i32>} : memref<1x4096x192xf32, #tpu.memory_space<vmem>>, vector<1x58x192xf32>,
    %get3A_428 = arith.constant 0 : index
    %get3A_429 = arith.constant 427 : index
    %get3A_430 = arith.constant 0 : index
    %get3A_431 = vector.load %arg1[%get3A_428, %get3A_429, %get3A_430] : memref<1x2080x192xf32, #tpu.memory_space<vmem>>, vector<1x57x192xf32>
    %get3A_432 = vector.shape_cast %get3A_431 : vector<1x57x192xf32> to vector<57x192xf32>
    %slice3A_433 = vector.extract_strided_slice %add3A_11 {offsets = [7, 0], sizes = [57, 192], strides = [1, 1]} : vector<64x192xf32> to vector<57x192xf32>
    %slice3A_434 = vector.extract_strided_slice %add3A_26 {offsets = [7, 0], sizes = [1, 192], strides = [1, 1]} : vector<64x192xf32> to vector<1x192xf32>
    %squeeze3A_435 = vector.shape_cast %slice3A_434 : vector<1x192xf32> to vector<192xf32>
    %broadcast_in_dim3A_436 = vector.shape_cast %squeeze3A_435 : vector<192xf32> to vector<1x192xf32>
    %add3A_437 = vector.broadcast %broadcast_in_dim3A_436 : vector<1x192xf32> to vector<57x192xf32>
    %add3A_438 = arith.addf %slice3A_433, %add3A_437 : vector<57x192xf32>
    %max3A_439 = arith.constant 0.000000e+00 : f32
    %max3A_440 = vector.broadcast %max3A_439 : f32 to vector<57x192xf32>
    %max3A_441 = arith.maximumf %add3A_438, %max3A_440 : vector<57x192xf32>
    %add3A_442 = arith.addf %max3A_441, %get3A_432 : vector<57x192xf32>
    %reduce_sum3A_443 = arith.constant dense<0.000000e+00> : vector<57xf32>
    %reduce_sum3A_444 = vector.multi_reduction <add>, %add3A_442, %reduce_sum3A_443 [1] : vector<57x192xf32> to vector<57xf32>
    %broadcast_in_dim3A_445 = vector.shape_cast %reduce_sum3A_444 : vector<57xf32> to vector<57x1xf32>
    %mul3A_446 = arith.mulf %add3A_442, %add3A_442 : vector<57x192xf32>
    %reduce_sum3A_447 = arith.constant dense<0.000000e+00> : vector<57xf32>
    %reduce_sum3A_448 = vector.multi_reduction <add>, %mul3A_446, %reduce_sum3A_447 [1] : vector<57x192xf32> to vector<57xf32>
    %broadcast_in_dim3A_449 = vector.shape_cast %reduce_sum3A_448 : vector<57xf32> to vector<57x1xf32>
    %mul3A_450 = arith.constant 0.00520833349 : f32
    %mul3A_451 = vector.broadcast %mul3A_450 : f32 to vector<57x1xf32>
    %mul3A_452 = arith.mulf %broadcast_in_dim3A_445, %mul3A_451 : vector<57x1xf32>
    %mul3A_453 = arith.constant 0.00520833349 : f32
    %mul3A_454 = vector.broadcast %mul3A_453 : f32 to vector<57x1xf32>
    %mul3A_455 = arith.mulf %broadcast_in_dim3A_449, %mul3A_454 : vector<57x1xf32>
    %mul3A_456 = arith.mulf %mul3A_452, %mul3A_452 : vector<57x1xf32>
    %sub3A_457 = arith.subf %mul3A_455, %mul3A_456 : vector<57x1xf32>
    %max3A_458 = arith.constant 0.000000e+00 : f32
    %max3A_459 = vector.broadcast %max3A_458 : f32 to vector<57x1xf32>
    %max3A_460 = arith.maximumf %sub3A_457, %max3A_459 : vector<57x1xf32>
    %add3A_461 = arith.constant 9.99999996E-13 : f32
    %add3A_462 = vector.broadcast %add3A_461 : f32 to vector<57x1xf32>
    %add3A_463 = arith.addf %max3A_460, %add3A_462 : vector<57x1xf32>
    %rsqrt3A_464 = math.rsqrt %add3A_463 : vector<57x1xf32>
    %sub3A_465 = vector.broadcast %mul3A_452 : vector<57x1xf32> to vector<57x192xf32>
    %sub3A_466 = arith.subf %add3A_442, %sub3A_465 : vector<57x192xf32>
    %mul3A_467 = vector.broadcast %rsqrt3A_464 : vector<57x1xf32> to vector<57x192xf32>
    %mul3A_468 = vector.broadcast %get3A_29 : vector<1x192xf32> to vector<57x192xf32>
    %mul3A_469 = arith.mulf %mul3A_467, %mul3A_468 : vector<57x192xf32>
    %mul3A_470 = arith.mulf %sub3A_466, %mul3A_469 : vector<57x192xf32>
    %add3A_471 = vector.broadcast %get3A_32 : vector<1x192xf32> to vector<57x192xf32>
    %add3A_472 = arith.addf %mul3A_470, %add3A_471 : vector<57x192xf32>
    %broadcast_in_dim3A_473 = arith.constant 0.000000e+00 : f32
    %broadcast_in_dim3A_474 = vector.broadcast %broadcast_in_dim3A_473 : f32 to vector<7x192xf32>
    %swap3A_475 = arith.constant 0 : index
    %swap3A_476 = arith.constant 448 : index
    %swap3A_477 = arith.constant 0 : index
    %swap3A_478 = vector.load %arg9[%swap3A_475, %swap3A_476, %swap3A_477] : memref<1x4096x192xf32, #tpu.memory_space<vmem>>, vector<1x7x192xf32>
    %swap3A_479 = vector.shape_cast %swap3A_478 : vector<1x7x192xf32> to vector<7x192xf32>
    %swap3A_480 = vector.shape_cast %broadcast_in_dim3A_474 : vector<7x192xf32> to vector<1x7x192xf32>
    tpu.vector_store %arg9[%swap3A_475, %swap3A_476, %swap3A_477], %swap3A_480 {strides = array<i32>} : memref<1x4096x192xf32, #tpu.memory_space<vmem>>, vector<1x7x192xf32>,
    %swap3A_481 = arith.constant 0 : index
    %swap3A_482 = arith.constant 455 : index
    %swap3A_483 = arith.constant 0 : index
    %swap3A_484 = vector.load %arg9[%swap3A_481, %swap3A_482, %swap3A_483] : memref<1x4096x192xf32, #tpu.memory_space<vmem>>, vector<1x57x192xf32>
    %swap3A_485 = vector.shape_cast %swap3A_484 : vector<1x57x192xf32> to vector<57x192xf32>
    %swap3A_486 = vector.shape_cast %add3A_472 : vector<57x192xf32> to vector<1x57x192xf32>
    tpu.vector_store %arg9[%swap3A_481, %swap3A_482, %swap3A_483], %swap3A_486 {strides = array<i32>} : memref<1x4096x192xf32, #tpu.memory_space<vmem>>, vector<1x57x192xf32>,
    %get3A_487 = arith.constant 0 : index
    %get3A_488 = arith.constant 484 : index
    %get3A_489 = arith.constant 0 : index
    %get3A_490 = vector.load %arg1[%get3A_487, %get3A_488, %get3A_489] : memref<1x2080x192xf32, #tpu.memory_space<vmem>>, vector<1x56x192xf32>
    %get3A_491 = vector.shape_cast %get3A_490 : vector<1x56x192xf32> to vector<56x192xf32>
    %slice3A_492 = vector.extract_strided_slice %add3A_11 {offsets = [8, 0], sizes = [56, 192], strides = [1, 1]} : vector<64x192xf32> to vector<56x192xf32>
    %slice3A_493 = vector.extract_strided_slice %add3A_26 {offsets = [8, 0], sizes = [1, 192], strides = [1, 1]} : vector<64x192xf32> to vector<1x192xf32>
    %squeeze3A_494 = vector.shape_cast %slice3A_493 : vector<1x192xf32> to vector<192xf32>
    %broadcast_in_dim3A_495 = vector.shape_cast %squeeze3A_494 : vector<192xf32> to vector<1x192xf32>
    %add3A_496 = vector.broadcast %broadcast_in_dim3A_495 : vector<1x192xf32> to vector<56x192xf32>
    %add3A_497 = arith.addf %slice3A_492, %add3A_496 : vector<56x192xf32>
    %max3A_498 = arith.constant 0.000000e+00 : f32
    %max3A_499 = vector.broadcast %max3A_498 : f32 to vector<56x192xf32>
    %max3A_500 = arith.maximumf %add3A_497, %max3A_499 : vector<56x192xf32>
    %add3A_501 = arith.addf %max3A_500, %get3A_491 : vector<56x192xf32>
    %reduce_sum3A_502 = arith.constant dense<0.000000e+00> : vector<56xf32>
    %reduce_sum3A_503 = vector.multi_reduction <add>, %add3A_501, %reduce_sum3A_502 [1] : vector<56x192xf32> to vector<56xf32>
    %broadcast_in_dim3A_504 = vector.shape_cast %reduce_sum3A_503 : vector<56xf32> to vector<56x1xf32>
    %mul3A_505 = arith.mulf %add3A_501, %add3A_501 : vector<56x192xf32>
    %reduce_sum3A_506 = arith.constant dense<0.000000e+00> : vector<56xf32>
    %reduce_sum3A_507 = vector.multi_reduction <add>, %mul3A_505, %reduce_sum3A_506 [1] : vector<56x192xf32> to vector<56xf32>
    %broadcast_in_dim3A_508 = vector.shape_cast %reduce_sum3A_507 : vector<56xf32> to vector<56x1xf32>
    %mul3A_509 = arith.constant 0.00520833349 : f32
    %mul3A_510 = vector.broadcast %mul3A_509 : f32 to vector<56x1xf32>
    %mul3A_511 = arith.mulf %broadcast_in_dim3A_504, %mul3A_510 : vector<56x1xf32>
    %mul3A_512 = arith.constant 0.00520833349 : f32
    %mul3A_513 = vector.broadcast %mul3A_512 : f32 to vector<56x1xf32>
    %mul3A_514 = arith.mulf %broadcast_in_dim3A_508, %mul3A_513 : vector<56x1xf32>
    %mul3A_515 = arith.mulf %mul3A_511, %mul3A_511 : vector<56x1xf32>
    %sub3A_516 = arith.subf %mul3A_514, %mul3A_515 : vector<56x1xf32>
    %max3A_517 = arith.constant 0.000000e+00 : f32
    %max3A_518 = vector.broadcast %max3A_517 : f32 to vector<56x1xf32>
    %max3A_519 = arith.maximumf %sub3A_516, %max3A_518 : vector<56x1xf32>
    %add3A_520 = arith.constant 9.99999996E-13 : f32
    %add3A_521 = vector.broadcast %add3A_520 : f32 to vector<56x1xf32>
    %add3A_522 = arith.addf %max3A_519, %add3A_521 : vector<56x1xf32>
    %rsqrt3A_523 = math.rsqrt %add3A_522 : vector<56x1xf32>
    %sub3A_524 = vector.broadcast %mul3A_511 : vector<56x1xf32> to vector<56x192xf32>
    %sub3A_525 = arith.subf %add3A_501, %sub3A_524 : vector<56x192xf32>
    %mul3A_526 = vector.broadcast %rsqrt3A_523 : vector<56x1xf32> to vector<56x192xf32>
    %mul3A_527 = vector.broadcast %get3A_29 : vector<1x192xf32> to vector<56x192xf32>
    %mul3A_528 = arith.mulf %mul3A_526, %mul3A_527 : vector<56x192xf32>
    %mul3A_529 = arith.mulf %sub3A_525, %mul3A_528 : vector<56x192xf32>
    %add3A_530 = vector.broadcast %get3A_32 : vector<1x192xf32> to vector<56x192xf32>
    %add3A_531 = arith.addf %mul3A_529, %add3A_530 : vector<56x192xf32>
    %broadcast_in_dim3A_532 = arith.constant 0.000000e+00 : f32
    %broadcast_in_dim3A_533 = vector.broadcast %broadcast_in_dim3A_532 : f32 to vector<8x192xf32>
    %swap3A_534 = arith.constant 0 : index
    %swap3A_535 = arith.constant 512 : index
    %swap3A_536 = arith.constant 0 : index
    %swap3A_537 = vector.load %arg9[%swap3A_534, %swap3A_535, %swap3A_536] : memref<1x4096x192xf32, #tpu.memory_space<vmem>>, vector<1x8x192xf32>
    %swap3A_538 = vector.shape_cast %swap3A_537 : vector<1x8x192xf32> to vector<8x192xf32>
    %swap3A_539 = vector.shape_cast %broadcast_in_dim3A_533 : vector<8x192xf32> to vector<1x8x192xf32>
    tpu.vector_store %arg9[%swap3A_534, %swap3A_535, %swap3A_536], %swap3A_539 {strides = array<i32>} : memref<1x4096x192xf32, #tpu.memory_space<vmem>>, vector<1x8x192xf32>,
    %swap3A_540 = arith.constant 0 : index
    %swap3A_541 = arith.constant 520 : index
    %swap3A_542 = arith.constant 0 : index
    %swap3A_543 = vector.load %arg9[%swap3A_540, %swap3A_541, %swap3A_542] : memref<1x4096x192xf32, #tpu.memory_space<vmem>>, vector<1x56x192xf32>
    %swap3A_544 = vector.shape_cast %swap3A_543 : vector<1x56x192xf32> to vector<56x192xf32>
    %swap3A_545 = vector.shape_cast %add3A_531 : vector<56x192xf32> to vector<1x56x192xf32>
    tpu.vector_store %arg9[%swap3A_540, %swap3A_541, %swap3A_542], %swap3A_545 {strides = array<i32>} : memref<1x4096x192xf32, #tpu.memory_space<vmem>>, vector<1x56x192xf32>,
    %get3A_546 = arith.constant 0 : index
    %get3A_547 = arith.constant 540 : index
    %get3A_548 = arith.constant 0 : index
    %get3A_549 = vector.load %arg1[%get3A_546, %get3A_547, %get3A_548] : memref<1x2080x192xf32, #tpu.memory_space<vmem>>, vector<1x55x192xf32>
    %get3A_550 = vector.shape_cast %get3A_549 : vector<1x55x192xf32> to vector<55x192xf32>
    %slice3A_551 = vector.extract_strided_slice %add3A_11 {offsets = [9, 0], sizes = [55, 192], strides = [1, 1]} : vector<64x192xf32> to vector<55x192xf32>
    %slice3A_552 = vector.extract_strided_slice %add3A_26 {offsets = [9, 0], sizes = [1, 192], strides = [1, 1]} : vector<64x192xf32> to vector<1x192xf32>
    %squeeze3A_553 = vector.shape_cast %slice3A_552 : vector<1x192xf32> to vector<192xf32>
    %broadcast_in_dim3A_554 = vector.shape_cast %squeeze3A_553 : vector<192xf32> to vector<1x192xf32>
    %add3A_555 = vector.broadcast %broadcast_in_dim3A_554 : vector<1x192xf32> to vector<55x192xf32>
    %add3A_556 = arith.addf %slice3A_551, %add3A_555 : vector<55x192xf32>
    %max3A_557 = arith.constant 0.000000e+00 : f32
    %max3A_558 = vector.broadcast %max3A_557 : f32 to vector<55x192xf32>
    %max3A_559 = arith.maximumf %add3A_556, %max3A_558 : vector<55x192xf32>
    %add3A_560 = arith.addf %max3A_559, %get3A_550 : vector<55x192xf32>
    %reduce_sum3A_561 = arith.constant dense<0.000000e+00> : vector<55xf32>
    %reduce_sum3A_562 = vector.multi_reduction <add>, %add3A_560, %reduce_sum3A_561 [1] : vector<55x192xf32> to vector<55xf32>
    %broadcast_in_dim3A_563 = vector.shape_cast %reduce_sum3A_562 : vector<55xf32> to vector<55x1xf32>
    %mul3A_564 = arith.mulf %add3A_560, %add3A_560 : vector<55x192xf32>
    %reduce_sum3A_565 = arith.constant dense<0.000000e+00> : vector<55xf32>
    %reduce_sum3A_566 = vector.multi_reduction <add>, %mul3A_564, %reduce_sum3A_565 [1] : vector<55x192xf32> to vector<55xf32>
    %broadcast_in_dim3A_567 = vector.shape_cast %reduce_sum3A_566 : vector<55xf32> to vector<55x1xf32>
    %mul3A_568 = arith.constant 0.00520833349 : f32
    %mul3A_569 = vector.broadcast %mul3A_568 : f32 to vector<55x1xf32>
    %mul3A_570 = arith.mulf %broadcast_in_dim3A_563, %mul3A_569 : vector<55x1xf32>
    %mul3A_571 = arith.constant 0.00520833349 : f32
    %mul3A_572 = vector.broadcast %mul3A_571 : f32 to vector<55x1xf32>
    %mul3A_573 = arith.mulf %broadcast_in_dim3A_567, %mul3A_572 : vector<55x1xf32>
    %mul3A_574 = arith.mulf %mul3A_570, %mul3A_570 : vector<55x1xf32>
    %sub3A_575 = arith.subf %mul3A_573, %mul3A_574 : vector<55x1xf32>
    %max3A_576 = arith.constant 0.000000e+00 : f32
    %max3A_577 = vector.broadcast %max3A_576 : f32 to vector<55x1xf32>
    %max3A_578 = arith.maximumf %sub3A_575, %max3A_577 : vector<55x1xf32>
    %add3A_579 = arith.constant 9.99999996E-13 : f32
    %add3A_580 = vector.broadcast %add3A_579 : f32 to vector<55x1xf32>
    %add3A_581 = arith.addf %max3A_578, %add3A_580 : vector<55x1xf32>
    %rsqrt3A_582 = math.rsqrt %add3A_581 : vector<55x1xf32>
    %sub3A_583 = vector.broadcast %mul3A_570 : vector<55x1xf32> to vector<55x192xf32>
    %sub3A_584 = arith.subf %add3A_560, %sub3A_583 : vector<55x192xf32>
    %mul3A_585 = vector.broadcast %rsqrt3A_582 : vector<55x1xf32> to vector<55x192xf32>
    %mul3A_586 = vector.broadcast %get3A_29 : vector<1x192xf32> to vector<55x192xf32>
    %mul3A_587 = arith.mulf %mul3A_585, %mul3A_586 : vector<55x192xf32>
    %mul3A_588 = arith.mulf %sub3A_584, %mul3A_587 : vector<55x192xf32>
    %add3A_589 = vector.broadcast %get3A_32 : vector<1x192xf32> to vector<55x192xf32>
    %add3A_590 = arith.addf %mul3A_588, %add3A_589 : vector<55x192xf32>
    %broadcast_in_dim3A_591 = arith.constant 0.000000e+00 : f32
    %broadcast_in_dim3A_592 = vector.broadcast %broadcast_in_dim3A_591 : f32 to vector<9x192xf32>
    %swap3A_593 = arith.constant 0 : index
    %swap3A_594 = arith.constant 576 : index
    %swap3A_595 = arith.constant 0 : index
    %swap3A_596 = vector.load %arg9[%swap3A_593, %swap3A_594, %swap3A_595] : memref<1x4096x192xf32, #tpu.memory_space<vmem>>, vector<1x9x192xf32>
    %swap3A_597 = vector.shape_cast %swap3A_596 : vector<1x9x192xf32> to vector<9x192xf32>
    %swap3A_598 = vector.shape_cast %broadcast_in_dim3A_592 : vector<9x192xf32> to vector<1x9x192xf32>
    tpu.vector_store %arg9[%swap3A_593, %swap3A_594, %swap3A_595], %swap3A_598 {strides = array<i32>} : memref<1x4096x192xf32, #tpu.memory_space<vmem>>, vector<1x9x192xf32>,
    %swap3A_599 = arith.constant 0 : index
    %swap3A_600 = arith.constant 585 : index
    %swap3A_601 = arith.constant 0 : index
    %swap3A_602 = vector.load %arg9[%swap3A_599, %swap3A_600, %swap3A_601] : memref<1x4096x192xf32, #tpu.memory_space<vmem>>, vector<1x55x192xf32>
    %swap3A_603 = vector.shape_cast %swap3A_602 : vector<1x55x192xf32> to vector<55x192xf32>
    %swap3A_604 = vector.shape_cast %add3A_590 : vector<55x192xf32> to vector<1x55x192xf32>
    tpu.vector_store %arg9[%swap3A_599, %swap3A_600, %swap3A_601], %swap3A_604 {strides = array<i32>} : memref<1x4096x192xf32, #tpu.memory_space<vmem>>, vector<1x55x192xf32>,
    %get3A_605 = arith.constant 0 : index
    %get3A_606 = arith.constant 595 : index
    %get3A_607 = arith.constant 0 : index
    %get3A_608 = vector.load %arg1[%get3A_605, %get3A_606, %get3A_607] : memref<1x2080x192xf32, #tpu.memory_space<vmem>>, vector<1x54x192xf32>
    %get3A_609 = vector.shape_cast %get3A_608 : vector<1x54x192xf32> to vector<54x192xf32>
    %slice3A_610 = vector.extract_strided_slice %add3A_11 {offsets = [10, 0], sizes = [54, 192], strides = [1, 1]} : vector<64x192xf32> to vector<54x192xf32>
    %slice3A_611 = vector.extract_strided_slice %add3A_26 {offsets = [10, 0], sizes = [1, 192], strides = [1, 1]} : vector<64x192xf32> to vector<1x192xf32>
    %squeeze3A_612 = vector.shape_cast %slice3A_611 : vector<1x192xf32> to vector<192xf32>
    %broadcast_in_dim3A_613 = vector.shape_cast %squeeze3A_612 : vector<192xf32> to vector<1x192xf32>
    %add3A_614 = vector.broadcast %broadcast_in_dim3A_613 : vector<1x192xf32> to vector<54x192xf32>
    %add3A_615 = arith.addf %slice3A_610, %add3A_614 : vector<54x192xf32>
    %max3A_616 = arith.constant 0.000000e+00 : f32
    %max3A_617 = vector.broadcast %max3A_616 : f32 to vector<54x192xf32>
    %max3A_618 = arith.maximumf %add3A_615, %max3A_617 : vector<54x192xf32>
    %add3A_619 = arith.addf %max3A_618, %get3A_609 : vector<54x192xf32>
    %reduce_sum3A_620 = arith.constant dense<0.000000e+00> : vector<54xf32>
    %reduce_sum3A_621 = vector.multi_reduction <add>, %add3A_619, %reduce_sum3A_620 [1] : vector<54x192xf32> to vector<54xf32>
    %broadcast_in_dim3A_622 = vector.shape_cast %reduce_sum3A_621 : vector<54xf32> to vector<54x1xf32>
    %mul3A_623 = arith.mulf %add3A_619, %add3A_619 : vector<54x192xf32>
    %reduce_sum3A_624 = arith.constant dense<0.000000e+00> : vector<54xf32>
    %reduce_sum3A_625 = vector.multi_reduction <add>, %mul3A_623, %reduce_sum3A_624 [1] : vector<54x192xf32> to vector<54xf32>
    %broadcast_in_dim3A_626 = vector.shape_cast %reduce_sum3A_625 : vector<54xf32> to vector<54x1xf32>
    %mul3A_627 = arith.constant 0.00520833349 : f32
    %mul3A_628 = vector.broadcast %mul3A_627 : f32 to vector<54x1xf32>
    %mul3A_629 = arith.mulf %broadcast_in_dim3A_622, %mul3A_628 : vector<54x1xf32>
    %mul3A_630 = arith.constant 0.00520833349 : f32
    %mul3A_631 = vector.broadcast %mul3A_630 : f32 to vector<54x1xf32>
    %mul3A_632 = arith.mulf %broadcast_in_dim3A_626, %mul3A_631 : vector<54x1xf32>
    %mul3A_633 = arith.mulf %mul3A_629, %mul3A_629 : vector<54x1xf32>
    %sub3A_634 = arith.subf %mul3A_632, %mul3A_633 : vector<54x1xf32>
    %max3A_635 = arith.constant 0.000000e+00 : f32
    %max3A_636 = vector.broadcast %max3A_635 : f32 to vector<54x1xf32>
    %max3A_637 = arith.maximumf %sub3A_634, %max3A_636 : vector<54x1xf32>
    %add3A_638 = arith.constant 9.99999996E-13 : f32
    %add3A_639 = vector.broadcast %add3A_638 : f32 to vector<54x1xf32>
    %add3A_640 = arith.addf %max3A_637, %add3A_639 : vector<54x1xf32>
    %rsqrt3A_641 = math.rsqrt %add3A_640 : vector<54x1xf32>
    %sub3A_642 = vector.broadcast %mul3A_629 : vector<54x1xf32> to vector<54x192xf32>
    %sub3A_643 = arith.subf %add3A_619, %sub3A_642 : vector<54x192xf32>
    %mul3A_644 = vector.broadcast %rsqrt3A_641 : vector<54x1xf32> to vector<54x192xf32>
    %mul3A_645 = vector.broadcast %get3A_29 : vector<1x192xf32> to vector<54x192xf32>
    %mul3A_646 = arith.mulf %mul3A_644, %mul3A_645 : vector<54x192xf32>
    %mul3A_647 = arith.mulf %sub3A_643, %mul3A_646 : vector<54x192xf32>
    %add3A_648 = vector.broadcast %get3A_32 : vector<1x192xf32> to vector<54x192xf32>
    %add3A_649 = arith.addf %mul3A_647, %add3A_648 : vector<54x192xf32>
    %broadcast_in_dim3A_650 = arith.constant 0.000000e+00 : f32
    %broadcast_in_dim3A_651 = vector.broadcast %broadcast_in_dim3A_650 : f32 to vector<10x192xf32>
    %swap3A_652 = arith.constant 0 : index
    %swap3A_653 = arith.constant 640 : index
    %swap3A_654 = arith.constant 0 : index
    %swap3A_655 = vector.load %arg9[%swap3A_652, %swap3A_653, %swap3A_654] : memref<1x4096x192xf32, #tpu.memory_space<vmem>>, vector<1x10x192xf32>
    %swap3A_656 = vector.shape_cast %swap3A_655 : vector<1x10x192xf32> to vector<10x192xf32>
    %swap3A_657 = vector.shape_cast %broadcast_in_dim3A_651 : vector<10x192xf32> to vector<1x10x192xf32>
    tpu.vector_store %arg9[%swap3A_652, %swap3A_653, %swap3A_654], %swap3A_657 {strides = array<i32>} : memref<1x4096x192xf32, #tpu.memory_space<vmem>>, vector<1x10x192xf32>,
    %swap3A_658 = arith.constant 0 : index
    %swap3A_659 = arith.constant 650 : index
    %swap3A_660 = arith.constant 0 : index
    %swap3A_661 = vector.load %arg9[%swap3A_658, %swap3A_659, %swap3A_660] : memref<1x4096x192xf32, #tpu.memory_space<vmem>>, vector<1x54x192xf32>
    %swap3A_662 = vector.shape_cast %swap3A_661 : vector<1x54x192xf32> to vector<54x192xf32>
    %swap3A_663 = vector.shape_cast %add3A_649 : vector<54x192xf32> to vector<1x54x192xf32>
    tpu.vector_store %arg9[%swap3A_658, %swap3A_659, %swap3A_660], %swap3A_663 {strides = array<i32>} : memref<1x4096x192xf32, #tpu.memory_space<vmem>>, vector<1x54x192xf32>,
    %get3A_664 = arith.constant 0 : index
    %get3A_665 = arith.constant 649 : index
    %get3A_666 = arith.constant 0 : index
    %get3A_667 = vector.load %arg1[%get3A_664, %get3A_665, %get3A_666] : memref<1x2080x192xf32, #tpu.memory_space<vmem>>, vector<1x53x192xf32>
    %get3A_668 = vector.shape_cast %get3A_667 : vector<1x53x192xf32> to vector<53x192xf32>
    %slice3A_669 = vector.extract_strided_slice %add3A_11 {offsets = [11, 0], sizes = [53, 192], strides = [1, 1]} : vector<64x192xf32> to vector<53x192xf32>
    %slice3A_670 = vector.extract_strided_slice %add3A_26 {offsets = [11, 0], sizes = [1, 192], strides = [1, 1]} : vector<64x192xf32> to vector<1x192xf32>
    %squeeze3A_671 = vector.shape_cast %slice3A_670 : vector<1x192xf32> to vector<192xf32>
    %broadcast_in_dim3A_672 = vector.shape_cast %squeeze3A_671 : vector<192xf32> to vector<1x192xf32>
    %add3A_673 = vector.broadcast %broadcast_in_dim3A_672 : vector<1x192xf32> to vector<53x192xf32>
    %add3A_674 = arith.addf %slice3A_669, %add3A_673 : vector<53x192xf32>
    %max3A_675 = arith.constant 0.000000e+00 : f32
    %max3A_676 = vector.broadcast %max3A_675 : f32 to vector<53x192xf32>
    %max3A_677 = arith.maximumf %add3A_674, %max3A_676 : vector<53x192xf32>
    %add3A_678 = arith.addf %max3A_677, %get3A_668 : vector<53x192xf32>
    %reduce_sum3A_679 = arith.constant dense<0.000000e+00> : vector<53xf32>
    %reduce_sum3A_680 = vector.multi_reduction <add>, %add3A_678, %reduce_sum3A_679 [1] : vector<53x192xf32> to vector<53xf32>
    %broadcast_in_dim3A_681 = vector.shape_cast %reduce_sum3A_680 : vector<53xf32> to vector<53x1xf32>
    %mul3A_682 = arith.mulf %add3A_678, %add3A_678 : vector<53x192xf32>
    %reduce_sum3A_683 = arith.constant dense<0.000000e+00> : vector<53xf32>
    %reduce_sum3A_684 = vector.multi_reduction <add>, %mul3A_682, %reduce_sum3A_683 [1] : vector<53x192xf32> to vector<53xf32>
    %broadcast_in_dim3A_685 = vector.shape_cast %reduce_sum3A_684 : vector<53xf32> to vector<53x1xf32>
    %mul3A_686 = arith.constant 0.00520833349 : f32
    %mul3A_687 = vector.broadcast %mul3A_686 : f32 to vector<53x1xf32>
    %mul3A_688 = arith.mulf %broadcast_in_dim3A_681, %mul3A_687 : vector<53x1xf32>
    %mul3A_689 = arith.constant 0.00520833349 : f32
    %mul3A_690 = vector.broadcast %mul3A_689 : f32 to vector<53x1xf32>
    %mul3A_691 = arith.mulf %broadcast_in_dim3A_685, %mul3A_690 : vector<53x1xf32>
    %mul3A_692 = arith.mulf %mul3A_688, %mul3A_688 : vector<53x1xf32>
    %sub3A_693 = arith.subf %mul3A_691, %mul3A_692 : vector<53x1xf32>
    %max3A_694 = arith.constant 0.000000e+00 : f32
    %max3A_695 = vector.broadcast %max3A_694 : f32 to vector<53x1xf32>
    %max3A_696 = arith.maximumf %sub3A_693, %max3A_695 : vector<53x1xf32>
    %add3A_697 = arith.constant 9.99999996E-13 : f32
    %add3A_698 = vector.broadcast %add3A_697 : f32 to vector<53x1xf32>
    %add3A_699 = arith.addf %max3A_696, %add3A_698 : vector<53x1xf32>
    %rsqrt3A_700 = math.rsqrt %add3A_699 : vector<53x1xf32>
    %sub3A_701 = vector.broadcast %mul3A_688 : vector<53x1xf32> to vector<53x192xf32>
    %sub3A_702 = arith.subf %add3A_678, %sub3A_701 : vector<53x192xf32>
    %mul3A_703 = vector.broadcast %rsqrt3A_700 : vector<53x1xf32> to vector<53x192xf32>
    %mul3A_704 = vector.broadcast %get3A_29 : vector<1x192xf32> to vector<53x192xf32>
    %mul3A_705 = arith.mulf %mul3A_703, %mul3A_704 : vector<53x192xf32>
    %mul3A_706 = arith.mulf %sub3A_702, %mul3A_705 : vector<53x192xf32>
    %add3A_707 = vector.broadcast %get3A_32 : vector<1x192xf32> to vector<53x192xf32>
    %add3A_708 = arith.addf %mul3A_706, %add3A_707 : vector<53x192xf32>
    %broadcast_in_dim3A_709 = arith.constant 0.000000e+00 : f32
    %broadcast_in_dim3A_710 = vector.broadcast %broadcast_in_dim3A_709 : f32 to vector<11x192xf32>
    %swap3A_711 = arith.constant 0 : index
    %swap3A_712 = arith.constant 704 : index
    %swap3A_713 = arith.constant 0 : index
    %swap3A_714 = vector.load %arg9[%swap3A_711, %swap3A_712, %swap3A_713] : memref<1x4096x192xf32, #tpu.memory_space<vmem>>, vector<1x11x192xf32>
    %swap3A_715 = vector.shape_cast %swap3A_714 : vector<1x11x192xf32> to vector<11x192xf32>
    %swap3A_716 = vector.shape_cast %broadcast_in_dim3A_710 : vector<11x192xf32> to vector<1x11x192xf32>
    tpu.vector_store %arg9[%swap3A_711, %swap3A_712, %swap3A_713], %swap3A_716 {strides = array<i32>} : memref<1x4096x192xf32, #tpu.memory_space<vmem>>, vector<1x11x192xf32>,
    %swap3A_717 = arith.constant 0 : index
    %swap3A_718 = arith.constant 715 : index
    %swap3A_719 = arith.constant 0 : index
    %swap3A_720 = vector.load %arg9[%swap3A_717, %swap3A_718, %swap3A_719] : memref<1x4096x192xf32, #tpu.memory_space<vmem>>, vector<1x53x192xf32>
    %swap3A_721 = vector.shape_cast %swap3A_720 : vector<1x53x192xf32> to vector<53x192xf32>
    %swap3A_722 = vector.shape_cast %add3A_708 : vector<53x192xf32> to vector<1x53x192xf32>
    tpu.vector_store %arg9[%swap3A_717, %swap3A_718, %swap3A_719], %swap3A_722 {strides = array<i32>} : memref<1x4096x192xf32, #tpu.memory_space<vmem>>, vector<1x53x192xf32>,
    %get3A_723 = arith.constant 0 : index
    %get3A_724 = arith.constant 702 : index
    %get3A_725 = arith.constant 0 : index
    %get3A_726 = vector.load %arg1[%get3A_723, %get3A_724, %get3A_725] : memref<1x2080x192xf32, #tpu.memory_space<vmem>>, vector<1x52x192xf32>
    %get3A_727 = vector.shape_cast %get3A_726 : vector<1x52x192xf32> to vector<52x192xf32>
    %slice3A_728 = vector.extract_strided_slice %add3A_11 {offsets = [12, 0], sizes = [52, 192], strides = [1, 1]} : vector<64x192xf32> to vector<52x192xf32>
    %slice3A_729 = vector.extract_strided_slice %add3A_26 {offsets = [12, 0], sizes = [1, 192], strides = [1, 1]} : vector<64x192xf32> to vector<1x192xf32>
    %squeeze3A_730 = vector.shape_cast %slice3A_729 : vector<1x192xf32> to vector<192xf32>
    %broadcast_in_dim3A_731 = vector.shape_cast %squeeze3A_730 : vector<192xf32> to vector<1x192xf32>
    %add3A_732 = vector.broadcast %broadcast_in_dim3A_731 : vector<1x192xf32> to vector<52x192xf32>
    %add3A_733 = arith.addf %slice3A_728, %add3A_732 : vector<52x192xf32>
    %max3A_734 = arith.constant 0.000000e+00 : f32
    %max3A_735 = vector.broadcast %max3A_734 : f32 to vector<52x192xf32>
    %max3A_736 = arith.maximumf %add3A_733, %max3A_735 : vector<52x192xf32>
    %add3A_737 = arith.addf %max3A_736, %get3A_727 : vector<52x192xf32>
    %reduce_sum3A_738 = arith.constant dense<0.000000e+00> : vector<52xf32>
    %reduce_sum3A_739 = vector.multi_reduction <add>, %add3A_737, %reduce_sum3A_738 [1] : vector<52x192xf32> to vector<52xf32>
    %broadcast_in_dim3A_740 = vector.shape_cast %reduce_sum3A_739 : vector<52xf32> to vector<52x1xf32>
    %mul3A_741 = arith.mulf %add3A_737, %add3A_737 : vector<52x192xf32>
    %reduce_sum3A_742 = arith.constant dense<0.000000e+00> : vector<52xf32>
    %reduce_sum3A_743 = vector.multi_reduction <add>, %mul3A_741, %reduce_sum3A_742 [1] : vector<52x192xf32> to vector<52xf32>
    %broadcast_in_dim3A_744 = vector.shape_cast %reduce_sum3A_743 : vector<52xf32> to vector<52x1xf32>
    %mul3A_745 = arith.constant 0.00520833349 : f32
    %mul3A_746 = vector.broadcast %mul3A_745 : f32 to vector<52x1xf32>
    %mul3A_747 = arith.mulf %broadcast_in_dim3A_740, %mul3A_746 : vector<52x1xf32>
    %mul3A_748 = arith.constant 0.00520833349 : f32
    %mul3A_749 = vector.broadcast %mul3A_748 : f32 to vector<52x1xf32>
    %mul3A_750 = arith.mulf %broadcast_in_dim3A_744, %mul3A_749 : vector<52x1xf32>
    %mul3A_751 = arith.mulf %mul3A_747, %mul3A_747 : vector<52x1xf32>
    %sub3A_752 = arith.subf %mul3A_750, %mul3A_751 : vector<52x1xf32>
    %max3A_753 = arith.constant 0.000000e+00 : f32
    %max3A_754 = vector.broadcast %max3A_753 : f32 to vector<52x1xf32>
    %max3A_755 = arith.maximumf %sub3A_752, %max3A_754 : vector<52x1xf32>
    %add3A_756 = arith.constant 9.99999996E-13 : f32
    %add3A_757 = vector.broadcast %add3A_756 : f32 to vector<52x1xf32>
    %add3A_758 = arith.addf %max3A_755, %add3A_757 : vector<52x1xf32>
    %rsqrt3A_759 = math.rsqrt %add3A_758 : vector<52x1xf32>
    %sub3A_760 = vector.broadcast %mul3A_747 : vector<52x1xf32> to vector<52x192xf32>
    %sub3A_761 = arith.subf %add3A_737, %sub3A_760 : vector<52x192xf32>
    %mul3A_762 = vector.broadcast %rsqrt3A_759 : vector<52x1xf32> to vector<52x192xf32>
    %mul3A_763 = vector.broadcast %get3A_29 : vector<1x192xf32> to vector<52x192xf32>
    %mul3A_764 = arith.mulf %mul3A_762, %mul3A_763 : vector<52x192xf32>
    %mul3A_765 = arith.mulf %sub3A_761, %mul3A_764 : vector<52x192xf32>
    %add3A_766 = vector.broadcast %get3A_32 : vector<1x192xf32> to vector<52x192xf32>
    %add3A_767 = arith.addf %mul3A_765, %add3A_766 : vector<52x192xf32>
    %broadcast_in_dim3A_768 = arith.constant 0.000000e+00 : f32
    %broadcast_in_dim3A_769 = vector.broadcast %broadcast_in_dim3A_768 : f32 to vector<12x192xf32>
    %swap3A_770 = arith.constant 0 : index
    %swap3A_771 = arith.constant 768 : index
    %swap3A_772 = arith.constant 0 : index
    %swap3A_773 = vector.load %arg9[%swap3A_770, %swap3A_771, %swap3A_772] : memref<1x4096x192xf32, #tpu.memory_space<vmem>>, vector<1x12x192xf32>
    %swap3A_774 = vector.shape_cast %swap3A_773 : vector<1x12x192xf32> to vector<12x192xf32>
    %swap3A_775 = vector.shape_cast %broadcast_in_dim3A_769 : vector<12x192xf32> to vector<1x12x192xf32>
    tpu.vector_store %arg9[%swap3A_770, %swap3A_771, %swap3A_772], %swap3A_775 {strides = array<i32>} : memref<1x4096x192xf32, #tpu.memory_space<vmem>>, vector<1x12x192xf32>,
    %swap3A_776 = arith.constant 0 : index
    %swap3A_777 = arith.constant 780 : index
    %swap3A_778 = arith.constant 0 : index
    %swap3A_779 = vector.load %arg9[%swap3A_776, %swap3A_777, %swap3A_778] : memref<1x4096x192xf32, #tpu.memory_space<vmem>>, vector<1x52x192xf32>
    %swap3A_780 = vector.shape_cast %swap3A_779 : vector<1x52x192xf32> to vector<52x192xf32>
    %swap3A_781 = vector.shape_cast %add3A_767 : vector<52x192xf32> to vector<1x52x192xf32>
    tpu.vector_store %arg9[%swap3A_776, %swap3A_777, %swap3A_778], %swap3A_781 {strides = array<i32>} : memref<1x4096x192xf32, #tpu.memory_space<vmem>>, vector<1x52x192xf32>,
    %get3A_782 = arith.constant 0 : index
    %get3A_783 = arith.constant 754 : index
    %get3A_784 = arith.constant 0 : index
    %get3A_785 = vector.load %arg1[%get3A_782, %get3A_783, %get3A_784] : memref<1x2080x192xf32, #tpu.memory_space<vmem>>, vector<1x51x192xf32>
    %get3A_786 = vector.shape_cast %get3A_785 : vector<1x51x192xf32> to vector<51x192xf32>
    %slice3A_787 = vector.extract_strided_slice %add3A_11 {offsets = [13, 0], sizes = [51, 192], strides = [1, 1]} : vector<64x192xf32> to vector<51x192xf32>
    %slice3A_788 = vector.extract_strided_slice %add3A_26 {offsets = [13, 0], sizes = [1, 192], strides = [1, 1]} : vector<64x192xf32> to vector<1x192xf32>
    %squeeze3A_789 = vector.shape_cast %slice3A_788 : vector<1x192xf32> to vector<192xf32>
    %broadcast_in_dim3A_790 = vector.shape_cast %squeeze3A_789 : vector<192xf32> to vector<1x192xf32>
    %add3A_791 = vector.broadcast %broadcast_in_dim3A_790 : vector<1x192xf32> to vector<51x192xf32>
    %add3A_792 = arith.addf %slice3A_787, %add3A_791 : vector<51x192xf32>
    %max3A_793 = arith.constant 0.000000e+00 : f32
    %max3A_794 = vector.broadcast %max3A_793 : f32 to vector<51x192xf32>
    %max3A_795 = arith.maximumf %add3A_792, %max3A_794 : vector<51x192xf32>
    %add3A_796 = arith.addf %max3A_795, %get3A_786 : vector<51x192xf32>
    %reduce_sum3A_797 = arith.constant dense<0.000000e+00> : vector<51xf32>
    %reduce_sum3A_798 = vector.multi_reduction <add>, %add3A_796, %reduce_sum3A_797 [1] : vector<51x192xf32> to vector<51xf32>
    %broadcast_in_dim3A_799 = vector.shape_cast %reduce_sum3A_798 : vector<51xf32> to vector<51x1xf32>
    %mul3A_800 = arith.mulf %add3A_796, %add3A_796 : vector<51x192xf32>
    %reduce_sum3A_801 = arith.constant dense<0.000000e+00> : vector<51xf32>
    %reduce_sum3A_802 = vector.multi_reduction <add>, %mul3A_800, %reduce_sum3A_801 [1] : vector<51x192xf32> to vector<51xf32>
    %broadcast_in_dim3A_803 = vector.shape_cast %reduce_sum3A_802 : vector<51xf32> to vector<51x1xf32>
    %mul3A_804 = arith.constant 0.00520833349 : f32
    %mul3A_805 = vector.broadcast %mul3A_804 : f32 to vector<51x1xf32>
    %mul3A_806 = arith.mulf %broadcast_in_dim3A_799, %mul3A_805 : vector<51x1xf32>
    %mul3A_807 = arith.constant 0.00520833349 : f32
    %mul3A_808 = vector.broadcast %mul3A_807 : f32 to vector<51x1xf32>
    %mul3A_809 = arith.mulf %broadcast_in_dim3A_803, %mul3A_808 : vector<51x1xf32>
    %mul3A_810 = arith.mulf %mul3A_806, %mul3A_806 : vector<51x1xf32>
    %sub3A_811 = arith.subf %mul3A_809, %mul3A_810 : vector<51x1xf32>
    %max3A_812 = arith.constant 0.000000e+00 : f32
    %max3A_813 = vector.broadcast %max3A_812 : f32 to vector<51x1xf32>
    %max3A_814 = arith.maximumf %sub3A_811, %max3A_813 : vector<51x1xf32>
    %add3A_815 = arith.constant 9.99999996E-13 : f32
    %add3A_816 = vector.broadcast %add3A_815 : f32 to vector<51x1xf32>
    %add3A_817 = arith.addf %max3A_814, %add3A_816 : vector<51x1xf32>
    %rsqrt3A_818 = math.rsqrt %add3A_817 : vector<51x1xf32>
    %sub3A_819 = vector.broadcast %mul3A_806 : vector<51x1xf32> to vector<51x192xf32>
    %sub3A_820 = arith.subf %add3A_796, %sub3A_819 : vector<51x192xf32>
    %mul3A_821 = vector.broadcast %rsqrt3A_818 : vector<51x1xf32> to vector<51x192xf32>
    %mul3A_822 = vector.broadcast %get3A_29 : vector<1x192xf32> to vector<51x192xf32>
    %mul3A_823 = arith.mulf %mul3A_821, %mul3A_822 : vector<51x192xf32>
    %mul3A_824 = arith.mulf %sub3A_820, %mul3A_823 : vector<51x192xf32>
    %add3A_825 = vector.broadcast %get3A_32 : vector<1x192xf32> to vector<51x192xf32>
    %add3A_826 = arith.addf %mul3A_824, %add3A_825 : vector<51x192xf32>
    %broadcast_in_dim3A_827 = arith.constant 0.000000e+00 : f32
    %broadcast_in_dim3A_828 = vector.broadcast %broadcast_in_dim3A_827 : f32 to vector<13x192xf32>
    %swap3A_829 = arith.constant 0 : index
    %swap3A_830 = arith.constant 832 : index
    %swap3A_831 = arith.constant 0 : index
    %swap3A_832 = vector.load %arg9[%swap3A_829, %swap3A_830, %swap3A_831] : memref<1x4096x192xf32, #tpu.memory_space<vmem>>, vector<1x13x192xf32>
    %swap3A_833 = vector.shape_cast %swap3A_832 : vector<1x13x192xf32> to vector<13x192xf32>
    %swap3A_834 = vector.shape_cast %broadcast_in_dim3A_828 : vector<13x192xf32> to vector<1x13x192xf32>
    tpu.vector_store %arg9[%swap3A_829, %swap3A_830, %swap3A_831], %swap3A_834 {strides = array<i32>} : memref<1x4096x192xf32, #tpu.memory_space<vmem>>, vector<1x13x192xf32>,
    %swap3A_835 = arith.constant 0 : index
    %swap3A_836 = arith.constant 845 : index
    %swap3A_837 = arith.constant 0 : index
    %swap3A_838 = vector.load %arg9[%swap3A_835, %swap3A_836, %swap3A_837] : memref<1x4096x192xf32, #tpu.memory_space<vmem>>, vector<1x51x192xf32>
    %swap3A_839 = vector.shape_cast %swap3A_838 : vector<1x51x192xf32> to vector<51x192xf32>
    %swap3A_840 = vector.shape_cast %add3A_826 : vector<51x192xf32> to vector<1x51x192xf32>
    tpu.vector_store %arg9[%swap3A_835, %swap3A_836, %swap3A_837], %swap3A_840 {strides = array<i32>} : memref<1x4096x192xf32, #tpu.memory_space<vmem>>, vector<1x51x192xf32>,
    %get3A_841 = arith.constant 0 : index
    %get3A_842 = arith.constant 805 : index
    %get3A_843 = arith.constant 0 : index
    %get3A_844 = vector.load %arg1[%get3A_841, %get3A_842, %get3A_843] : memref<1x2080x192xf32, #tpu.memory_space<vmem>>, vector<1x50x192xf32>
    %get3A_845 = vector.shape_cast %get3A_844 : vector<1x50x192xf32> to vector<50x192xf32>
    %slice3A_846 = vector.extract_strided_slice %add3A_11 {offsets = [14, 0], sizes = [50, 192], strides = [1, 1]} : vector<64x192xf32> to vector<50x192xf32>
    %slice3A_847 = vector.extract_strided_slice %add3A_26 {offsets = [14, 0], sizes = [1, 192], strides = [1, 1]} : vector<64x192xf32> to vector<1x192xf32>
    %squeeze3A_848 = vector.shape_cast %slice3A_847 : vector<1x192xf32> to vector<192xf32>
    %broadcast_in_dim3A_849 = vector.shape_cast %squeeze3A_848 : vector<192xf32> to vector<1x192xf32>
    %add3A_850 = vector.broadcast %broadcast_in_dim3A_849 : vector<1x192xf32> to vector<50x192xf32>
    %add3A_851 = arith.addf %slice3A_846, %add3A_850 : vector<50x192xf32>
    %max3A_852 = arith.constant 0.000000e+00 : f32
    %max3A_853 = vector.broadcast %max3A_852 : f32 to vector<50x192xf32>
    %max3A_854 = arith.maximumf %add3A_851, %max3A_853 : vector<50x192xf32>
    %add3A_855 = arith.addf %max3A_854, %get3A_845 : vector<50x192xf32>
    %reduce_sum3A_856 = arith.constant dense<0.000000e+00> : vector<50xf32>
    %reduce_sum3A_857 = vector.multi_reduction <add>, %add3A_855, %reduce_sum3A_856 [1] : vector<50x192xf32> to vector<50xf32>
    %broadcast_in_dim3A_858 = vector.shape_cast %reduce_sum3A_857 : vector<50xf32> to vector<50x1xf32>
    %mul3A_859 = arith.mulf %add3A_855, %add3A_855 : vector<50x192xf32>
    %reduce_sum3A_860 = arith.constant dense<0.000000e+00> : vector<50xf32>
    %reduce_sum3A_861 = vector.multi_reduction <add>, %mul3A_859, %reduce_sum3A_860 [1] : vector<50x192xf32> to vector<50xf32>
    %broadcast_in_dim3A_862 = vector.shape_cast %reduce_sum3A_861 : vector<50xf32> to vector<50x1xf32>
    %mul3A_863 = arith.constant 0.00520833349 : f32
    %mul3A_864 = vector.broadcast %mul3A_863 : f32 to vector<50x1xf32>
    %mul3A_865 = arith.mulf %broadcast_in_dim3A_858, %mul3A_864 : vector<50x1xf32>
    %mul3A_866 = arith.constant 0.00520833349 : f32
    %mul3A_867 = vector.broadcast %mul3A_866 : f32 to vector<50x1xf32>
    %mul3A_868 = arith.mulf %broadcast_in_dim3A_862, %mul3A_867 : vector<50x1xf32>
    %mul3A_869 = arith.mulf %mul3A_865, %mul3A_865 : vector<50x1xf32>
    %sub3A_870 = arith.subf %mul3A_868, %mul3A_869 : vector<50x1xf32>
    %max3A_871 = arith.constant 0.000000e+00 : f32
    %max3A_872 = vector.broadcast %max3A_871 : f32 to vector<50x1xf32>
    %max3A_873 = arith.maximumf %sub3A_870, %max3A_872 : vector<50x1xf32>
    %add3A_874 = arith.constant 9.99999996E-13 : f32
    %add3A_875 = vector.broadcast %add3A_874 : f32 to vector<50x1xf32>
    %add3A_876 = arith.addf %max3A_873, %add3A_875 : vector<50x1xf32>
    %rsqrt3A_877 = math.rsqrt %add3A_876 : vector<50x1xf32>
    %sub3A_878 = vector.broadcast %mul3A_865 : vector<50x1xf32> to vector<50x192xf32>
    %sub3A_879 = arith.subf %add3A_855, %sub3A_878 : vector<50x192xf32>
    %mul3A_880 = vector.broadcast %rsqrt3A_877 : vector<50x1xf32> to vector<50x192xf32>
    %mul3A_881 = vector.broadcast %get3A_29 : vector<1x192xf32> to vector<50x192xf32>
    %mul3A_882 = arith.mulf %mul3A_880, %mul3A_881 : vector<50x192xf32>
    %mul3A_883 = arith.mulf %sub3A_879, %mul3A_882 : vector<50x192xf32>
    %add3A_884 = vector.broadcast %get3A_32 : vector<1x192xf32> to vector<50x192xf32>
    %add3A_885 = arith.addf %mul3A_883, %add3A_884 : vector<50x192xf32>
    %broadcast_in_dim3A_886 = arith.constant 0.000000e+00 : f32
    %broadcast_in_dim3A_887 = vector.broadcast %broadcast_in_dim3A_886 : f32 to vector<14x192xf32>
    %swap3A_888 = arith.constant 0 : index
    %swap3A_889 = arith.constant 896 : index
    %swap3A_890 = arith.constant 0 : index
    %swap3A_891 = vector.load %arg9[%swap3A_888, %swap3A_889, %swap3A_890] : memref<1x4096x192xf32, #tpu.memory_space<vmem>>, vector<1x14x192xf32>
    %swap3A_892 = vector.shape_cast %swap3A_891 : vector<1x14x192xf32> to vector<14x192xf32>
    %swap3A_893 = vector.shape_cast %broadcast_in_dim3A_887 : vector<14x192xf32> to vector<1x14x192xf32>
    tpu.vector_store %arg9[%swap3A_888, %swap3A_889, %swap3A_890], %swap3A_893 {strides = array<i32>} : memref<1x4096x192xf32, #tpu.memory_space<vmem>>, vector<1x14x192xf32>,
    %swap3A_894 = arith.constant 0 : index
    %swap3A_895 = arith.constant 910 : index
    %swap3A_896 = arith.constant 0 : index
    %swap3A_897 = vector.load %arg9[%swap3A_894, %swap3A_895, %swap3A_896] : memref<1x4096x192xf32, #tpu.memory_space<vmem>>, vector<1x50x192xf32>
    %swap3A_898 = vector.shape_cast %swap3A_897 : vector<1x50x192xf32> to vector<50x192xf32>
    %swap3A_899 = vector.shape_cast %add3A_885 : vector<50x192xf32> to vector<1x50x192xf32>
    tpu.vector_store %arg9[%swap3A_894, %swap3A_895, %swap3A_896], %swap3A_899 {strides = array<i32>} : memref<1x4096x192xf32, #tpu.memory_space<vmem>>, vector<1x50x192xf32>,
    %get3A_900 = arith.constant 0 : index
    %get3A_901 = arith.constant 855 : index
    %get3A_902 = arith.constant 0 : index
    %get3A_903 = vector.load %arg1[%get3A_900, %get3A_901, %get3A_902] : memref<1x2080x192xf32, #tpu.memory_space<vmem>>, vector<1x49x192xf32>
    %get3A_904 = vector.shape_cast %get3A_903 : vector<1x49x192xf32> to vector<49x192xf32>
    %slice3A_905 = vector.extract_strided_slice %add3A_11 {offsets = [15, 0], sizes = [49, 192], strides = [1, 1]} : vector<64x192xf32> to vector<49x192xf32>
    %slice3A_906 = vector.extract_strided_slice %add3A_26 {offsets = [15, 0], sizes = [1, 192], strides = [1, 1]} : vector<64x192xf32> to vector<1x192xf32>
    %squeeze3A_907 = vector.shape_cast %slice3A_906 : vector<1x192xf32> to vector<192xf32>
    %broadcast_in_dim3A_908 = vector.shape_cast %squeeze3A_907 : vector<192xf32> to vector<1x192xf32>
    %add3A_909 = vector.broadcast %broadcast_in_dim3A_908 : vector<1x192xf32> to vector<49x192xf32>
    %add3A_910 = arith.addf %slice3A_905, %add3A_909 : vector<49x192xf32>
    %max3A_911 = arith.constant 0.000000e+00 : f32
    %max3A_912 = vector.broadcast %max3A_911 : f32 to vector<49x192xf32>
    %max3A_913 = arith.maximumf %add3A_910, %max3A_912 : vector<49x192xf32>
    %add3A_914 = arith.addf %max3A_913, %get3A_904 : vector<49x192xf32>
    %reduce_sum3A_915 = arith.constant dense<0.000000e+00> : vector<49xf32>
    %reduce_sum3A_916 = vector.multi_reduction <add>, %add3A_914, %reduce_sum3A_915 [1] : vector<49x192xf32> to vector<49xf32>
    %broadcast_in_dim3A_917 = vector.shape_cast %reduce_sum3A_916 : vector<49xf32> to vector<49x1xf32>
    %mul3A_918 = arith.mulf %add3A_914, %add3A_914 : vector<49x192xf32>
    %reduce_sum3A_919 = arith.constant dense<0.000000e+00> : vector<49xf32>
    %reduce_sum3A_920 = vector.multi_reduction <add>, %mul3A_918, %reduce_sum3A_919 [1] : vector<49x192xf32> to vector<49xf32>
    %broadcast_in_dim3A_921 = vector.shape_cast %reduce_sum3A_920 : vector<49xf32> to vector<49x1xf32>
    %mul3A_922 = arith.constant 0.00520833349 : f32
    %mul3A_923 = vector.broadcast %mul3A_922 : f32 to vector<49x1xf32>
    %mul3A_924 = arith.mulf %broadcast_in_dim3A_917, %mul3A_923 : vector<49x1xf32>
    %mul3A_925 = arith.constant 0.00520833349 : f32
    %mul3A_926 = vector.broadcast %mul3A_925 : f32 to vector<49x1xf32>
    %mul3A_927 = arith.mulf %broadcast_in_dim3A_921, %mul3A_926 : vector<49x1xf32>
    %mul3A_928 = arith.mulf %mul3A_924, %mul3A_924 : vector<49x1xf32>
    %sub3A_929 = arith.subf %mul3A_927, %mul3A_928 : vector<49x1xf32>
    %max3A_930 = arith.constant 0.000000e+00 : f32
    %max3A_931 = vector.broadcast %max3A_930 : f32 to vector<49x1xf32>
    %max3A_932 = arith.maximumf %sub3A_929, %max3A_931 : vector<49x1xf32>
    %add3A_933 = arith.constant 9.99999996E-13 : f32
    %add3A_934 = vector.broadcast %add3A_933 : f32 to vector<49x1xf32>
    %add3A_935 = arith.addf %max3A_932, %add3A_934 : vector<49x1xf32>
    %rsqrt3A_936 = math.rsqrt %add3A_935 : vector<49x1xf32>
    %sub3A_937 = vector.broadcast %mul3A_924 : vector<49x1xf32> to vector<49x192xf32>
    %sub3A_938 = arith.subf %add3A_914, %sub3A_937 : vector<49x192xf32>
    %mul3A_939 = vector.broadcast %rsqrt3A_936 : vector<49x1xf32> to vector<49x192xf32>
    %mul3A_940 = vector.broadcast %get3A_29 : vector<1x192xf32> to vector<49x192xf32>
    %mul3A_941 = arith.mulf %mul3A_939, %mul3A_940 : vector<49x192xf32>
    %mul3A_942 = arith.mulf %sub3A_938, %mul3A_941 : vector<49x192xf32>
    %add3A_943 = vector.broadcast %get3A_32 : vector<1x192xf32> to vector<49x192xf32>
    %add3A_944 = arith.addf %mul3A_942, %add3A_943 : vector<49x192xf32>
    %broadcast_in_dim3A_945 = arith.constant 0.000000e+00 : f32
    %broadcast_in_dim3A_946 = vector.broadcast %broadcast_in_dim3A_945 : f32 to vector<15x192xf32>
    %swap3A_947 = arith.constant 0 : index
    %swap3A_948 = arith.constant 960 : index
    %swap3A_949 = arith.constant 0 : index
    %swap3A_950 = vector.load %arg9[%swap3A_947, %swap3A_948, %swap3A_949] : memref<1x4096x192xf32, #tpu.memory_space<vmem>>, vector<1x15x192xf32>
    %swap3A_951 = vector.shape_cast %swap3A_950 : vector<1x15x192xf32> to vector<15x192xf32>
    %swap3A_952 = vector.shape_cast %broadcast_in_dim3A_946 : vector<15x192xf32> to vector<1x15x192xf32>
    tpu.vector_store %arg9[%swap3A_947, %swap3A_948, %swap3A_949], %swap3A_952 {strides = array<i32>} : memref<1x4096x192xf32, #tpu.memory_space<vmem>>, vector<1x15x192xf32>,
    %swap3A_953 = arith.constant 0 : index
    %swap3A_954 = arith.constant 975 : index
    %swap3A_955 = arith.constant 0 : index
    %swap3A_956 = vector.load %arg9[%swap3A_953, %swap3A_954, %swap3A_955] : memref<1x4096x192xf32, #tpu.memory_space<vmem>>, vector<1x49x192xf32>
    %swap3A_957 = vector.shape_cast %swap3A_956 : vector<1x49x192xf32> to vector<49x192xf32>
    %swap3A_958 = vector.shape_cast %add3A_944 : vector<49x192xf32> to vector<1x49x192xf32>
    tpu.vector_store %arg9[%swap3A_953, %swap3A_954, %swap3A_955], %swap3A_958 {strides = array<i32>} : memref<1x4096x192xf32, #tpu.memory_space<vmem>>, vector<1x49x192xf32>,
    %get3A_959 = arith.constant 0 : index
    %get3A_960 = arith.constant 904 : index
    %get3A_961 = arith.constant 0 : index
    %get3A_962 = vector.load %arg1[%get3A_959, %get3A_960, %get3A_961] : memref<1x2080x192xf32, #tpu.memory_space<vmem>>, vector<1x48x192xf32>
    %get3A_963 = vector.shape_cast %get3A_962 : vector<1x48x192xf32> to vector<48x192xf32>
    %slice3A_964 = vector.extract_strided_slice %add3A_11 {offsets = [16, 0], sizes = [48, 192], strides = [1, 1]} : vector<64x192xf32> to vector<48x192xf32>
    %slice3A_965 = vector.extract_strided_slice %add3A_26 {offsets = [16, 0], sizes = [1, 192], strides = [1, 1]} : vector<64x192xf32> to vector<1x192xf32>
    %squeeze3A_966 = vector.shape_cast %slice3A_965 : vector<1x192xf32> to vector<192xf32>
    %broadcast_in_dim3A_967 = vector.shape_cast %squeeze3A_966 : vector<192xf32> to vector<1x192xf32>
    %add3A_968 = vector.broadcast %broadcast_in_dim3A_967 : vector<1x192xf32> to vector<48x192xf32>
    %add3A_969 = arith.addf %slice3A_964, %add3A_968 : vector<48x192xf32>
    %max3A_970 = arith.constant 0.000000e+00 : f32
    %max3A_971 = vector.broadcast %max3A_970 : f32 to vector<48x192xf32>
    %max3A_972 = arith.maximumf %add3A_969, %max3A_971 : vector<48x192xf32>
    %add3A_973 = arith.addf %max3A_972, %get3A_963 : vector<48x192xf32>
    %reduce_sum3A_974 = arith.constant dense<0.000000e+00> : vector<48xf32>
    %reduce_sum3A_975 = vector.multi_reduction <add>, %add3A_973, %reduce_sum3A_974 [1] : vector<48x192xf32> to vector<48xf32>
    %broadcast_in_dim3A_976 = vector.shape_cast %reduce_sum3A_975 : vector<48xf32> to vector<48x1xf32>
    %mul3A_977 = arith.mulf %add3A_973, %add3A_973 : vector<48x192xf32>
    %reduce_sum3A_978 = arith.constant dense<0.000000e+00> : vector<48xf32>
    %reduce_sum3A_979 = vector.multi_reduction <add>, %mul3A_977, %reduce_sum3A_978 [1] : vector<48x192xf32> to vector<48xf32>
    %broadcast_in_dim3A_980 = vector.shape_cast %reduce_sum3A_979 : vector<48xf32> to vector<48x1xf32>
    %mul3A_981 = arith.constant 0.00520833349 : f32
    %mul3A_982 = vector.broadcast %mul3A_981 : f32 to vector<48x1xf32>
    %mul3A_983 = arith.mulf %broadcast_in_dim3A_976, %mul3A_982 : vector<48x1xf32>
    %mul3A_984 = arith.constant 0.00520833349 : f32
    %mul3A_985 = vector.broadcast %mul3A_984 : f32 to vector<48x1xf32>
    %mul3A_986 = arith.mulf %broadcast_in_dim3A_980, %mul3A_985 : vector<48x1xf32>
    %mul3A_987 = arith.mulf %mul3A_983, %mul3A_983 : vector<48x1xf32>
    %sub3A_988 = arith.subf %mul3A_986, %mul3A_987 : vector<48x1xf32>
    %max3A_989 = arith.constant 0.000000e+00 : f32
    %max3A_990 = vector.broadcast %max3A_989 : f32 to vector<48x1xf32>
    %max3A_991 = arith.maximumf %sub3A_988, %max3A_990 : vector<48x1xf32>
    %add3A_992 = arith.constant 9.99999996E-13 : f32
    %add3A_993 = vector.broadcast %add3A_992 : f32 to vector<48x1xf32>
    %add3A_994 = arith.addf %max3A_991, %add3A_993 : vector<48x1xf32>
    %rsqrt3A_995 = math.rsqrt %add3A_994 : vector<48x1xf32>
    %sub3A_996 = vector.broadcast %mul3A_983 : vector<48x1xf32> to vector<48x192xf32>
    %sub3A_997 = arith.subf %add3A_973, %sub3A_996 : vector<48x192xf32>
    %mul3A_998 = vector.broadcast %rsqrt3A_995 : vector<48x1xf32> to vector<48x192xf32>
    %mul3A_999 = vector.broadcast %get3A_29 : vector<1x192xf32> to vector<48x192xf32>
    %mul3A_1000 = arith.mulf %mul3A_998, %mul3A_999 : vector<48x192xf32>
    %mul3A_1001 = arith.mulf %sub3A_997, %mul3A_1000 : vector<48x192xf32>
    %add3A_1002 = vector.broadcast %get3A_32 : vector<1x192xf32> to vector<48x192xf32>
    %add3A_1003 = arith.addf %mul3A_1001, %add3A_1002 : vector<48x192xf32>
    %broadcast_in_dim3A_1004 = arith.constant 0.000000e+00 : f32
    %broadcast_in_dim3A_1005 = vector.broadcast %broadcast_in_dim3A_1004 : f32 to vector<16x192xf32>
    %swap3A_1006 = arith.constant 0 : index
    %swap3A_1007 = arith.constant 1024 : index
    %swap3A_1008 = arith.constant 0 : index
    %swap3A_1009 = vector.load %arg9[%swap3A_1006, %swap3A_1007, %swap3A_1008] : memref<1x4096x192xf32, #tpu.memory_space<vmem>>, vector<1x16x192xf32>
    %swap3A_1010 = vector.shape_cast %swap3A_1009 : vector<1x16x192xf32> to vector<16x192xf32>
    %swap3A_1011 = vector.shape_cast %broadcast_in_dim3A_1005 : vector<16x192xf32> to vector<1x16x192xf32>
    tpu.vector_store %arg9[%swap3A_1006, %swap3A_1007, %swap3A_1008], %swap3A_1011 {strides = array<i32>} : memref<1x4096x192xf32, #tpu.memory_space<vmem>>, vector<1x16x192xf32>,
    %swap3A_1012 = arith.constant 0 : index
    %swap3A_1013 = arith.constant 1040 : index
    %swap3A_1014 = arith.constant 0 : index
    %swap3A_1015 = vector.load %arg9[%swap3A_1012, %swap3A_1013, %swap3A_1014] : memref<1x4096x192xf32, #tpu.memory_space<vmem>>, vector<1x48x192xf32>
    %swap3A_1016 = vector.shape_cast %swap3A_1015 : vector<1x48x192xf32> to vector<48x192xf32>
    %swap3A_1017 = vector.shape_cast %add3A_1003 : vector<48x192xf32> to vector<1x48x192xf32>
    tpu.vector_store %arg9[%swap3A_1012, %swap3A_1013, %swap3A_1014], %swap3A_1017 {strides = array<i32>} : memref<1x4096x192xf32, #tpu.memory_space<vmem>>, vector<1x48x192xf32>,
    %get3A_1018 = arith.constant 0 : index
    %get3A_1019 = arith.constant 952 : index
    %get3A_1020 = arith.constant 0 : index
    %get3A_1021 = vector.load %arg1[%get3A_1018, %get3A_1019, %get3A_1020] : memref<1x2080x192xf32, #tpu.memory_space<vmem>>, vector<1x47x192xf32>
    %get3A_1022 = vector.shape_cast %get3A_1021 : vector<1x47x192xf32> to vector<47x192xf32>
    %slice3A_1023 = vector.extract_strided_slice %add3A_11 {offsets = [17, 0], sizes = [47, 192], strides = [1, 1]} : vector<64x192xf32> to vector<47x192xf32>
    %slice3A_1024 = vector.extract_strided_slice %add3A_26 {offsets = [17, 0], sizes = [1, 192], strides = [1, 1]} : vector<64x192xf32> to vector<1x192xf32>
    %squeeze3A_1025 = vector.shape_cast %slice3A_1024 : vector<1x192xf32> to vector<192xf32>
    %broadcast_in_dim3A_1026 = vector.shape_cast %squeeze3A_1025 : vector<192xf32> to vector<1x192xf32>
    %add3A_1027 = vector.broadcast %broadcast_in_dim3A_1026 : vector<1x192xf32> to vector<47x192xf32>
    %add3A_1028 = arith.addf %slice3A_1023, %add3A_1027 : vector<47x192xf32>
    %max3A_1029 = arith.constant 0.000000e+00 : f32
    %max3A_1030 = vector.broadcast %max3A_1029 : f32 to vector<47x192xf32>
    %max3A_1031 = arith.maximumf %add3A_1028, %max3A_1030 : vector<47x192xf32>
    %add3A_1032 = arith.addf %max3A_1031, %get3A_1022 : vector<47x192xf32>
    %reduce_sum3A_1033 = arith.constant dense<0.000000e+00> : vector<47xf32>
    %reduce_sum3A_1034 = vector.multi_reduction <add>, %add3A_1032, %reduce_sum3A_1033 [1] : vector<47x192xf32> to vector<47xf32>
    %broadcast_in_dim3A_1035 = vector.shape_cast %reduce_sum3A_1034 : vector<47xf32> to vector<47x1xf32>
    %mul3A_1036 = arith.mulf %add3A_1032, %add3A_1032 : vector<47x192xf32>
    %reduce_sum3A_1037 = arith.constant dense<0.000000e+00> : vector<47xf32>
    %reduce_sum3A_1038 = vector.multi_reduction <add>, %mul3A_1036, %reduce_sum3A_1037 [1] : vector<47x192xf32> to vector<47xf32>
    %broadcast_in_dim3A_1039 = vector.shape_cast %reduce_sum3A_1038 : vector<47xf32> to vector<47x1xf32>
    %mul3A_1040 = arith.constant 0.00520833349 : f32
    %mul3A_1041 = vector.broadcast %mul3A_1040 : f32 to vector<47x1xf32>
    %mul3A_1042 = arith.mulf %broadcast_in_dim3A_1035, %mul3A_1041 : vector<47x1xf32>
    %mul3A_1043 = arith.constant 0.00520833349 : f32
    %mul3A_1044 = vector.broadcast %mul3A_1043 : f32 to vector<47x1xf32>
    %mul3A_1045 = arith.mulf %broadcast_in_dim3A_1039, %mul3A_1044 : vector<47x1xf32>
    %mul3A_1046 = arith.mulf %mul3A_1042, %mul3A_1042 : vector<47x1xf32>
    %sub3A_1047 = arith.subf %mul3A_1045, %mul3A_1046 : vector<47x1xf32>
    %max3A_1048 = arith.constant 0.000000e+00 : f32
    %max3A_1049 = vector.broadcast %max3A_1048 : f32 to vector<47x1xf32>
    %max3A_1050 = arith.maximumf %sub3A_1047, %max3A_1049 : vector<47x1xf32>
    %add3A_1051 = arith.constant 9.99999996E-13 : f32
    %add3A_1052 = vector.broadcast %add3A_1051 : f32 to vector<47x1xf32>
    %add3A_1053 = arith.addf %max3A_1050, %add3A_1052 : vector<47x1xf32>
    %rsqrt3A_1054 = math.rsqrt %add3A_1053 : vector<47x1xf32>
    %sub3A_1055 = vector.broadcast %mul3A_1042 : vector<47x1xf32> to vector<47x192xf32>
    %sub3A_1056 = arith.subf %add3A_1032, %sub3A_1055 : vector<47x192xf32>
    %mul3A_1057 = vector.broadcast %rsqrt3A_1054 : vector<47x1xf32> to vector<47x192xf32>
    %mul3A_1058 = vector.broadcast %get3A_29 : vector<1x192xf32> to vector<47x192xf32>
    %mul3A_1059 = arith.mulf %mul3A_1057, %mul3A_1058 : vector<47x192xf32>
    %mul3A_1060 = arith.mulf %sub3A_1056, %mul3A_1059 : vector<47x192xf32>
    %add3A_1061 = vector.broadcast %get3A_32 : vector<1x192xf32> to vector<47x192xf32>
    %add3A_1062 = arith.addf %mul3A_1060, %add3A_1061 : vector<47x192xf32>
    %broadcast_in_dim3A_1063 = arith.constant 0.000000e+00 : f32
    %broadcast_in_dim3A_1064 = vector.broadcast %broadcast_in_dim3A_1063 : f32 to vector<17x192xf32>
    %swap3A_1065 = arith.constant 0 : index
    %swap3A_1066 = arith.constant 1088 : index
    %swap3A_1067 = arith.constant 0 : index
    %swap3A_1068 = vector.load %arg9[%swap3A_1065, %swap3A_1066, %swap3A_1067] : memref<1x4096x192xf32, #tpu.memory_space<vmem>>, vector<1x17x192xf32>
    %swap3A_1069 = vector.shape_cast %swap3A_1068 : vector<1x17x192xf32> to vector<17x192xf32>
    %swap3A_1070 = vector.shape_cast %broadcast_in_dim3A_1064 : vector<17x192xf32> to vector<1x17x192xf32>
    tpu.vector_store %arg9[%swap3A_1065, %swap3A_1066, %swap3A_1067], %swap3A_1070 {strides = array<i32>} : memref<1x4096x192xf32, #tpu.memory_space<vmem>>, vector<1x17x192xf32>,
    %swap3A_1071 = arith.constant 0 : index
    %swap3A_1072 = arith.constant 1105 : index
    %swap3A_1073 = arith.constant 0 : index
    %swap3A_1074 = vector.load %arg9[%swap3A_1071, %swap3A_1072, %swap3A_1073] : memref<1x4096x192xf32, #tpu.memory_space<vmem>>, vector<1x47x192xf32>
    %swap3A_1075 = vector.shape_cast %swap3A_1074 : vector<1x47x192xf32> to vector<47x192xf32>
    %swap3A_1076 = vector.shape_cast %add3A_1062 : vector<47x192xf32> to vector<1x47x192xf32>
    tpu.vector_store %arg9[%swap3A_1071, %swap3A_1072, %swap3A_1073], %swap3A_1076 {strides = array<i32>} : memref<1x4096x192xf32, #tpu.memory_space<vmem>>, vector<1x47x192xf32>,
    %get3A_1077 = arith.constant 0 : index
    %get3A_1078 = arith.constant 999 : index
    %get3A_1079 = arith.constant 0 : index
    %get3A_1080 = vector.load %arg1[%get3A_1077, %get3A_1078, %get3A_1079] : memref<1x2080x192xf32, #tpu.memory_space<vmem>>, vector<1x46x192xf32>
    %get3A_1081 = vector.shape_cast %get3A_1080 : vector<1x46x192xf32> to vector<46x192xf32>
    %slice3A_1082 = vector.extract_strided_slice %add3A_11 {offsets = [18, 0], sizes = [46, 192], strides = [1, 1]} : vector<64x192xf32> to vector<46x192xf32>
    %slice3A_1083 = vector.extract_strided_slice %add3A_26 {offsets = [18, 0], sizes = [1, 192], strides = [1, 1]} : vector<64x192xf32> to vector<1x192xf32>
    %squeeze3A_1084 = vector.shape_cast %slice3A_1083 : vector<1x192xf32> to vector<192xf32>
    %broadcast_in_dim3A_1085 = vector.shape_cast %squeeze3A_1084 : vector<192xf32> to vector<1x192xf32>
    %add3A_1086 = vector.broadcast %broadcast_in_dim3A_1085 : vector<1x192xf32> to vector<46x192xf32>
    %add3A_1087 = arith.addf %slice3A_1082, %add3A_1086 : vector<46x192xf32>
    %max3A_1088 = arith.constant 0.000000e+00 : f32
    %max3A_1089 = vector.broadcast %max3A_1088 : f32 to vector<46x192xf32>
    %max3A_1090 = arith.maximumf %add3A_1087, %max3A_1089 : vector<46x192xf32>
    %add3A_1091 = arith.addf %max3A_1090, %get3A_1081 : vector<46x192xf32>
    %reduce_sum3A_1092 = arith.constant dense<0.000000e+00> : vector<46xf32>
    %reduce_sum3A_1093 = vector.multi_reduction <add>, %add3A_1091, %reduce_sum3A_1092 [1] : vector<46x192xf32> to vector<46xf32>
    %broadcast_in_dim3A_1094 = vector.shape_cast %reduce_sum3A_1093 : vector<46xf32> to vector<46x1xf32>
    %mul3A_1095 = arith.mulf %add3A_1091, %add3A_1091 : vector<46x192xf32>
    %reduce_sum3A_1096 = arith.constant dense<0.000000e+00> : vector<46xf32>
    %reduce_sum3A_1097 = vector.multi_reduction <add>, %mul3A_1095, %reduce_sum3A_1096 [1] : vector<46x192xf32> to vector<46xf32>
    %broadcast_in_dim3A_1098 = vector.shape_cast %reduce_sum3A_1097 : vector<46xf32> to vector<46x1xf32>
    %mul3A_1099 = arith.constant 0.00520833349 : f32
    %mul3A_1100 = vector.broadcast %mul3A_1099 : f32 to vector<46x1xf32>
    %mul3A_1101 = arith.mulf %broadcast_in_dim3A_1094, %mul3A_1100 : vector<46x1xf32>
    %mul3A_1102 = arith.constant 0.00520833349 : f32
    %mul3A_1103 = vector.broadcast %mul3A_1102 : f32 to vector<46x1xf32>
    %mul3A_1104 = arith.mulf %broadcast_in_dim3A_1098, %mul3A_1103 : vector<46x1xf32>
    %mul3A_1105 = arith.mulf %mul3A_1101, %mul3A_1101 : vector<46x1xf32>
    %sub3A_1106 = arith.subf %mul3A_1104, %mul3A_1105 : vector<46x1xf32>
    %max3A_1107 = arith.constant 0.000000e+00 : f32
    %max3A_1108 = vector.broadcast %max3A_1107 : f32 to vector<46x1xf32>
    %max3A_1109 = arith.maximumf %sub3A_1106, %max3A_1108 : vector<46x1xf32>
    %add3A_1110 = arith.constant 9.99999996E-13 : f32
    %add3A_1111 = vector.broadcast %add3A_1110 : f32 to vector<46x1xf32>
    %add3A_1112 = arith.addf %max3A_1109, %add3A_1111 : vector<46x1xf32>
    %rsqrt3A_1113 = math.rsqrt %add3A_1112 : vector<46x1xf32>
    %sub3A_1114 = vector.broadcast %mul3A_1101 : vector<46x1xf32> to vector<46x192xf32>
    %sub3A_1115 = arith.subf %add3A_1091, %sub3A_1114 : vector<46x192xf32>
    %mul3A_1116 = vector.broadcast %rsqrt3A_1113 : vector<46x1xf32> to vector<46x192xf32>
    %mul3A_1117 = vector.broadcast %get3A_29 : vector<1x192xf32> to vector<46x192xf32>
    %mul3A_1118 = arith.mulf %mul3A_1116, %mul3A_1117 : vector<46x192xf32>
    %mul3A_1119 = arith.mulf %sub3A_1115, %mul3A_1118 : vector<46x192xf32>
    %add3A_1120 = vector.broadcast %get3A_32 : vector<1x192xf32> to vector<46x192xf32>
    %add3A_1121 = arith.addf %mul3A_1119, %add3A_1120 : vector<46x192xf32>
    %broadcast_in_dim3A_1122 = arith.constant 0.000000e+00 : f32
    %broadcast_in_dim3A_1123 = vector.broadcast %broadcast_in_dim3A_1122 : f32 to vector<18x192xf32>
    %swap3A_1124 = arith.constant 0 : index
    %swap3A_1125 = arith.constant 1152 : index
    %swap3A_1126 = arith.constant 0 : index
    %swap3A_1127 = vector.load %arg9[%swap3A_1124, %swap3A_1125, %swap3A_1126] : memref<1x4096x192xf32, #tpu.memory_space<vmem>>, vector<1x18x192xf32>
    %swap3A_1128 = vector.shape_cast %swap3A_1127 : vector<1x18x192xf32> to vector<18x192xf32>
    %swap3A_1129 = vector.shape_cast %broadcast_in_dim3A_1123 : vector<18x192xf32> to vector<1x18x192xf32>
    tpu.vector_store %arg9[%swap3A_1124, %swap3A_1125, %swap3A_1126], %swap3A_1129 {strides = array<i32>} : memref<1x4096x192xf32, #tpu.memory_space<vmem>>, vector<1x18x192xf32>,
    %swap3A_1130 = arith.constant 0 : index
    %swap3A_1131 = arith.constant 1170 : index
    %swap3A_1132 = arith.constant 0 : index
    %swap3A_1133 = vector.load %arg9[%swap3A_1130, %swap3A_1131, %swap3A_1132] : memref<1x4096x192xf32, #tpu.memory_space<vmem>>, vector<1x46x192xf32>
    %swap3A_1134 = vector.shape_cast %swap3A_1133 : vector<1x46x192xf32> to vector<46x192xf32>
    %swap3A_1135 = vector.shape_cast %add3A_1121 : vector<46x192xf32> to vector<1x46x192xf32>
    tpu.vector_store %arg9[%swap3A_1130, %swap3A_1131, %swap3A_1132], %swap3A_1135 {strides = array<i32>} : memref<1x4096x192xf32, #tpu.memory_space<vmem>>, vector<1x46x192xf32>,
    %get3A_1136 = arith.constant 0 : index
    %get3A_1137 = arith.constant 1045 : index
    %get3A_1138 = arith.constant 0 : index
    %get3A_1139 = vector.load %arg1[%get3A_1136, %get3A_1137, %get3A_1138] : memref<1x2080x192xf32, #tpu.memory_space<vmem>>, vector<1x45x192xf32>
    %get3A_1140 = vector.shape_cast %get3A_1139 : vector<1x45x192xf32> to vector<45x192xf32>
    %slice3A_1141 = vector.extract_strided_slice %add3A_11 {offsets = [19, 0], sizes = [45, 192], strides = [1, 1]} : vector<64x192xf32> to vector<45x192xf32>
    %slice3A_1142 = vector.extract_strided_slice %add3A_26 {offsets = [19, 0], sizes = [1, 192], strides = [1, 1]} : vector<64x192xf32> to vector<1x192xf32>
    %squeeze3A_1143 = vector.shape_cast %slice3A_1142 : vector<1x192xf32> to vector<192xf32>
    %broadcast_in_dim3A_1144 = vector.shape_cast %squeeze3A_1143 : vector<192xf32> to vector<1x192xf32>
    %add3A_1145 = vector.broadcast %broadcast_in_dim3A_1144 : vector<1x192xf32> to vector<45x192xf32>
    %add3A_1146 = arith.addf %slice3A_1141, %add3A_1145 : vector<45x192xf32>
    %max3A_1147 = arith.constant 0.000000e+00 : f32
    %max3A_1148 = vector.broadcast %max3A_1147 : f32 to vector<45x192xf32>
    %max3A_1149 = arith.maximumf %add3A_1146, %max3A_1148 : vector<45x192xf32>
    %add3A_1150 = arith.addf %max3A_1149, %get3A_1140 : vector<45x192xf32>
    %reduce_sum3A_1151 = arith.constant dense<0.000000e+00> : vector<45xf32>
    %reduce_sum3A_1152 = vector.multi_reduction <add>, %add3A_1150, %reduce_sum3A_1151 [1] : vector<45x192xf32> to vector<45xf32>
    %broadcast_in_dim3A_1153 = vector.shape_cast %reduce_sum3A_1152 : vector<45xf32> to vector<45x1xf32>
    %mul3A_1154 = arith.mulf %add3A_1150, %add3A_1150 : vector<45x192xf32>
    %reduce_sum3A_1155 = arith.constant dense<0.000000e+00> : vector<45xf32>
    %reduce_sum3A_1156 = vector.multi_reduction <add>, %mul3A_1154, %reduce_sum3A_1155 [1] : vector<45x192xf32> to vector<45xf32>
    %broadcast_in_dim3A_1157 = vector.shape_cast %reduce_sum3A_1156 : vector<45xf32> to vector<45x1xf32>
    %mul3A_1158 = arith.constant 0.00520833349 : f32
    %mul3A_1159 = vector.broadcast %mul3A_1158 : f32 to vector<45x1xf32>
    %mul3A_1160 = arith.mulf %broadcast_in_dim3A_1153, %mul3A_1159 : vector<45x1xf32>
    %mul3A_1161 = arith.constant 0.00520833349 : f32
    %mul3A_1162 = vector.broadcast %mul3A_1161 : f32 to vector<45x1xf32>
    %mul3A_1163 = arith.mulf %broadcast_in_dim3A_1157, %mul3A_1162 : vector<45x1xf32>
    %mul3A_1164 = arith.mulf %mul3A_1160, %mul3A_1160 : vector<45x1xf32>
    %sub3A_1165 = arith.subf %mul3A_1163, %mul3A_1164 : vector<45x1xf32>
    %max3A_1166 = arith.constant 0.000000e+00 : f32
    %max3A_1167 = vector.broadcast %max3A_1166 : f32 to vector<45x1xf32>
    %max3A_1168 = arith.maximumf %sub3A_1165, %max3A_1167 : vector<45x1xf32>
    %add3A_1169 = arith.constant 9.99999996E-13 : f32
    %add3A_1170 = vector.broadcast %add3A_1169 : f32 to vector<45x1xf32>
    %add3A_1171 = arith.addf %max3A_1168, %add3A_1170 : vector<45x1xf32>
    %rsqrt3A_1172 = math.rsqrt %add3A_1171 : vector<45x1xf32>
    %sub3A_1173 = vector.broadcast %mul3A_1160 : vector<45x1xf32> to vector<45x192xf32>
    %sub3A_1174 = arith.subf %add3A_1150, %sub3A_1173 : vector<45x192xf32>
    %mul3A_1175 = vector.broadcast %rsqrt3A_1172 : vector<45x1xf32> to vector<45x192xf32>
    %mul3A_1176 = vector.broadcast %get3A_29 : vector<1x192xf32> to vector<45x192xf32>
    %mul3A_1177 = arith.mulf %mul3A_1175, %mul3A_1176 : vector<45x192xf32>
    %mul3A_1178 = arith.mulf %sub3A_1174, %mul3A_1177 : vector<45x192xf32>
    %add3A_1179 = vector.broadcast %get3A_32 : vector<1x192xf32> to vector<45x192xf32>
    %add3A_1180 = arith.addf %mul3A_1178, %add3A_1179 : vector<45x192xf32>
    %broadcast_in_dim3A_1181 = arith.constant 0.000000e+00 : f32
    %broadcast_in_dim3A_1182 = vector.broadcast %broadcast_in_dim3A_1181 : f32 to vector<19x192xf32>
    %swap3A_1183 = arith.constant 0 : index
    %swap3A_1184 = arith.constant 1216 : index
    %swap3A_1185 = arith.constant 0 : index
    %swap3A_1186 = vector.load %arg9[%swap3A_1183, %swap3A_1184, %swap3A_1185] : memref<1x4096x192xf32, #tpu.memory_space<vmem>>, vector<1x19x192xf32>
    %swap3A_1187 = vector.shape_cast %swap3A_1186 : vector<1x19x192xf32> to vector<19x192xf32>
    %swap3A_1188 = vector.shape_cast %broadcast_in_dim3A_1182 : vector<19x192xf32> to vector<1x19x192xf32>
    tpu.vector_store %arg9[%swap3A_1183, %swap3A_1184, %swap3A_1185], %swap3A_1188 {strides = array<i32>} : memref<1x4096x192xf32, #tpu.memory_space<vmem>>, vector<1x19x192xf32>,
    %swap3A_1189 = arith.constant 0 : index
    %swap3A_1190 = arith.constant 1235 : index
    %swap3A_1191 = arith.constant 0 : index
    %swap3A_1192 = vector.load %arg9[%swap3A_1189, %swap3A_1190, %swap3A_1191] : memref<1x4096x192xf32, #tpu.memory_space<vmem>>, vector<1x45x192xf32>
    %swap3A_1193 = vector.shape_cast %swap3A_1192 : vector<1x45x192xf32> to vector<45x192xf32>
    %swap3A_1194 = vector.shape_cast %add3A_1180 : vector<45x192xf32> to vector<1x45x192xf32>
    tpu.vector_store %arg9[%swap3A_1189, %swap3A_1190, %swap3A_1191], %swap3A_1194 {strides = array<i32>} : memref<1x4096x192xf32, #tpu.memory_space<vmem>>, vector<1x45x192xf32>,
    %get3A_1195 = arith.constant 0 : index
    %get3A_1196 = arith.constant 1090 : index
    %get3A_1197 = arith.constant 0 : index
    %get3A_1198 = vector.load %arg1[%get3A_1195, %get3A_1196, %get3A_1197] : memref<1x2080x192xf32, #tpu.memory_space<vmem>>, vector<1x44x192xf32>
    %get3A_1199 = vector.shape_cast %get3A_1198 : vector<1x44x192xf32> to vector<44x192xf32>
    %slice3A_1200 = vector.extract_strided_slice %add3A_11 {offsets = [20, 0], sizes = [44, 192], strides = [1, 1]} : vector<64x192xf32> to vector<44x192xf32>
    %slice3A_1201 = vector.extract_strided_slice %add3A_26 {offsets = [20, 0], sizes = [1, 192], strides = [1, 1]} : vector<64x192xf32> to vector<1x192xf32>
    %squeeze3A_1202 = vector.shape_cast %slice3A_1201 : vector<1x192xf32> to vector<192xf32>
    %broadcast_in_dim3A_1203 = vector.shape_cast %squeeze3A_1202 : vector<192xf32> to vector<1x192xf32>
    %add3A_1204 = vector.broadcast %broadcast_in_dim3A_1203 : vector<1x192xf32> to vector<44x192xf32>
    %add3A_1205 = arith.addf %slice3A_1200, %add3A_1204 : vector<44x192xf32>
    %max3A_1206 = arith.constant 0.000000e+00 : f32
    %max3A_1207 = vector.broadcast %max3A_1206 : f32 to vector<44x192xf32>
    %max3A_1208 = arith.maximumf %add3A_1205, %max3A_1207 : vector<44x192xf32>
    %add3A_1209 = arith.addf %max3A_1208, %get3A_1199 : vector<44x192xf32>
    %reduce_sum3A_1210 = arith.constant dense<0.000000e+00> : vector<44xf32>
    %reduce_sum3A_1211 = vector.multi_reduction <add>, %add3A_1209, %reduce_sum3A_1210 [1] : vector<44x192xf32> to vector<44xf32>
    %broadcast_in_dim3A_1212 = vector.shape_cast %reduce_sum3A_1211 : vector<44xf32> to vector<44x1xf32>
    %mul3A_1213 = arith.mulf %add3A_1209, %add3A_1209 : vector<44x192xf32>
    %reduce_sum3A_1214 = arith.constant dense<0.000000e+00> : vector<44xf32>
    %reduce_sum3A_1215 = vector.multi_reduction <add>, %mul3A_1213, %reduce_sum3A_1214 [1] : vector<44x192xf32> to vector<44xf32>
    %broadcast_in_dim3A_1216 = vector.shape_cast %reduce_sum3A_1215 : vector<44xf32> to vector<44x1xf32>
    %mul3A_1217 = arith.constant 0.00520833349 : f32
    %mul3A_1218 = vector.broadcast %mul3A_1217 : f32 to vector<44x1xf32>
    %mul3A_1219 = arith.mulf %broadcast_in_dim3A_1212, %mul3A_1218 : vector<44x1xf32>
    %mul3A_1220 = arith.constant 0.00520833349 : f32
    %mul3A_1221 = vector.broadcast %mul3A_1220 : f32 to vector<44x1xf32>
    %mul3A_1222 = arith.mulf %broadcast_in_dim3A_1216, %mul3A_1221 : vector<44x1xf32>
    %mul3A_1223 = arith.mulf %mul3A_1219, %mul3A_1219 : vector<44x1xf32>
    %sub3A_1224 = arith.subf %mul3A_1222, %mul3A_1223 : vector<44x1xf32>
    %max3A_1225 = arith.constant 0.000000e+00 : f32
    %max3A_1226 = vector.broadcast %max3A_1225 : f32 to vector<44x1xf32>
    %max3A_1227 = arith.maximumf %sub3A_1224, %max3A_1226 : vector<44x1xf32>
    %add3A_1228 = arith.constant 9.99999996E-13 : f32
    %add3A_1229 = vector.broadcast %add3A_1228 : f32 to vector<44x1xf32>
    %add3A_1230 = arith.addf %max3A_1227, %add3A_1229 : vector<44x1xf32>
    %rsqrt3A_1231 = math.rsqrt %add3A_1230 : vector<44x1xf32>
    %sub3A_1232 = vector.broadcast %mul3A_1219 : vector<44x1xf32> to vector<44x192xf32>
    %sub3A_1233 = arith.subf %add3A_1209, %sub3A_1232 : vector<44x192xf32>
    %mul3A_1234 = vector.broadcast %rsqrt3A_1231 : vector<44x1xf32> to vector<44x192xf32>
    %mul3A_1235 = vector.broadcast %get3A_29 : vector<1x192xf32> to vector<44x192xf32>
    %mul3A_1236 = arith.mulf %mul3A_1234, %mul3A_1235 : vector<44x192xf32>
    %mul3A_1237 = arith.mulf %sub3A_1233, %mul3A_1236 : vector<44x192xf32>
    %add3A_1238 = vector.broadcast %get3A_32 : vector<1x192xf32> to vector<44x192xf32>
    %add3A_1239 = arith.addf %mul3A_1237, %add3A_1238 : vector<44x192xf32>
    %broadcast_in_dim3A_1240 = arith.constant 0.000000e+00 : f32
    %broadcast_in_dim3A_1241 = vector.broadcast %broadcast_in_dim3A_1240 : f32 to vector<20x192xf32>
    %swap3A_1242 = arith.constant 0 : index
    %swap3A_1243 = arith.constant 1280 : index
    %swap3A_1244 = arith.constant 0 : index
    %swap3A_1245 = vector.load %arg9[%swap3A_1242, %swap3A_1243, %swap3A_1244] : memref<1x4096x192xf32, #tpu.memory_space<vmem>>, vector<1x20x192xf32>
    %swap3A_1246 = vector.shape_cast %swap3A_1245 : vector<1x20x192xf32> to vector<20x192xf32>
    %swap3A_1247 = vector.shape_cast %broadcast_in_dim3A_1241 : vector<20x192xf32> to vector<1x20x192xf32>
    tpu.vector_store %arg9[%swap3A_1242, %swap3A_1243, %swap3A_1244], %swap3A_1247 {strides = array<i32>} : memref<1x4096x192xf32, #tpu.memory_space<vmem>>, vector<1x20x192xf32>,
    %swap3A_1248 = arith.constant 0 : index
    %swap3A_1249 = arith.constant 1300 : index
    %swap3A_1250 = arith.constant 0 : index
    %swap3A_1251 = vector.load %arg9[%swap3A_1248, %swap3A_1249, %swap3A_1250] : memref<1x4096x192xf32, #tpu.memory_space<vmem>>, vector<1x44x192xf32>
    %swap3A_1252 = vector.shape_cast %swap3A_1251 : vector<1x44x192xf32> to vector<44x192xf32>
    %swap3A_1253 = vector.shape_cast %add3A_1239 : vector<44x192xf32> to vector<1x44x192xf32>
    tpu.vector_store %arg9[%swap3A_1248, %swap3A_1249, %swap3A_1250], %swap3A_1253 {strides = array<i32>} : memref<1x4096x192xf32, #tpu.memory_space<vmem>>, vector<1x44x192xf32>,
    %get3A_1254 = arith.constant 0 : index
    %get3A_1255 = arith.constant 1134 : index
    %get3A_1256 = arith.constant 0 : index
    %get3A_1257 = vector.load %arg1[%get3A_1254, %get3A_1255, %get3A_1256] : memref<1x2080x192xf32, #tpu.memory_space<vmem>>, vector<1x43x192xf32>
    %get3A_1258 = vector.shape_cast %get3A_1257 : vector<1x43x192xf32> to vector<43x192xf32>
    %slice3A_1259 = vector.extract_strided_slice %add3A_11 {offsets = [21, 0], sizes = [43, 192], strides = [1, 1]} : vector<64x192xf32> to vector<43x192xf32>
    %slice3A_1260 = vector.extract_strided_slice %add3A_26 {offsets = [21, 0], sizes = [1, 192], strides = [1, 1]} : vector<64x192xf32> to vector<1x192xf32>
    %squeeze3A_1261 = vector.shape_cast %slice3A_1260 : vector<1x192xf32> to vector<192xf32>
    %broadcast_in_dim3A_1262 = vector.shape_cast %squeeze3A_1261 : vector<192xf32> to vector<1x192xf32>
    %add3A_1263 = vector.broadcast %broadcast_in_dim3A_1262 : vector<1x192xf32> to vector<43x192xf32>
    %add3A_1264 = arith.addf %slice3A_1259, %add3A_1263 : vector<43x192xf32>
    %max3A_1265 = arith.constant 0.000000e+00 : f32
    %max3A_1266 = vector.broadcast %max3A_1265 : f32 to vector<43x192xf32>
    %max3A_1267 = arith.maximumf %add3A_1264, %max3A_1266 : vector<43x192xf32>
    %add3A_1268 = arith.addf %max3A_1267, %get3A_1258 : vector<43x192xf32>
    %reduce_sum3A_1269 = arith.constant dense<0.000000e+00> : vector<43xf32>
    %reduce_sum3A_1270 = vector.multi_reduction <add>, %add3A_1268, %reduce_sum3A_1269 [1] : vector<43x192xf32> to vector<43xf32>
    %broadcast_in_dim3A_1271 = vector.shape_cast %reduce_sum3A_1270 : vector<43xf32> to vector<43x1xf32>
    %mul3A_1272 = arith.mulf %add3A_1268, %add3A_1268 : vector<43x192xf32>
    %reduce_sum3A_1273 = arith.constant dense<0.000000e+00> : vector<43xf32>
    %reduce_sum3A_1274 = vector.multi_reduction <add>, %mul3A_1272, %reduce_sum3A_1273 [1] : vector<43x192xf32> to vector<43xf32>
    %broadcast_in_dim3A_1275 = vector.shape_cast %reduce_sum3A_1274 : vector<43xf32> to vector<43x1xf32>
    %mul3A_1276 = arith.constant 0.00520833349 : f32
    %mul3A_1277 = vector.broadcast %mul3A_1276 : f32 to vector<43x1xf32>
    %mul3A_1278 = arith.mulf %broadcast_in_dim3A_1271, %mul3A_1277 : vector<43x1xf32>
    %mul3A_1279 = arith.constant 0.00520833349 : f32
    %mul3A_1280 = vector.broadcast %mul3A_1279 : f32 to vector<43x1xf32>
    %mul3A_1281 = arith.mulf %broadcast_in_dim3A_1275, %mul3A_1280 : vector<43x1xf32>
    %mul3A_1282 = arith.mulf %mul3A_1278, %mul3A_1278 : vector<43x1xf32>
    %sub3A_1283 = arith.subf %mul3A_1281, %mul3A_1282 : vector<43x1xf32>
    %max3A_1284 = arith.constant 0.000000e+00 : f32
    %max3A_1285 = vector.broadcast %max3A_1284 : f32 to vector<43x1xf32>
    %max3A_1286 = arith.maximumf %sub3A_1283, %max3A_1285 : vector<43x1xf32>
    %add3A_1287 = arith.constant 9.99999996E-13 : f32
    %add3A_1288 = vector.broadcast %add3A_1287 : f32 to vector<43x1xf32>
    %add3A_1289 = arith.addf %max3A_1286, %add3A_1288 : vector<43x1xf32>
    %rsqrt3A_1290 = math.rsqrt %add3A_1289 : vector<43x1xf32>
    %sub3A_1291 = vector.broadcast %mul3A_1278 : vector<43x1xf32> to vector<43x192xf32>
    %sub3A_1292 = arith.subf %add3A_1268, %sub3A_1291 : vector<43x192xf32>
    %mul3A_1293 = vector.broadcast %rsqrt3A_1290 : vector<43x1xf32> to vector<43x192xf32>
    %mul3A_1294 = vector.broadcast %get3A_29 : vector<1x192xf32> to vector<43x192xf32>
    %mul3A_1295 = arith.mulf %mul3A_1293, %mul3A_1294 : vector<43x192xf32>
    %mul3A_1296 = arith.mulf %sub3A_1292, %mul3A_1295 : vector<43x192xf32>
    %add3A_1297 = vector.broadcast %get3A_32 : vector<1x192xf32> to vector<43x192xf32>
    %add3A_1298 = arith.addf %mul3A_1296, %add3A_1297 : vector<43x192xf32>
    %broadcast_in_dim3A_1299 = arith.constant 0.000000e+00 : f32
    %broadcast_in_dim3A_1300 = vector.broadcast %broadcast_in_dim3A_1299 : f32 to vector<21x192xf32>
    %swap3A_1301 = arith.constant 0 : index
    %swap3A_1302 = arith.constant 1344 : index
    %swap3A_1303 = arith.constant 0 : index
    %swap3A_1304 = vector.load %arg9[%swap3A_1301, %swap3A_1302, %swap3A_1303] : memref<1x4096x192xf32, #tpu.memory_space<vmem>>, vector<1x21x192xf32>
    %swap3A_1305 = vector.shape_cast %swap3A_1304 : vector<1x21x192xf32> to vector<21x192xf32>
    %swap3A_1306 = vector.shape_cast %broadcast_in_dim3A_1300 : vector<21x192xf32> to vector<1x21x192xf32>
    tpu.vector_store %arg9[%swap3A_1301, %swap3A_1302, %swap3A_1303], %swap3A_1306 {strides = array<i32>} : memref<1x4096x192xf32, #tpu.memory_space<vmem>>, vector<1x21x192xf32>,
    %swap3A_1307 = arith.constant 0 : index
    %swap3A_1308 = arith.constant 1365 : index
    %swap3A_1309 = arith.constant 0 : index
    %swap3A_1310 = vector.load %arg9[%swap3A_1307, %swap3A_1308, %swap3A_1309] : memref<1x4096x192xf32, #tpu.memory_space<vmem>>, vector<1x43x192xf32>
    %swap3A_1311 = vector.shape_cast %swap3A_1310 : vector<1x43x192xf32> to vector<43x192xf32>
    %swap3A_1312 = vector.shape_cast %add3A_1298 : vector<43x192xf32> to vector<1x43x192xf32>
    tpu.vector_store %arg9[%swap3A_1307, %swap3A_1308, %swap3A_1309], %swap3A_1312 {strides = array<i32>} : memref<1x4096x192xf32, #tpu.memory_space<vmem>>, vector<1x43x192xf32>,
    %get3A_1313 = arith.constant 0 : index
    %get3A_1314 = arith.constant 1177 : index
    %get3A_1315 = arith.constant 0 : index
    %get3A_1316 = vector.load %arg1[%get3A_1313, %get3A_1314, %get3A_1315] : memref<1x2080x192xf32, #tpu.memory_space<vmem>>, vector<1x42x192xf32>
    %get3A_1317 = vector.shape_cast %get3A_1316 : vector<1x42x192xf32> to vector<42x192xf32>
    %slice3A_1318 = vector.extract_strided_slice %add3A_11 {offsets = [22, 0], sizes = [42, 192], strides = [1, 1]} : vector<64x192xf32> to vector<42x192xf32>
    %slice3A_1319 = vector.extract_strided_slice %add3A_26 {offsets = [22, 0], sizes = [1, 192], strides = [1, 1]} : vector<64x192xf32> to vector<1x192xf32>
    %squeeze3A_1320 = vector.shape_cast %slice3A_1319 : vector<1x192xf32> to vector<192xf32>
    %broadcast_in_dim3A_1321 = vector.shape_cast %squeeze3A_1320 : vector<192xf32> to vector<1x192xf32>
    %add3A_1322 = vector.broadcast %broadcast_in_dim3A_1321 : vector<1x192xf32> to vector<42x192xf32>
    %add3A_1323 = arith.addf %slice3A_1318, %add3A_1322 : vector<42x192xf32>
    %max3A_1324 = arith.constant 0.000000e+00 : f32
    %max3A_1325 = vector.broadcast %max3A_1324 : f32 to vector<42x192xf32>
    %max3A_1326 = arith.maximumf %add3A_1323, %max3A_1325 : vector<42x192xf32>
    %add3A_1327 = arith.addf %max3A_1326, %get3A_1317 : vector<42x192xf32>
    %reduce_sum3A_1328 = arith.constant dense<0.000000e+00> : vector<42xf32>
    %reduce_sum3A_1329 = vector.multi_reduction <add>, %add3A_1327, %reduce_sum3A_1328 [1] : vector<42x192xf32> to vector<42xf32>
    %broadcast_in_dim3A_1330 = vector.shape_cast %reduce_sum3A_1329 : vector<42xf32> to vector<42x1xf32>
    %mul3A_1331 = arith.mulf %add3A_1327, %add3A_1327 : vector<42x192xf32>
    %reduce_sum3A_1332 = arith.constant dense<0.000000e+00> : vector<42xf32>
    %reduce_sum3A_1333 = vector.multi_reduction <add>, %mul3A_1331, %reduce_sum3A_1332 [1] : vector<42x192xf32> to vector<42xf32>
    %broadcast_in_dim3A_1334 = vector.shape_cast %reduce_sum3A_1333 : vector<42xf32> to vector<42x1xf32>
    %mul3A_1335 = arith.constant 0.00520833349 : f32
    %mul3A_1336 = vector.broadcast %mul3A_1335 : f32 to vector<42x1xf32>
    %mul3A_1337 = arith.mulf %broadcast_in_dim3A_1330, %mul3A_1336 : vector<42x1xf32>
    %mul3A_1338 = arith.constant 0.00520833349 : f32
    %mul3A_1339 = vector.broadcast %mul3A_1338 : f32 to vector<42x1xf32>
    %mul3A_1340 = arith.mulf %broadcast_in_dim3A_1334, %mul3A_1339 : vector<42x1xf32>
    %mul3A_1341 = arith.mulf %mul3A_1337, %mul3A_1337 : vector<42x1xf32>
    %sub3A_1342 = arith.subf %mul3A_1340, %mul3A_1341 : vector<42x1xf32>
    %max3A_1343 = arith.constant 0.000000e+00 : f32
    %max3A_1344 = vector.broadcast %max3A_1343 : f32 to vector<42x1xf32>
    %max3A_1345 = arith.maximumf %sub3A_1342, %max3A_1344 : vector<42x1xf32>
    %add3A_1346 = arith.constant 9.99999996E-13 : f32
    %add3A_1347 = vector.broadcast %add3A_1346 : f32 to vector<42x1xf32>
    %add3A_1348 = arith.addf %max3A_1345, %add3A_1347 : vector<42x1xf32>
    %rsqrt3A_1349 = math.rsqrt %add3A_1348 : vector<42x1xf32>
    %sub3A_1350 = vector.broadcast %mul3A_1337 : vector<42x1xf32> to vector<42x192xf32>
    %sub3A_1351 = arith.subf %add3A_1327, %sub3A_1350 : vector<42x192xf32>
    %mul3A_1352 = vector.broadcast %rsqrt3A_1349 : vector<42x1xf32> to vector<42x192xf32>
    %mul3A_1353 = vector.broadcast %get3A_29 : vector<1x192xf32> to vector<42x192xf32>
    %mul3A_1354 = arith.mulf %mul3A_1352, %mul3A_1353 : vector<42x192xf32>
    %mul3A_1355 = arith.mulf %sub3A_1351, %mul3A_1354 : vector<42x192xf32>
    %add3A_1356 = vector.broadcast %get3A_32 : vector<1x192xf32> to vector<42x192xf32>
    %add3A_1357 = arith.addf %mul3A_1355, %add3A_1356 : vector<42x192xf32>
    %broadcast_in_dim3A_1358 = arith.constant 0.000000e+00 : f32
    %broadcast_in_dim3A_1359 = vector.broadcast %broadcast_in_dim3A_1358 : f32 to vector<22x192xf32>
    %swap3A_1360 = arith.constant 0 : index
    %swap3A_1361 = arith.constant 1408 : index
    %swap3A_1362 = arith.constant 0 : index
    %swap3A_1363 = vector.load %arg9[%swap3A_1360, %swap3A_1361, %swap3A_1362] : memref<1x4096x192xf32, #tpu.memory_space<vmem>>, vector<1x22x192xf32>
    %swap3A_1364 = vector.shape_cast %swap3A_1363 : vector<1x22x192xf32> to vector<22x192xf32>
    %swap3A_1365 = vector.shape_cast %broadcast_in_dim3A_1359 : vector<22x192xf32> to vector<1x22x192xf32>
    tpu.vector_store %arg9[%swap3A_1360, %swap3A_1361, %swap3A_1362], %swap3A_1365 {strides = array<i32>} : memref<1x4096x192xf32, #tpu.memory_space<vmem>>, vector<1x22x192xf32>,
    %swap3A_1366 = arith.constant 0 : index
    %swap3A_1367 = arith.constant 1430 : index
    %swap3A_1368 = arith.constant 0 : index
    %swap3A_1369 = vector.load %arg9[%swap3A_1366, %swap3A_1367, %swap3A_1368] : memref<1x4096x192xf32, #tpu.memory_space<vmem>>, vector<1x42x192xf32>
    %swap3A_1370 = vector.shape_cast %swap3A_1369 : vector<1x42x192xf32> to vector<42x192xf32>
    %swap3A_1371 = vector.shape_cast %add3A_1357 : vector<42x192xf32> to vector<1x42x192xf32>
    tpu.vector_store %arg9[%swap3A_1366, %swap3A_1367, %swap3A_1368], %swap3A_1371 {strides = array<i32>} : memref<1x4096x192xf32, #tpu.memory_space<vmem>>, vector<1x42x192xf32>,
    %get3A_1372 = arith.constant 0 : index
    %get3A_1373 = arith.constant 1219 : index
    %get3A_1374 = arith.constant 0 : index
    %get3A_1375 = vector.load %arg1[%get3A_1372, %get3A_1373, %get3A_1374] : memref<1x2080x192xf32, #tpu.memory_space<vmem>>, vector<1x41x192xf32>
    %get3A_1376 = vector.shape_cast %get3A_1375 : vector<1x41x192xf32> to vector<41x192xf32>
    %slice3A_1377 = vector.extract_strided_slice %add3A_11 {offsets = [23, 0], sizes = [41, 192], strides = [1, 1]} : vector<64x192xf32> to vector<41x192xf32>
    %slice3A_1378 = vector.extract_strided_slice %add3A_26 {offsets = [23, 0], sizes = [1, 192], strides = [1, 1]} : vector<64x192xf32> to vector<1x192xf32>
    %squeeze3A_1379 = vector.shape_cast %slice3A_1378 : vector<1x192xf32> to vector<192xf32>
    %broadcast_in_dim3A_1380 = vector.shape_cast %squeeze3A_1379 : vector<192xf32> to vector<1x192xf32>
    %add3A_1381 = vector.broadcast %broadcast_in_dim3A_1380 : vector<1x192xf32> to vector<41x192xf32>
    %add3A_1382 = arith.addf %slice3A_1377, %add3A_1381 : vector<41x192xf32>
    %max3A_1383 = arith.constant 0.000000e+00 : f32
    %max3A_1384 = vector.broadcast %max3A_1383 : f32 to vector<41x192xf32>
    %max3A_1385 = arith.maximumf %add3A_1382, %max3A_1384 : vector<41x192xf32>
    %add3A_1386 = arith.addf %max3A_1385, %get3A_1376 : vector<41x192xf32>
    %reduce_sum3A_1387 = arith.constant dense<0.000000e+00> : vector<41xf32>
    %reduce_sum3A_1388 = vector.multi_reduction <add>, %add3A_1386, %reduce_sum3A_1387 [1] : vector<41x192xf32> to vector<41xf32>
    %broadcast_in_dim3A_1389 = vector.shape_cast %reduce_sum3A_1388 : vector<41xf32> to vector<41x1xf32>
    %mul3A_1390 = arith.mulf %add3A_1386, %add3A_1386 : vector<41x192xf32>
    %reduce_sum3A_1391 = arith.constant dense<0.000000e+00> : vector<41xf32>
    %reduce_sum3A_1392 = vector.multi_reduction <add>, %mul3A_1390, %reduce_sum3A_1391 [1] : vector<41x192xf32> to vector<41xf32>
    %broadcast_in_dim3A_1393 = vector.shape_cast %reduce_sum3A_1392 : vector<41xf32> to vector<41x1xf32>
    %mul3A_1394 = arith.constant 0.00520833349 : f32
    %mul3A_1395 = vector.broadcast %mul3A_1394 : f32 to vector<41x1xf32>
    %mul3A_1396 = arith.mulf %broadcast_in_dim3A_1389, %mul3A_1395 : vector<41x1xf32>
    %mul3A_1397 = arith.constant 0.00520833349 : f32
    %mul3A_1398 = vector.broadcast %mul3A_1397 : f32 to vector<41x1xf32>
    %mul3A_1399 = arith.mulf %broadcast_in_dim3A_1393, %mul3A_1398 : vector<41x1xf32>
    %mul3A_1400 = arith.mulf %mul3A_1396, %mul3A_1396 : vector<41x1xf32>
    %sub3A_1401 = arith.subf %mul3A_1399, %mul3A_1400 : vector<41x1xf32>
    %max3A_1402 = arith.constant 0.000000e+00 : f32
    %max3A_1403 = vector.broadcast %max3A_1402 : f32 to vector<41x1xf32>
    %max3A_1404 = arith.maximumf %sub3A_1401, %max3A_1403 : vector<41x1xf32>
    %add3A_1405 = arith.constant 9.99999996E-13 : f32
    %add3A_1406 = vector.broadcast %add3A_1405 : f32 to vector<41x1xf32>
    %add3A_1407 = arith.addf %max3A_1404, %add3A_1406 : vector<41x1xf32>
    %rsqrt3A_1408 = math.rsqrt %add3A_1407 : vector<41x1xf32>
    %sub3A_1409 = vector.broadcast %mul3A_1396 : vector<41x1xf32> to vector<41x192xf32>
    %sub3A_1410 = arith.subf %add3A_1386, %sub3A_1409 : vector<41x192xf32>
    %mul3A_1411 = vector.broadcast %rsqrt3A_1408 : vector<41x1xf32> to vector<41x192xf32>
    %mul3A_1412 = vector.broadcast %get3A_29 : vector<1x192xf32> to vector<41x192xf32>
    %mul3A_1413 = arith.mulf %mul3A_1411, %mul3A_1412 : vector<41x192xf32>
    %mul3A_1414 = arith.mulf %sub3A_1410, %mul3A_1413 : vector<41x192xf32>
    %add3A_1415 = vector.broadcast %get3A_32 : vector<1x192xf32> to vector<41x192xf32>
    %add3A_1416 = arith.addf %mul3A_1414, %add3A_1415 : vector<41x192xf32>
    %broadcast_in_dim3A_1417 = arith.constant 0.000000e+00 : f32
    %broadcast_in_dim3A_1418 = vector.broadcast %broadcast_in_dim3A_1417 : f32 to vector<23x192xf32>
    %swap3A_1419 = arith.constant 0 : index
    %swap3A_1420 = arith.constant 1472 : index
    %swap3A_1421 = arith.constant 0 : index
    %swap3A_1422 = vector.load %arg9[%swap3A_1419, %swap3A_1420, %swap3A_1421] : memref<1x4096x192xf32, #tpu.memory_space<vmem>>, vector<1x23x192xf32>
    %swap3A_1423 = vector.shape_cast %swap3A_1422 : vector<1x23x192xf32> to vector<23x192xf32>
    %swap3A_1424 = vector.shape_cast %broadcast_in_dim3A_1418 : vector<23x192xf32> to vector<1x23x192xf32>
    tpu.vector_store %arg9[%swap3A_1419, %swap3A_1420, %swap3A_1421], %swap3A_1424 {strides = array<i32>} : memref<1x4096x192xf32, #tpu.memory_space<vmem>>, vector<1x23x192xf32>,
    %swap3A_1425 = arith.constant 0 : index
    %swap3A_1426 = arith.constant 1495 : index
    %swap3A_1427 = arith.constant 0 : index
    %swap3A_1428 = vector.load %arg9[%swap3A_1425, %swap3A_1426, %swap3A_1427] : memref<1x4096x192xf32, #tpu.memory_space<vmem>>, vector<1x41x192xf32>
    %swap3A_1429 = vector.shape_cast %swap3A_1428 : vector<1x41x192xf32> to vector<41x192xf32>
    %swap3A_1430 = vector.shape_cast %add3A_1416 : vector<41x192xf32> to vector<1x41x192xf32>
    tpu.vector_store %arg9[%swap3A_1425, %swap3A_1426, %swap3A_1427], %swap3A_1430 {strides = array<i32>} : memref<1x4096x192xf32, #tpu.memory_space<vmem>>, vector<1x41x192xf32>,
    %get3A_1431 = arith.constant 0 : index
    %get3A_1432 = arith.constant 1260 : index
    %get3A_1433 = arith.constant 0 : index
    %get3A_1434 = vector.load %arg1[%get3A_1431, %get3A_1432, %get3A_1433] : memref<1x2080x192xf32, #tpu.memory_space<vmem>>, vector<1x40x192xf32>
    %get3A_1435 = vector.shape_cast %get3A_1434 : vector<1x40x192xf32> to vector<40x192xf32>
    %slice3A_1436 = vector.extract_strided_slice %add3A_11 {offsets = [24, 0], sizes = [40, 192], strides = [1, 1]} : vector<64x192xf32> to vector<40x192xf32>
    %slice3A_1437 = vector.extract_strided_slice %add3A_26 {offsets = [24, 0], sizes = [1, 192], strides = [1, 1]} : vector<64x192xf32> to vector<1x192xf32>
    %squeeze3A_1438 = vector.shape_cast %slice3A_1437 : vector<1x192xf32> to vector<192xf32>
    %broadcast_in_dim3A_1439 = vector.shape_cast %squeeze3A_1438 : vector<192xf32> to vector<1x192xf32>
    %add3A_1440 = vector.broadcast %broadcast_in_dim3A_1439 : vector<1x192xf32> to vector<40x192xf32>
    %add3A_1441 = arith.addf %slice3A_1436, %add3A_1440 : vector<40x192xf32>
    %max3A_1442 = arith.constant 0.000000e+00 : f32
    %max3A_1443 = vector.broadcast %max3A_1442 : f32 to vector<40x192xf32>
    %max3A_1444 = arith.maximumf %add3A_1441, %max3A_1443 : vector<40x192xf32>
    %add3A_1445 = arith.addf %max3A_1444, %get3A_1435 : vector<40x192xf32>
    %reduce_sum3A_1446 = arith.constant dense<0.000000e+00> : vector<40xf32>
    %reduce_sum3A_1447 = vector.multi_reduction <add>, %add3A_1445, %reduce_sum3A_1446 [1] : vector<40x192xf32> to vector<40xf32>
    %broadcast_in_dim3A_1448 = vector.shape_cast %reduce_sum3A_1447 : vector<40xf32> to vector<40x1xf32>
    %mul3A_1449 = arith.mulf %add3A_1445, %add3A_1445 : vector<40x192xf32>
    %reduce_sum3A_1450 = arith.constant dense<0.000000e+00> : vector<40xf32>
    %reduce_sum3A_1451 = vector.multi_reduction <add>, %mul3A_1449, %reduce_sum3A_1450 [1] : vector<40x192xf32> to vector<40xf32>
    %broadcast_in_dim3A_1452 = vector.shape_cast %reduce_sum3A_1451 : vector<40xf32> to vector<40x1xf32>
    %mul3A_1453 = arith.constant 0.00520833349 : f32
    %mul3A_1454 = vector.broadcast %mul3A_1453 : f32 to vector<40x1xf32>
    %mul3A_1455 = arith.mulf %broadcast_in_dim3A_1448, %mul3A_1454 : vector<40x1xf32>
    %mul3A_1456 = arith.constant 0.00520833349 : f32
    %mul3A_1457 = vector.broadcast %mul3A_1456 : f32 to vector<40x1xf32>
    %mul3A_1458 = arith.mulf %broadcast_in_dim3A_1452, %mul3A_1457 : vector<40x1xf32>
    %mul3A_1459 = arith.mulf %mul3A_1455, %mul3A_1455 : vector<40x1xf32>
    %sub3A_1460 = arith.subf %mul3A_1458, %mul3A_1459 : vector<40x1xf32>
    %max3A_1461 = arith.constant 0.000000e+00 : f32
    %max3A_1462 = vector.broadcast %max3A_1461 : f32 to vector<40x1xf32>
    %max3A_1463 = arith.maximumf %sub3A_1460, %max3A_1462 : vector<40x1xf32>
    %add3A_1464 = arith.constant 9.99999996E-13 : f32
    %add3A_1465 = vector.broadcast %add3A_1464 : f32 to vector<40x1xf32>
    %add3A_1466 = arith.addf %max3A_1463, %add3A_1465 : vector<40x1xf32>
    %rsqrt3A_1467 = math.rsqrt %add3A_1466 : vector<40x1xf32>
    %sub3A_1468 = vector.broadcast %mul3A_1455 : vector<40x1xf32> to vector<40x192xf32>
    %sub3A_1469 = arith.subf %add3A_1445, %sub3A_1468 : vector<40x192xf32>
    %mul3A_1470 = vector.broadcast %rsqrt3A_1467 : vector<40x1xf32> to vector<40x192xf32>
    %mul3A_1471 = vector.broadcast %get3A_29 : vector<1x192xf32> to vector<40x192xf32>
    %mul3A_1472 = arith.mulf %mul3A_1470, %mul3A_1471 : vector<40x192xf32>
    %mul3A_1473 = arith.mulf %sub3A_1469, %mul3A_1472 : vector<40x192xf32>
    %add3A_1474 = vector.broadcast %get3A_32 : vector<1x192xf32> to vector<40x192xf32>
    %add3A_1475 = arith.addf %mul3A_1473, %add3A_1474 : vector<40x192xf32>
    %broadcast_in_dim3A_1476 = arith.constant 0.000000e+00 : f32
    %broadcast_in_dim3A_1477 = vector.broadcast %broadcast_in_dim3A_1476 : f32 to vector<24x192xf32>
    %swap3A_1478 = arith.constant 0 : index
    %swap3A_1479 = arith.constant 1536 : index
    %swap3A_1480 = arith.constant 0 : index
    %swap3A_1481 = vector.load %arg9[%swap3A_1478, %swap3A_1479, %swap3A_1480] : memref<1x4096x192xf32, #tpu.memory_space<vmem>>, vector<1x24x192xf32>
    %swap3A_1482 = vector.shape_cast %swap3A_1481 : vector<1x24x192xf32> to vector<24x192xf32>
    %swap3A_1483 = vector.shape_cast %broadcast_in_dim3A_1477 : vector<24x192xf32> to vector<1x24x192xf32>
    tpu.vector_store %arg9[%swap3A_1478, %swap3A_1479, %swap3A_1480], %swap3A_1483 {strides = array<i32>} : memref<1x4096x192xf32, #tpu.memory_space<vmem>>, vector<1x24x192xf32>,
    %swap3A_1484 = arith.constant 0 : index
    %swap3A_1485 = arith.constant 1560 : index
    %swap3A_1486 = arith.constant 0 : index
    %swap3A_1487 = vector.load %arg9[%swap3A_1484, %swap3A_1485, %swap3A_1486] : memref<1x4096x192xf32, #tpu.memory_space<vmem>>, vector<1x40x192xf32>
    %swap3A_1488 = vector.shape_cast %swap3A_1487 : vector<1x40x192xf32> to vector<40x192xf32>
    %swap3A_1489 = vector.shape_cast %add3A_1475 : vector<40x192xf32> to vector<1x40x192xf32>
    tpu.vector_store %arg9[%swap3A_1484, %swap3A_1485, %swap3A_1486], %swap3A_1489 {strides = array<i32>} : memref<1x4096x192xf32, #tpu.memory_space<vmem>>, vector<1x40x192xf32>,
    %get3A_1490 = arith.constant 0 : index
    %get3A_1491 = arith.constant 1300 : index
    %get3A_1492 = arith.constant 0 : index
    %get3A_1493 = vector.load %arg1[%get3A_1490, %get3A_1491, %get3A_1492] : memref<1x2080x192xf32, #tpu.memory_space<vmem>>, vector<1x39x192xf32>
    %get3A_1494 = vector.shape_cast %get3A_1493 : vector<1x39x192xf32> to vector<39x192xf32>
    %slice3A_1495 = vector.extract_strided_slice %add3A_11 {offsets = [25, 0], sizes = [39, 192], strides = [1, 1]} : vector<64x192xf32> to vector<39x192xf32>
    %slice3A_1496 = vector.extract_strided_slice %add3A_26 {offsets = [25, 0], sizes = [1, 192], strides = [1, 1]} : vector<64x192xf32> to vector<1x192xf32>
    %squeeze3A_1497 = vector.shape_cast %slice3A_1496 : vector<1x192xf32> to vector<192xf32>
    %broadcast_in_dim3A_1498 = vector.shape_cast %squeeze3A_1497 : vector<192xf32> to vector<1x192xf32>
    %add3A_1499 = vector.broadcast %broadcast_in_dim3A_1498 : vector<1x192xf32> to vector<39x192xf32>
    %add3A_1500 = arith.addf %slice3A_1495, %add3A_1499 : vector<39x192xf32>
    %max3A_1501 = arith.constant 0.000000e+00 : f32
    %max3A_1502 = vector.broadcast %max3A_1501 : f32 to vector<39x192xf32>
    %max3A_1503 = arith.maximumf %add3A_1500, %max3A_1502 : vector<39x192xf32>
    %add3A_1504 = arith.addf %max3A_1503, %get3A_1494 : vector<39x192xf32>
    %reduce_sum3A_1505 = arith.constant dense<0.000000e+00> : vector<39xf32>
    %reduce_sum3A_1506 = vector.multi_reduction <add>, %add3A_1504, %reduce_sum3A_1505 [1] : vector<39x192xf32> to vector<39xf32>
    %broadcast_in_dim3A_1507 = vector.shape_cast %reduce_sum3A_1506 : vector<39xf32> to vector<39x1xf32>
    %mul3A_1508 = arith.mulf %add3A_1504, %add3A_1504 : vector<39x192xf32>
    %reduce_sum3A_1509 = arith.constant dense<0.000000e+00> : vector<39xf32>
    %reduce_sum3A_1510 = vector.multi_reduction <add>, %mul3A_1508, %reduce_sum3A_1509 [1] : vector<39x192xf32> to vector<39xf32>
    %broadcast_in_dim3A_1511 = vector.shape_cast %reduce_sum3A_1510 : vector<39xf32> to vector<39x1xf32>
    %mul3A_1512 = arith.constant 0.00520833349 : f32
    %mul3A_1513 = vector.broadcast %mul3A_1512 : f32 to vector<39x1xf32>
    %mul3A_1514 = arith.mulf %broadcast_in_dim3A_1507, %mul3A_1513 : vector<39x1xf32>
    %mul3A_1515 = arith.constant 0.00520833349 : f32
    %mul3A_1516 = vector.broadcast %mul3A_1515 : f32 to vector<39x1xf32>
    %mul3A_1517 = arith.mulf %broadcast_in_dim3A_1511, %mul3A_1516 : vector<39x1xf32>
    %mul3A_1518 = arith.mulf %mul3A_1514, %mul3A_1514 : vector<39x1xf32>
    %sub3A_1519 = arith.subf %mul3A_1517, %mul3A_1518 : vector<39x1xf32>
    %max3A_1520 = arith.constant 0.000000e+00 : f32
    %max3A_1521 = vector.broadcast %max3A_1520 : f32 to vector<39x1xf32>
    %max3A_1522 = arith.maximumf %sub3A_1519, %max3A_1521 : vector<39x1xf32>
    %add3A_1523 = arith.constant 9.99999996E-13 : f32
    %add3A_1524 = vector.broadcast %add3A_1523 : f32 to vector<39x1xf32>
    %add3A_1525 = arith.addf %max3A_1522, %add3A_1524 : vector<39x1xf32>
    %rsqrt3A_1526 = math.rsqrt %add3A_1525 : vector<39x1xf32>
    %sub3A_1527 = vector.broadcast %mul3A_1514 : vector<39x1xf32> to vector<39x192xf32>
    %sub3A_1528 = arith.subf %add3A_1504, %sub3A_1527 : vector<39x192xf32>
    %mul3A_1529 = vector.broadcast %rsqrt3A_1526 : vector<39x1xf32> to vector<39x192xf32>
    %mul3A_1530 = vector.broadcast %get3A_29 : vector<1x192xf32> to vector<39x192xf32>
    %mul3A_1531 = arith.mulf %mul3A_1529, %mul3A_1530 : vector<39x192xf32>
    %mul3A_1532 = arith.mulf %sub3A_1528, %mul3A_1531 : vector<39x192xf32>
    %add3A_1533 = vector.broadcast %get3A_32 : vector<1x192xf32> to vector<39x192xf32>
    %add3A_1534 = arith.addf %mul3A_1532, %add3A_1533 : vector<39x192xf32>
    %broadcast_in_dim3A_1535 = arith.constant 0.000000e+00 : f32
    %broadcast_in_dim3A_1536 = vector.broadcast %broadcast_in_dim3A_1535 : f32 to vector<25x192xf32>
    %swap3A_1537 = arith.constant 0 : index
    %swap3A_1538 = arith.constant 1600 : index
    %swap3A_1539 = arith.constant 0 : index
    %swap3A_1540 = vector.load %arg9[%swap3A_1537, %swap3A_1538, %swap3A_1539] : memref<1x4096x192xf32, #tpu.memory_space<vmem>>, vector<1x25x192xf32>
    %swap3A_1541 = vector.shape_cast %swap3A_1540 : vector<1x25x192xf32> to vector<25x192xf32>
    %swap3A_1542 = vector.shape_cast %broadcast_in_dim3A_1536 : vector<25x192xf32> to vector<1x25x192xf32>
    tpu.vector_store %arg9[%swap3A_1537, %swap3A_1538, %swap3A_1539], %swap3A_1542 {strides = array<i32>} : memref<1x4096x192xf32, #tpu.memory_space<vmem>>, vector<1x25x192xf32>,
    %swap3A_1543 = arith.constant 0 : index
    %swap3A_1544 = arith.constant 1625 : index
    %swap3A_1545 = arith.constant 0 : index
    %swap3A_1546 = vector.load %arg9[%swap3A_1543, %swap3A_1544, %swap3A_1545] : memref<1x4096x192xf32, #tpu.memory_space<vmem>>, vector<1x39x192xf32>
    %swap3A_1547 = vector.shape_cast %swap3A_1546 : vector<1x39x192xf32> to vector<39x192xf32>
    %swap3A_1548 = vector.shape_cast %add3A_1534 : vector<39x192xf32> to vector<1x39x192xf32>
    tpu.vector_store %arg9[%swap3A_1543, %swap3A_1544, %swap3A_1545], %swap3A_1548 {strides = array<i32>} : memref<1x4096x192xf32, #tpu.memory_space<vmem>>, vector<1x39x192xf32>,
    %get3A_1549 = arith.constant 0 : index
    %get3A_1550 = arith.constant 1339 : index
    %get3A_1551 = arith.constant 0 : index
    %get3A_1552 = vector.load %arg1[%get3A_1549, %get3A_1550, %get3A_1551] : memref<1x2080x192xf32, #tpu.memory_space<vmem>>, vector<1x38x192xf32>
    %get3A_1553 = vector.shape_cast %get3A_1552 : vector<1x38x192xf32> to vector<38x192xf32>
    %slice3A_1554 = vector.extract_strided_slice %add3A_11 {offsets = [26, 0], sizes = [38, 192], strides = [1, 1]} : vector<64x192xf32> to vector<38x192xf32>
    %slice3A_1555 = vector.extract_strided_slice %add3A_26 {offsets = [26, 0], sizes = [1, 192], strides = [1, 1]} : vector<64x192xf32> to vector<1x192xf32>
    %squeeze3A_1556 = vector.shape_cast %slice3A_1555 : vector<1x192xf32> to vector<192xf32>
    %broadcast_in_dim3A_1557 = vector.shape_cast %squeeze3A_1556 : vector<192xf32> to vector<1x192xf32>
    %add3A_1558 = vector.broadcast %broadcast_in_dim3A_1557 : vector<1x192xf32> to vector<38x192xf32>
    %add3A_1559 = arith.addf %slice3A_1554, %add3A_1558 : vector<38x192xf32>
    %max3A_1560 = arith.constant 0.000000e+00 : f32
    %max3A_1561 = vector.broadcast %max3A_1560 : f32 to vector<38x192xf32>
    %max3A_1562 = arith.maximumf %add3A_1559, %max3A_1561 : vector<38x192xf32>
    %add3A_1563 = arith.addf %max3A_1562, %get3A_1553 : vector<38x192xf32>
    %reduce_sum3A_1564 = arith.constant dense<0.000000e+00> : vector<38xf32>
    %reduce_sum3A_1565 = vector.multi_reduction <add>, %add3A_1563, %reduce_sum3A_1564 [1] : vector<38x192xf32> to vector<38xf32>
    %broadcast_in_dim3A_1566 = vector.shape_cast %reduce_sum3A_1565 : vector<38xf32> to vector<38x1xf32>
    %mul3A_1567 = arith.mulf %add3A_1563, %add3A_1563 : vector<38x192xf32>
    %reduce_sum3A_1568 = arith.constant dense<0.000000e+00> : vector<38xf32>
    %reduce_sum3A_1569 = vector.multi_reduction <add>, %mul3A_1567, %reduce_sum3A_1568 [1] : vector<38x192xf32> to vector<38xf32>
    %broadcast_in_dim3A_1570 = vector.shape_cast %reduce_sum3A_1569 : vector<38xf32> to vector<38x1xf32>
    %mul3A_1571 = arith.constant 0.00520833349 : f32
    %mul3A_1572 = vector.broadcast %mul3A_1571 : f32 to vector<38x1xf32>
    %mul3A_1573 = arith.mulf %broadcast_in_dim3A_1566, %mul3A_1572 : vector<38x1xf32>
    %mul3A_1574 = arith.constant 0.00520833349 : f32
    %mul3A_1575 = vector.broadcast %mul3A_1574 : f32 to vector<38x1xf32>
    %mul3A_1576 = arith.mulf %broadcast_in_dim3A_1570, %mul3A_1575 : vector<38x1xf32>
    %mul3A_1577 = arith.mulf %mul3A_1573, %mul3A_1573 : vector<38x1xf32>
    %sub3A_1578 = arith.subf %mul3A_1576, %mul3A_1577 : vector<38x1xf32>
    %max3A_1579 = arith.constant 0.000000e+00 : f32
    %max3A_1580 = vector.broadcast %max3A_1579 : f32 to vector<38x1xf32>
    %max3A_1581 = arith.maximumf %sub3A_1578, %max3A_1580 : vector<38x1xf32>
    %add3A_1582 = arith.constant 9.99999996E-13 : f32
    %add3A_1583 = vector.broadcast %add3A_1582 : f32 to vector<38x1xf32>
    %add3A_1584 = arith.addf %max3A_1581, %add3A_1583 : vector<38x1xf32>
    %rsqrt3A_1585 = math.rsqrt %add3A_1584 : vector<38x1xf32>
    %sub3A_1586 = vector.broadcast %mul3A_1573 : vector<38x1xf32> to vector<38x192xf32>
    %sub3A_1587 = arith.subf %add3A_1563, %sub3A_1586 : vector<38x192xf32>
    %mul3A_1588 = vector.broadcast %rsqrt3A_1585 : vector<38x1xf32> to vector<38x192xf32>
    %mul3A_1589 = vector.broadcast %get3A_29 : vector<1x192xf32> to vector<38x192xf32>
    %mul3A_1590 = arith.mulf %mul3A_1588, %mul3A_1589 : vector<38x192xf32>
    %mul3A_1591 = arith.mulf %sub3A_1587, %mul3A_1590 : vector<38x192xf32>
    %add3A_1592 = vector.broadcast %get3A_32 : vector<1x192xf32> to vector<38x192xf32>
    %add3A_1593 = arith.addf %mul3A_1591, %add3A_1592 : vector<38x192xf32>
    %broadcast_in_dim3A_1594 = arith.constant 0.000000e+00 : f32
    %broadcast_in_dim3A_1595 = vector.broadcast %broadcast_in_dim3A_1594 : f32 to vector<26x192xf32>
    %swap3A_1596 = arith.constant 0 : index
    %swap3A_1597 = arith.constant 1664 : index
    %swap3A_1598 = arith.constant 0 : index
    %swap3A_1599 = vector.load %arg9[%swap3A_1596, %swap3A_1597, %swap3A_1598] : memref<1x4096x192xf32, #tpu.memory_space<vmem>>, vector<1x26x192xf32>
    %swap3A_1600 = vector.shape_cast %swap3A_1599 : vector<1x26x192xf32> to vector<26x192xf32>
    %swap3A_1601 = vector.shape_cast %broadcast_in_dim3A_1595 : vector<26x192xf32> to vector<1x26x192xf32>
    tpu.vector_store %arg9[%swap3A_1596, %swap3A_1597, %swap3A_1598], %swap3A_1601 {strides = array<i32>} : memref<1x4096x192xf32, #tpu.memory_space<vmem>>, vector<1x26x192xf32>,
    %swap3A_1602 = arith.constant 0 : index
    %swap3A_1603 = arith.constant 1690 : index
    %swap3A_1604 = arith.constant 0 : index
    %swap3A_1605 = vector.load %arg9[%swap3A_1602, %swap3A_1603, %swap3A_1604] : memref<1x4096x192xf32, #tpu.memory_space<vmem>>, vector<1x38x192xf32>
    %swap3A_1606 = vector.shape_cast %swap3A_1605 : vector<1x38x192xf32> to vector<38x192xf32>
    %swap3A_1607 = vector.shape_cast %add3A_1593 : vector<38x192xf32> to vector<1x38x192xf32>
    tpu.vector_store %arg9[%swap3A_1602, %swap3A_1603, %swap3A_1604], %swap3A_1607 {strides = array<i32>} : memref<1x4096x192xf32, #tpu.memory_space<vmem>>, vector<1x38x192xf32>,
    %get3A_1608 = arith.constant 0 : index
    %get3A_1609 = arith.constant 1377 : index
    %get3A_1610 = arith.constant 0 : index
    %get3A_1611 = vector.load %arg1[%get3A_1608, %get3A_1609, %get3A_1610] : memref<1x2080x192xf32, #tpu.memory_space<vmem>>, vector<1x37x192xf32>
    %get3A_1612 = vector.shape_cast %get3A_1611 : vector<1x37x192xf32> to vector<37x192xf32>
    %slice3A_1613 = vector.extract_strided_slice %add3A_11 {offsets = [27, 0], sizes = [37, 192], strides = [1, 1]} : vector<64x192xf32> to vector<37x192xf32>
    %slice3A_1614 = vector.extract_strided_slice %add3A_26 {offsets = [27, 0], sizes = [1, 192], strides = [1, 1]} : vector<64x192xf32> to vector<1x192xf32>
    %squeeze3A_1615 = vector.shape_cast %slice3A_1614 : vector<1x192xf32> to vector<192xf32>
    %broadcast_in_dim3A_1616 = vector.shape_cast %squeeze3A_1615 : vector<192xf32> to vector<1x192xf32>
    %add3A_1617 = vector.broadcast %broadcast_in_dim3A_1616 : vector<1x192xf32> to vector<37x192xf32>
    %add3A_1618 = arith.addf %slice3A_1613, %add3A_1617 : vector<37x192xf32>
    %max3A_1619 = arith.constant 0.000000e+00 : f32
    %max3A_1620 = vector.broadcast %max3A_1619 : f32 to vector<37x192xf32>
    %max3A_1621 = arith.maximumf %add3A_1618, %max3A_1620 : vector<37x192xf32>
    %add3A_1622 = arith.addf %max3A_1621, %get3A_1612 : vector<37x192xf32>
    %reduce_sum3A_1623 = arith.constant dense<0.000000e+00> : vector<37xf32>
    %reduce_sum3A_1624 = vector.multi_reduction <add>, %add3A_1622, %reduce_sum3A_1623 [1] : vector<37x192xf32> to vector<37xf32>
    %broadcast_in_dim3A_1625 = vector.shape_cast %reduce_sum3A_1624 : vector<37xf32> to vector<37x1xf32>
    %mul3A_1626 = arith.mulf %add3A_1622, %add3A_1622 : vector<37x192xf32>
    %reduce_sum3A_1627 = arith.constant dense<0.000000e+00> : vector<37xf32>
    %reduce_sum3A_1628 = vector.multi_reduction <add>, %mul3A_1626, %reduce_sum3A_1627 [1] : vector<37x192xf32> to vector<37xf32>
    %broadcast_in_dim3A_1629 = vector.shape_cast %reduce_sum3A_1628 : vector<37xf32> to vector<37x1xf32>
    %mul3A_1630 = arith.constant 0.00520833349 : f32
    %mul3A_1631 = vector.broadcast %mul3A_1630 : f32 to vector<37x1xf32>
    %mul3A_1632 = arith.mulf %broadcast_in_dim3A_1625, %mul3A_1631 : vector<37x1xf32>
    %mul3A_1633 = arith.constant 0.00520833349 : f32
    %mul3A_1634 = vector.broadcast %mul3A_1633 : f32 to vector<37x1xf32>
    %mul3A_1635 = arith.mulf %broadcast_in_dim3A_1629, %mul3A_1634 : vector<37x1xf32>
    %mul3A_1636 = arith.mulf %mul3A_1632, %mul3A_1632 : vector<37x1xf32>
    %sub3A_1637 = arith.subf %mul3A_1635, %mul3A_1636 : vector<37x1xf32>
    %max3A_1638 = arith.constant 0.000000e+00 : f32
    %max3A_1639 = vector.broadcast %max3A_1638 : f32 to vector<37x1xf32>
    %max3A_1640 = arith.maximumf %sub3A_1637, %max3A_1639 : vector<37x1xf32>
    %add3A_1641 = arith.constant 9.99999996E-13 : f32
    %add3A_1642 = vector.broadcast %add3A_1641 : f32 to vector<37x1xf32>
    %add3A_1643 = arith.addf %max3A_1640, %add3A_1642 : vector<37x1xf32>
    %rsqrt3A_1644 = math.rsqrt %add3A_1643 : vector<37x1xf32>
    %sub3A_1645 = vector.broadcast %mul3A_1632 : vector<37x1xf32> to vector<37x192xf32>
    %sub3A_1646 = arith.subf %add3A_1622, %sub3A_1645 : vector<37x192xf32>
    %mul3A_1647 = vector.broadcast %rsqrt3A_1644 : vector<37x1xf32> to vector<37x192xf32>
    %mul3A_1648 = vector.broadcast %get3A_29 : vector<1x192xf32> to vector<37x192xf32>
    %mul3A_1649 = arith.mulf %mul3A_1647, %mul3A_1648 : vector<37x192xf32>
    %mul3A_1650 = arith.mulf %sub3A_1646, %mul3A_1649 : vector<37x192xf32>
    %add3A_1651 = vector.broadcast %get3A_32 : vector<1x192xf32> to vector<37x192xf32>
    %add3A_1652 = arith.addf %mul3A_1650, %add3A_1651 : vector<37x192xf32>
    %broadcast_in_dim3A_1653 = arith.constant 0.000000e+00 : f32
    %broadcast_in_dim3A_1654 = vector.broadcast %broadcast_in_dim3A_1653 : f32 to vector<27x192xf32>
    %swap3A_1655 = arith.constant 0 : index
    %swap3A_1656 = arith.constant 1728 : index
    %swap3A_1657 = arith.constant 0 : index
    %swap3A_1658 = vector.load %arg9[%swap3A_1655, %swap3A_1656, %swap3A_1657] : memref<1x4096x192xf32, #tpu.memory_space<vmem>>, vector<1x27x192xf32>
    %swap3A_1659 = vector.shape_cast %swap3A_1658 : vector<1x27x192xf32> to vector<27x192xf32>
    %swap3A_1660 = vector.shape_cast %broadcast_in_dim3A_1654 : vector<27x192xf32> to vector<1x27x192xf32>
    tpu.vector_store %arg9[%swap3A_1655, %swap3A_1656, %swap3A_1657], %swap3A_1660 {strides = array<i32>} : memref<1x4096x192xf32, #tpu.memory_space<vmem>>, vector<1x27x192xf32>,
    %swap3A_1661 = arith.constant 0 : index
    %swap3A_1662 = arith.constant 1755 : index
    %swap3A_1663 = arith.constant 0 : index
    %swap3A_1664 = vector.load %arg9[%swap3A_1661, %swap3A_1662, %swap3A_1663] : memref<1x4096x192xf32, #tpu.memory_space<vmem>>, vector<1x37x192xf32>
    %swap3A_1665 = vector.shape_cast %swap3A_1664 : vector<1x37x192xf32> to vector<37x192xf32>
    %swap3A_1666 = vector.shape_cast %add3A_1652 : vector<37x192xf32> to vector<1x37x192xf32>
    tpu.vector_store %arg9[%swap3A_1661, %swap3A_1662, %swap3A_1663], %swap3A_1666 {strides = array<i32>} : memref<1x4096x192xf32, #tpu.memory_space<vmem>>, vector<1x37x192xf32>,
    %get3A_1667 = arith.constant 0 : index
    %get3A_1668 = arith.constant 1414 : index
    %get3A_1669 = arith.constant 0 : index
    %get3A_1670 = vector.load %arg1[%get3A_1667, %get3A_1668, %get3A_1669] : memref<1x2080x192xf32, #tpu.memory_space<vmem>>, vector<1x36x192xf32>
    %get3A_1671 = vector.shape_cast %get3A_1670 : vector<1x36x192xf32> to vector<36x192xf32>
    %slice3A_1672 = vector.extract_strided_slice %add3A_11 {offsets = [28, 0], sizes = [36, 192], strides = [1, 1]} : vector<64x192xf32> to vector<36x192xf32>
    %slice3A_1673 = vector.extract_strided_slice %add3A_26 {offsets = [28, 0], sizes = [1, 192], strides = [1, 1]} : vector<64x192xf32> to vector<1x192xf32>
    %squeeze3A_1674 = vector.shape_cast %slice3A_1673 : vector<1x192xf32> to vector<192xf32>
    %broadcast_in_dim3A_1675 = vector.shape_cast %squeeze3A_1674 : vector<192xf32> to vector<1x192xf32>
    %add3A_1676 = vector.broadcast %broadcast_in_dim3A_1675 : vector<1x192xf32> to vector<36x192xf32>
    %add3A_1677 = arith.addf %slice3A_1672, %add3A_1676 : vector<36x192xf32>
    %max3A_1678 = arith.constant 0.000000e+00 : f32
    %max3A_1679 = vector.broadcast %max3A_1678 : f32 to vector<36x192xf32>
    %max3A_1680 = arith.maximumf %add3A_1677, %max3A_1679 : vector<36x192xf32>
    %add3A_1681 = arith.addf %max3A_1680, %get3A_1671 : vector<36x192xf32>
    %reduce_sum3A_1682 = arith.constant dense<0.000000e+00> : vector<36xf32>
    %reduce_sum3A_1683 = vector.multi_reduction <add>, %add3A_1681, %reduce_sum3A_1682 [1] : vector<36x192xf32> to vector<36xf32>
    %broadcast_in_dim3A_1684 = vector.shape_cast %reduce_sum3A_1683 : vector<36xf32> to vector<36x1xf32>
    %mul3A_1685 = arith.mulf %add3A_1681, %add3A_1681 : vector<36x192xf32>
    %reduce_sum3A_1686 = arith.constant dense<0.000000e+00> : vector<36xf32>
    %reduce_sum3A_1687 = vector.multi_reduction <add>, %mul3A_1685, %reduce_sum3A_1686 [1] : vector<36x192xf32> to vector<36xf32>
    %broadcast_in_dim3A_1688 = vector.shape_cast %reduce_sum3A_1687 : vector<36xf32> to vector<36x1xf32>
    %mul3A_1689 = arith.constant 0.00520833349 : f32
    %mul3A_1690 = vector.broadcast %mul3A_1689 : f32 to vector<36x1xf32>
    %mul3A_1691 = arith.mulf %broadcast_in_dim3A_1684, %mul3A_1690 : vector<36x1xf32>
    %mul3A_1692 = arith.constant 0.00520833349 : f32
    %mul3A_1693 = vector.broadcast %mul3A_1692 : f32 to vector<36x1xf32>
    %mul3A_1694 = arith.mulf %broadcast_in_dim3A_1688, %mul3A_1693 : vector<36x1xf32>
    %mul3A_1695 = arith.mulf %mul3A_1691, %mul3A_1691 : vector<36x1xf32>
    %sub3A_1696 = arith.subf %mul3A_1694, %mul3A_1695 : vector<36x1xf32>
    %max3A_1697 = arith.constant 0.000000e+00 : f32
    %max3A_1698 = vector.broadcast %max3A_1697 : f32 to vector<36x1xf32>
    %max3A_1699 = arith.maximumf %sub3A_1696, %max3A_1698 : vector<36x1xf32>
    %add3A_1700 = arith.constant 9.99999996E-13 : f32
    %add3A_1701 = vector.broadcast %add3A_1700 : f32 to vector<36x1xf32>
    %add3A_1702 = arith.addf %max3A_1699, %add3A_1701 : vector<36x1xf32>
    %rsqrt3A_1703 = math.rsqrt %add3A_1702 : vector<36x1xf32>
    %sub3A_1704 = vector.broadcast %mul3A_1691 : vector<36x1xf32> to vector<36x192xf32>
    %sub3A_1705 = arith.subf %add3A_1681, %sub3A_1704 : vector<36x192xf32>
    %mul3A_1706 = vector.broadcast %rsqrt3A_1703 : vector<36x1xf32> to vector<36x192xf32>
    %mul3A_1707 = vector.broadcast %get3A_29 : vector<1x192xf32> to vector<36x192xf32>
    %mul3A_1708 = arith.mulf %mul3A_1706, %mul3A_1707 : vector<36x192xf32>
    %mul3A_1709 = arith.mulf %sub3A_1705, %mul3A_1708 : vector<36x192xf32>
    %add3A_1710 = vector.broadcast %get3A_32 : vector<1x192xf32> to vector<36x192xf32>
    %add3A_1711 = arith.addf %mul3A_1709, %add3A_1710 : vector<36x192xf32>
    %broadcast_in_dim3A_1712 = arith.constant 0.000000e+00 : f32
    %broadcast_in_dim3A_1713 = vector.broadcast %broadcast_in_dim3A_1712 : f32 to vector<28x192xf32>
    %swap3A_1714 = arith.constant 0 : index
    %swap3A_1715 = arith.constant 1792 : index
    %swap3A_1716 = arith.constant 0 : index
    %swap3A_1717 = vector.load %arg9[%swap3A_1714, %swap3A_1715, %swap3A_1716] : memref<1x4096x192xf32, #tpu.memory_space<vmem>>, vector<1x28x192xf32>
    %swap3A_1718 = vector.shape_cast %swap3A_1717 : vector<1x28x192xf32> to vector<28x192xf32>
    %swap3A_1719 = vector.shape_cast %broadcast_in_dim3A_1713 : vector<28x192xf32> to vector<1x28x192xf32>
    tpu.vector_store %arg9[%swap3A_1714, %swap3A_1715, %swap3A_1716], %swap3A_1719 {strides = array<i32>} : memref<1x4096x192xf32, #tpu.memory_space<vmem>>, vector<1x28x192xf32>,
    %swap3A_1720 = arith.constant 0 : index
    %swap3A_1721 = arith.constant 1820 : index
    %swap3A_1722 = arith.constant 0 : index
    %swap3A_1723 = vector.load %arg9[%swap3A_1720, %swap3A_1721, %swap3A_1722] : memref<1x4096x192xf32, #tpu.memory_space<vmem>>, vector<1x36x192xf32>
    %swap3A_1724 = vector.shape_cast %swap3A_1723 : vector<1x36x192xf32> to vector<36x192xf32>
    %swap3A_1725 = vector.shape_cast %add3A_1711 : vector<36x192xf32> to vector<1x36x192xf32>
    tpu.vector_store %arg9[%swap3A_1720, %swap3A_1721, %swap3A_1722], %swap3A_1725 {strides = array<i32>} : memref<1x4096x192xf32, #tpu.memory_space<vmem>>, vector<1x36x192xf32>,
    %get3A_1726 = arith.constant 0 : index
    %get3A_1727 = arith.constant 1450 : index
    %get3A_1728 = arith.constant 0 : index
    %get3A_1729 = vector.load %arg1[%get3A_1726, %get3A_1727, %get3A_1728] : memref<1x2080x192xf32, #tpu.memory_space<vmem>>, vector<1x35x192xf32>
    %get3A_1730 = vector.shape_cast %get3A_1729 : vector<1x35x192xf32> to vector<35x192xf32>
    %slice3A_1731 = vector.extract_strided_slice %add3A_11 {offsets = [29, 0], sizes = [35, 192], strides = [1, 1]} : vector<64x192xf32> to vector<35x192xf32>
    %slice3A_1732 = vector.extract_strided_slice %add3A_26 {offsets = [29, 0], sizes = [1, 192], strides = [1, 1]} : vector<64x192xf32> to vector<1x192xf32>
    %squeeze3A_1733 = vector.shape_cast %slice3A_1732 : vector<1x192xf32> to vector<192xf32>
    %broadcast_in_dim3A_1734 = vector.shape_cast %squeeze3A_1733 : vector<192xf32> to vector<1x192xf32>
    %add3A_1735 = vector.broadcast %broadcast_in_dim3A_1734 : vector<1x192xf32> to vector<35x192xf32>
    %add3A_1736 = arith.addf %slice3A_1731, %add3A_1735 : vector<35x192xf32>
    %max3A_1737 = arith.constant 0.000000e+00 : f32
    %max3A_1738 = vector.broadcast %max3A_1737 : f32 to vector<35x192xf32>
    %max3A_1739 = arith.maximumf %add3A_1736, %max3A_1738 : vector<35x192xf32>
    %add3A_1740 = arith.addf %max3A_1739, %get3A_1730 : vector<35x192xf32>
    %reduce_sum3A_1741 = arith.constant dense<0.000000e+00> : vector<35xf32>
    %reduce_sum3A_1742 = vector.multi_reduction <add>, %add3A_1740, %reduce_sum3A_1741 [1] : vector<35x192xf32> to vector<35xf32>
    %broadcast_in_dim3A_1743 = vector.shape_cast %reduce_sum3A_1742 : vector<35xf32> to vector<35x1xf32>
    %mul3A_1744 = arith.mulf %add3A_1740, %add3A_1740 : vector<35x192xf32>
    %reduce_sum3A_1745 = arith.constant dense<0.000000e+00> : vector<35xf32>
    %reduce_sum3A_1746 = vector.multi_reduction <add>, %mul3A_1744, %reduce_sum3A_1745 [1] : vector<35x192xf32> to vector<35xf32>
    %broadcast_in_dim3A_1747 = vector.shape_cast %reduce_sum3A_1746 : vector<35xf32> to vector<35x1xf32>
    %mul3A_1748 = arith.constant 0.00520833349 : f32
    %mul3A_1749 = vector.broadcast %mul3A_1748 : f32 to vector<35x1xf32>
    %mul3A_1750 = arith.mulf %broadcast_in_dim3A_1743, %mul3A_1749 : vector<35x1xf32>
    %mul3A_1751 = arith.constant 0.00520833349 : f32
    %mul3A_1752 = vector.broadcast %mul3A_1751 : f32 to vector<35x1xf32>
    %mul3A_1753 = arith.mulf %broadcast_in_dim3A_1747, %mul3A_1752 : vector<35x1xf32>
    %mul3A_1754 = arith.mulf %mul3A_1750, %mul3A_1750 : vector<35x1xf32>
    %sub3A_1755 = arith.subf %mul3A_1753, %mul3A_1754 : vector<35x1xf32>
    %max3A_1756 = arith.constant 0.000000e+00 : f32
    %max3A_1757 = vector.broadcast %max3A_1756 : f32 to vector<35x1xf32>
    %max3A_1758 = arith.maximumf %sub3A_1755, %max3A_1757 : vector<35x1xf32>
    %add3A_1759 = arith.constant 9.99999996E-13 : f32
    %add3A_1760 = vector.broadcast %add3A_1759 : f32 to vector<35x1xf32>
    %add3A_1761 = arith.addf %max3A_1758, %add3A_1760 : vector<35x1xf32>
    %rsqrt3A_1762 = math.rsqrt %add3A_1761 : vector<35x1xf32>
    %sub3A_1763 = vector.broadcast %mul3A_1750 : vector<35x1xf32> to vector<35x192xf32>
    %sub3A_1764 = arith.subf %add3A_1740, %sub3A_1763 : vector<35x192xf32>
    %mul3A_1765 = vector.broadcast %rsqrt3A_1762 : vector<35x1xf32> to vector<35x192xf32>
    %mul3A_1766 = vector.broadcast %get3A_29 : vector<1x192xf32> to vector<35x192xf32>
    %mul3A_1767 = arith.mulf %mul3A_1765, %mul3A_1766 : vector<35x192xf32>
    %mul3A_1768 = arith.mulf %sub3A_1764, %mul3A_1767 : vector<35x192xf32>
    %add3A_1769 = vector.broadcast %get3A_32 : vector<1x192xf32> to vector<35x192xf32>
    %add3A_1770 = arith.addf %mul3A_1768, %add3A_1769 : vector<35x192xf32>
    %broadcast_in_dim3A_1771 = arith.constant 0.000000e+00 : f32
    %broadcast_in_dim3A_1772 = vector.broadcast %broadcast_in_dim3A_1771 : f32 to vector<29x192xf32>
    %swap3A_1773 = arith.constant 0 : index
    %swap3A_1774 = arith.constant 1856 : index
    %swap3A_1775 = arith.constant 0 : index
    %swap3A_1776 = vector.load %arg9[%swap3A_1773, %swap3A_1774, %swap3A_1775] : memref<1x4096x192xf32, #tpu.memory_space<vmem>>, vector<1x29x192xf32>
    %swap3A_1777 = vector.shape_cast %swap3A_1776 : vector<1x29x192xf32> to vector<29x192xf32>
    %swap3A_1778 = vector.shape_cast %broadcast_in_dim3A_1772 : vector<29x192xf32> to vector<1x29x192xf32>
    tpu.vector_store %arg9[%swap3A_1773, %swap3A_1774, %swap3A_1775], %swap3A_1778 {strides = array<i32>} : memref<1x4096x192xf32, #tpu.memory_space<vmem>>, vector<1x29x192xf32>,
    %swap3A_1779 = arith.constant 0 : index
    %swap3A_1780 = arith.constant 1885 : index
    %swap3A_1781 = arith.constant 0 : index
    %swap3A_1782 = vector.load %arg9[%swap3A_1779, %swap3A_1780, %swap3A_1781] : memref<1x4096x192xf32, #tpu.memory_space<vmem>>, vector<1x35x192xf32>
    %swap3A_1783 = vector.shape_cast %swap3A_1782 : vector<1x35x192xf32> to vector<35x192xf32>
    %swap3A_1784 = vector.shape_cast %add3A_1770 : vector<35x192xf32> to vector<1x35x192xf32>
    tpu.vector_store %arg9[%swap3A_1779, %swap3A_1780, %swap3A_1781], %swap3A_1784 {strides = array<i32>} : memref<1x4096x192xf32, #tpu.memory_space<vmem>>, vector<1x35x192xf32>,
    %get3A_1785 = arith.constant 0 : index
    %get3A_1786 = arith.constant 1485 : index
    %get3A_1787 = arith.constant 0 : index
    %get3A_1788 = vector.load %arg1[%get3A_1785, %get3A_1786, %get3A_1787] : memref<1x2080x192xf32, #tpu.memory_space<vmem>>, vector<1x34x192xf32>
    %get3A_1789 = vector.shape_cast %get3A_1788 : vector<1x34x192xf32> to vector<34x192xf32>
    %slice3A_1790 = vector.extract_strided_slice %add3A_11 {offsets = [30, 0], sizes = [34, 192], strides = [1, 1]} : vector<64x192xf32> to vector<34x192xf32>
    %slice3A_1791 = vector.extract_strided_slice %add3A_26 {offsets = [30, 0], sizes = [1, 192], strides = [1, 1]} : vector<64x192xf32> to vector<1x192xf32>
    %squeeze3A_1792 = vector.shape_cast %slice3A_1791 : vector<1x192xf32> to vector<192xf32>
    %broadcast_in_dim3A_1793 = vector.shape_cast %squeeze3A_1792 : vector<192xf32> to vector<1x192xf32>
    %add3A_1794 = vector.broadcast %broadcast_in_dim3A_1793 : vector<1x192xf32> to vector<34x192xf32>
    %add3A_1795 = arith.addf %slice3A_1790, %add3A_1794 : vector<34x192xf32>
    %max3A_1796 = arith.constant 0.000000e+00 : f32
    %max3A_1797 = vector.broadcast %max3A_1796 : f32 to vector<34x192xf32>
    %max3A_1798 = arith.maximumf %add3A_1795, %max3A_1797 : vector<34x192xf32>
    %add3A_1799 = arith.addf %max3A_1798, %get3A_1789 : vector<34x192xf32>
    %reduce_sum3A_1800 = arith.constant dense<0.000000e+00> : vector<34xf32>
    %reduce_sum3A_1801 = vector.multi_reduction <add>, %add3A_1799, %reduce_sum3A_1800 [1] : vector<34x192xf32> to vector<34xf32>
    %broadcast_in_dim3A_1802 = vector.shape_cast %reduce_sum3A_1801 : vector<34xf32> to vector<34x1xf32>
    %mul3A_1803 = arith.mulf %add3A_1799, %add3A_1799 : vector<34x192xf32>
    %reduce_sum3A_1804 = arith.constant dense<0.000000e+00> : vector<34xf32>
    %reduce_sum3A_1805 = vector.multi_reduction <add>, %mul3A_1803, %reduce_sum3A_1804 [1] : vector<34x192xf32> to vector<34xf32>
    %broadcast_in_dim3A_1806 = vector.shape_cast %reduce_sum3A_1805 : vector<34xf32> to vector<34x1xf32>
    %mul3A_1807 = arith.constant 0.00520833349 : f32
    %mul3A_1808 = vector.broadcast %mul3A_1807 : f32 to vector<34x1xf32>
    %mul3A_1809 = arith.mulf %broadcast_in_dim3A_1802, %mul3A_1808 : vector<34x1xf32>
    %mul3A_1810 = arith.constant 0.00520833349 : f32
    %mul3A_1811 = vector.broadcast %mul3A_1810 : f32 to vector<34x1xf32>
    %mul3A_1812 = arith.mulf %broadcast_in_dim3A_1806, %mul3A_1811 : vector<34x1xf32>
    %mul3A_1813 = arith.mulf %mul3A_1809, %mul3A_1809 : vector<34x1xf32>
    %sub3A_1814 = arith.subf %mul3A_1812, %mul3A_1813 : vector<34x1xf32>
    %max3A_1815 = arith.constant 0.000000e+00 : f32
    %max3A_1816 = vector.broadcast %max3A_1815 : f32 to vector<34x1xf32>
    %max3A_1817 = arith.maximumf %sub3A_1814, %max3A_1816 : vector<34x1xf32>
    %add3A_1818 = arith.constant 9.99999996E-13 : f32
    %add3A_1819 = vector.broadcast %add3A_1818 : f32 to vector<34x1xf32>
    %add3A_1820 = arith.addf %max3A_1817, %add3A_1819 : vector<34x1xf32>
    %rsqrt3A_1821 = math.rsqrt %add3A_1820 : vector<34x1xf32>
    %sub3A_1822 = vector.broadcast %mul3A_1809 : vector<34x1xf32> to vector<34x192xf32>
    %sub3A_1823 = arith.subf %add3A_1799, %sub3A_1822 : vector<34x192xf32>
    %mul3A_1824 = vector.broadcast %rsqrt3A_1821 : vector<34x1xf32> to vector<34x192xf32>
    %mul3A_1825 = vector.broadcast %get3A_29 : vector<1x192xf32> to vector<34x192xf32>
    %mul3A_1826 = arith.mulf %mul3A_1824, %mul3A_1825 : vector<34x192xf32>
    %mul3A_1827 = arith.mulf %sub3A_1823, %mul3A_1826 : vector<34x192xf32>
    %add3A_1828 = vector.broadcast %get3A_32 : vector<1x192xf32> to vector<34x192xf32>
    %add3A_1829 = arith.addf %mul3A_1827, %add3A_1828 : vector<34x192xf32>
    %broadcast_in_dim3A_1830 = arith.constant 0.000000e+00 : f32
    %broadcast_in_dim3A_1831 = vector.broadcast %broadcast_in_dim3A_1830 : f32 to vector<30x192xf32>
    %swap3A_1832 = arith.constant 0 : index
    %swap3A_1833 = arith.constant 1920 : index
    %swap3A_1834 = arith.constant 0 : index
    %swap3A_1835 = vector.load %arg9[%swap3A_1832, %swap3A_1833, %swap3A_1834] : memref<1x4096x192xf32, #tpu.memory_space<vmem>>, vector<1x30x192xf32>
    %swap3A_1836 = vector.shape_cast %swap3A_1835 : vector<1x30x192xf32> to vector<30x192xf32>
    %swap3A_1837 = vector.shape_cast %broadcast_in_dim3A_1831 : vector<30x192xf32> to vector<1x30x192xf32>
    tpu.vector_store %arg9[%swap3A_1832, %swap3A_1833, %swap3A_1834], %swap3A_1837 {strides = array<i32>} : memref<1x4096x192xf32, #tpu.memory_space<vmem>>, vector<1x30x192xf32>,
    %swap3A_1838 = arith.constant 0 : index
    %swap3A_1839 = arith.constant 1950 : index
    %swap3A_1840 = arith.constant 0 : index
    %swap3A_1841 = vector.load %arg9[%swap3A_1838, %swap3A_1839, %swap3A_1840] : memref<1x4096x192xf32, #tpu.memory_space<vmem>>, vector<1x34x192xf32>
    %swap3A_1842 = vector.shape_cast %swap3A_1841 : vector<1x34x192xf32> to vector<34x192xf32>
    %swap3A_1843 = vector.shape_cast %add3A_1829 : vector<34x192xf32> to vector<1x34x192xf32>
    tpu.vector_store %arg9[%swap3A_1838, %swap3A_1839, %swap3A_1840], %swap3A_1843 {strides = array<i32>} : memref<1x4096x192xf32, #tpu.memory_space<vmem>>, vector<1x34x192xf32>,
    %get3A_1844 = arith.constant 0 : index
    %get3A_1845 = arith.constant 1519 : index
    %get3A_1846 = arith.constant 0 : index
    %get3A_1847 = vector.load %arg1[%get3A_1844, %get3A_1845, %get3A_1846] : memref<1x2080x192xf32, #tpu.memory_space<vmem>>, vector<1x33x192xf32>
    %get3A_1848 = vector.shape_cast %get3A_1847 : vector<1x33x192xf32> to vector<33x192xf32>
    %slice3A_1849 = vector.extract_strided_slice %add3A_11 {offsets = [31, 0], sizes = [33, 192], strides = [1, 1]} : vector<64x192xf32> to vector<33x192xf32>
    %slice3A_1850 = vector.extract_strided_slice %add3A_26 {offsets = [31, 0], sizes = [1, 192], strides = [1, 1]} : vector<64x192xf32> to vector<1x192xf32>
    %squeeze3A_1851 = vector.shape_cast %slice3A_1850 : vector<1x192xf32> to vector<192xf32>
    %broadcast_in_dim3A_1852 = vector.shape_cast %squeeze3A_1851 : vector<192xf32> to vector<1x192xf32>
    %add3A_1853 = vector.broadcast %broadcast_in_dim3A_1852 : vector<1x192xf32> to vector<33x192xf32>
    %add3A_1854 = arith.addf %slice3A_1849, %add3A_1853 : vector<33x192xf32>
    %max3A_1855 = arith.constant 0.000000e+00 : f32
    %max3A_1856 = vector.broadcast %max3A_1855 : f32 to vector<33x192xf32>
    %max3A_1857 = arith.maximumf %add3A_1854, %max3A_1856 : vector<33x192xf32>
    %add3A_1858 = arith.addf %max3A_1857, %get3A_1848 : vector<33x192xf32>
    %reduce_sum3A_1859 = arith.constant dense<0.000000e+00> : vector<33xf32>
    %reduce_sum3A_1860 = vector.multi_reduction <add>, %add3A_1858, %reduce_sum3A_1859 [1] : vector<33x192xf32> to vector<33xf32>
    %broadcast_in_dim3A_1861 = vector.shape_cast %reduce_sum3A_1860 : vector<33xf32> to vector<33x1xf32>
    %mul3A_1862 = arith.mulf %add3A_1858, %add3A_1858 : vector<33x192xf32>
    %reduce_sum3A_1863 = arith.constant dense<0.000000e+00> : vector<33xf32>
    %reduce_sum3A_1864 = vector.multi_reduction <add>, %mul3A_1862, %reduce_sum3A_1863 [1] : vector<33x192xf32> to vector<33xf32>
    %broadcast_in_dim3A_1865 = vector.shape_cast %reduce_sum3A_1864 : vector<33xf32> to vector<33x1xf32>
    %mul3A_1866 = arith.constant 0.00520833349 : f32
    %mul3A_1867 = vector.broadcast %mul3A_1866 : f32 to vector<33x1xf32>
    %mul3A_1868 = arith.mulf %broadcast_in_dim3A_1861, %mul3A_1867 : vector<33x1xf32>
    %mul3A_1869 = arith.constant 0.00520833349 : f32
    %mul3A_1870 = vector.broadcast %mul3A_1869 : f32 to vector<33x1xf32>
    %mul3A_1871 = arith.mulf %broadcast_in_dim3A_1865, %mul3A_1870 : vector<33x1xf32>
    %mul3A_1872 = arith.mulf %mul3A_1868, %mul3A_1868 : vector<33x1xf32>
    %sub3A_1873 = arith.subf %mul3A_1871, %mul3A_1872 : vector<33x1xf32>
    %max3A_1874 = arith.constant 0.000000e+00 : f32
    %max3A_1875 = vector.broadcast %max3A_1874 : f32 to vector<33x1xf32>
    %max3A_1876 = arith.maximumf %sub3A_1873, %max3A_1875 : vector<33x1xf32>
    %add3A_1877 = arith.constant 9.99999996E-13 : f32
    %add3A_1878 = vector.broadcast %add3A_1877 : f32 to vector<33x1xf32>
    %add3A_1879 = arith.addf %max3A_1876, %add3A_1878 : vector<33x1xf32>
    %rsqrt3A_1880 = math.rsqrt %add3A_1879 : vector<33x1xf32>
    %sub3A_1881 = vector.broadcast %mul3A_1868 : vector<33x1xf32> to vector<33x192xf32>
    %sub3A_1882 = arith.subf %add3A_1858, %sub3A_1881 : vector<33x192xf32>
    %mul3A_1883 = vector.broadcast %rsqrt3A_1880 : vector<33x1xf32> to vector<33x192xf32>
    %mul3A_1884 = vector.broadcast %get3A_29 : vector<1x192xf32> to vector<33x192xf32>
    %mul3A_1885 = arith.mulf %mul3A_1883, %mul3A_1884 : vector<33x192xf32>
    %mul3A_1886 = arith.mulf %sub3A_1882, %mul3A_1885 : vector<33x192xf32>
    %add3A_1887 = vector.broadcast %get3A_32 : vector<1x192xf32> to vector<33x192xf32>
    %add3A_1888 = arith.addf %mul3A_1886, %add3A_1887 : vector<33x192xf32>
    %broadcast_in_dim3A_1889 = arith.constant 0.000000e+00 : f32
    %broadcast_in_dim3A_1890 = vector.broadcast %broadcast_in_dim3A_1889 : f32 to vector<31x192xf32>
    %swap3A_1891 = arith.constant 0 : index
    %swap3A_1892 = arith.constant 1984 : index
    %swap3A_1893 = arith.constant 0 : index
    %swap3A_1894 = vector.load %arg9[%swap3A_1891, %swap3A_1892, %swap3A_1893] : memref<1x4096x192xf32, #tpu.memory_space<vmem>>, vector<1x31x192xf32>
    %swap3A_1895 = vector.shape_cast %swap3A_1894 : vector<1x31x192xf32> to vector<31x192xf32>
    %swap3A_1896 = vector.shape_cast %broadcast_in_dim3A_1890 : vector<31x192xf32> to vector<1x31x192xf32>
    tpu.vector_store %arg9[%swap3A_1891, %swap3A_1892, %swap3A_1893], %swap3A_1896 {strides = array<i32>} : memref<1x4096x192xf32, #tpu.memory_space<vmem>>, vector<1x31x192xf32>,
    %swap3A_1897 = arith.constant 0 : index
    %swap3A_1898 = arith.constant 2015 : index
    %swap3A_1899 = arith.constant 0 : index
    %swap3A_1900 = vector.load %arg9[%swap3A_1897, %swap3A_1898, %swap3A_1899] : memref<1x4096x192xf32, #tpu.memory_space<vmem>>, vector<1x33x192xf32>
    %swap3A_1901 = vector.shape_cast %swap3A_1900 : vector<1x33x192xf32> to vector<33x192xf32>
    %swap3A_1902 = vector.shape_cast %add3A_1888 : vector<33x192xf32> to vector<1x33x192xf32>
    tpu.vector_store %arg9[%swap3A_1897, %swap3A_1898, %swap3A_1899], %swap3A_1902 {strides = array<i32>} : memref<1x4096x192xf32, #tpu.memory_space<vmem>>, vector<1x33x192xf32>,
    %get3A_1903 = arith.constant 0 : index
    %get3A_1904 = arith.constant 1552 : index
    %get3A_1905 = arith.constant 0 : index
    %get3A_1906 = vector.load %arg1[%get3A_1903, %get3A_1904, %get3A_1905] : memref<1x2080x192xf32, #tpu.memory_space<vmem>>, vector<1x32x192xf32>
    %get3A_1907 = vector.shape_cast %get3A_1906 : vector<1x32x192xf32> to vector<32x192xf32>
    %slice3A_1908 = vector.extract_strided_slice %add3A_11 {offsets = [32, 0], sizes = [32, 192], strides = [1, 1]} : vector<64x192xf32> to vector<32x192xf32>
    %slice3A_1909 = vector.extract_strided_slice %add3A_26 {offsets = [32, 0], sizes = [1, 192], strides = [1, 1]} : vector<64x192xf32> to vector<1x192xf32>
    %squeeze3A_1910 = vector.shape_cast %slice3A_1909 : vector<1x192xf32> to vector<192xf32>
    %broadcast_in_dim3A_1911 = vector.shape_cast %squeeze3A_1910 : vector<192xf32> to vector<1x192xf32>
    %add3A_1912 = vector.broadcast %broadcast_in_dim3A_1911 : vector<1x192xf32> to vector<32x192xf32>
    %add3A_1913 = arith.addf %slice3A_1908, %add3A_1912 : vector<32x192xf32>
    %max3A_1914 = arith.constant 0.000000e+00 : f32
    %max3A_1915 = vector.broadcast %max3A_1914 : f32 to vector<32x192xf32>
    %max3A_1916 = arith.maximumf %add3A_1913, %max3A_1915 : vector<32x192xf32>
    %add3A_1917 = arith.addf %max3A_1916, %get3A_1907 : vector<32x192xf32>
    %reduce_sum3A_1918 = arith.constant dense<0.000000e+00> : vector<32xf32>
    %reduce_sum3A_1919 = vector.multi_reduction <add>, %add3A_1917, %reduce_sum3A_1918 [1] : vector<32x192xf32> to vector<32xf32>
    %broadcast_in_dim3A_1920 = vector.shape_cast %reduce_sum3A_1919 : vector<32xf32> to vector<32x1xf32>
    %mul3A_1921 = arith.mulf %add3A_1917, %add3A_1917 : vector<32x192xf32>
    %reduce_sum3A_1922 = arith.constant dense<0.000000e+00> : vector<32xf32>
    %reduce_sum3A_1923 = vector.multi_reduction <add>, %mul3A_1921, %reduce_sum3A_1922 [1] : vector<32x192xf32> to vector<32xf32>
    %broadcast_in_dim3A_1924 = vector.shape_cast %reduce_sum3A_1923 : vector<32xf32> to vector<32x1xf32>
    %mul3A_1925 = arith.constant 0.00520833349 : f32
    %mul3A_1926 = vector.broadcast %mul3A_1925 : f32 to vector<32x1xf32>
    %mul3A_1927 = arith.mulf %broadcast_in_dim3A_1920, %mul3A_1926 : vector<32x1xf32>
    %mul3A_1928 = arith.constant 0.00520833349 : f32
    %mul3A_1929 = vector.broadcast %mul3A_1928 : f32 to vector<32x1xf32>
    %mul3A_1930 = arith.mulf %broadcast_in_dim3A_1924, %mul3A_1929 : vector<32x1xf32>
    %mul3A_1931 = arith.mulf %mul3A_1927, %mul3A_1927 : vector<32x1xf32>
    %sub3A_1932 = arith.subf %mul3A_1930, %mul3A_1931 : vector<32x1xf32>
    %max3A_1933 = arith.constant 0.000000e+00 : f32
    %max3A_1934 = vector.broadcast %max3A_1933 : f32 to vector<32x1xf32>
    %max3A_1935 = arith.maximumf %sub3A_1932, %max3A_1934 : vector<32x1xf32>
    %add3A_1936 = arith.constant 9.99999996E-13 : f32
    %add3A_1937 = vector.broadcast %add3A_1936 : f32 to vector<32x1xf32>
    %add3A_1938 = arith.addf %max3A_1935, %add3A_1937 : vector<32x1xf32>
    %rsqrt3A_1939 = math.rsqrt %add3A_1938 : vector<32x1xf32>
    %sub3A_1940 = vector.broadcast %mul3A_1927 : vector<32x1xf32> to vector<32x192xf32>
    %sub3A_1941 = arith.subf %add3A_1917, %sub3A_1940 : vector<32x192xf32>
    %mul3A_1942 = vector.broadcast %rsqrt3A_1939 : vector<32x1xf32> to vector<32x192xf32>
    %mul3A_1943 = vector.broadcast %get3A_29 : vector<1x192xf32> to vector<32x192xf32>
    %mul3A_1944 = arith.mulf %mul3A_1942, %mul3A_1943 : vector<32x192xf32>
    %mul3A_1945 = arith.mulf %sub3A_1941, %mul3A_1944 : vector<32x192xf32>
    %add3A_1946 = vector.broadcast %get3A_32 : vector<1x192xf32> to vector<32x192xf32>
    %add3A_1947 = arith.addf %mul3A_1945, %add3A_1946 : vector<32x192xf32>
    %broadcast_in_dim3A_1948 = arith.constant 0.000000e+00 : f32
    %broadcast_in_dim3A_1949 = vector.broadcast %broadcast_in_dim3A_1948 : f32 to vector<32x192xf32>
    %swap3A_1950 = arith.constant 0 : index
    %swap3A_1951 = arith.constant 2048 : index
    %swap3A_1952 = arith.constant 0 : index
    %swap3A_1953 = vector.load %arg9[%swap3A_1950, %swap3A_1951, %swap3A_1952] : memref<1x4096x192xf32, #tpu.memory_space<vmem>>, vector<1x32x192xf32>
    %swap3A_1954 = vector.shape_cast %swap3A_1953 : vector<1x32x192xf32> to vector<32x192xf32>
    %swap3A_1955 = vector.shape_cast %broadcast_in_dim3A_1949 : vector<32x192xf32> to vector<1x32x192xf32>
    tpu.vector_store %arg9[%swap3A_1950, %swap3A_1951, %swap3A_1952], %swap3A_1955 {strides = array<i32>} : memref<1x4096x192xf32, #tpu.memory_space<vmem>>, vector<1x32x192xf32>,
    %swap3A_1956 = arith.constant 0 : index
    %swap3A_1957 = arith.constant 2080 : index
    %swap3A_1958 = arith.constant 0 : index
    %swap3A_1959 = vector.load %arg9[%swap3A_1956, %swap3A_1957, %swap3A_1958] : memref<1x4096x192xf32, #tpu.memory_space<vmem>>, vector<1x32x192xf32>
    %swap3A_1960 = vector.shape_cast %swap3A_1959 : vector<1x32x192xf32> to vector<32x192xf32>
    %swap3A_1961 = vector.shape_cast %add3A_1947 : vector<32x192xf32> to vector<1x32x192xf32>
    tpu.vector_store %arg9[%swap3A_1956, %swap3A_1957, %swap3A_1958], %swap3A_1961 {strides = array<i32>} : memref<1x4096x192xf32, #tpu.memory_space<vmem>>, vector<1x32x192xf32>,
    %get3A_1962 = arith.constant 0 : index
    %get3A_1963 = arith.constant 1584 : index
    %get3A_1964 = arith.constant 0 : index
    %get3A_1965 = vector.load %arg1[%get3A_1962, %get3A_1963, %get3A_1964] : memref<1x2080x192xf32, #tpu.memory_space<vmem>>, vector<1x31x192xf32>
    %get3A_1966 = vector.shape_cast %get3A_1965 : vector<1x31x192xf32> to vector<31x192xf32>
    %slice3A_1967 = vector.extract_strided_slice %add3A_11 {offsets = [33, 0], sizes = [31, 192], strides = [1, 1]} : vector<64x192xf32> to vector<31x192xf32>
    %slice3A_1968 = vector.extract_strided_slice %add3A_26 {offsets = [33, 0], sizes = [1, 192], strides = [1, 1]} : vector<64x192xf32> to vector<1x192xf32>
    %squeeze3A_1969 = vector.shape_cast %slice3A_1968 : vector<1x192xf32> to vector<192xf32>
    %broadcast_in_dim3A_1970 = vector.shape_cast %squeeze3A_1969 : vector<192xf32> to vector<1x192xf32>
    %add3A_1971 = vector.broadcast %broadcast_in_dim3A_1970 : vector<1x192xf32> to vector<31x192xf32>
    %add3A_1972 = arith.addf %slice3A_1967, %add3A_1971 : vector<31x192xf32>
    %max3A_1973 = arith.constant 0.000000e+00 : f32
    %max3A_1974 = vector.broadcast %max3A_1973 : f32 to vector<31x192xf32>
    %max3A_1975 = arith.maximumf %add3A_1972, %max3A_1974 : vector<31x192xf32>
    %add3A_1976 = arith.addf %max3A_1975, %get3A_1966 : vector<31x192xf32>
    %reduce_sum3A_1977 = arith.constant dense<0.000000e+00> : vector<31xf32>
    %reduce_sum3A_1978 = vector.multi_reduction <add>, %add3A_1976, %reduce_sum3A_1977 [1] : vector<31x192xf32> to vector<31xf32>
    %broadcast_in_dim3A_1979 = vector.shape_cast %reduce_sum3A_1978 : vector<31xf32> to vector<31x1xf32>
    %mul3A_1980 = arith.mulf %add3A_1976, %add3A_1976 : vector<31x192xf32>
    %reduce_sum3A_1981 = arith.constant dense<0.000000e+00> : vector<31xf32>
    %reduce_sum3A_1982 = vector.multi_reduction <add>, %mul3A_1980, %reduce_sum3A_1981 [1] : vector<31x192xf32> to vector<31xf32>
    %broadcast_in_dim3A_1983 = vector.shape_cast %reduce_sum3A_1982 : vector<31xf32> to vector<31x1xf32>
    %mul3A_1984 = arith.constant 0.00520833349 : f32
    %mul3A_1985 = vector.broadcast %mul3A_1984 : f32 to vector<31x1xf32>
    %mul3A_1986 = arith.mulf %broadcast_in_dim3A_1979, %mul3A_1985 : vector<31x1xf32>
    %mul3A_1987 = arith.constant 0.00520833349 : f32
    %mul3A_1988 = vector.broadcast %mul3A_1987 : f32 to vector<31x1xf32>
    %mul3A_1989 = arith.mulf %broadcast_in_dim3A_1983, %mul3A_1988 : vector<31x1xf32>
    %mul3A_1990 = arith.mulf %mul3A_1986, %mul3A_1986 : vector<31x1xf32>
    %sub3A_1991 = arith.subf %mul3A_1989, %mul3A_1990 : vector<31x1xf32>
    %max3A_1992 = arith.constant 0.000000e+00 : f32
    %max3A_1993 = vector.broadcast %max3A_1992 : f32 to vector<31x1xf32>
    %max3A_1994 = arith.maximumf %sub3A_1991, %max3A_1993 : vector<31x1xf32>
    %add3A_1995 = arith.constant 9.99999996E-13 : f32
    %add3A_1996 = vector.broadcast %add3A_1995 : f32 to vector<31x1xf32>
    %add3A_1997 = arith.addf %max3A_1994, %add3A_1996 : vector<31x1xf32>
    %rsqrt3A_1998 = math.rsqrt %add3A_1997 : vector<31x1xf32>
    %sub3A_1999 = vector.broadcast %mul3A_1986 : vector<31x1xf32> to vector<31x192xf32>
    %sub3A_2000 = arith.subf %add3A_1976, %sub3A_1999 : vector<31x192xf32>
    %mul3A_2001 = vector.broadcast %rsqrt3A_1998 : vector<31x1xf32> to vector<31x192xf32>
    %mul3A_2002 = vector.broadcast %get3A_29 : vector<1x192xf32> to vector<31x192xf32>
    %mul3A_2003 = arith.mulf %mul3A_2001, %mul3A_2002 : vector<31x192xf32>
    %mul3A_2004 = arith.mulf %sub3A_2000, %mul3A_2003 : vector<31x192xf32>
    %add3A_2005 = vector.broadcast %get3A_32 : vector<1x192xf32> to vector<31x192xf32>
    %add3A_2006 = arith.addf %mul3A_2004, %add3A_2005 : vector<31x192xf32>
    %broadcast_in_dim3A_2007 = arith.constant 0.000000e+00 : f32
    %broadcast_in_dim3A_2008 = vector.broadcast %broadcast_in_dim3A_2007 : f32 to vector<33x192xf32>
    %swap3A_2009 = arith.constant 0 : index
    %swap3A_2010 = arith.constant 2112 : index
    %swap3A_2011 = arith.constant 0 : index
    %swap3A_2012 = vector.load %arg9[%swap3A_2009, %swap3A_2010, %swap3A_2011] : memref<1x4096x192xf32, #tpu.memory_space<vmem>>, vector<1x33x192xf32>
    %swap3A_2013 = vector.shape_cast %swap3A_2012 : vector<1x33x192xf32> to vector<33x192xf32>
    %swap3A_2014 = vector.shape_cast %broadcast_in_dim3A_2008 : vector<33x192xf32> to vector<1x33x192xf32>
    tpu.vector_store %arg9[%swap3A_2009, %swap3A_2010, %swap3A_2011], %swap3A_2014 {strides = array<i32>} : memref<1x4096x192xf32, #tpu.memory_space<vmem>>, vector<1x33x192xf32>,
    %swap3A_2015 = arith.constant 0 : index
    %swap3A_2016 = arith.constant 2145 : index
    %swap3A_2017 = arith.constant 0 : index
    %swap3A_2018 = vector.load %arg9[%swap3A_2015, %swap3A_2016, %swap3A_2017] : memref<1x4096x192xf32, #tpu.memory_space<vmem>>, vector<1x31x192xf32>
    %swap3A_2019 = vector.shape_cast %swap3A_2018 : vector<1x31x192xf32> to vector<31x192xf32>
    %swap3A_2020 = vector.shape_cast %add3A_2006 : vector<31x192xf32> to vector<1x31x192xf32>
    tpu.vector_store %arg9[%swap3A_2015, %swap3A_2016, %swap3A_2017], %swap3A_2020 {strides = array<i32>} : memref<1x4096x192xf32, #tpu.memory_space<vmem>>, vector<1x31x192xf32>,
    %get3A_2021 = arith.constant 0 : index
    %get3A_2022 = arith.constant 1615 : index
    %get3A_2023 = arith.constant 0 : index
    %get3A_2024 = vector.load %arg1[%get3A_2021, %get3A_2022, %get3A_2023] : memref<1x2080x192xf32, #tpu.memory_space<vmem>>, vector<1x30x192xf32>
    %get3A_2025 = vector.shape_cast %get3A_2024 : vector<1x30x192xf32> to vector<30x192xf32>
    %slice3A_2026 = vector.extract_strided_slice %add3A_11 {offsets = [34, 0], sizes = [30, 192], strides = [1, 1]} : vector<64x192xf32> to vector<30x192xf32>
    %slice3A_2027 = vector.extract_strided_slice %add3A_26 {offsets = [34, 0], sizes = [1, 192], strides = [1, 1]} : vector<64x192xf32> to vector<1x192xf32>
    %squeeze3A_2028 = vector.shape_cast %slice3A_2027 : vector<1x192xf32> to vector<192xf32>
    %broadcast_in_dim3A_2029 = vector.shape_cast %squeeze3A_2028 : vector<192xf32> to vector<1x192xf32>
    %add3A_2030 = vector.broadcast %broadcast_in_dim3A_2029 : vector<1x192xf32> to vector<30x192xf32>
    %add3A_2031 = arith.addf %slice3A_2026, %add3A_2030 : vector<30x192xf32>
    %max3A_2032 = arith.constant 0.000000e+00 : f32
    %max3A_2033 = vector.broadcast %max3A_2032 : f32 to vector<30x192xf32>
    %max3A_2034 = arith.maximumf %add3A_2031, %max3A_2033 : vector<30x192xf32>
    %add3A_2035 = arith.addf %max3A_2034, %get3A_2025 : vector<30x192xf32>
    %reduce_sum3A_2036 = arith.constant dense<0.000000e+00> : vector<30xf32>
    %reduce_sum3A_2037 = vector.multi_reduction <add>, %add3A_2035, %reduce_sum3A_2036 [1] : vector<30x192xf32> to vector<30xf32>
    %broadcast_in_dim3A_2038 = vector.shape_cast %reduce_sum3A_2037 : vector<30xf32> to vector<30x1xf32>
    %mul3A_2039 = arith.mulf %add3A_2035, %add3A_2035 : vector<30x192xf32>
    %reduce_sum3A_2040 = arith.constant dense<0.000000e+00> : vector<30xf32>
    %reduce_sum3A_2041 = vector.multi_reduction <add>, %mul3A_2039, %reduce_sum3A_2040 [1] : vector<30x192xf32> to vector<30xf32>
    %broadcast_in_dim3A_2042 = vector.shape_cast %reduce_sum3A_2041 : vector<30xf32> to vector<30x1xf32>
    %mul3A_2043 = arith.constant 0.00520833349 : f32
    %mul3A_2044 = vector.broadcast %mul3A_2043 : f32 to vector<30x1xf32>
    %mul3A_2045 = arith.mulf %broadcast_in_dim3A_2038, %mul3A_2044 : vector<30x1xf32>
    %mul3A_2046 = arith.constant 0.00520833349 : f32
    %mul3A_2047 = vector.broadcast %mul3A_2046 : f32 to vector<30x1xf32>
    %mul3A_2048 = arith.mulf %broadcast_in_dim3A_2042, %mul3A_2047 : vector<30x1xf32>
    %mul3A_2049 = arith.mulf %mul3A_2045, %mul3A_2045 : vector<30x1xf32>
    %sub3A_2050 = arith.subf %mul3A_2048, %mul3A_2049 : vector<30x1xf32>
    %max3A_2051 = arith.constant 0.000000e+00 : f32
    %max3A_2052 = vector.broadcast %max3A_2051 : f32 to vector<30x1xf32>
    %max3A_2053 = arith.maximumf %sub3A_2050, %max3A_2052 : vector<30x1xf32>
    %add3A_2054 = arith.constant 9.99999996E-13 : f32
    %add3A_2055 = vector.broadcast %add3A_2054 : f32 to vector<30x1xf32>
    %add3A_2056 = arith.addf %max3A_2053, %add3A_2055 : vector<30x1xf32>
    %rsqrt3A_2057 = math.rsqrt %add3A_2056 : vector<30x1xf32>
    %sub3A_2058 = vector.broadcast %mul3A_2045 : vector<30x1xf32> to vector<30x192xf32>
    %sub3A_2059 = arith.subf %add3A_2035, %sub3A_2058 : vector<30x192xf32>
    %mul3A_2060 = vector.broadcast %rsqrt3A_2057 : vector<30x1xf32> to vector<30x192xf32>
    %mul3A_2061 = vector.broadcast %get3A_29 : vector<1x192xf32> to vector<30x192xf32>
    %mul3A_2062 = arith.mulf %mul3A_2060, %mul3A_2061 : vector<30x192xf32>
    %mul3A_2063 = arith.mulf %sub3A_2059, %mul3A_2062 : vector<30x192xf32>
    %add3A_2064 = vector.broadcast %get3A_32 : vector<1x192xf32> to vector<30x192xf32>
    %add3A_2065 = arith.addf %mul3A_2063, %add3A_2064 : vector<30x192xf32>
    %broadcast_in_dim3A_2066 = arith.constant 0.000000e+00 : f32
    %broadcast_in_dim3A_2067 = vector.broadcast %broadcast_in_dim3A_2066 : f32 to vector<34x192xf32>
    %swap3A_2068 = arith.constant 0 : index
    %swap3A_2069 = arith.constant 2176 : index
    %swap3A_2070 = arith.constant 0 : index
    %swap3A_2071 = vector.load %arg9[%swap3A_2068, %swap3A_2069, %swap3A_2070] : memref<1x4096x192xf32, #tpu.memory_space<vmem>>, vector<1x34x192xf32>
    %swap3A_2072 = vector.shape_cast %swap3A_2071 : vector<1x34x192xf32> to vector<34x192xf32>
    %swap3A_2073 = vector.shape_cast %broadcast_in_dim3A_2067 : vector<34x192xf32> to vector<1x34x192xf32>
    tpu.vector_store %arg9[%swap3A_2068, %swap3A_2069, %swap3A_2070], %swap3A_2073 {strides = array<i32>} : memref<1x4096x192xf32, #tpu.memory_space<vmem>>, vector<1x34x192xf32>,
    %swap3A_2074 = arith.constant 0 : index
    %swap3A_2075 = arith.constant 2210 : index
    %swap3A_2076 = arith.constant 0 : index
    %swap3A_2077 = vector.load %arg9[%swap3A_2074, %swap3A_2075, %swap3A_2076] : memref<1x4096x192xf32, #tpu.memory_space<vmem>>, vector<1x30x192xf32>
    %swap3A_2078 = vector.shape_cast %swap3A_2077 : vector<1x30x192xf32> to vector<30x192xf32>
    %swap3A_2079 = vector.shape_cast %add3A_2065 : vector<30x192xf32> to vector<1x30x192xf32>
    tpu.vector_store %arg9[%swap3A_2074, %swap3A_2075, %swap3A_2076], %swap3A_2079 {strides = array<i32>} : memref<1x4096x192xf32, #tpu.memory_space<vmem>>, vector<1x30x192xf32>,
    %get3A_2080 = arith.constant 0 : index
    %get3A_2081 = arith.constant 1645 : index
    %get3A_2082 = arith.constant 0 : index
    %get3A_2083 = vector.load %arg1[%get3A_2080, %get3A_2081, %get3A_2082] : memref<1x2080x192xf32, #tpu.memory_space<vmem>>, vector<1x29x192xf32>
    %get3A_2084 = vector.shape_cast %get3A_2083 : vector<1x29x192xf32> to vector<29x192xf32>
    %slice3A_2085 = vector.extract_strided_slice %add3A_11 {offsets = [35, 0], sizes = [29, 192], strides = [1, 1]} : vector<64x192xf32> to vector<29x192xf32>
    %slice3A_2086 = vector.extract_strided_slice %add3A_26 {offsets = [35, 0], sizes = [1, 192], strides = [1, 1]} : vector<64x192xf32> to vector<1x192xf32>
    %squeeze3A_2087 = vector.shape_cast %slice3A_2086 : vector<1x192xf32> to vector<192xf32>
    %broadcast_in_dim3A_2088 = vector.shape_cast %squeeze3A_2087 : vector<192xf32> to vector<1x192xf32>
    %add3A_2089 = vector.broadcast %broadcast_in_dim3A_2088 : vector<1x192xf32> to vector<29x192xf32>
    %add3A_2090 = arith.addf %slice3A_2085, %add3A_2089 : vector<29x192xf32>
    %max3A_2091 = arith.constant 0.000000e+00 : f32
    %max3A_2092 = vector.broadcast %max3A_2091 : f32 to vector<29x192xf32>
    %max3A_2093 = arith.maximumf %add3A_2090, %max3A_2092 : vector<29x192xf32>
    %add3A_2094 = arith.addf %max3A_2093, %get3A_2084 : vector<29x192xf32>
    %reduce_sum3A_2095 = arith.constant dense<0.000000e+00> : vector<29xf32>
    %reduce_sum3A_2096 = vector.multi_reduction <add>, %add3A_2094, %reduce_sum3A_2095 [1] : vector<29x192xf32> to vector<29xf32>
    %broadcast_in_dim3A_2097 = vector.shape_cast %reduce_sum3A_2096 : vector<29xf32> to vector<29x1xf32>
    %mul3A_2098 = arith.mulf %add3A_2094, %add3A_2094 : vector<29x192xf32>
    %reduce_sum3A_2099 = arith.constant dense<0.000000e+00> : vector<29xf32>
    %reduce_sum3A_2100 = vector.multi_reduction <add>, %mul3A_2098, %reduce_sum3A_2099 [1] : vector<29x192xf32> to vector<29xf32>
    %broadcast_in_dim3A_2101 = vector.shape_cast %reduce_sum3A_2100 : vector<29xf32> to vector<29x1xf32>
    %mul3A_2102 = arith.constant 0.00520833349 : f32
    %mul3A_2103 = vector.broadcast %mul3A_2102 : f32 to vector<29x1xf32>
    %mul3A_2104 = arith.mulf %broadcast_in_dim3A_2097, %mul3A_2103 : vector<29x1xf32>
    %mul3A_2105 = arith.constant 0.00520833349 : f32
    %mul3A_2106 = vector.broadcast %mul3A_2105 : f32 to vector<29x1xf32>
    %mul3A_2107 = arith.mulf %broadcast_in_dim3A_2101, %mul3A_2106 : vector<29x1xf32>
    %mul3A_2108 = arith.mulf %mul3A_2104, %mul3A_2104 : vector<29x1xf32>
    %sub3A_2109 = arith.subf %mul3A_2107, %mul3A_2108 : vector<29x1xf32>
    %max3A_2110 = arith.constant 0.000000e+00 : f32
    %max3A_2111 = vector.broadcast %max3A_2110 : f32 to vector<29x1xf32>
    %max3A_2112 = arith.maximumf %sub3A_2109, %max3A_2111 : vector<29x1xf32>
    %add3A_2113 = arith.constant 9.99999996E-13 : f32
    %add3A_2114 = vector.broadcast %add3A_2113 : f32 to vector<29x1xf32>
    %add3A_2115 = arith.addf %max3A_2112, %add3A_2114 : vector<29x1xf32>
    %rsqrt3A_2116 = math.rsqrt %add3A_2115 : vector<29x1xf32>
    %sub3A_2117 = vector.broadcast %mul3A_2104 : vector<29x1xf32> to vector<29x192xf32>
    %sub3A_2118 = arith.subf %add3A_2094, %sub3A_2117 : vector<29x192xf32>
    %mul3A_2119 = vector.broadcast %rsqrt3A_2116 : vector<29x1xf32> to vector<29x192xf32>
    %mul3A_2120 = vector.broadcast %get3A_29 : vector<1x192xf32> to vector<29x192xf32>
    %mul3A_2121 = arith.mulf %mul3A_2119, %mul3A_2120 : vector<29x192xf32>
    %mul3A_2122 = arith.mulf %sub3A_2118, %mul3A_2121 : vector<29x192xf32>
    %add3A_2123 = vector.broadcast %get3A_32 : vector<1x192xf32> to vector<29x192xf32>
    %add3A_2124 = arith.addf %mul3A_2122, %add3A_2123 : vector<29x192xf32>
    %broadcast_in_dim3A_2125 = arith.constant 0.000000e+00 : f32
    %broadcast_in_dim3A_2126 = vector.broadcast %broadcast_in_dim3A_2125 : f32 to vector<35x192xf32>
    %swap3A_2127 = arith.constant 0 : index
    %swap3A_2128 = arith.constant 2240 : index
    %swap3A_2129 = arith.constant 0 : index
    %swap3A_2130 = vector.load %arg9[%swap3A_2127, %swap3A_2128, %swap3A_2129] : memref<1x4096x192xf32, #tpu.memory_space<vmem>>, vector<1x35x192xf32>
    %swap3A_2131 = vector.shape_cast %swap3A_2130 : vector<1x35x192xf32> to vector<35x192xf32>
    %swap3A_2132 = vector.shape_cast %broadcast_in_dim3A_2126 : vector<35x192xf32> to vector<1x35x192xf32>
    tpu.vector_store %arg9[%swap3A_2127, %swap3A_2128, %swap3A_2129], %swap3A_2132 {strides = array<i32>} : memref<1x4096x192xf32, #tpu.memory_space<vmem>>, vector<1x35x192xf32>,
    %swap3A_2133 = arith.constant 0 : index
    %swap3A_2134 = arith.constant 2275 : index
    %swap3A_2135 = arith.constant 0 : index
    %swap3A_2136 = vector.load %arg9[%swap3A_2133, %swap3A_2134, %swap3A_2135] : memref<1x4096x192xf32, #tpu.memory_space<vmem>>, vector<1x29x192xf32>
    %swap3A_2137 = vector.shape_cast %swap3A_2136 : vector<1x29x192xf32> to vector<29x192xf32>
    %swap3A_2138 = vector.shape_cast %add3A_2124 : vector<29x192xf32> to vector<1x29x192xf32>
    tpu.vector_store %arg9[%swap3A_2133, %swap3A_2134, %swap3A_2135], %swap3A_2138 {strides = array<i32>} : memref<1x4096x192xf32, #tpu.memory_space<vmem>>, vector<1x29x192xf32>,
    %get3A_2139 = arith.constant 0 : index
    %get3A_2140 = arith.constant 1674 : index
    %get3A_2141 = arith.constant 0 : index
    %get3A_2142 = vector.load %arg1[%get3A_2139, %get3A_2140, %get3A_2141] : memref<1x2080x192xf32, #tpu.memory_space<vmem>>, vector<1x28x192xf32>
    %get3A_2143 = vector.shape_cast %get3A_2142 : vector<1x28x192xf32> to vector<28x192xf32>
    %slice3A_2144 = vector.extract_strided_slice %add3A_11 {offsets = [36, 0], sizes = [28, 192], strides = [1, 1]} : vector<64x192xf32> to vector<28x192xf32>
    %slice3A_2145 = vector.extract_strided_slice %add3A_26 {offsets = [36, 0], sizes = [1, 192], strides = [1, 1]} : vector<64x192xf32> to vector<1x192xf32>
    %squeeze3A_2146 = vector.shape_cast %slice3A_2145 : vector<1x192xf32> to vector<192xf32>
    %broadcast_in_dim3A_2147 = vector.shape_cast %squeeze3A_2146 : vector<192xf32> to vector<1x192xf32>
    %add3A_2148 = vector.broadcast %broadcast_in_dim3A_2147 : vector<1x192xf32> to vector<28x192xf32>
    %add3A_2149 = arith.addf %slice3A_2144, %add3A_2148 : vector<28x192xf32>
    %max3A_2150 = arith.constant 0.000000e+00 : f32
    %max3A_2151 = vector.broadcast %max3A_2150 : f32 to vector<28x192xf32>
    %max3A_2152 = arith.maximumf %add3A_2149, %max3A_2151 : vector<28x192xf32>
    %add3A_2153 = arith.addf %max3A_2152, %get3A_2143 : vector<28x192xf32>
    %reduce_sum3A_2154 = arith.constant dense<0.000000e+00> : vector<28xf32>
    %reduce_sum3A_2155 = vector.multi_reduction <add>, %add3A_2153, %reduce_sum3A_2154 [1] : vector<28x192xf32> to vector<28xf32>
    %broadcast_in_dim3A_2156 = vector.shape_cast %reduce_sum3A_2155 : vector<28xf32> to vector<28x1xf32>
    %mul3A_2157 = arith.mulf %add3A_2153, %add3A_2153 : vector<28x192xf32>
    %reduce_sum3A_2158 = arith.constant dense<0.000000e+00> : vector<28xf32>
    %reduce_sum3A_2159 = vector.multi_reduction <add>, %mul3A_2157, %reduce_sum3A_2158 [1] : vector<28x192xf32> to vector<28xf32>
    %broadcast_in_dim3A_2160 = vector.shape_cast %reduce_sum3A_2159 : vector<28xf32> to vector<28x1xf32>
    %mul3A_2161 = arith.constant 0.00520833349 : f32
    %mul3A_2162 = vector.broadcast %mul3A_2161 : f32 to vector<28x1xf32>
    %mul3A_2163 = arith.mulf %broadcast_in_dim3A_2156, %mul3A_2162 : vector<28x1xf32>
    %mul3A_2164 = arith.constant 0.00520833349 : f32
    %mul3A_2165 = vector.broadcast %mul3A_2164 : f32 to vector<28x1xf32>
    %mul3A_2166 = arith.mulf %broadcast_in_dim3A_2160, %mul3A_2165 : vector<28x1xf32>
    %mul3A_2167 = arith.mulf %mul3A_2163, %mul3A_2163 : vector<28x1xf32>
    %sub3A_2168 = arith.subf %mul3A_2166, %mul3A_2167 : vector<28x1xf32>
    %max3A_2169 = arith.constant 0.000000e+00 : f32
    %max3A_2170 = vector.broadcast %max3A_2169 : f32 to vector<28x1xf32>
    %max3A_2171 = arith.maximumf %sub3A_2168, %max3A_2170 : vector<28x1xf32>
    %add3A_2172 = arith.constant 9.99999996E-13 : f32
    %add3A_2173 = vector.broadcast %add3A_2172 : f32 to vector<28x1xf32>
    %add3A_2174 = arith.addf %max3A_2171, %add3A_2173 : vector<28x1xf32>
    %rsqrt3A_2175 = math.rsqrt %add3A_2174 : vector<28x1xf32>
    %sub3A_2176 = vector.broadcast %mul3A_2163 : vector<28x1xf32> to vector<28x192xf32>
    %sub3A_2177 = arith.subf %add3A_2153, %sub3A_2176 : vector<28x192xf32>
    %mul3A_2178 = vector.broadcast %rsqrt3A_2175 : vector<28x1xf32> to vector<28x192xf32>
    %mul3A_2179 = vector.broadcast %get3A_29 : vector<1x192xf32> to vector<28x192xf32>
    %mul3A_2180 = arith.mulf %mul3A_2178, %mul3A_2179 : vector<28x192xf32>
    %mul3A_2181 = arith.mulf %sub3A_2177, %mul3A_2180 : vector<28x192xf32>
    %add3A_2182 = vector.broadcast %get3A_32 : vector<1x192xf32> to vector<28x192xf32>
    %add3A_2183 = arith.addf %mul3A_2181, %add3A_2182 : vector<28x192xf32>
    %broadcast_in_dim3A_2184 = arith.constant 0.000000e+00 : f32
    %broadcast_in_dim3A_2185 = vector.broadcast %broadcast_in_dim3A_2184 : f32 to vector<36x192xf32>
    %swap3A_2186 = arith.constant 0 : index
    %swap3A_2187 = arith.constant 2304 : index
    %swap3A_2188 = arith.constant 0 : index
    %swap3A_2189 = vector.load %arg9[%swap3A_2186, %swap3A_2187, %swap3A_2188] : memref<1x4096x192xf32, #tpu.memory_space<vmem>>, vector<1x36x192xf32>
    %swap3A_2190 = vector.shape_cast %swap3A_2189 : vector<1x36x192xf32> to vector<36x192xf32>
    %swap3A_2191 = vector.shape_cast %broadcast_in_dim3A_2185 : vector<36x192xf32> to vector<1x36x192xf32>
    tpu.vector_store %arg9[%swap3A_2186, %swap3A_2187, %swap3A_2188], %swap3A_2191 {strides = array<i32>} : memref<1x4096x192xf32, #tpu.memory_space<vmem>>, vector<1x36x192xf32>,
    %swap3A_2192 = arith.constant 0 : index
    %swap3A_2193 = arith.constant 2340 : index
    %swap3A_2194 = arith.constant 0 : index
    %swap3A_2195 = vector.load %arg9[%swap3A_2192, %swap3A_2193, %swap3A_2194] : memref<1x4096x192xf32, #tpu.memory_space<vmem>>, vector<1x28x192xf32>
    %swap3A_2196 = vector.shape_cast %swap3A_2195 : vector<1x28x192xf32> to vector<28x192xf32>
    %swap3A_2197 = vector.shape_cast %add3A_2183 : vector<28x192xf32> to vector<1x28x192xf32>
    tpu.vector_store %arg9[%swap3A_2192, %swap3A_2193, %swap3A_2194], %swap3A_2197 {strides = array<i32>} : memref<1x4096x192xf32, #tpu.memory_space<vmem>>, vector<1x28x192xf32>,
    %get3A_2198 = arith.constant 0 : index
    %get3A_2199 = arith.constant 1702 : index
    %get3A_2200 = arith.constant 0 : index
    %get3A_2201 = vector.load %arg1[%get3A_2198, %get3A_2199, %get3A_2200] : memref<1x2080x192xf32, #tpu.memory_space<vmem>>, vector<1x27x192xf32>
    %get3A_2202 = vector.shape_cast %get3A_2201 : vector<1x27x192xf32> to vector<27x192xf32>
    %slice3A_2203 = vector.extract_strided_slice %add3A_11 {offsets = [37, 0], sizes = [27, 192], strides = [1, 1]} : vector<64x192xf32> to vector<27x192xf32>
    %slice3A_2204 = vector.extract_strided_slice %add3A_26 {offsets = [37, 0], sizes = [1, 192], strides = [1, 1]} : vector<64x192xf32> to vector<1x192xf32>
    %squeeze3A_2205 = vector.shape_cast %slice3A_2204 : vector<1x192xf32> to vector<192xf32>
    %broadcast_in_dim3A_2206 = vector.shape_cast %squeeze3A_2205 : vector<192xf32> to vector<1x192xf32>
    %add3A_2207 = vector.broadcast %broadcast_in_dim3A_2206 : vector<1x192xf32> to vector<27x192xf32>
    %add3A_2208 = arith.addf %slice3A_2203, %add3A_2207 : vector<27x192xf32>
    %max3A_2209 = arith.constant 0.000000e+00 : f32
    %max3A_2210 = vector.broadcast %max3A_2209 : f32 to vector<27x192xf32>
    %max3A_2211 = arith.maximumf %add3A_2208, %max3A_2210 : vector<27x192xf32>
    %add3A_2212 = arith.addf %max3A_2211, %get3A_2202 : vector<27x192xf32>
    %reduce_sum3A_2213 = arith.constant dense<0.000000e+00> : vector<27xf32>
    %reduce_sum3A_2214 = vector.multi_reduction <add>, %add3A_2212, %reduce_sum3A_2213 [1] : vector<27x192xf32> to vector<27xf32>
    %broadcast_in_dim3A_2215 = vector.shape_cast %reduce_sum3A_2214 : vector<27xf32> to vector<27x1xf32>
    %mul3A_2216 = arith.mulf %add3A_2212, %add3A_2212 : vector<27x192xf32>
    %reduce_sum3A_2217 = arith.constant dense<0.000000e+00> : vector<27xf32>
    %reduce_sum3A_2218 = vector.multi_reduction <add>, %mul3A_2216, %reduce_sum3A_2217 [1] : vector<27x192xf32> to vector<27xf32>
    %broadcast_in_dim3A_2219 = vector.shape_cast %reduce_sum3A_2218 : vector<27xf32> to vector<27x1xf32>
    %mul3A_2220 = arith.constant 0.00520833349 : f32
    %mul3A_2221 = vector.broadcast %mul3A_2220 : f32 to vector<27x1xf32>
    %mul3A_2222 = arith.mulf %broadcast_in_dim3A_2215, %mul3A_2221 : vector<27x1xf32>
    %mul3A_2223 = arith.constant 0.00520833349 : f32
    %mul3A_2224 = vector.broadcast %mul3A_2223 : f32 to vector<27x1xf32>
    %mul3A_2225 = arith.mulf %broadcast_in_dim3A_2219, %mul3A_2224 : vector<27x1xf32>
    %mul3A_2226 = arith.mulf %mul3A_2222, %mul3A_2222 : vector<27x1xf32>
    %sub3A_2227 = arith.subf %mul3A_2225, %mul3A_2226 : vector<27x1xf32>
    %max3A_2228 = arith.constant 0.000000e+00 : f32
    %max3A_2229 = vector.broadcast %max3A_2228 : f32 to vector<27x1xf32>
    %max3A_2230 = arith.maximumf %sub3A_2227, %max3A_2229 : vector<27x1xf32>
    %add3A_2231 = arith.constant 9.99999996E-13 : f32
    %add3A_2232 = vector.broadcast %add3A_2231 : f32 to vector<27x1xf32>
    %add3A_2233 = arith.addf %max3A_2230, %add3A_2232 : vector<27x1xf32>
    %rsqrt3A_2234 = math.rsqrt %add3A_2233 : vector<27x1xf32>
    %sub3A_2235 = vector.broadcast %mul3A_2222 : vector<27x1xf32> to vector<27x192xf32>
    %sub3A_2236 = arith.subf %add3A_2212, %sub3A_2235 : vector<27x192xf32>
    %mul3A_2237 = vector.broadcast %rsqrt3A_2234 : vector<27x1xf32> to vector<27x192xf32>
    %mul3A_2238 = vector.broadcast %get3A_29 : vector<1x192xf32> to vector<27x192xf32>
    %mul3A_2239 = arith.mulf %mul3A_2237, %mul3A_2238 : vector<27x192xf32>
    %mul3A_2240 = arith.mulf %sub3A_2236, %mul3A_2239 : vector<27x192xf32>
    %add3A_2241 = vector.broadcast %get3A_32 : vector<1x192xf32> to vector<27x192xf32>
    %add3A_2242 = arith.addf %mul3A_2240, %add3A_2241 : vector<27x192xf32>
    %broadcast_in_dim3A_2243 = arith.constant 0.000000e+00 : f32
    %broadcast_in_dim3A_2244 = vector.broadcast %broadcast_in_dim3A_2243 : f32 to vector<37x192xf32>
    %swap3A_2245 = arith.constant 0 : index
    %swap3A_2246 = arith.constant 2368 : index
    %swap3A_2247 = arith.constant 0 : index
    %swap3A_2248 = vector.load %arg9[%swap3A_2245, %swap3A_2246, %swap3A_2247] : memref<1x4096x192xf32, #tpu.memory_space<vmem>>, vector<1x37x192xf32>
    %swap3A_2249 = vector.shape_cast %swap3A_2248 : vector<1x37x192xf32> to vector<37x192xf32>
    %swap3A_2250 = vector.shape_cast %broadcast_in_dim3A_2244 : vector<37x192xf32> to vector<1x37x192xf32>
    tpu.vector_store %arg9[%swap3A_2245, %swap3A_2246, %swap3A_2247], %swap3A_2250 {strides = array<i32>} : memref<1x4096x192xf32, #tpu.memory_space<vmem>>, vector<1x37x192xf32>,
    %swap3A_2251 = arith.constant 0 : index
    %swap3A_2252 = arith.constant 2405 : index
    %swap3A_2253 = arith.constant 0 : index
    %swap3A_2254 = vector.load %arg9[%swap3A_2251, %swap3A_2252, %swap3A_2253] : memref<1x4096x192xf32, #tpu.memory_space<vmem>>, vector<1x27x192xf32>
    %swap3A_2255 = vector.shape_cast %swap3A_2254 : vector<1x27x192xf32> to vector<27x192xf32>
    %swap3A_2256 = vector.shape_cast %add3A_2242 : vector<27x192xf32> to vector<1x27x192xf32>
    tpu.vector_store %arg9[%swap3A_2251, %swap3A_2252, %swap3A_2253], %swap3A_2256 {strides = array<i32>} : memref<1x4096x192xf32, #tpu.memory_space<vmem>>, vector<1x27x192xf32>,
    %get3A_2257 = arith.constant 0 : index
    %get3A_2258 = arith.constant 1729 : index
    %get3A_2259 = arith.constant 0 : index
    %get3A_2260 = vector.load %arg1[%get3A_2257, %get3A_2258, %get3A_2259] : memref<1x2080x192xf32, #tpu.memory_space<vmem>>, vector<1x26x192xf32>
    %get3A_2261 = vector.shape_cast %get3A_2260 : vector<1x26x192xf32> to vector<26x192xf32>
    %slice3A_2262 = vector.extract_strided_slice %add3A_11 {offsets = [38, 0], sizes = [26, 192], strides = [1, 1]} : vector<64x192xf32> to vector<26x192xf32>
    %slice3A_2263 = vector.extract_strided_slice %add3A_26 {offsets = [38, 0], sizes = [1, 192], strides = [1, 1]} : vector<64x192xf32> to vector<1x192xf32>
    %squeeze3A_2264 = vector.shape_cast %slice3A_2263 : vector<1x192xf32> to vector<192xf32>
    %broadcast_in_dim3A_2265 = vector.shape_cast %squeeze3A_2264 : vector<192xf32> to vector<1x192xf32>
    %add3A_2266 = vector.broadcast %broadcast_in_dim3A_2265 : vector<1x192xf32> to vector<26x192xf32>
    %add3A_2267 = arith.addf %slice3A_2262, %add3A_2266 : vector<26x192xf32>
    %max3A_2268 = arith.constant 0.000000e+00 : f32
    %max3A_2269 = vector.broadcast %max3A_2268 : f32 to vector<26x192xf32>
    %max3A_2270 = arith.maximumf %add3A_2267, %max3A_2269 : vector<26x192xf32>
    %add3A_2271 = arith.addf %max3A_2270, %get3A_2261 : vector<26x192xf32>
    %reduce_sum3A_2272 = arith.constant dense<0.000000e+00> : vector<26xf32>
    %reduce_sum3A_2273 = vector.multi_reduction <add>, %add3A_2271, %reduce_sum3A_2272 [1] : vector<26x192xf32> to vector<26xf32>
    %broadcast_in_dim3A_2274 = vector.shape_cast %reduce_sum3A_2273 : vector<26xf32> to vector<26x1xf32>
    %mul3A_2275 = arith.mulf %add3A_2271, %add3A_2271 : vector<26x192xf32>
    %reduce_sum3A_2276 = arith.constant dense<0.000000e+00> : vector<26xf32>
    %reduce_sum3A_2277 = vector.multi_reduction <add>, %mul3A_2275, %reduce_sum3A_2276 [1] : vector<26x192xf32> to vector<26xf32>
    %broadcast_in_dim3A_2278 = vector.shape_cast %reduce_sum3A_2277 : vector<26xf32> to vector<26x1xf32>
    %mul3A_2279 = arith.constant 0.00520833349 : f32
    %mul3A_2280 = vector.broadcast %mul3A_2279 : f32 to vector<26x1xf32>
    %mul3A_2281 = arith.mulf %broadcast_in_dim3A_2274, %mul3A_2280 : vector<26x1xf32>
    %mul3A_2282 = arith.constant 0.00520833349 : f32
    %mul3A_2283 = vector.broadcast %mul3A_2282 : f32 to vector<26x1xf32>
    %mul3A_2284 = arith.mulf %broadcast_in_dim3A_2278, %mul3A_2283 : vector<26x1xf32>
    %mul3A_2285 = arith.mulf %mul3A_2281, %mul3A_2281 : vector<26x1xf32>
    %sub3A_2286 = arith.subf %mul3A_2284, %mul3A_2285 : vector<26x1xf32>
    %max3A_2287 = arith.constant 0.000000e+00 : f32
    %max3A_2288 = vector.broadcast %max3A_2287 : f32 to vector<26x1xf32>
    %max3A_2289 = arith.maximumf %sub3A_2286, %max3A_2288 : vector<26x1xf32>
    %add3A_2290 = arith.constant 9.99999996E-13 : f32
    %add3A_2291 = vector.broadcast %add3A_2290 : f32 to vector<26x1xf32>
    %add3A_2292 = arith.addf %max3A_2289, %add3A_2291 : vector<26x1xf32>
    %rsqrt3A_2293 = math.rsqrt %add3A_2292 : vector<26x1xf32>
    %sub3A_2294 = vector.broadcast %mul3A_2281 : vector<26x1xf32> to vector<26x192xf32>
    %sub3A_2295 = arith.subf %add3A_2271, %sub3A_2294 : vector<26x192xf32>
    %mul3A_2296 = vector.broadcast %rsqrt3A_2293 : vector<26x1xf32> to vector<26x192xf32>
    %mul3A_2297 = vector.broadcast %get3A_29 : vector<1x192xf32> to vector<26x192xf32>
    %mul3A_2298 = arith.mulf %mul3A_2296, %mul3A_2297 : vector<26x192xf32>
    %mul3A_2299 = arith.mulf %sub3A_2295, %mul3A_2298 : vector<26x192xf32>
    %add3A_2300 = vector.broadcast %get3A_32 : vector<1x192xf32> to vector<26x192xf32>
    %add3A_2301 = arith.addf %mul3A_2299, %add3A_2300 : vector<26x192xf32>
    %broadcast_in_dim3A_2302 = arith.constant 0.000000e+00 : f32
    %broadcast_in_dim3A_2303 = vector.broadcast %broadcast_in_dim3A_2302 : f32 to vector<38x192xf32>
    %swap3A_2304 = arith.constant 0 : index
    %swap3A_2305 = arith.constant 2432 : index
    %swap3A_2306 = arith.constant 0 : index
    %swap3A_2307 = vector.load %arg9[%swap3A_2304, %swap3A_2305, %swap3A_2306] : memref<1x4096x192xf32, #tpu.memory_space<vmem>>, vector<1x38x192xf32>
    %swap3A_2308 = vector.shape_cast %swap3A_2307 : vector<1x38x192xf32> to vector<38x192xf32>
    %swap3A_2309 = vector.shape_cast %broadcast_in_dim3A_2303 : vector<38x192xf32> to vector<1x38x192xf32>
    tpu.vector_store %arg9[%swap3A_2304, %swap3A_2305, %swap3A_2306], %swap3A_2309 {strides = array<i32>} : memref<1x4096x192xf32, #tpu.memory_space<vmem>>, vector<1x38x192xf32>,
    %swap3A_2310 = arith.constant 0 : index
    %swap3A_2311 = arith.constant 2470 : index
    %swap3A_2312 = arith.constant 0 : index
    %swap3A_2313 = vector.load %arg9[%swap3A_2310, %swap3A_2311, %swap3A_2312] : memref<1x4096x192xf32, #tpu.memory_space<vmem>>, vector<1x26x192xf32>
    %swap3A_2314 = vector.shape_cast %swap3A_2313 : vector<1x26x192xf32> to vector<26x192xf32>
    %swap3A_2315 = vector.shape_cast %add3A_2301 : vector<26x192xf32> to vector<1x26x192xf32>
    tpu.vector_store %arg9[%swap3A_2310, %swap3A_2311, %swap3A_2312], %swap3A_2315 {strides = array<i32>} : memref<1x4096x192xf32, #tpu.memory_space<vmem>>, vector<1x26x192xf32>,
    %get3A_2316 = arith.constant 0 : index
    %get3A_2317 = arith.constant 1755 : index
    %get3A_2318 = arith.constant 0 : index
    %get3A_2319 = vector.load %arg1[%get3A_2316, %get3A_2317, %get3A_2318] : memref<1x2080x192xf32, #tpu.memory_space<vmem>>, vector<1x25x192xf32>
    %get3A_2320 = vector.shape_cast %get3A_2319 : vector<1x25x192xf32> to vector<25x192xf32>
    %slice3A_2321 = vector.extract_strided_slice %add3A_11 {offsets = [39, 0], sizes = [25, 192], strides = [1, 1]} : vector<64x192xf32> to vector<25x192xf32>
    %slice3A_2322 = vector.extract_strided_slice %add3A_26 {offsets = [39, 0], sizes = [1, 192], strides = [1, 1]} : vector<64x192xf32> to vector<1x192xf32>
    %squeeze3A_2323 = vector.shape_cast %slice3A_2322 : vector<1x192xf32> to vector<192xf32>
    %broadcast_in_dim3A_2324 = vector.shape_cast %squeeze3A_2323 : vector<192xf32> to vector<1x192xf32>
    %add3A_2325 = vector.broadcast %broadcast_in_dim3A_2324 : vector<1x192xf32> to vector<25x192xf32>
    %add3A_2326 = arith.addf %slice3A_2321, %add3A_2325 : vector<25x192xf32>
    %max3A_2327 = arith.constant 0.000000e+00 : f32
    %max3A_2328 = vector.broadcast %max3A_2327 : f32 to vector<25x192xf32>
    %max3A_2329 = arith.maximumf %add3A_2326, %max3A_2328 : vector<25x192xf32>
    %add3A_2330 = arith.addf %max3A_2329, %get3A_2320 : vector<25x192xf32>
    %reduce_sum3A_2331 = arith.constant dense<0.000000e+00> : vector<25xf32>
    %reduce_sum3A_2332 = vector.multi_reduction <add>, %add3A_2330, %reduce_sum3A_2331 [1] : vector<25x192xf32> to vector<25xf32>
    %broadcast_in_dim3A_2333 = vector.shape_cast %reduce_sum3A_2332 : vector<25xf32> to vector<25x1xf32>
    %mul3A_2334 = arith.mulf %add3A_2330, %add3A_2330 : vector<25x192xf32>
    %reduce_sum3A_2335 = arith.constant dense<0.000000e+00> : vector<25xf32>
    %reduce_sum3A_2336 = vector.multi_reduction <add>, %mul3A_2334, %reduce_sum3A_2335 [1] : vector<25x192xf32> to vector<25xf32>
    %broadcast_in_dim3A_2337 = vector.shape_cast %reduce_sum3A_2336 : vector<25xf32> to vector<25x1xf32>
    %mul3A_2338 = arith.constant 0.00520833349 : f32
    %mul3A_2339 = vector.broadcast %mul3A_2338 : f32 to vector<25x1xf32>
    %mul3A_2340 = arith.mulf %broadcast_in_dim3A_2333, %mul3A_2339 : vector<25x1xf32>
    %mul3A_2341 = arith.constant 0.00520833349 : f32
    %mul3A_2342 = vector.broadcast %mul3A_2341 : f32 to vector<25x1xf32>
    %mul3A_2343 = arith.mulf %broadcast_in_dim3A_2337, %mul3A_2342 : vector<25x1xf32>
    %mul3A_2344 = arith.mulf %mul3A_2340, %mul3A_2340 : vector<25x1xf32>
    %sub3A_2345 = arith.subf %mul3A_2343, %mul3A_2344 : vector<25x1xf32>
    %max3A_2346 = arith.constant 0.000000e+00 : f32
    %max3A_2347 = vector.broadcast %max3A_2346 : f32 to vector<25x1xf32>
    %max3A_2348 = arith.maximumf %sub3A_2345, %max3A_2347 : vector<25x1xf32>
    %add3A_2349 = arith.constant 9.99999996E-13 : f32
    %add3A_2350 = vector.broadcast %add3A_2349 : f32 to vector<25x1xf32>
    %add3A_2351 = arith.addf %max3A_2348, %add3A_2350 : vector<25x1xf32>
    %rsqrt3A_2352 = math.rsqrt %add3A_2351 : vector<25x1xf32>
    %sub3A_2353 = vector.broadcast %mul3A_2340 : vector<25x1xf32> to vector<25x192xf32>
    %sub3A_2354 = arith.subf %add3A_2330, %sub3A_2353 : vector<25x192xf32>
    %mul3A_2355 = vector.broadcast %rsqrt3A_2352 : vector<25x1xf32> to vector<25x192xf32>
    %mul3A_2356 = vector.broadcast %get3A_29 : vector<1x192xf32> to vector<25x192xf32>
    %mul3A_2357 = arith.mulf %mul3A_2355, %mul3A_2356 : vector<25x192xf32>
    %mul3A_2358 = arith.mulf %sub3A_2354, %mul3A_2357 : vector<25x192xf32>
    %add3A_2359 = vector.broadcast %get3A_32 : vector<1x192xf32> to vector<25x192xf32>
    %add3A_2360 = arith.addf %mul3A_2358, %add3A_2359 : vector<25x192xf32>
    %broadcast_in_dim3A_2361 = arith.constant 0.000000e+00 : f32
    %broadcast_in_dim3A_2362 = vector.broadcast %broadcast_in_dim3A_2361 : f32 to vector<39x192xf32>
    %swap3A_2363 = arith.constant 0 : index
    %swap3A_2364 = arith.constant 2496 : index
    %swap3A_2365 = arith.constant 0 : index
    %swap3A_2366 = vector.load %arg9[%swap3A_2363, %swap3A_2364, %swap3A_2365] : memref<1x4096x192xf32, #tpu.memory_space<vmem>>, vector<1x39x192xf32>
    %swap3A_2367 = vector.shape_cast %swap3A_2366 : vector<1x39x192xf32> to vector<39x192xf32>
    %swap3A_2368 = vector.shape_cast %broadcast_in_dim3A_2362 : vector<39x192xf32> to vector<1x39x192xf32>
    tpu.vector_store %arg9[%swap3A_2363, %swap3A_2364, %swap3A_2365], %swap3A_2368 {strides = array<i32>} : memref<1x4096x192xf32, #tpu.memory_space<vmem>>, vector<1x39x192xf32>,
    %swap3A_2369 = arith.constant 0 : index
    %swap3A_2370 = arith.constant 2535 : index
    %swap3A_2371 = arith.constant 0 : index
    %swap3A_2372 = vector.load %arg9[%swap3A_2369, %swap3A_2370, %swap3A_2371] : memref<1x4096x192xf32, #tpu.memory_space<vmem>>, vector<1x25x192xf32>
    %swap3A_2373 = vector.shape_cast %swap3A_2372 : vector<1x25x192xf32> to vector<25x192xf32>
    %swap3A_2374 = vector.shape_cast %add3A_2360 : vector<25x192xf32> to vector<1x25x192xf32>
    tpu.vector_store %arg9[%swap3A_2369, %swap3A_2370, %swap3A_2371], %swap3A_2374 {strides = array<i32>} : memref<1x4096x192xf32, #tpu.memory_space<vmem>>, vector<1x25x192xf32>,
    %get3A_2375 = arith.constant 0 : index
    %get3A_2376 = arith.constant 1780 : index
    %get3A_2377 = arith.constant 0 : index
    %get3A_2378 = vector.load %arg1[%get3A_2375, %get3A_2376, %get3A_2377] : memref<1x2080x192xf32, #tpu.memory_space<vmem>>, vector<1x24x192xf32>
    %get3A_2379 = vector.shape_cast %get3A_2378 : vector<1x24x192xf32> to vector<24x192xf32>
    %slice3A_2380 = vector.extract_strided_slice %add3A_11 {offsets = [40, 0], sizes = [24, 192], strides = [1, 1]} : vector<64x192xf32> to vector<24x192xf32>
    %slice3A_2381 = vector.extract_strided_slice %add3A_26 {offsets = [40, 0], sizes = [1, 192], strides = [1, 1]} : vector<64x192xf32> to vector<1x192xf32>
    %squeeze3A_2382 = vector.shape_cast %slice3A_2381 : vector<1x192xf32> to vector<192xf32>
    %broadcast_in_dim3A_2383 = vector.shape_cast %squeeze3A_2382 : vector<192xf32> to vector<1x192xf32>
    %add3A_2384 = vector.broadcast %broadcast_in_dim3A_2383 : vector<1x192xf32> to vector<24x192xf32>
    %add3A_2385 = arith.addf %slice3A_2380, %add3A_2384 : vector<24x192xf32>
    %max3A_2386 = arith.constant 0.000000e+00 : f32
    %max3A_2387 = vector.broadcast %max3A_2386 : f32 to vector<24x192xf32>
    %max3A_2388 = arith.maximumf %add3A_2385, %max3A_2387 : vector<24x192xf32>
    %add3A_2389 = arith.addf %max3A_2388, %get3A_2379 : vector<24x192xf32>
    %reduce_sum3A_2390 = arith.constant dense<0.000000e+00> : vector<24xf32>
    %reduce_sum3A_2391 = vector.multi_reduction <add>, %add3A_2389, %reduce_sum3A_2390 [1] : vector<24x192xf32> to vector<24xf32>
    %broadcast_in_dim3A_2392 = vector.shape_cast %reduce_sum3A_2391 : vector<24xf32> to vector<24x1xf32>
    %mul3A_2393 = arith.mulf %add3A_2389, %add3A_2389 : vector<24x192xf32>
    %reduce_sum3A_2394 = arith.constant dense<0.000000e+00> : vector<24xf32>
    %reduce_sum3A_2395 = vector.multi_reduction <add>, %mul3A_2393, %reduce_sum3A_2394 [1] : vector<24x192xf32> to vector<24xf32>
    %broadcast_in_dim3A_2396 = vector.shape_cast %reduce_sum3A_2395 : vector<24xf32> to vector<24x1xf32>
    %mul3A_2397 = arith.constant 0.00520833349 : f32
    %mul3A_2398 = vector.broadcast %mul3A_2397 : f32 to vector<24x1xf32>
    %mul3A_2399 = arith.mulf %broadcast_in_dim3A_2392, %mul3A_2398 : vector<24x1xf32>
    %mul3A_2400 = arith.constant 0.00520833349 : f32
    %mul3A_2401 = vector.broadcast %mul3A_2400 : f32 to vector<24x1xf32>
    %mul3A_2402 = arith.mulf %broadcast_in_dim3A_2396, %mul3A_2401 : vector<24x1xf32>
    %mul3A_2403 = arith.mulf %mul3A_2399, %mul3A_2399 : vector<24x1xf32>
    %sub3A_2404 = arith.subf %mul3A_2402, %mul3A_2403 : vector<24x1xf32>
    %max3A_2405 = arith.constant 0.000000e+00 : f32
    %max3A_2406 = vector.broadcast %max3A_2405 : f32 to vector<24x1xf32>
    %max3A_2407 = arith.maximumf %sub3A_2404, %max3A_2406 : vector<24x1xf32>
    %add3A_2408 = arith.constant 9.99999996E-13 : f32
    %add3A_2409 = vector.broadcast %add3A_2408 : f32 to vector<24x1xf32>
    %add3A_2410 = arith.addf %max3A_2407, %add3A_2409 : vector<24x1xf32>
    %rsqrt3A_2411 = math.rsqrt %add3A_2410 : vector<24x1xf32>
    %sub3A_2412 = vector.broadcast %mul3A_2399 : vector<24x1xf32> to vector<24x192xf32>
    %sub3A_2413 = arith.subf %add3A_2389, %sub3A_2412 : vector<24x192xf32>
    %mul3A_2414 = vector.broadcast %rsqrt3A_2411 : vector<24x1xf32> to vector<24x192xf32>
    %mul3A_2415 = vector.broadcast %get3A_29 : vector<1x192xf32> to vector<24x192xf32>
    %mul3A_2416 = arith.mulf %mul3A_2414, %mul3A_2415 : vector<24x192xf32>
    %mul3A_2417 = arith.mulf %sub3A_2413, %mul3A_2416 : vector<24x192xf32>
    %add3A_2418 = vector.broadcast %get3A_32 : vector<1x192xf32> to vector<24x192xf32>
    %add3A_2419 = arith.addf %mul3A_2417, %add3A_2418 : vector<24x192xf32>
    %broadcast_in_dim3A_2420 = arith.constant 0.000000e+00 : f32
    %broadcast_in_dim3A_2421 = vector.broadcast %broadcast_in_dim3A_2420 : f32 to vector<40x192xf32>
    %swap3A_2422 = arith.constant 0 : index
    %swap3A_2423 = arith.constant 2560 : index
    %swap3A_2424 = arith.constant 0 : index
    %swap3A_2425 = vector.load %arg9[%swap3A_2422, %swap3A_2423, %swap3A_2424] : memref<1x4096x192xf32, #tpu.memory_space<vmem>>, vector<1x40x192xf32>
    %swap3A_2426 = vector.shape_cast %swap3A_2425 : vector<1x40x192xf32> to vector<40x192xf32>
    %swap3A_2427 = vector.shape_cast %broadcast_in_dim3A_2421 : vector<40x192xf32> to vector<1x40x192xf32>
    tpu.vector_store %arg9[%swap3A_2422, %swap3A_2423, %swap3A_2424], %swap3A_2427 {strides = array<i32>} : memref<1x4096x192xf32, #tpu.memory_space<vmem>>, vector<1x40x192xf32>,
    %swap3A_2428 = arith.constant 0 : index
    %swap3A_2429 = arith.constant 2600 : index
    %swap3A_2430 = arith.constant 0 : index
    %swap3A_2431 = vector.load %arg9[%swap3A_2428, %swap3A_2429, %swap3A_2430] : memref<1x4096x192xf32, #tpu.memory_space<vmem>>, vector<1x24x192xf32>
    %swap3A_2432 = vector.shape_cast %swap3A_2431 : vector<1x24x192xf32> to vector<24x192xf32>
    %swap3A_2433 = vector.shape_cast %add3A_2419 : vector<24x192xf32> to vector<1x24x192xf32>
    tpu.vector_store %arg9[%swap3A_2428, %swap3A_2429, %swap3A_2430], %swap3A_2433 {strides = array<i32>} : memref<1x4096x192xf32, #tpu.memory_space<vmem>>, vector<1x24x192xf32>,
    %get3A_2434 = arith.constant 0 : index
    %get3A_2435 = arith.constant 1804 : index
    %get3A_2436 = arith.constant 0 : index
    %get3A_2437 = vector.load %arg1[%get3A_2434, %get3A_2435, %get3A_2436] : memref<1x2080x192xf32, #tpu.memory_space<vmem>>, vector<1x23x192xf32>
    %get3A_2438 = vector.shape_cast %get3A_2437 : vector<1x23x192xf32> to vector<23x192xf32>
    %slice3A_2439 = vector.extract_strided_slice %add3A_11 {offsets = [41, 0], sizes = [23, 192], strides = [1, 1]} : vector<64x192xf32> to vector<23x192xf32>
    %slice3A_2440 = vector.extract_strided_slice %add3A_26 {offsets = [41, 0], sizes = [1, 192], strides = [1, 1]} : vector<64x192xf32> to vector<1x192xf32>
    %squeeze3A_2441 = vector.shape_cast %slice3A_2440 : vector<1x192xf32> to vector<192xf32>
    %broadcast_in_dim3A_2442 = vector.shape_cast %squeeze3A_2441 : vector<192xf32> to vector<1x192xf32>
    %add3A_2443 = vector.broadcast %broadcast_in_dim3A_2442 : vector<1x192xf32> to vector<23x192xf32>
    %add3A_2444 = arith.addf %slice3A_2439, %add3A_2443 : vector<23x192xf32>
    %max3A_2445 = arith.constant 0.000000e+00 : f32
    %max3A_2446 = vector.broadcast %max3A_2445 : f32 to vector<23x192xf32>
    %max3A_2447 = arith.maximumf %add3A_2444, %max3A_2446 : vector<23x192xf32>
    %add3A_2448 = arith.addf %max3A_2447, %get3A_2438 : vector<23x192xf32>
    %reduce_sum3A_2449 = arith.constant dense<0.000000e+00> : vector<23xf32>
    %reduce_sum3A_2450 = vector.multi_reduction <add>, %add3A_2448, %reduce_sum3A_2449 [1] : vector<23x192xf32> to vector<23xf32>
    %broadcast_in_dim3A_2451 = vector.shape_cast %reduce_sum3A_2450 : vector<23xf32> to vector<23x1xf32>
    %mul3A_2452 = arith.mulf %add3A_2448, %add3A_2448 : vector<23x192xf32>
    %reduce_sum3A_2453 = arith.constant dense<0.000000e+00> : vector<23xf32>
    %reduce_sum3A_2454 = vector.multi_reduction <add>, %mul3A_2452, %reduce_sum3A_2453 [1] : vector<23x192xf32> to vector<23xf32>
    %broadcast_in_dim3A_2455 = vector.shape_cast %reduce_sum3A_2454 : vector<23xf32> to vector<23x1xf32>
    %mul3A_2456 = arith.constant 0.00520833349 : f32
    %mul3A_2457 = vector.broadcast %mul3A_2456 : f32 to vector<23x1xf32>
    %mul3A_2458 = arith.mulf %broadcast_in_dim3A_2451, %mul3A_2457 : vector<23x1xf32>
    %mul3A_2459 = arith.constant 0.00520833349 : f32
    %mul3A_2460 = vector.broadcast %mul3A_2459 : f32 to vector<23x1xf32>
    %mul3A_2461 = arith.mulf %broadcast_in_dim3A_2455, %mul3A_2460 : vector<23x1xf32>
    %mul3A_2462 = arith.mulf %mul3A_2458, %mul3A_2458 : vector<23x1xf32>
    %sub3A_2463 = arith.subf %mul3A_2461, %mul3A_2462 : vector<23x1xf32>
    %max3A_2464 = arith.constant 0.000000e+00 : f32
    %max3A_2465 = vector.broadcast %max3A_2464 : f32 to vector<23x1xf32>
    %max3A_2466 = arith.maximumf %sub3A_2463, %max3A_2465 : vector<23x1xf32>
    %add3A_2467 = arith.constant 9.99999996E-13 : f32
    %add3A_2468 = vector.broadcast %add3A_2467 : f32 to vector<23x1xf32>
    %add3A_2469 = arith.addf %max3A_2466, %add3A_2468 : vector<23x1xf32>
    %rsqrt3A_2470 = math.rsqrt %add3A_2469 : vector<23x1xf32>
    %sub3A_2471 = vector.broadcast %mul3A_2458 : vector<23x1xf32> to vector<23x192xf32>
    %sub3A_2472 = arith.subf %add3A_2448, %sub3A_2471 : vector<23x192xf32>
    %mul3A_2473 = vector.broadcast %rsqrt3A_2470 : vector<23x1xf32> to vector<23x192xf32>
    %mul3A_2474 = vector.broadcast %get3A_29 : vector<1x192xf32> to vector<23x192xf32>
    %mul3A_2475 = arith.mulf %mul3A_2473, %mul3A_2474 : vector<23x192xf32>
    %mul3A_2476 = arith.mulf %sub3A_2472, %mul3A_2475 : vector<23x192xf32>
    %add3A_2477 = vector.broadcast %get3A_32 : vector<1x192xf32> to vector<23x192xf32>
    %add3A_2478 = arith.addf %mul3A_2476, %add3A_2477 : vector<23x192xf32>
    %broadcast_in_dim3A_2479 = arith.constant 0.000000e+00 : f32
    %broadcast_in_dim3A_2480 = vector.broadcast %broadcast_in_dim3A_2479 : f32 to vector<41x192xf32>
    %swap3A_2481 = arith.constant 0 : index
    %swap3A_2482 = arith.constant 2624 : index
    %swap3A_2483 = arith.constant 0 : index
    %swap3A_2484 = vector.load %arg9[%swap3A_2481, %swap3A_2482, %swap3A_2483] : memref<1x4096x192xf32, #tpu.memory_space<vmem>>, vector<1x41x192xf32>
    %swap3A_2485 = vector.shape_cast %swap3A_2484 : vector<1x41x192xf32> to vector<41x192xf32>
    %swap3A_2486 = vector.shape_cast %broadcast_in_dim3A_2480 : vector<41x192xf32> to vector<1x41x192xf32>
    tpu.vector_store %arg9[%swap3A_2481, %swap3A_2482, %swap3A_2483], %swap3A_2486 {strides = array<i32>} : memref<1x4096x192xf32, #tpu.memory_space<vmem>>, vector<1x41x192xf32>,
    %swap3A_2487 = arith.constant 0 : index
    %swap3A_2488 = arith.constant 2665 : index
    %swap3A_2489 = arith.constant 0 : index
    %swap3A_2490 = vector.load %arg9[%swap3A_2487, %swap3A_2488, %swap3A_2489] : memref<1x4096x192xf32, #tpu.memory_space<vmem>>, vector<1x23x192xf32>
    %swap3A_2491 = vector.shape_cast %swap3A_2490 : vector<1x23x192xf32> to vector<23x192xf32>
    %swap3A_2492 = vector.shape_cast %add3A_2478 : vector<23x192xf32> to vector<1x23x192xf32>
    tpu.vector_store %arg9[%swap3A_2487, %swap3A_2488, %swap3A_2489], %swap3A_2492 {strides = array<i32>} : memref<1x4096x192xf32, #tpu.memory_space<vmem>>, vector<1x23x192xf32>,
    %get3A_2493 = arith.constant 0 : index
    %get3A_2494 = arith.constant 1827 : index
    %get3A_2495 = arith.constant 0 : index
    %get3A_2496 = vector.load %arg1[%get3A_2493, %get3A_2494, %get3A_2495] : memref<1x2080x192xf32, #tpu.memory_space<vmem>>, vector<1x22x192xf32>
    %get3A_2497 = vector.shape_cast %get3A_2496 : vector<1x22x192xf32> to vector<22x192xf32>
    %slice3A_2498 = vector.extract_strided_slice %add3A_11 {offsets = [42, 0], sizes = [22, 192], strides = [1, 1]} : vector<64x192xf32> to vector<22x192xf32>
    %slice3A_2499 = vector.extract_strided_slice %add3A_26 {offsets = [42, 0], sizes = [1, 192], strides = [1, 1]} : vector<64x192xf32> to vector<1x192xf32>
    %squeeze3A_2500 = vector.shape_cast %slice3A_2499 : vector<1x192xf32> to vector<192xf32>
    %broadcast_in_dim3A_2501 = vector.shape_cast %squeeze3A_2500 : vector<192xf32> to vector<1x192xf32>
    %add3A_2502 = vector.broadcast %broadcast_in_dim3A_2501 : vector<1x192xf32> to vector<22x192xf32>
    %add3A_2503 = arith.addf %slice3A_2498, %add3A_2502 : vector<22x192xf32>
    %max3A_2504 = arith.constant 0.000000e+00 : f32
    %max3A_2505 = vector.broadcast %max3A_2504 : f32 to vector<22x192xf32>
    %max3A_2506 = arith.maximumf %add3A_2503, %max3A_2505 : vector<22x192xf32>
    %add3A_2507 = arith.addf %max3A_2506, %get3A_2497 : vector<22x192xf32>
    %reduce_sum3A_2508 = arith.constant dense<0.000000e+00> : vector<22xf32>
    %reduce_sum3A_2509 = vector.multi_reduction <add>, %add3A_2507, %reduce_sum3A_2508 [1] : vector<22x192xf32> to vector<22xf32>
    %broadcast_in_dim3A_2510 = vector.shape_cast %reduce_sum3A_2509 : vector<22xf32> to vector<22x1xf32>
    %mul3A_2511 = arith.mulf %add3A_2507, %add3A_2507 : vector<22x192xf32>
    %reduce_sum3A_2512 = arith.constant dense<0.000000e+00> : vector<22xf32>
    %reduce_sum3A_2513 = vector.multi_reduction <add>, %mul3A_2511, %reduce_sum3A_2512 [1] : vector<22x192xf32> to vector<22xf32>
    %broadcast_in_dim3A_2514 = vector.shape_cast %reduce_sum3A_2513 : vector<22xf32> to vector<22x1xf32>
    %mul3A_2515 = arith.constant 0.00520833349 : f32
    %mul3A_2516 = vector.broadcast %mul3A_2515 : f32 to vector<22x1xf32>
    %mul3A_2517 = arith.mulf %broadcast_in_dim3A_2510, %mul3A_2516 : vector<22x1xf32>
    %mul3A_2518 = arith.constant 0.00520833349 : f32
    %mul3A_2519 = vector.broadcast %mul3A_2518 : f32 to vector<22x1xf32>
    %mul3A_2520 = arith.mulf %broadcast_in_dim3A_2514, %mul3A_2519 : vector<22x1xf32>
    %mul3A_2521 = arith.mulf %mul3A_2517, %mul3A_2517 : vector<22x1xf32>
    %sub3A_2522 = arith.subf %mul3A_2520, %mul3A_2521 : vector<22x1xf32>
    %max3A_2523 = arith.constant 0.000000e+00 : f32
    %max3A_2524 = vector.broadcast %max3A_2523 : f32 to vector<22x1xf32>
    %max3A_2525 = arith.maximumf %sub3A_2522, %max3A_2524 : vector<22x1xf32>
    %add3A_2526 = arith.constant 9.99999996E-13 : f32
    %add3A_2527 = vector.broadcast %add3A_2526 : f32 to vector<22x1xf32>
    %add3A_2528 = arith.addf %max3A_2525, %add3A_2527 : vector<22x1xf32>
    %rsqrt3A_2529 = math.rsqrt %add3A_2528 : vector<22x1xf32>
    %sub3A_2530 = vector.broadcast %mul3A_2517 : vector<22x1xf32> to vector<22x192xf32>
    %sub3A_2531 = arith.subf %add3A_2507, %sub3A_2530 : vector<22x192xf32>
    %mul3A_2532 = vector.broadcast %rsqrt3A_2529 : vector<22x1xf32> to vector<22x192xf32>
    %mul3A_2533 = vector.broadcast %get3A_29 : vector<1x192xf32> to vector<22x192xf32>
    %mul3A_2534 = arith.mulf %mul3A_2532, %mul3A_2533 : vector<22x192xf32>
    %mul3A_2535 = arith.mulf %sub3A_2531, %mul3A_2534 : vector<22x192xf32>
    %add3A_2536 = vector.broadcast %get3A_32 : vector<1x192xf32> to vector<22x192xf32>
    %add3A_2537 = arith.addf %mul3A_2535, %add3A_2536 : vector<22x192xf32>
    %broadcast_in_dim3A_2538 = arith.constant 0.000000e+00 : f32
    %broadcast_in_dim3A_2539 = vector.broadcast %broadcast_in_dim3A_2538 : f32 to vector<42x192xf32>
    %swap3A_2540 = arith.constant 0 : index
    %swap3A_2541 = arith.constant 2688 : index
    %swap3A_2542 = arith.constant 0 : index
    %swap3A_2543 = vector.load %arg9[%swap3A_2540, %swap3A_2541, %swap3A_2542] : memref<1x4096x192xf32, #tpu.memory_space<vmem>>, vector<1x42x192xf32>
    %swap3A_2544 = vector.shape_cast %swap3A_2543 : vector<1x42x192xf32> to vector<42x192xf32>
    %swap3A_2545 = vector.shape_cast %broadcast_in_dim3A_2539 : vector<42x192xf32> to vector<1x42x192xf32>
    tpu.vector_store %arg9[%swap3A_2540, %swap3A_2541, %swap3A_2542], %swap3A_2545 {strides = array<i32>} : memref<1x4096x192xf32, #tpu.memory_space<vmem>>, vector<1x42x192xf32>,
    %swap3A_2546 = arith.constant 0 : index
    %swap3A_2547 = arith.constant 2730 : index
    %swap3A_2548 = arith.constant 0 : index
    %swap3A_2549 = vector.load %arg9[%swap3A_2546, %swap3A_2547, %swap3A_2548] : memref<1x4096x192xf32, #tpu.memory_space<vmem>>, vector<1x22x192xf32>
    %swap3A_2550 = vector.shape_cast %swap3A_2549 : vector<1x22x192xf32> to vector<22x192xf32>
    %swap3A_2551 = vector.shape_cast %add3A_2537 : vector<22x192xf32> to vector<1x22x192xf32>
    tpu.vector_store %arg9[%swap3A_2546, %swap3A_2547, %swap3A_2548], %swap3A_2551 {strides = array<i32>} : memref<1x4096x192xf32, #tpu.memory_space<vmem>>, vector<1x22x192xf32>,
    %get3A_2552 = arith.constant 0 : index
    %get3A_2553 = arith.constant 1849 : index
    %get3A_2554 = arith.constant 0 : index
    %get3A_2555 = vector.load %arg1[%get3A_2552, %get3A_2553, %get3A_2554] : memref<1x2080x192xf32, #tpu.memory_space<vmem>>, vector<1x21x192xf32>
    %get3A_2556 = vector.shape_cast %get3A_2555 : vector<1x21x192xf32> to vector<21x192xf32>
    %slice3A_2557 = vector.extract_strided_slice %add3A_11 {offsets = [43, 0], sizes = [21, 192], strides = [1, 1]} : vector<64x192xf32> to vector<21x192xf32>
    %slice3A_2558 = vector.extract_strided_slice %add3A_26 {offsets = [43, 0], sizes = [1, 192], strides = [1, 1]} : vector<64x192xf32> to vector<1x192xf32>
    %squeeze3A_2559 = vector.shape_cast %slice3A_2558 : vector<1x192xf32> to vector<192xf32>
    %broadcast_in_dim3A_2560 = vector.shape_cast %squeeze3A_2559 : vector<192xf32> to vector<1x192xf32>
    %add3A_2561 = vector.broadcast %broadcast_in_dim3A_2560 : vector<1x192xf32> to vector<21x192xf32>
    %add3A_2562 = arith.addf %slice3A_2557, %add3A_2561 : vector<21x192xf32>
    %max3A_2563 = arith.constant 0.000000e+00 : f32
    %max3A_2564 = vector.broadcast %max3A_2563 : f32 to vector<21x192xf32>
    %max3A_2565 = arith.maximumf %add3A_2562, %max3A_2564 : vector<21x192xf32>
    %add3A_2566 = arith.addf %max3A_2565, %get3A_2556 : vector<21x192xf32>
    %reduce_sum3A_2567 = arith.constant dense<0.000000e+00> : vector<21xf32>
    %reduce_sum3A_2568 = vector.multi_reduction <add>, %add3A_2566, %reduce_sum3A_2567 [1] : vector<21x192xf32> to vector<21xf32>
    %broadcast_in_dim3A_2569 = vector.shape_cast %reduce_sum3A_2568 : vector<21xf32> to vector<21x1xf32>
    %mul3A_2570 = arith.mulf %add3A_2566, %add3A_2566 : vector<21x192xf32>
    %reduce_sum3A_2571 = arith.constant dense<0.000000e+00> : vector<21xf32>
    %reduce_sum3A_2572 = vector.multi_reduction <add>, %mul3A_2570, %reduce_sum3A_2571 [1] : vector<21x192xf32> to vector<21xf32>
    %broadcast_in_dim3A_2573 = vector.shape_cast %reduce_sum3A_2572 : vector<21xf32> to vector<21x1xf32>
    %mul3A_2574 = arith.constant 0.00520833349 : f32
    %mul3A_2575 = vector.broadcast %mul3A_2574 : f32 to vector<21x1xf32>
    %mul3A_2576 = arith.mulf %broadcast_in_dim3A_2569, %mul3A_2575 : vector<21x1xf32>
    %mul3A_2577 = arith.constant 0.00520833349 : f32
    %mul3A_2578 = vector.broadcast %mul3A_2577 : f32 to vector<21x1xf32>
    %mul3A_2579 = arith.mulf %broadcast_in_dim3A_2573, %mul3A_2578 : vector<21x1xf32>
    %mul3A_2580 = arith.mulf %mul3A_2576, %mul3A_2576 : vector<21x1xf32>
    %sub3A_2581 = arith.subf %mul3A_2579, %mul3A_2580 : vector<21x1xf32>
    %max3A_2582 = arith.constant 0.000000e+00 : f32
    %max3A_2583 = vector.broadcast %max3A_2582 : f32 to vector<21x1xf32>
    %max3A_2584 = arith.maximumf %sub3A_2581, %max3A_2583 : vector<21x1xf32>
    %add3A_2585 = arith.constant 9.99999996E-13 : f32
    %add3A_2586 = vector.broadcast %add3A_2585 : f32 to vector<21x1xf32>
    %add3A_2587 = arith.addf %max3A_2584, %add3A_2586 : vector<21x1xf32>
    %rsqrt3A_2588 = math.rsqrt %add3A_2587 : vector<21x1xf32>
    %sub3A_2589 = vector.broadcast %mul3A_2576 : vector<21x1xf32> to vector<21x192xf32>
    %sub3A_2590 = arith.subf %add3A_2566, %sub3A_2589 : vector<21x192xf32>
    %mul3A_2591 = vector.broadcast %rsqrt3A_2588 : vector<21x1xf32> to vector<21x192xf32>
    %mul3A_2592 = vector.broadcast %get3A_29 : vector<1x192xf32> to vector<21x192xf32>
    %mul3A_2593 = arith.mulf %mul3A_2591, %mul3A_2592 : vector<21x192xf32>
    %mul3A_2594 = arith.mulf %sub3A_2590, %mul3A_2593 : vector<21x192xf32>
    %add3A_2595 = vector.broadcast %get3A_32 : vector<1x192xf32> to vector<21x192xf32>
    %add3A_2596 = arith.addf %mul3A_2594, %add3A_2595 : vector<21x192xf32>
    %broadcast_in_dim3A_2597 = arith.constant 0.000000e+00 : f32
    %broadcast_in_dim3A_2598 = vector.broadcast %broadcast_in_dim3A_2597 : f32 to vector<43x192xf32>
    %swap3A_2599 = arith.constant 0 : index
    %swap3A_2600 = arith.constant 2752 : index
    %swap3A_2601 = arith.constant 0 : index
    %swap3A_2602 = vector.load %arg9[%swap3A_2599, %swap3A_2600, %swap3A_2601] : memref<1x4096x192xf32, #tpu.memory_space<vmem>>, vector<1x43x192xf32>
    %swap3A_2603 = vector.shape_cast %swap3A_2602 : vector<1x43x192xf32> to vector<43x192xf32>
    %swap3A_2604 = vector.shape_cast %broadcast_in_dim3A_2598 : vector<43x192xf32> to vector<1x43x192xf32>
    tpu.vector_store %arg9[%swap3A_2599, %swap3A_2600, %swap3A_2601], %swap3A_2604 {strides = array<i32>} : memref<1x4096x192xf32, #tpu.memory_space<vmem>>, vector<1x43x192xf32>,
    %swap3A_2605 = arith.constant 0 : index
    %swap3A_2606 = arith.constant 2795 : index
    %swap3A_2607 = arith.constant 0 : index
    %swap3A_2608 = vector.load %arg9[%swap3A_2605, %swap3A_2606, %swap3A_2607] : memref<1x4096x192xf32, #tpu.memory_space<vmem>>, vector<1x21x192xf32>
    %swap3A_2609 = vector.shape_cast %swap3A_2608 : vector<1x21x192xf32> to vector<21x192xf32>
    %swap3A_2610 = vector.shape_cast %add3A_2596 : vector<21x192xf32> to vector<1x21x192xf32>
    tpu.vector_store %arg9[%swap3A_2605, %swap3A_2606, %swap3A_2607], %swap3A_2610 {strides = array<i32>} : memref<1x4096x192xf32, #tpu.memory_space<vmem>>, vector<1x21x192xf32>,
    %get3A_2611 = arith.constant 0 : index
    %get3A_2612 = arith.constant 1870 : index
    %get3A_2613 = arith.constant 0 : index
    %get3A_2614 = vector.load %arg1[%get3A_2611, %get3A_2612, %get3A_2613] : memref<1x2080x192xf32, #tpu.memory_space<vmem>>, vector<1x20x192xf32>
    %get3A_2615 = vector.shape_cast %get3A_2614 : vector<1x20x192xf32> to vector<20x192xf32>
    %slice3A_2616 = vector.extract_strided_slice %add3A_11 {offsets = [44, 0], sizes = [20, 192], strides = [1, 1]} : vector<64x192xf32> to vector<20x192xf32>
    %slice3A_2617 = vector.extract_strided_slice %add3A_26 {offsets = [44, 0], sizes = [1, 192], strides = [1, 1]} : vector<64x192xf32> to vector<1x192xf32>
    %squeeze3A_2618 = vector.shape_cast %slice3A_2617 : vector<1x192xf32> to vector<192xf32>
    %broadcast_in_dim3A_2619 = vector.shape_cast %squeeze3A_2618 : vector<192xf32> to vector<1x192xf32>
    %add3A_2620 = vector.broadcast %broadcast_in_dim3A_2619 : vector<1x192xf32> to vector<20x192xf32>
    %add3A_2621 = arith.addf %slice3A_2616, %add3A_2620 : vector<20x192xf32>
    %max3A_2622 = arith.constant 0.000000e+00 : f32
    %max3A_2623 = vector.broadcast %max3A_2622 : f32 to vector<20x192xf32>
    %max3A_2624 = arith.maximumf %add3A_2621, %max3A_2623 : vector<20x192xf32>
    %add3A_2625 = arith.addf %max3A_2624, %get3A_2615 : vector<20x192xf32>
    %reduce_sum3A_2626 = arith.constant dense<0.000000e+00> : vector<20xf32>
    %reduce_sum3A_2627 = vector.multi_reduction <add>, %add3A_2625, %reduce_sum3A_2626 [1] : vector<20x192xf32> to vector<20xf32>
    %broadcast_in_dim3A_2628 = vector.shape_cast %reduce_sum3A_2627 : vector<20xf32> to vector<20x1xf32>
    %mul3A_2629 = arith.mulf %add3A_2625, %add3A_2625 : vector<20x192xf32>
    %reduce_sum3A_2630 = arith.constant dense<0.000000e+00> : vector<20xf32>
    %reduce_sum3A_2631 = vector.multi_reduction <add>, %mul3A_2629, %reduce_sum3A_2630 [1] : vector<20x192xf32> to vector<20xf32>
    %broadcast_in_dim3A_2632 = vector.shape_cast %reduce_sum3A_2631 : vector<20xf32> to vector<20x1xf32>
    %mul3A_2633 = arith.constant 0.00520833349 : f32
    %mul3A_2634 = vector.broadcast %mul3A_2633 : f32 to vector<20x1xf32>
    %mul3A_2635 = arith.mulf %broadcast_in_dim3A_2628, %mul3A_2634 : vector<20x1xf32>
    %mul3A_2636 = arith.constant 0.00520833349 : f32
    %mul3A_2637 = vector.broadcast %mul3A_2636 : f32 to vector<20x1xf32>
    %mul3A_2638 = arith.mulf %broadcast_in_dim3A_2632, %mul3A_2637 : vector<20x1xf32>
    %mul3A_2639 = arith.mulf %mul3A_2635, %mul3A_2635 : vector<20x1xf32>
    %sub3A_2640 = arith.subf %mul3A_2638, %mul3A_2639 : vector<20x1xf32>
    %max3A_2641 = arith.constant 0.000000e+00 : f32
    %max3A_2642 = vector.broadcast %max3A_2641 : f32 to vector<20x1xf32>
    %max3A_2643 = arith.maximumf %sub3A_2640, %max3A_2642 : vector<20x1xf32>
    %add3A_2644 = arith.constant 9.99999996E-13 : f32
    %add3A_2645 = vector.broadcast %add3A_2644 : f32 to vector<20x1xf32>
    %add3A_2646 = arith.addf %max3A_2643, %add3A_2645 : vector<20x1xf32>
    %rsqrt3A_2647 = math.rsqrt %add3A_2646 : vector<20x1xf32>
    %sub3A_2648 = vector.broadcast %mul3A_2635 : vector<20x1xf32> to vector<20x192xf32>
    %sub3A_2649 = arith.subf %add3A_2625, %sub3A_2648 : vector<20x192xf32>
    %mul3A_2650 = vector.broadcast %rsqrt3A_2647 : vector<20x1xf32> to vector<20x192xf32>
    %mul3A_2651 = vector.broadcast %get3A_29 : vector<1x192xf32> to vector<20x192xf32>
    %mul3A_2652 = arith.mulf %mul3A_2650, %mul3A_2651 : vector<20x192xf32>
    %mul3A_2653 = arith.mulf %sub3A_2649, %mul3A_2652 : vector<20x192xf32>
    %add3A_2654 = vector.broadcast %get3A_32 : vector<1x192xf32> to vector<20x192xf32>
    %add3A_2655 = arith.addf %mul3A_2653, %add3A_2654 : vector<20x192xf32>
    %broadcast_in_dim3A_2656 = arith.constant 0.000000e+00 : f32
    %broadcast_in_dim3A_2657 = vector.broadcast %broadcast_in_dim3A_2656 : f32 to vector<44x192xf32>
    %swap3A_2658 = arith.constant 0 : index
    %swap3A_2659 = arith.constant 2816 : index
    %swap3A_2660 = arith.constant 0 : index
    %swap3A_2661 = vector.load %arg9[%swap3A_2658, %swap3A_2659, %swap3A_2660] : memref<1x4096x192xf32, #tpu.memory_space<vmem>>, vector<1x44x192xf32>
    %swap3A_2662 = vector.shape_cast %swap3A_2661 : vector<1x44x192xf32> to vector<44x192xf32>
    %swap3A_2663 = vector.shape_cast %broadcast_in_dim3A_2657 : vector<44x192xf32> to vector<1x44x192xf32>
    tpu.vector_store %arg9[%swap3A_2658, %swap3A_2659, %swap3A_2660], %swap3A_2663 {strides = array<i32>} : memref<1x4096x192xf32, #tpu.memory_space<vmem>>, vector<1x44x192xf32>,
    %swap3A_2664 = arith.constant 0 : index
    %swap3A_2665 = arith.constant 2860 : index
    %swap3A_2666 = arith.constant 0 : index
    %swap3A_2667 = vector.load %arg9[%swap3A_2664, %swap3A_2665, %swap3A_2666] : memref<1x4096x192xf32, #tpu.memory_space<vmem>>, vector<1x20x192xf32>
    %swap3A_2668 = vector.shape_cast %swap3A_2667 : vector<1x20x192xf32> to vector<20x192xf32>
    %swap3A_2669 = vector.shape_cast %add3A_2655 : vector<20x192xf32> to vector<1x20x192xf32>
    tpu.vector_store %arg9[%swap3A_2664, %swap3A_2665, %swap3A_2666], %swap3A_2669 {strides = array<i32>} : memref<1x4096x192xf32, #tpu.memory_space<vmem>>, vector<1x20x192xf32>,
    %get3A_2670 = arith.constant 0 : index
    %get3A_2671 = arith.constant 1890 : index
    %get3A_2672 = arith.constant 0 : index
    %get3A_2673 = vector.load %arg1[%get3A_2670, %get3A_2671, %get3A_2672] : memref<1x2080x192xf32, #tpu.memory_space<vmem>>, vector<1x19x192xf32>
    %get3A_2674 = vector.shape_cast %get3A_2673 : vector<1x19x192xf32> to vector<19x192xf32>
    %slice3A_2675 = vector.extract_strided_slice %add3A_11 {offsets = [45, 0], sizes = [19, 192], strides = [1, 1]} : vector<64x192xf32> to vector<19x192xf32>
    %slice3A_2676 = vector.extract_strided_slice %add3A_26 {offsets = [45, 0], sizes = [1, 192], strides = [1, 1]} : vector<64x192xf32> to vector<1x192xf32>
    %squeeze3A_2677 = vector.shape_cast %slice3A_2676 : vector<1x192xf32> to vector<192xf32>
    %broadcast_in_dim3A_2678 = vector.shape_cast %squeeze3A_2677 : vector<192xf32> to vector<1x192xf32>
    %add3A_2679 = vector.broadcast %broadcast_in_dim3A_2678 : vector<1x192xf32> to vector<19x192xf32>
    %add3A_2680 = arith.addf %slice3A_2675, %add3A_2679 : vector<19x192xf32>
    %max3A_2681 = arith.constant 0.000000e+00 : f32
    %max3A_2682 = vector.broadcast %max3A_2681 : f32 to vector<19x192xf32>
    %max3A_2683 = arith.maximumf %add3A_2680, %max3A_2682 : vector<19x192xf32>
    %add3A_2684 = arith.addf %max3A_2683, %get3A_2674 : vector<19x192xf32>
    %reduce_sum3A_2685 = arith.constant dense<0.000000e+00> : vector<19xf32>
    %reduce_sum3A_2686 = vector.multi_reduction <add>, %add3A_2684, %reduce_sum3A_2685 [1] : vector<19x192xf32> to vector<19xf32>
    %broadcast_in_dim3A_2687 = vector.shape_cast %reduce_sum3A_2686 : vector<19xf32> to vector<19x1xf32>
    %mul3A_2688 = arith.mulf %add3A_2684, %add3A_2684 : vector<19x192xf32>
    %reduce_sum3A_2689 = arith.constant dense<0.000000e+00> : vector<19xf32>
    %reduce_sum3A_2690 = vector.multi_reduction <add>, %mul3A_2688, %reduce_sum3A_2689 [1] : vector<19x192xf32> to vector<19xf32>
    %broadcast_in_dim3A_2691 = vector.shape_cast %reduce_sum3A_2690 : vector<19xf32> to vector<19x1xf32>
    %mul3A_2692 = arith.constant 0.00520833349 : f32
    %mul3A_2693 = vector.broadcast %mul3A_2692 : f32 to vector<19x1xf32>
    %mul3A_2694 = arith.mulf %broadcast_in_dim3A_2687, %mul3A_2693 : vector<19x1xf32>
    %mul3A_2695 = arith.constant 0.00520833349 : f32
    %mul3A_2696 = vector.broadcast %mul3A_2695 : f32 to vector<19x1xf32>
    %mul3A_2697 = arith.mulf %broadcast_in_dim3A_2691, %mul3A_2696 : vector<19x1xf32>
    %mul3A_2698 = arith.mulf %mul3A_2694, %mul3A_2694 : vector<19x1xf32>
    %sub3A_2699 = arith.subf %mul3A_2697, %mul3A_2698 : vector<19x1xf32>
    %max3A_2700 = arith.constant 0.000000e+00 : f32
    %max3A_2701 = vector.broadcast %max3A_2700 : f32 to vector<19x1xf32>
    %max3A_2702 = arith.maximumf %sub3A_2699, %max3A_2701 : vector<19x1xf32>
    %add3A_2703 = arith.constant 9.99999996E-13 : f32
    %add3A_2704 = vector.broadcast %add3A_2703 : f32 to vector<19x1xf32>
    %add3A_2705 = arith.addf %max3A_2702, %add3A_2704 : vector<19x1xf32>
    %rsqrt3A_2706 = math.rsqrt %add3A_2705 : vector<19x1xf32>
    %sub3A_2707 = vector.broadcast %mul3A_2694 : vector<19x1xf32> to vector<19x192xf32>
    %sub3A_2708 = arith.subf %add3A_2684, %sub3A_2707 : vector<19x192xf32>
    %mul3A_2709 = vector.broadcast %rsqrt3A_2706 : vector<19x1xf32> to vector<19x192xf32>
    %mul3A_2710 = vector.broadcast %get3A_29 : vector<1x192xf32> to vector<19x192xf32>
    %mul3A_2711 = arith.mulf %mul3A_2709, %mul3A_2710 : vector<19x192xf32>
    %mul3A_2712 = arith.mulf %sub3A_2708, %mul3A_2711 : vector<19x192xf32>
    %add3A_2713 = vector.broadcast %get3A_32 : vector<1x192xf32> to vector<19x192xf32>
    %add3A_2714 = arith.addf %mul3A_2712, %add3A_2713 : vector<19x192xf32>
    %broadcast_in_dim3A_2715 = arith.constant 0.000000e+00 : f32
    %broadcast_in_dim3A_2716 = vector.broadcast %broadcast_in_dim3A_2715 : f32 to vector<45x192xf32>
    %swap3A_2717 = arith.constant 0 : index
    %swap3A_2718 = arith.constant 2880 : index
    %swap3A_2719 = arith.constant 0 : index
    %swap3A_2720 = vector.load %arg9[%swap3A_2717, %swap3A_2718, %swap3A_2719] : memref<1x4096x192xf32, #tpu.memory_space<vmem>>, vector<1x45x192xf32>
    %swap3A_2721 = vector.shape_cast %swap3A_2720 : vector<1x45x192xf32> to vector<45x192xf32>
    %swap3A_2722 = vector.shape_cast %broadcast_in_dim3A_2716 : vector<45x192xf32> to vector<1x45x192xf32>
    tpu.vector_store %arg9[%swap3A_2717, %swap3A_2718, %swap3A_2719], %swap3A_2722 {strides = array<i32>} : memref<1x4096x192xf32, #tpu.memory_space<vmem>>, vector<1x45x192xf32>,
    %swap3A_2723 = arith.constant 0 : index
    %swap3A_2724 = arith.constant 2925 : index
    %swap3A_2725 = arith.constant 0 : index
    %swap3A_2726 = vector.load %arg9[%swap3A_2723, %swap3A_2724, %swap3A_2725] : memref<1x4096x192xf32, #tpu.memory_space<vmem>>, vector<1x19x192xf32>
    %swap3A_2727 = vector.shape_cast %swap3A_2726 : vector<1x19x192xf32> to vector<19x192xf32>
    %swap3A_2728 = vector.shape_cast %add3A_2714 : vector<19x192xf32> to vector<1x19x192xf32>
    tpu.vector_store %arg9[%swap3A_2723, %swap3A_2724, %swap3A_2725], %swap3A_2728 {strides = array<i32>} : memref<1x4096x192xf32, #tpu.memory_space<vmem>>, vector<1x19x192xf32>,
    %get3A_2729 = arith.constant 0 : index
    %get3A_2730 = arith.constant 1909 : index
    %get3A_2731 = arith.constant 0 : index
    %get3A_2732 = vector.load %arg1[%get3A_2729, %get3A_2730, %get3A_2731] : memref<1x2080x192xf32, #tpu.memory_space<vmem>>, vector<1x18x192xf32>
    %get3A_2733 = vector.shape_cast %get3A_2732 : vector<1x18x192xf32> to vector<18x192xf32>
    %slice3A_2734 = vector.extract_strided_slice %add3A_11 {offsets = [46, 0], sizes = [18, 192], strides = [1, 1]} : vector<64x192xf32> to vector<18x192xf32>
    %slice3A_2735 = vector.extract_strided_slice %add3A_26 {offsets = [46, 0], sizes = [1, 192], strides = [1, 1]} : vector<64x192xf32> to vector<1x192xf32>
    %squeeze3A_2736 = vector.shape_cast %slice3A_2735 : vector<1x192xf32> to vector<192xf32>
    %broadcast_in_dim3A_2737 = vector.shape_cast %squeeze3A_2736 : vector<192xf32> to vector<1x192xf32>
    %add3A_2738 = vector.broadcast %broadcast_in_dim3A_2737 : vector<1x192xf32> to vector<18x192xf32>
    %add3A_2739 = arith.addf %slice3A_2734, %add3A_2738 : vector<18x192xf32>
    %max3A_2740 = arith.constant 0.000000e+00 : f32
    %max3A_2741 = vector.broadcast %max3A_2740 : f32 to vector<18x192xf32>
    %max3A_2742 = arith.maximumf %add3A_2739, %max3A_2741 : vector<18x192xf32>
    %add3A_2743 = arith.addf %max3A_2742, %get3A_2733 : vector<18x192xf32>
    %reduce_sum3A_2744 = arith.constant dense<0.000000e+00> : vector<18xf32>
    %reduce_sum3A_2745 = vector.multi_reduction <add>, %add3A_2743, %reduce_sum3A_2744 [1] : vector<18x192xf32> to vector<18xf32>
    %broadcast_in_dim3A_2746 = vector.shape_cast %reduce_sum3A_2745 : vector<18xf32> to vector<18x1xf32>
    %mul3A_2747 = arith.mulf %add3A_2743, %add3A_2743 : vector<18x192xf32>
    %reduce_sum3A_2748 = arith.constant dense<0.000000e+00> : vector<18xf32>
    %reduce_sum3A_2749 = vector.multi_reduction <add>, %mul3A_2747, %reduce_sum3A_2748 [1] : vector<18x192xf32> to vector<18xf32>
    %broadcast_in_dim3A_2750 = vector.shape_cast %reduce_sum3A_2749 : vector<18xf32> to vector<18x1xf32>
    %mul3A_2751 = arith.constant 0.00520833349 : f32
    %mul3A_2752 = vector.broadcast %mul3A_2751 : f32 to vector<18x1xf32>
    %mul3A_2753 = arith.mulf %broadcast_in_dim3A_2746, %mul3A_2752 : vector<18x1xf32>
    %mul3A_2754 = arith.constant 0.00520833349 : f32
    %mul3A_2755 = vector.broadcast %mul3A_2754 : f32 to vector<18x1xf32>
    %mul3A_2756 = arith.mulf %broadcast_in_dim3A_2750, %mul3A_2755 : vector<18x1xf32>
    %mul3A_2757 = arith.mulf %mul3A_2753, %mul3A_2753 : vector<18x1xf32>
    %sub3A_2758 = arith.subf %mul3A_2756, %mul3A_2757 : vector<18x1xf32>
    %max3A_2759 = arith.constant 0.000000e+00 : f32
    %max3A_2760 = vector.broadcast %max3A_2759 : f32 to vector<18x1xf32>
    %max3A_2761 = arith.maximumf %sub3A_2758, %max3A_2760 : vector<18x1xf32>
    %add3A_2762 = arith.constant 9.99999996E-13 : f32
    %add3A_2763 = vector.broadcast %add3A_2762 : f32 to vector<18x1xf32>
    %add3A_2764 = arith.addf %max3A_2761, %add3A_2763 : vector<18x1xf32>
    %rsqrt3A_2765 = math.rsqrt %add3A_2764 : vector<18x1xf32>
    %sub3A_2766 = vector.broadcast %mul3A_2753 : vector<18x1xf32> to vector<18x192xf32>
    %sub3A_2767 = arith.subf %add3A_2743, %sub3A_2766 : vector<18x192xf32>
    %mul3A_2768 = vector.broadcast %rsqrt3A_2765 : vector<18x1xf32> to vector<18x192xf32>
    %mul3A_2769 = vector.broadcast %get3A_29 : vector<1x192xf32> to vector<18x192xf32>
    %mul3A_2770 = arith.mulf %mul3A_2768, %mul3A_2769 : vector<18x192xf32>
    %mul3A_2771 = arith.mulf %sub3A_2767, %mul3A_2770 : vector<18x192xf32>
    %add3A_2772 = vector.broadcast %get3A_32 : vector<1x192xf32> to vector<18x192xf32>
    %add3A_2773 = arith.addf %mul3A_2771, %add3A_2772 : vector<18x192xf32>
    %broadcast_in_dim3A_2774 = arith.constant 0.000000e+00 : f32
    %broadcast_in_dim3A_2775 = vector.broadcast %broadcast_in_dim3A_2774 : f32 to vector<46x192xf32>
    %swap3A_2776 = arith.constant 0 : index
    %swap3A_2777 = arith.constant 2944 : index
    %swap3A_2778 = arith.constant 0 : index
    %swap3A_2779 = vector.load %arg9[%swap3A_2776, %swap3A_2777, %swap3A_2778] : memref<1x4096x192xf32, #tpu.memory_space<vmem>>, vector<1x46x192xf32>
    %swap3A_2780 = vector.shape_cast %swap3A_2779 : vector<1x46x192xf32> to vector<46x192xf32>
    %swap3A_2781 = vector.shape_cast %broadcast_in_dim3A_2775 : vector<46x192xf32> to vector<1x46x192xf32>
    tpu.vector_store %arg9[%swap3A_2776, %swap3A_2777, %swap3A_2778], %swap3A_2781 {strides = array<i32>} : memref<1x4096x192xf32, #tpu.memory_space<vmem>>, vector<1x46x192xf32>,
    %swap3A_2782 = arith.constant 0 : index
    %swap3A_2783 = arith.constant 2990 : index
    %swap3A_2784 = arith.constant 0 : index
    %swap3A_2785 = vector.load %arg9[%swap3A_2782, %swap3A_2783, %swap3A_2784] : memref<1x4096x192xf32, #tpu.memory_space<vmem>>, vector<1x18x192xf32>
    %swap3A_2786 = vector.shape_cast %swap3A_2785 : vector<1x18x192xf32> to vector<18x192xf32>
    %swap3A_2787 = vector.shape_cast %add3A_2773 : vector<18x192xf32> to vector<1x18x192xf32>
    tpu.vector_store %arg9[%swap3A_2782, %swap3A_2783, %swap3A_2784], %swap3A_2787 {strides = array<i32>} : memref<1x4096x192xf32, #tpu.memory_space<vmem>>, vector<1x18x192xf32>,
    %get3A_2788 = arith.constant 0 : index
    %get3A_2789 = arith.constant 1927 : index
    %get3A_2790 = arith.constant 0 : index
    %get3A_2791 = vector.load %arg1[%get3A_2788, %get3A_2789, %get3A_2790] : memref<1x2080x192xf32, #tpu.memory_space<vmem>>, vector<1x17x192xf32>
    %get3A_2792 = vector.shape_cast %get3A_2791 : vector<1x17x192xf32> to vector<17x192xf32>
    %slice3A_2793 = vector.extract_strided_slice %add3A_11 {offsets = [47, 0], sizes = [17, 192], strides = [1, 1]} : vector<64x192xf32> to vector<17x192xf32>
    %slice3A_2794 = vector.extract_strided_slice %add3A_26 {offsets = [47, 0], sizes = [1, 192], strides = [1, 1]} : vector<64x192xf32> to vector<1x192xf32>
    %squeeze3A_2795 = vector.shape_cast %slice3A_2794 : vector<1x192xf32> to vector<192xf32>
    %broadcast_in_dim3A_2796 = vector.shape_cast %squeeze3A_2795 : vector<192xf32> to vector<1x192xf32>
    %add3A_2797 = vector.broadcast %broadcast_in_dim3A_2796 : vector<1x192xf32> to vector<17x192xf32>
    %add3A_2798 = arith.addf %slice3A_2793, %add3A_2797 : vector<17x192xf32>
    %max3A_2799 = arith.constant 0.000000e+00 : f32
    %max3A_2800 = vector.broadcast %max3A_2799 : f32 to vector<17x192xf32>
    %max3A_2801 = arith.maximumf %add3A_2798, %max3A_2800 : vector<17x192xf32>
    %add3A_2802 = arith.addf %max3A_2801, %get3A_2792 : vector<17x192xf32>
    %reduce_sum3A_2803 = arith.constant dense<0.000000e+00> : vector<17xf32>
    %reduce_sum3A_2804 = vector.multi_reduction <add>, %add3A_2802, %reduce_sum3A_2803 [1] : vector<17x192xf32> to vector<17xf32>
    %broadcast_in_dim3A_2805 = vector.shape_cast %reduce_sum3A_2804 : vector<17xf32> to vector<17x1xf32>
    %mul3A_2806 = arith.mulf %add3A_2802, %add3A_2802 : vector<17x192xf32>
    %reduce_sum3A_2807 = arith.constant dense<0.000000e+00> : vector<17xf32>
    %reduce_sum3A_2808 = vector.multi_reduction <add>, %mul3A_2806, %reduce_sum3A_2807 [1] : vector<17x192xf32> to vector<17xf32>
    %broadcast_in_dim3A_2809 = vector.shape_cast %reduce_sum3A_2808 : vector<17xf32> to vector<17x1xf32>
    %mul3A_2810 = arith.constant 0.00520833349 : f32
    %mul3A_2811 = vector.broadcast %mul3A_2810 : f32 to vector<17x1xf32>
    %mul3A_2812 = arith.mulf %broadcast_in_dim3A_2805, %mul3A_2811 : vector<17x1xf32>
    %mul3A_2813 = arith.constant 0.00520833349 : f32
    %mul3A_2814 = vector.broadcast %mul3A_2813 : f32 to vector<17x1xf32>
    %mul3A_2815 = arith.mulf %broadcast_in_dim3A_2809, %mul3A_2814 : vector<17x1xf32>
    %mul3A_2816 = arith.mulf %mul3A_2812, %mul3A_2812 : vector<17x1xf32>
    %sub3A_2817 = arith.subf %mul3A_2815, %mul3A_2816 : vector<17x1xf32>
    %max3A_2818 = arith.constant 0.000000e+00 : f32
    %max3A_2819 = vector.broadcast %max3A_2818 : f32 to vector<17x1xf32>
    %max3A_2820 = arith.maximumf %sub3A_2817, %max3A_2819 : vector<17x1xf32>
    %add3A_2821 = arith.constant 9.99999996E-13 : f32
    %add3A_2822 = vector.broadcast %add3A_2821 : f32 to vector<17x1xf32>
    %add3A_2823 = arith.addf %max3A_2820, %add3A_2822 : vector<17x1xf32>
    %rsqrt3A_2824 = math.rsqrt %add3A_2823 : vector<17x1xf32>
    %sub3A_2825 = vector.broadcast %mul3A_2812 : vector<17x1xf32> to vector<17x192xf32>
    %sub3A_2826 = arith.subf %add3A_2802, %sub3A_2825 : vector<17x192xf32>
    %mul3A_2827 = vector.broadcast %rsqrt3A_2824 : vector<17x1xf32> to vector<17x192xf32>
    %mul3A_2828 = vector.broadcast %get3A_29 : vector<1x192xf32> to vector<17x192xf32>
    %mul3A_2829 = arith.mulf %mul3A_2827, %mul3A_2828 : vector<17x192xf32>
    %mul3A_2830 = arith.mulf %sub3A_2826, %mul3A_2829 : vector<17x192xf32>
    %add3A_2831 = vector.broadcast %get3A_32 : vector<1x192xf32> to vector<17x192xf32>
    %add3A_2832 = arith.addf %mul3A_2830, %add3A_2831 : vector<17x192xf32>
    %broadcast_in_dim3A_2833 = arith.constant 0.000000e+00 : f32
    %broadcast_in_dim3A_2834 = vector.broadcast %broadcast_in_dim3A_2833 : f32 to vector<47x192xf32>
    %swap3A_2835 = arith.constant 0 : index
    %swap3A_2836 = arith.constant 3008 : index
    %swap3A_2837 = arith.constant 0 : index
    %swap3A_2838 = vector.load %arg9[%swap3A_2835, %swap3A_2836, %swap3A_2837] : memref<1x4096x192xf32, #tpu.memory_space<vmem>>, vector<1x47x192xf32>
    %swap3A_2839 = vector.shape_cast %swap3A_2838 : vector<1x47x192xf32> to vector<47x192xf32>
    %swap3A_2840 = vector.shape_cast %broadcast_in_dim3A_2834 : vector<47x192xf32> to vector<1x47x192xf32>
    tpu.vector_store %arg9[%swap3A_2835, %swap3A_2836, %swap3A_2837], %swap3A_2840 {strides = array<i32>} : memref<1x4096x192xf32, #tpu.memory_space<vmem>>, vector<1x47x192xf32>,
    %swap3A_2841 = arith.constant 0 : index
    %swap3A_2842 = arith.constant 3055 : index
    %swap3A_2843 = arith.constant 0 : index
    %swap3A_2844 = vector.load %arg9[%swap3A_2841, %swap3A_2842, %swap3A_2843] : memref<1x4096x192xf32, #tpu.memory_space<vmem>>, vector<1x17x192xf32>
    %swap3A_2845 = vector.shape_cast %swap3A_2844 : vector<1x17x192xf32> to vector<17x192xf32>
    %swap3A_2846 = vector.shape_cast %add3A_2832 : vector<17x192xf32> to vector<1x17x192xf32>
    tpu.vector_store %arg9[%swap3A_2841, %swap3A_2842, %swap3A_2843], %swap3A_2846 {strides = array<i32>} : memref<1x4096x192xf32, #tpu.memory_space<vmem>>, vector<1x17x192xf32>,
    %get3A_2847 = arith.constant 0 : index
    %get3A_2848 = arith.constant 1944 : index
    %get3A_2849 = arith.constant 0 : index
    %get3A_2850 = vector.load %arg1[%get3A_2847, %get3A_2848, %get3A_2849] : memref<1x2080x192xf32, #tpu.memory_space<vmem>>, vector<1x16x192xf32>
    %get3A_2851 = vector.shape_cast %get3A_2850 : vector<1x16x192xf32> to vector<16x192xf32>
    %slice3A_2852 = vector.extract_strided_slice %add3A_11 {offsets = [48, 0], sizes = [16, 192], strides = [1, 1]} : vector<64x192xf32> to vector<16x192xf32>
    %slice3A_2853 = vector.extract_strided_slice %add3A_26 {offsets = [48, 0], sizes = [1, 192], strides = [1, 1]} : vector<64x192xf32> to vector<1x192xf32>
    %squeeze3A_2854 = vector.shape_cast %slice3A_2853 : vector<1x192xf32> to vector<192xf32>
    %broadcast_in_dim3A_2855 = vector.shape_cast %squeeze3A_2854 : vector<192xf32> to vector<1x192xf32>
    %add3A_2856 = vector.broadcast %broadcast_in_dim3A_2855 : vector<1x192xf32> to vector<16x192xf32>
    %add3A_2857 = arith.addf %slice3A_2852, %add3A_2856 : vector<16x192xf32>
    %max3A_2858 = arith.constant 0.000000e+00 : f32
    %max3A_2859 = vector.broadcast %max3A_2858 : f32 to vector<16x192xf32>
    %max3A_2860 = arith.maximumf %add3A_2857, %max3A_2859 : vector<16x192xf32>
    %add3A_2861 = arith.addf %max3A_2860, %get3A_2851 : vector<16x192xf32>
    %reduce_sum3A_2862 = arith.constant dense<0.000000e+00> : vector<16xf32>
    %reduce_sum3A_2863 = vector.multi_reduction <add>, %add3A_2861, %reduce_sum3A_2862 [1] : vector<16x192xf32> to vector<16xf32>
    %broadcast_in_dim3A_2864 = vector.shape_cast %reduce_sum3A_2863 : vector<16xf32> to vector<16x1xf32>
    %mul3A_2865 = arith.mulf %add3A_2861, %add3A_2861 : vector<16x192xf32>
    %reduce_sum3A_2866 = arith.constant dense<0.000000e+00> : vector<16xf32>
    %reduce_sum3A_2867 = vector.multi_reduction <add>, %mul3A_2865, %reduce_sum3A_2866 [1] : vector<16x192xf32> to vector<16xf32>
    %broadcast_in_dim3A_2868 = vector.shape_cast %reduce_sum3A_2867 : vector<16xf32> to vector<16x1xf32>
    %mul3A_2869 = arith.constant 0.00520833349 : f32
    %mul3A_2870 = vector.broadcast %mul3A_2869 : f32 to vector<16x1xf32>
    %mul3A_2871 = arith.mulf %broadcast_in_dim3A_2864, %mul3A_2870 : vector<16x1xf32>
    %mul3A_2872 = arith.constant 0.00520833349 : f32
    %mul3A_2873 = vector.broadcast %mul3A_2872 : f32 to vector<16x1xf32>
    %mul3A_2874 = arith.mulf %broadcast_in_dim3A_2868, %mul3A_2873 : vector<16x1xf32>
    %mul3A_2875 = arith.mulf %mul3A_2871, %mul3A_2871 : vector<16x1xf32>
    %sub3A_2876 = arith.subf %mul3A_2874, %mul3A_2875 : vector<16x1xf32>
    %max3A_2877 = arith.constant 0.000000e+00 : f32
    %max3A_2878 = vector.broadcast %max3A_2877 : f32 to vector<16x1xf32>
    %max3A_2879 = arith.maximumf %sub3A_2876, %max3A_2878 : vector<16x1xf32>
    %add3A_2880 = arith.constant 9.99999996E-13 : f32
    %add3A_2881 = vector.broadcast %add3A_2880 : f32 to vector<16x1xf32>
    %add3A_2882 = arith.addf %max3A_2879, %add3A_2881 : vector<16x1xf32>
    %rsqrt3A_2883 = math.rsqrt %add3A_2882 : vector<16x1xf32>
    %sub3A_2884 = vector.broadcast %mul3A_2871 : vector<16x1xf32> to vector<16x192xf32>
    %sub3A_2885 = arith.subf %add3A_2861, %sub3A_2884 : vector<16x192xf32>
    %mul3A_2886 = vector.broadcast %rsqrt3A_2883 : vector<16x1xf32> to vector<16x192xf32>
    %mul3A_2887 = vector.broadcast %get3A_29 : vector<1x192xf32> to vector<16x192xf32>
    %mul3A_2888 = arith.mulf %mul3A_2886, %mul3A_2887 : vector<16x192xf32>
    %mul3A_2889 = arith.mulf %sub3A_2885, %mul3A_2888 : vector<16x192xf32>
    %add3A_2890 = vector.broadcast %get3A_32 : vector<1x192xf32> to vector<16x192xf32>
    %add3A_2891 = arith.addf %mul3A_2889, %add3A_2890 : vector<16x192xf32>
    %broadcast_in_dim3A_2892 = arith.constant 0.000000e+00 : f32
    %broadcast_in_dim3A_2893 = vector.broadcast %broadcast_in_dim3A_2892 : f32 to vector<48x192xf32>
    %swap3A_2894 = arith.constant 0 : index
    %swap3A_2895 = arith.constant 3072 : index
    %swap3A_2896 = arith.constant 0 : index
    %swap3A_2897 = vector.load %arg9[%swap3A_2894, %swap3A_2895, %swap3A_2896] : memref<1x4096x192xf32, #tpu.memory_space<vmem>>, vector<1x48x192xf32>
    %swap3A_2898 = vector.shape_cast %swap3A_2897 : vector<1x48x192xf32> to vector<48x192xf32>
    %swap3A_2899 = vector.shape_cast %broadcast_in_dim3A_2893 : vector<48x192xf32> to vector<1x48x192xf32>
    tpu.vector_store %arg9[%swap3A_2894, %swap3A_2895, %swap3A_2896], %swap3A_2899 {strides = array<i32>} : memref<1x4096x192xf32, #tpu.memory_space<vmem>>, vector<1x48x192xf32>,
    %swap3A_2900 = arith.constant 0 : index
    %swap3A_2901 = arith.constant 3120 : index
    %swap3A_2902 = arith.constant 0 : index
    %swap3A_2903 = vector.load %arg9[%swap3A_2900, %swap3A_2901, %swap3A_2902] : memref<1x4096x192xf32, #tpu.memory_space<vmem>>, vector<1x16x192xf32>
    %swap3A_2904 = vector.shape_cast %swap3A_2903 : vector<1x16x192xf32> to vector<16x192xf32>
    %swap3A_2905 = vector.shape_cast %add3A_2891 : vector<16x192xf32> to vector<1x16x192xf32>
    tpu.vector_store %arg9[%swap3A_2900, %swap3A_2901, %swap3A_2902], %swap3A_2905 {strides = array<i32>} : memref<1x4096x192xf32, #tpu.memory_space<vmem>>, vector<1x16x192xf32>,
    %get3A_2906 = arith.constant 0 : index
    %get3A_2907 = arith.constant 1960 : index
    %get3A_2908 = arith.constant 0 : index
    %get3A_2909 = vector.load %arg1[%get3A_2906, %get3A_2907, %get3A_2908] : memref<1x2080x192xf32, #tpu.memory_space<vmem>>, vector<1x15x192xf32>
    %get3A_2910 = vector.shape_cast %get3A_2909 : vector<1x15x192xf32> to vector<15x192xf32>
    %slice3A_2911 = vector.extract_strided_slice %add3A_11 {offsets = [49, 0], sizes = [15, 192], strides = [1, 1]} : vector<64x192xf32> to vector<15x192xf32>
    %slice3A_2912 = vector.extract_strided_slice %add3A_26 {offsets = [49, 0], sizes = [1, 192], strides = [1, 1]} : vector<64x192xf32> to vector<1x192xf32>
    %squeeze3A_2913 = vector.shape_cast %slice3A_2912 : vector<1x192xf32> to vector<192xf32>
    %broadcast_in_dim3A_2914 = vector.shape_cast %squeeze3A_2913 : vector<192xf32> to vector<1x192xf32>
    %add3A_2915 = vector.broadcast %broadcast_in_dim3A_2914 : vector<1x192xf32> to vector<15x192xf32>
    %add3A_2916 = arith.addf %slice3A_2911, %add3A_2915 : vector<15x192xf32>
    %max3A_2917 = arith.constant 0.000000e+00 : f32
    %max3A_2918 = vector.broadcast %max3A_2917 : f32 to vector<15x192xf32>
    %max3A_2919 = arith.maximumf %add3A_2916, %max3A_2918 : vector<15x192xf32>
    %add3A_2920 = arith.addf %max3A_2919, %get3A_2910 : vector<15x192xf32>
    %reduce_sum3A_2921 = arith.constant dense<0.000000e+00> : vector<15xf32>
    %reduce_sum3A_2922 = vector.multi_reduction <add>, %add3A_2920, %reduce_sum3A_2921 [1] : vector<15x192xf32> to vector<15xf32>
    %broadcast_in_dim3A_2923 = vector.shape_cast %reduce_sum3A_2922 : vector<15xf32> to vector<15x1xf32>
    %mul3A_2924 = arith.mulf %add3A_2920, %add3A_2920 : vector<15x192xf32>
    %reduce_sum3A_2925 = arith.constant dense<0.000000e+00> : vector<15xf32>
    %reduce_sum3A_2926 = vector.multi_reduction <add>, %mul3A_2924, %reduce_sum3A_2925 [1] : vector<15x192xf32> to vector<15xf32>
    %broadcast_in_dim3A_2927 = vector.shape_cast %reduce_sum3A_2926 : vector<15xf32> to vector<15x1xf32>
    %mul3A_2928 = arith.constant 0.00520833349 : f32
    %mul3A_2929 = vector.broadcast %mul3A_2928 : f32 to vector<15x1xf32>
    %mul3A_2930 = arith.mulf %broadcast_in_dim3A_2923, %mul3A_2929 : vector<15x1xf32>
    %mul3A_2931 = arith.constant 0.00520833349 : f32
    %mul3A_2932 = vector.broadcast %mul3A_2931 : f32 to vector<15x1xf32>
    %mul3A_2933 = arith.mulf %broadcast_in_dim3A_2927, %mul3A_2932 : vector<15x1xf32>
    %mul3A_2934 = arith.mulf %mul3A_2930, %mul3A_2930 : vector<15x1xf32>
    %sub3A_2935 = arith.subf %mul3A_2933, %mul3A_2934 : vector<15x1xf32>
    %max3A_2936 = arith.constant 0.000000e+00 : f32
    %max3A_2937 = vector.broadcast %max3A_2936 : f32 to vector<15x1xf32>
    %max3A_2938 = arith.maximumf %sub3A_2935, %max3A_2937 : vector<15x1xf32>
    %add3A_2939 = arith.constant 9.99999996E-13 : f32
    %add3A_2940 = vector.broadcast %add3A_2939 : f32 to vector<15x1xf32>
    %add3A_2941 = arith.addf %max3A_2938, %add3A_2940 : vector<15x1xf32>
    %rsqrt3A_2942 = math.rsqrt %add3A_2941 : vector<15x1xf32>
    %sub3A_2943 = vector.broadcast %mul3A_2930 : vector<15x1xf32> to vector<15x192xf32>
    %sub3A_2944 = arith.subf %add3A_2920, %sub3A_2943 : vector<15x192xf32>
    %mul3A_2945 = vector.broadcast %rsqrt3A_2942 : vector<15x1xf32> to vector<15x192xf32>
    %mul3A_2946 = vector.broadcast %get3A_29 : vector<1x192xf32> to vector<15x192xf32>
    %mul3A_2947 = arith.mulf %mul3A_2945, %mul3A_2946 : vector<15x192xf32>
    %mul3A_2948 = arith.mulf %sub3A_2944, %mul3A_2947 : vector<15x192xf32>
    %add3A_2949 = vector.broadcast %get3A_32 : vector<1x192xf32> to vector<15x192xf32>
    %add3A_2950 = arith.addf %mul3A_2948, %add3A_2949 : vector<15x192xf32>
    %broadcast_in_dim3A_2951 = arith.constant 0.000000e+00 : f32
    %broadcast_in_dim3A_2952 = vector.broadcast %broadcast_in_dim3A_2951 : f32 to vector<49x192xf32>
    %swap3A_2953 = arith.constant 0 : index
    %swap3A_2954 = arith.constant 3136 : index
    %swap3A_2955 = arith.constant 0 : index
    %swap3A_2956 = vector.load %arg9[%swap3A_2953, %swap3A_2954, %swap3A_2955] : memref<1x4096x192xf32, #tpu.memory_space<vmem>>, vector<1x49x192xf32>
    %swap3A_2957 = vector.shape_cast %swap3A_2956 : vector<1x49x192xf32> to vector<49x192xf32>
    %swap3A_2958 = vector.shape_cast %broadcast_in_dim3A_2952 : vector<49x192xf32> to vector<1x49x192xf32>
    tpu.vector_store %arg9[%swap3A_2953, %swap3A_2954, %swap3A_2955], %swap3A_2958 {strides = array<i32>} : memref<1x4096x192xf32, #tpu.memory_space<vmem>>, vector<1x49x192xf32>,
    %swap3A_2959 = arith.constant 0 : index
    %swap3A_2960 = arith.constant 3185 : index
    %swap3A_2961 = arith.constant 0 : index
    %swap3A_2962 = vector.load %arg9[%swap3A_2959, %swap3A_2960, %swap3A_2961] : memref<1x4096x192xf32, #tpu.memory_space<vmem>>, vector<1x15x192xf32>
    %swap3A_2963 = vector.shape_cast %swap3A_2962 : vector<1x15x192xf32> to vector<15x192xf32>
    %swap3A_2964 = vector.shape_cast %add3A_2950 : vector<15x192xf32> to vector<1x15x192xf32>
    tpu.vector_store %arg9[%swap3A_2959, %swap3A_2960, %swap3A_2961], %swap3A_2964 {strides = array<i32>} : memref<1x4096x192xf32, #tpu.memory_space<vmem>>, vector<1x15x192xf32>,
    %get3A_2965 = arith.constant 0 : index
    %get3A_2966 = arith.constant 1975 : index
    %get3A_2967 = arith.constant 0 : index
    %get3A_2968 = vector.load %arg1[%get3A_2965, %get3A_2966, %get3A_2967] : memref<1x2080x192xf32, #tpu.memory_space<vmem>>, vector<1x14x192xf32>
    %get3A_2969 = vector.shape_cast %get3A_2968 : vector<1x14x192xf32> to vector<14x192xf32>
    %slice3A_2970 = vector.extract_strided_slice %add3A_11 {offsets = [50, 0], sizes = [14, 192], strides = [1, 1]} : vector<64x192xf32> to vector<14x192xf32>
    %slice3A_2971 = vector.extract_strided_slice %add3A_26 {offsets = [50, 0], sizes = [1, 192], strides = [1, 1]} : vector<64x192xf32> to vector<1x192xf32>
    %squeeze3A_2972 = vector.shape_cast %slice3A_2971 : vector<1x192xf32> to vector<192xf32>
    %broadcast_in_dim3A_2973 = vector.shape_cast %squeeze3A_2972 : vector<192xf32> to vector<1x192xf32>
    %add3A_2974 = vector.broadcast %broadcast_in_dim3A_2973 : vector<1x192xf32> to vector<14x192xf32>
    %add3A_2975 = arith.addf %slice3A_2970, %add3A_2974 : vector<14x192xf32>
    %max3A_2976 = arith.constant 0.000000e+00 : f32
    %max3A_2977 = vector.broadcast %max3A_2976 : f32 to vector<14x192xf32>
    %max3A_2978 = arith.maximumf %add3A_2975, %max3A_2977 : vector<14x192xf32>
    %add3A_2979 = arith.addf %max3A_2978, %get3A_2969 : vector<14x192xf32>
    %reduce_sum3A_2980 = arith.constant dense<0.000000e+00> : vector<14xf32>
    %reduce_sum3A_2981 = vector.multi_reduction <add>, %add3A_2979, %reduce_sum3A_2980 [1] : vector<14x192xf32> to vector<14xf32>
    %broadcast_in_dim3A_2982 = vector.shape_cast %reduce_sum3A_2981 : vector<14xf32> to vector<14x1xf32>
    %mul3A_2983 = arith.mulf %add3A_2979, %add3A_2979 : vector<14x192xf32>
    %reduce_sum3A_2984 = arith.constant dense<0.000000e+00> : vector<14xf32>
    %reduce_sum3A_2985 = vector.multi_reduction <add>, %mul3A_2983, %reduce_sum3A_2984 [1] : vector<14x192xf32> to vector<14xf32>
    %broadcast_in_dim3A_2986 = vector.shape_cast %reduce_sum3A_2985 : vector<14xf32> to vector<14x1xf32>
    %mul3A_2987 = arith.constant 0.00520833349 : f32
    %mul3A_2988 = vector.broadcast %mul3A_2987 : f32 to vector<14x1xf32>
    %mul3A_2989 = arith.mulf %broadcast_in_dim3A_2982, %mul3A_2988 : vector<14x1xf32>
    %mul3A_2990 = arith.constant 0.00520833349 : f32
    %mul3A_2991 = vector.broadcast %mul3A_2990 : f32 to vector<14x1xf32>
    %mul3A_2992 = arith.mulf %broadcast_in_dim3A_2986, %mul3A_2991 : vector<14x1xf32>
    %mul3A_2993 = arith.mulf %mul3A_2989, %mul3A_2989 : vector<14x1xf32>
    %sub3A_2994 = arith.subf %mul3A_2992, %mul3A_2993 : vector<14x1xf32>
    %max3A_2995 = arith.constant 0.000000e+00 : f32
    %max3A_2996 = vector.broadcast %max3A_2995 : f32 to vector<14x1xf32>
    %max3A_2997 = arith.maximumf %sub3A_2994, %max3A_2996 : vector<14x1xf32>
    %add3A_2998 = arith.constant 9.99999996E-13 : f32
    %add3A_2999 = vector.broadcast %add3A_2998 : f32 to vector<14x1xf32>
    %add3A_3000 = arith.addf %max3A_2997, %add3A_2999 : vector<14x1xf32>
    %rsqrt3A_3001 = math.rsqrt %add3A_3000 : vector<14x1xf32>
    %sub3A_3002 = vector.broadcast %mul3A_2989 : vector<14x1xf32> to vector<14x192xf32>
    %sub3A_3003 = arith.subf %add3A_2979, %sub3A_3002 : vector<14x192xf32>
    %mul3A_3004 = vector.broadcast %rsqrt3A_3001 : vector<14x1xf32> to vector<14x192xf32>
    %mul3A_3005 = vector.broadcast %get3A_29 : vector<1x192xf32> to vector<14x192xf32>
    %mul3A_3006 = arith.mulf %mul3A_3004, %mul3A_3005 : vector<14x192xf32>
    %mul3A_3007 = arith.mulf %sub3A_3003, %mul3A_3006 : vector<14x192xf32>
    %add3A_3008 = vector.broadcast %get3A_32 : vector<1x192xf32> to vector<14x192xf32>
    %add3A_3009 = arith.addf %mul3A_3007, %add3A_3008 : vector<14x192xf32>
    %broadcast_in_dim3A_3010 = arith.constant 0.000000e+00 : f32
    %broadcast_in_dim3A_3011 = vector.broadcast %broadcast_in_dim3A_3010 : f32 to vector<50x192xf32>
    %swap3A_3012 = arith.constant 0 : index
    %swap3A_3013 = arith.constant 3200 : index
    %swap3A_3014 = arith.constant 0 : index
    %swap3A_3015 = vector.load %arg9[%swap3A_3012, %swap3A_3013, %swap3A_3014] : memref<1x4096x192xf32, #tpu.memory_space<vmem>>, vector<1x50x192xf32>
    %swap3A_3016 = vector.shape_cast %swap3A_3015 : vector<1x50x192xf32> to vector<50x192xf32>
    %swap3A_3017 = vector.shape_cast %broadcast_in_dim3A_3011 : vector<50x192xf32> to vector<1x50x192xf32>
    tpu.vector_store %arg9[%swap3A_3012, %swap3A_3013, %swap3A_3014], %swap3A_3017 {strides = array<i32>} : memref<1x4096x192xf32, #tpu.memory_space<vmem>>, vector<1x50x192xf32>,
    %swap3A_3018 = arith.constant 0 : index
    %swap3A_3019 = arith.constant 3250 : index
    %swap3A_3020 = arith.constant 0 : index
    %swap3A_3021 = vector.load %arg9[%swap3A_3018, %swap3A_3019, %swap3A_3020] : memref<1x4096x192xf32, #tpu.memory_space<vmem>>, vector<1x14x192xf32>
    %swap3A_3022 = vector.shape_cast %swap3A_3021 : vector<1x14x192xf32> to vector<14x192xf32>
    %swap3A_3023 = vector.shape_cast %add3A_3009 : vector<14x192xf32> to vector<1x14x192xf32>
    tpu.vector_store %arg9[%swap3A_3018, %swap3A_3019, %swap3A_3020], %swap3A_3023 {strides = array<i32>} : memref<1x4096x192xf32, #tpu.memory_space<vmem>>, vector<1x14x192xf32>,
    %get3A_3024 = arith.constant 0 : index
    %get3A_3025 = arith.constant 1989 : index
    %get3A_3026 = arith.constant 0 : index
    %get3A_3027 = vector.load %arg1[%get3A_3024, %get3A_3025, %get3A_3026] : memref<1x2080x192xf32, #tpu.memory_space<vmem>>, vector<1x13x192xf32>
    %get3A_3028 = vector.shape_cast %get3A_3027 : vector<1x13x192xf32> to vector<13x192xf32>
    %slice3A_3029 = vector.extract_strided_slice %add3A_11 {offsets = [51, 0], sizes = [13, 192], strides = [1, 1]} : vector<64x192xf32> to vector<13x192xf32>
    %slice3A_3030 = vector.extract_strided_slice %add3A_26 {offsets = [51, 0], sizes = [1, 192], strides = [1, 1]} : vector<64x192xf32> to vector<1x192xf32>
    %squeeze3A_3031 = vector.shape_cast %slice3A_3030 : vector<1x192xf32> to vector<192xf32>
    %broadcast_in_dim3A_3032 = vector.shape_cast %squeeze3A_3031 : vector<192xf32> to vector<1x192xf32>
    %add3A_3033 = vector.broadcast %broadcast_in_dim3A_3032 : vector<1x192xf32> to vector<13x192xf32>
    %add3A_3034 = arith.addf %slice3A_3029, %add3A_3033 : vector<13x192xf32>
    %max3A_3035 = arith.constant 0.000000e+00 : f32
    %max3A_3036 = vector.broadcast %max3A_3035 : f32 to vector<13x192xf32>
    %max3A_3037 = arith.maximumf %add3A_3034, %max3A_3036 : vector<13x192xf32>
    %add3A_3038 = arith.addf %max3A_3037, %get3A_3028 : vector<13x192xf32>
    %reduce_sum3A_3039 = arith.constant dense<0.000000e+00> : vector<13xf32>
    %reduce_sum3A_3040 = vector.multi_reduction <add>, %add3A_3038, %reduce_sum3A_3039 [1] : vector<13x192xf32> to vector<13xf32>
    %broadcast_in_dim3A_3041 = vector.shape_cast %reduce_sum3A_3040 : vector<13xf32> to vector<13x1xf32>
    %mul3A_3042 = arith.mulf %add3A_3038, %add3A_3038 : vector<13x192xf32>
    %reduce_sum3A_3043 = arith.constant dense<0.000000e+00> : vector<13xf32>
    %reduce_sum3A_3044 = vector.multi_reduction <add>, %mul3A_3042, %reduce_sum3A_3043 [1] : vector<13x192xf32> to vector<13xf32>
    %broadcast_in_dim3A_3045 = vector.shape_cast %reduce_sum3A_3044 : vector<13xf32> to vector<13x1xf32>
    %mul3A_3046 = arith.constant 0.00520833349 : f32
    %mul3A_3047 = vector.broadcast %mul3A_3046 : f32 to vector<13x1xf32>
    %mul3A_3048 = arith.mulf %broadcast_in_dim3A_3041, %mul3A_3047 : vector<13x1xf32>
    %mul3A_3049 = arith.constant 0.00520833349 : f32
    %mul3A_3050 = vector.broadcast %mul3A_3049 : f32 to vector<13x1xf32>
    %mul3A_3051 = arith.mulf %broadcast_in_dim3A_3045, %mul3A_3050 : vector<13x1xf32>
    %mul3A_3052 = arith.mulf %mul3A_3048, %mul3A_3048 : vector<13x1xf32>
    %sub3A_3053 = arith.subf %mul3A_3051, %mul3A_3052 : vector<13x1xf32>
    %max3A_3054 = arith.constant 0.000000e+00 : f32
    %max3A_3055 = vector.broadcast %max3A_3054 : f32 to vector<13x1xf32>
    %max3A_3056 = arith.maximumf %sub3A_3053, %max3A_3055 : vector<13x1xf32>
    %add3A_3057 = arith.constant 9.99999996E-13 : f32
    %add3A_3058 = vector.broadcast %add3A_3057 : f32 to vector<13x1xf32>
    %add3A_3059 = arith.addf %max3A_3056, %add3A_3058 : vector<13x1xf32>
    %rsqrt3A_3060 = math.rsqrt %add3A_3059 : vector<13x1xf32>
    %sub3A_3061 = vector.broadcast %mul3A_3048 : vector<13x1xf32> to vector<13x192xf32>
    %sub3A_3062 = arith.subf %add3A_3038, %sub3A_3061 : vector<13x192xf32>
    %mul3A_3063 = vector.broadcast %rsqrt3A_3060 : vector<13x1xf32> to vector<13x192xf32>
    %mul3A_3064 = vector.broadcast %get3A_29 : vector<1x192xf32> to vector<13x192xf32>
    %mul3A_3065 = arith.mulf %mul3A_3063, %mul3A_3064 : vector<13x192xf32>
    %mul3A_3066 = arith.mulf %sub3A_3062, %mul3A_3065 : vector<13x192xf32>
    %add3A_3067 = vector.broadcast %get3A_32 : vector<1x192xf32> to vector<13x192xf32>
    %add3A_3068 = arith.addf %mul3A_3066, %add3A_3067 : vector<13x192xf32>
    %broadcast_in_dim3A_3069 = arith.constant 0.000000e+00 : f32
    %broadcast_in_dim3A_3070 = vector.broadcast %broadcast_in_dim3A_3069 : f32 to vector<51x192xf32>
    %swap3A_3071 = arith.constant 0 : index
    %swap3A_3072 = arith.constant 3264 : index
    %swap3A_3073 = arith.constant 0 : index
    %swap3A_3074 = vector.load %arg9[%swap3A_3071, %swap3A_3072, %swap3A_3073] : memref<1x4096x192xf32, #tpu.memory_space<vmem>>, vector<1x51x192xf32>
    %swap3A_3075 = vector.shape_cast %swap3A_3074 : vector<1x51x192xf32> to vector<51x192xf32>
    %swap3A_3076 = vector.shape_cast %broadcast_in_dim3A_3070 : vector<51x192xf32> to vector<1x51x192xf32>
    tpu.vector_store %arg9[%swap3A_3071, %swap3A_3072, %swap3A_3073], %swap3A_3076 {strides = array<i32>} : memref<1x4096x192xf32, #tpu.memory_space<vmem>>, vector<1x51x192xf32>,
    %swap3A_3077 = arith.constant 0 : index
    %swap3A_3078 = arith.constant 3315 : index
    %swap3A_3079 = arith.constant 0 : index
    %swap3A_3080 = vector.load %arg9[%swap3A_3077, %swap3A_3078, %swap3A_3079] : memref<1x4096x192xf32, #tpu.memory_space<vmem>>, vector<1x13x192xf32>
    %swap3A_3081 = vector.shape_cast %swap3A_3080 : vector<1x13x192xf32> to vector<13x192xf32>
    %swap3A_3082 = vector.shape_cast %add3A_3068 : vector<13x192xf32> to vector<1x13x192xf32>
    tpu.vector_store %arg9[%swap3A_3077, %swap3A_3078, %swap3A_3079], %swap3A_3082 {strides = array<i32>} : memref<1x4096x192xf32, #tpu.memory_space<vmem>>, vector<1x13x192xf32>,
    %get3A_3083 = arith.constant 0 : index
    %get3A_3084 = arith.constant 2002 : index
    %get3A_3085 = arith.constant 0 : index
    %get3A_3086 = vector.load %arg1[%get3A_3083, %get3A_3084, %get3A_3085] : memref<1x2080x192xf32, #tpu.memory_space<vmem>>, vector<1x12x192xf32>
    %get3A_3087 = vector.shape_cast %get3A_3086 : vector<1x12x192xf32> to vector<12x192xf32>
    %slice3A_3088 = vector.extract_strided_slice %add3A_11 {offsets = [52, 0], sizes = [12, 192], strides = [1, 1]} : vector<64x192xf32> to vector<12x192xf32>
    %slice3A_3089 = vector.extract_strided_slice %add3A_26 {offsets = [52, 0], sizes = [1, 192], strides = [1, 1]} : vector<64x192xf32> to vector<1x192xf32>
    %squeeze3A_3090 = vector.shape_cast %slice3A_3089 : vector<1x192xf32> to vector<192xf32>
    %broadcast_in_dim3A_3091 = vector.shape_cast %squeeze3A_3090 : vector<192xf32> to vector<1x192xf32>
    %add3A_3092 = vector.broadcast %broadcast_in_dim3A_3091 : vector<1x192xf32> to vector<12x192xf32>
    %add3A_3093 = arith.addf %slice3A_3088, %add3A_3092 : vector<12x192xf32>
    %max3A_3094 = arith.constant 0.000000e+00 : f32
    %max3A_3095 = vector.broadcast %max3A_3094 : f32 to vector<12x192xf32>
    %max3A_3096 = arith.maximumf %add3A_3093, %max3A_3095 : vector<12x192xf32>
    %add3A_3097 = arith.addf %max3A_3096, %get3A_3087 : vector<12x192xf32>
    %reduce_sum3A_3098 = arith.constant dense<0.000000e+00> : vector<12xf32>
    %reduce_sum3A_3099 = vector.multi_reduction <add>, %add3A_3097, %reduce_sum3A_3098 [1] : vector<12x192xf32> to vector<12xf32>
    %broadcast_in_dim3A_3100 = vector.shape_cast %reduce_sum3A_3099 : vector<12xf32> to vector<12x1xf32>
    %mul3A_3101 = arith.mulf %add3A_3097, %add3A_3097 : vector<12x192xf32>
    %reduce_sum3A_3102 = arith.constant dense<0.000000e+00> : vector<12xf32>
    %reduce_sum3A_3103 = vector.multi_reduction <add>, %mul3A_3101, %reduce_sum3A_3102 [1] : vector<12x192xf32> to vector<12xf32>
    %broadcast_in_dim3A_3104 = vector.shape_cast %reduce_sum3A_3103 : vector<12xf32> to vector<12x1xf32>
    %mul3A_3105 = arith.constant 0.00520833349 : f32
    %mul3A_3106 = vector.broadcast %mul3A_3105 : f32 to vector<12x1xf32>
    %mul3A_3107 = arith.mulf %broadcast_in_dim3A_3100, %mul3A_3106 : vector<12x1xf32>
    %mul3A_3108 = arith.constant 0.00520833349 : f32
    %mul3A_3109 = vector.broadcast %mul3A_3108 : f32 to vector<12x1xf32>
    %mul3A_3110 = arith.mulf %broadcast_in_dim3A_3104, %mul3A_3109 : vector<12x1xf32>
    %mul3A_3111 = arith.mulf %mul3A_3107, %mul3A_3107 : vector<12x1xf32>
    %sub3A_3112 = arith.subf %mul3A_3110, %mul3A_3111 : vector<12x1xf32>
    %max3A_3113 = arith.constant 0.000000e+00 : f32
    %max3A_3114 = vector.broadcast %max3A_3113 : f32 to vector<12x1xf32>
    %max3A_3115 = arith.maximumf %sub3A_3112, %max3A_3114 : vector<12x1xf32>
    %add3A_3116 = arith.constant 9.99999996E-13 : f32
    %add3A_3117 = vector.broadcast %add3A_3116 : f32 to vector<12x1xf32>
    %add3A_3118 = arith.addf %max3A_3115, %add3A_3117 : vector<12x1xf32>
    %rsqrt3A_3119 = math.rsqrt %add3A_3118 : vector<12x1xf32>
    %sub3A_3120 = vector.broadcast %mul3A_3107 : vector<12x1xf32> to vector<12x192xf32>
    %sub3A_3121 = arith.subf %add3A_3097, %sub3A_3120 : vector<12x192xf32>
    %mul3A_3122 = vector.broadcast %rsqrt3A_3119 : vector<12x1xf32> to vector<12x192xf32>
    %mul3A_3123 = vector.broadcast %get3A_29 : vector<1x192xf32> to vector<12x192xf32>
    %mul3A_3124 = arith.mulf %mul3A_3122, %mul3A_3123 : vector<12x192xf32>
    %mul3A_3125 = arith.mulf %sub3A_3121, %mul3A_3124 : vector<12x192xf32>
    %add3A_3126 = vector.broadcast %get3A_32 : vector<1x192xf32> to vector<12x192xf32>
    %add3A_3127 = arith.addf %mul3A_3125, %add3A_3126 : vector<12x192xf32>
    %broadcast_in_dim3A_3128 = arith.constant 0.000000e+00 : f32
    %broadcast_in_dim3A_3129 = vector.broadcast %broadcast_in_dim3A_3128 : f32 to vector<52x192xf32>
    %swap3A_3130 = arith.constant 0 : index
    %swap3A_3131 = arith.constant 3328 : index
    %swap3A_3132 = arith.constant 0 : index
    %swap3A_3133 = vector.load %arg9[%swap3A_3130, %swap3A_3131, %swap3A_3132] : memref<1x4096x192xf32, #tpu.memory_space<vmem>>, vector<1x52x192xf32>
    %swap3A_3134 = vector.shape_cast %swap3A_3133 : vector<1x52x192xf32> to vector<52x192xf32>
    %swap3A_3135 = vector.shape_cast %broadcast_in_dim3A_3129 : vector<52x192xf32> to vector<1x52x192xf32>
    tpu.vector_store %arg9[%swap3A_3130, %swap3A_3131, %swap3A_3132], %swap3A_3135 {strides = array<i32>} : memref<1x4096x192xf32, #tpu.memory_space<vmem>>, vector<1x52x192xf32>,
    %swap3A_3136 = arith.constant 0 : index
    %swap3A_3137 = arith.constant 3380 : index
    %swap3A_3138 = arith.constant 0 : index
    %swap3A_3139 = vector.load %arg9[%swap3A_3136, %swap3A_3137, %swap3A_3138] : memref<1x4096x192xf32, #tpu.memory_space<vmem>>, vector<1x12x192xf32>
    %swap3A_3140 = vector.shape_cast %swap3A_3139 : vector<1x12x192xf32> to vector<12x192xf32>
    %swap3A_3141 = vector.shape_cast %add3A_3127 : vector<12x192xf32> to vector<1x12x192xf32>
    tpu.vector_store %arg9[%swap3A_3136, %swap3A_3137, %swap3A_3138], %swap3A_3141 {strides = array<i32>} : memref<1x4096x192xf32, #tpu.memory_space<vmem>>, vector<1x12x192xf32>,
    %get3A_3142 = arith.constant 0 : index
    %get3A_3143 = arith.constant 2014 : index
    %get3A_3144 = arith.constant 0 : index
    %get3A_3145 = vector.load %arg1[%get3A_3142, %get3A_3143, %get3A_3144] : memref<1x2080x192xf32, #tpu.memory_space<vmem>>, vector<1x11x192xf32>
    %get3A_3146 = vector.shape_cast %get3A_3145 : vector<1x11x192xf32> to vector<11x192xf32>
    %slice3A_3147 = vector.extract_strided_slice %add3A_11 {offsets = [53, 0], sizes = [11, 192], strides = [1, 1]} : vector<64x192xf32> to vector<11x192xf32>
    %slice3A_3148 = vector.extract_strided_slice %add3A_26 {offsets = [53, 0], sizes = [1, 192], strides = [1, 1]} : vector<64x192xf32> to vector<1x192xf32>
    %squeeze3A_3149 = vector.shape_cast %slice3A_3148 : vector<1x192xf32> to vector<192xf32>
    %broadcast_in_dim3A_3150 = vector.shape_cast %squeeze3A_3149 : vector<192xf32> to vector<1x192xf32>
    %add3A_3151 = vector.broadcast %broadcast_in_dim3A_3150 : vector<1x192xf32> to vector<11x192xf32>
    %add3A_3152 = arith.addf %slice3A_3147, %add3A_3151 : vector<11x192xf32>
    %max3A_3153 = arith.constant 0.000000e+00 : f32
    %max3A_3154 = vector.broadcast %max3A_3153 : f32 to vector<11x192xf32>
    %max3A_3155 = arith.maximumf %add3A_3152, %max3A_3154 : vector<11x192xf32>
    %add3A_3156 = arith.addf %max3A_3155, %get3A_3146 : vector<11x192xf32>
    %reduce_sum3A_3157 = arith.constant dense<0.000000e+00> : vector<11xf32>
    %reduce_sum3A_3158 = vector.multi_reduction <add>, %add3A_3156, %reduce_sum3A_3157 [1] : vector<11x192xf32> to vector<11xf32>
    %broadcast_in_dim3A_3159 = vector.shape_cast %reduce_sum3A_3158 : vector<11xf32> to vector<11x1xf32>
    %mul3A_3160 = arith.mulf %add3A_3156, %add3A_3156 : vector<11x192xf32>
    %reduce_sum3A_3161 = arith.constant dense<0.000000e+00> : vector<11xf32>
    %reduce_sum3A_3162 = vector.multi_reduction <add>, %mul3A_3160, %reduce_sum3A_3161 [1] : vector<11x192xf32> to vector<11xf32>
    %broadcast_in_dim3A_3163 = vector.shape_cast %reduce_sum3A_3162 : vector<11xf32> to vector<11x1xf32>
    %mul3A_3164 = arith.constant 0.00520833349 : f32
    %mul3A_3165 = vector.broadcast %mul3A_3164 : f32 to vector<11x1xf32>
    %mul3A_3166 = arith.mulf %broadcast_in_dim3A_3159, %mul3A_3165 : vector<11x1xf32>
    %mul3A_3167 = arith.constant 0.00520833349 : f32
    %mul3A_3168 = vector.broadcast %mul3A_3167 : f32 to vector<11x1xf32>
    %mul3A_3169 = arith.mulf %broadcast_in_dim3A_3163, %mul3A_3168 : vector<11x1xf32>
    %mul3A_3170 = arith.mulf %mul3A_3166, %mul3A_3166 : vector<11x1xf32>
    %sub3A_3171 = arith.subf %mul3A_3169, %mul3A_3170 : vector<11x1xf32>
    %max3A_3172 = arith.constant 0.000000e+00 : f32
    %max3A_3173 = vector.broadcast %max3A_3172 : f32 to vector<11x1xf32>
    %max3A_3174 = arith.maximumf %sub3A_3171, %max3A_3173 : vector<11x1xf32>
    %add3A_3175 = arith.constant 9.99999996E-13 : f32
    %add3A_3176 = vector.broadcast %add3A_3175 : f32 to vector<11x1xf32>
    %add3A_3177 = arith.addf %max3A_3174, %add3A_3176 : vector<11x1xf32>
    %rsqrt3A_3178 = math.rsqrt %add3A_3177 : vector<11x1xf32>
    %sub3A_3179 = vector.broadcast %mul3A_3166 : vector<11x1xf32> to vector<11x192xf32>
    %sub3A_3180 = arith.subf %add3A_3156, %sub3A_3179 : vector<11x192xf32>
    %mul3A_3181 = vector.broadcast %rsqrt3A_3178 : vector<11x1xf32> to vector<11x192xf32>
    %mul3A_3182 = vector.broadcast %get3A_29 : vector<1x192xf32> to vector<11x192xf32>
    %mul3A_3183 = arith.mulf %mul3A_3181, %mul3A_3182 : vector<11x192xf32>
    %mul3A_3184 = arith.mulf %sub3A_3180, %mul3A_3183 : vector<11x192xf32>
    %add3A_3185 = vector.broadcast %get3A_32 : vector<1x192xf32> to vector<11x192xf32>
    %add3A_3186 = arith.addf %mul3A_3184, %add3A_3185 : vector<11x192xf32>
    %broadcast_in_dim3A_3187 = arith.constant 0.000000e+00 : f32
    %broadcast_in_dim3A_3188 = vector.broadcast %broadcast_in_dim3A_3187 : f32 to vector<53x192xf32>
    %swap3A_3189 = arith.constant 0 : index
    %swap3A_3190 = arith.constant 3392 : index
    %swap3A_3191 = arith.constant 0 : index
    %swap3A_3192 = vector.load %arg9[%swap3A_3189, %swap3A_3190, %swap3A_3191] : memref<1x4096x192xf32, #tpu.memory_space<vmem>>, vector<1x53x192xf32>
    %swap3A_3193 = vector.shape_cast %swap3A_3192 : vector<1x53x192xf32> to vector<53x192xf32>
    %swap3A_3194 = vector.shape_cast %broadcast_in_dim3A_3188 : vector<53x192xf32> to vector<1x53x192xf32>
    tpu.vector_store %arg9[%swap3A_3189, %swap3A_3190, %swap3A_3191], %swap3A_3194 {strides = array<i32>} : memref<1x4096x192xf32, #tpu.memory_space<vmem>>, vector<1x53x192xf32>,
    %swap3A_3195 = arith.constant 0 : index
    %swap3A_3196 = arith.constant 3445 : index
    %swap3A_3197 = arith.constant 0 : index
    %swap3A_3198 = vector.load %arg9[%swap3A_3195, %swap3A_3196, %swap3A_3197] : memref<1x4096x192xf32, #tpu.memory_space<vmem>>, vector<1x11x192xf32>
    %swap3A_3199 = vector.shape_cast %swap3A_3198 : vector<1x11x192xf32> to vector<11x192xf32>
    %swap3A_3200 = vector.shape_cast %add3A_3186 : vector<11x192xf32> to vector<1x11x192xf32>
    tpu.vector_store %arg9[%swap3A_3195, %swap3A_3196, %swap3A_3197], %swap3A_3200 {strides = array<i32>} : memref<1x4096x192xf32, #tpu.memory_space<vmem>>, vector<1x11x192xf32>,
    %get3A_3201 = arith.constant 0 : index
    %get3A_3202 = arith.constant 2025 : index
    %get3A_3203 = arith.constant 0 : index
    %get3A_3204 = vector.load %arg1[%get3A_3201, %get3A_3202, %get3A_3203] : memref<1x2080x192xf32, #tpu.memory_space<vmem>>, vector<1x10x192xf32>
    %get3A_3205 = vector.shape_cast %get3A_3204 : vector<1x10x192xf32> to vector<10x192xf32>
    %slice3A_3206 = vector.extract_strided_slice %add3A_11 {offsets = [54, 0], sizes = [10, 192], strides = [1, 1]} : vector<64x192xf32> to vector<10x192xf32>
    %slice3A_3207 = vector.extract_strided_slice %add3A_26 {offsets = [54, 0], sizes = [1, 192], strides = [1, 1]} : vector<64x192xf32> to vector<1x192xf32>
    %squeeze3A_3208 = vector.shape_cast %slice3A_3207 : vector<1x192xf32> to vector<192xf32>
    %broadcast_in_dim3A_3209 = vector.shape_cast %squeeze3A_3208 : vector<192xf32> to vector<1x192xf32>
    %add3A_3210 = vector.broadcast %broadcast_in_dim3A_3209 : vector<1x192xf32> to vector<10x192xf32>
    %add3A_3211 = arith.addf %slice3A_3206, %add3A_3210 : vector<10x192xf32>
    %max3A_3212 = arith.constant 0.000000e+00 : f32
    %max3A_3213 = vector.broadcast %max3A_3212 : f32 to vector<10x192xf32>
    %max3A_3214 = arith.maximumf %add3A_3211, %max3A_3213 : vector<10x192xf32>
    %add3A_3215 = arith.addf %max3A_3214, %get3A_3205 : vector<10x192xf32>
    %reduce_sum3A_3216 = arith.constant dense<0.000000e+00> : vector<10xf32>
    %reduce_sum3A_3217 = vector.multi_reduction <add>, %add3A_3215, %reduce_sum3A_3216 [1] : vector<10x192xf32> to vector<10xf32>
    %broadcast_in_dim3A_3218 = vector.shape_cast %reduce_sum3A_3217 : vector<10xf32> to vector<10x1xf32>
    %mul3A_3219 = arith.mulf %add3A_3215, %add3A_3215 : vector<10x192xf32>
    %reduce_sum3A_3220 = arith.constant dense<0.000000e+00> : vector<10xf32>
    %reduce_sum3A_3221 = vector.multi_reduction <add>, %mul3A_3219, %reduce_sum3A_3220 [1] : vector<10x192xf32> to vector<10xf32>
    %broadcast_in_dim3A_3222 = vector.shape_cast %reduce_sum3A_3221 : vector<10xf32> to vector<10x1xf32>
    %mul3A_3223 = arith.constant 0.00520833349 : f32
    %mul3A_3224 = vector.broadcast %mul3A_3223 : f32 to vector<10x1xf32>
    %mul3A_3225 = arith.mulf %broadcast_in_dim3A_3218, %mul3A_3224 : vector<10x1xf32>
    %mul3A_3226 = arith.constant 0.00520833349 : f32
    %mul3A_3227 = vector.broadcast %mul3A_3226 : f32 to vector<10x1xf32>
    %mul3A_3228 = arith.mulf %broadcast_in_dim3A_3222, %mul3A_3227 : vector<10x1xf32>
    %mul3A_3229 = arith.mulf %mul3A_3225, %mul3A_3225 : vector<10x1xf32>
    %sub3A_3230 = arith.subf %mul3A_3228, %mul3A_3229 : vector<10x1xf32>
    %max3A_3231 = arith.constant 0.000000e+00 : f32
    %max3A_3232 = vector.broadcast %max3A_3231 : f32 to vector<10x1xf32>
    %max3A_3233 = arith.maximumf %sub3A_3230, %max3A_3232 : vector<10x1xf32>
    %add3A_3234 = arith.constant 9.99999996E-13 : f32
    %add3A_3235 = vector.broadcast %add3A_3234 : f32 to vector<10x1xf32>
    %add3A_3236 = arith.addf %max3A_3233, %add3A_3235 : vector<10x1xf32>
    %rsqrt3A_3237 = math.rsqrt %add3A_3236 : vector<10x1xf32>
    %sub3A_3238 = vector.broadcast %mul3A_3225 : vector<10x1xf32> to vector<10x192xf32>
    %sub3A_3239 = arith.subf %add3A_3215, %sub3A_3238 : vector<10x192xf32>
    %mul3A_3240 = vector.broadcast %rsqrt3A_3237 : vector<10x1xf32> to vector<10x192xf32>
    %mul3A_3241 = vector.broadcast %get3A_29 : vector<1x192xf32> to vector<10x192xf32>
    %mul3A_3242 = arith.mulf %mul3A_3240, %mul3A_3241 : vector<10x192xf32>
    %mul3A_3243 = arith.mulf %sub3A_3239, %mul3A_3242 : vector<10x192xf32>
    %add3A_3244 = vector.broadcast %get3A_32 : vector<1x192xf32> to vector<10x192xf32>
    %add3A_3245 = arith.addf %mul3A_3243, %add3A_3244 : vector<10x192xf32>
    %broadcast_in_dim3A_3246 = arith.constant 0.000000e+00 : f32
    %broadcast_in_dim3A_3247 = vector.broadcast %broadcast_in_dim3A_3246 : f32 to vector<54x192xf32>
    %swap3A_3248 = arith.constant 0 : index
    %swap3A_3249 = arith.constant 3456 : index
    %swap3A_3250 = arith.constant 0 : index
    %swap3A_3251 = vector.load %arg9[%swap3A_3248, %swap3A_3249, %swap3A_3250] : memref<1x4096x192xf32, #tpu.memory_space<vmem>>, vector<1x54x192xf32>
    %swap3A_3252 = vector.shape_cast %swap3A_3251 : vector<1x54x192xf32> to vector<54x192xf32>
    %swap3A_3253 = vector.shape_cast %broadcast_in_dim3A_3247 : vector<54x192xf32> to vector<1x54x192xf32>
    tpu.vector_store %arg9[%swap3A_3248, %swap3A_3249, %swap3A_3250], %swap3A_3253 {strides = array<i32>} : memref<1x4096x192xf32, #tpu.memory_space<vmem>>, vector<1x54x192xf32>,
    %swap3A_3254 = arith.constant 0 : index
    %swap3A_3255 = arith.constant 3510 : index
    %swap3A_3256 = arith.constant 0 : index
    %swap3A_3257 = vector.load %arg9[%swap3A_3254, %swap3A_3255, %swap3A_3256] : memref<1x4096x192xf32, #tpu.memory_space<vmem>>, vector<1x10x192xf32>
    %swap3A_3258 = vector.shape_cast %swap3A_3257 : vector<1x10x192xf32> to vector<10x192xf32>
    %swap3A_3259 = vector.shape_cast %add3A_3245 : vector<10x192xf32> to vector<1x10x192xf32>
    tpu.vector_store %arg9[%swap3A_3254, %swap3A_3255, %swap3A_3256], %swap3A_3259 {strides = array<i32>} : memref<1x4096x192xf32, #tpu.memory_space<vmem>>, vector<1x10x192xf32>,
    %get3A_3260 = arith.constant 0 : index
    %get3A_3261 = arith.constant 2035 : index
    %get3A_3262 = arith.constant 0 : index
    %get3A_3263 = vector.load %arg1[%get3A_3260, %get3A_3261, %get3A_3262] : memref<1x2080x192xf32, #tpu.memory_space<vmem>>, vector<1x9x192xf32>
    %get3A_3264 = vector.shape_cast %get3A_3263 : vector<1x9x192xf32> to vector<9x192xf32>
    %slice3A_3265 = vector.extract_strided_slice %add3A_11 {offsets = [55, 0], sizes = [9, 192], strides = [1, 1]} : vector<64x192xf32> to vector<9x192xf32>
    %slice3A_3266 = vector.extract_strided_slice %add3A_26 {offsets = [55, 0], sizes = [1, 192], strides = [1, 1]} : vector<64x192xf32> to vector<1x192xf32>
    %squeeze3A_3267 = vector.shape_cast %slice3A_3266 : vector<1x192xf32> to vector<192xf32>
    %broadcast_in_dim3A_3268 = vector.shape_cast %squeeze3A_3267 : vector<192xf32> to vector<1x192xf32>
    %add3A_3269 = vector.broadcast %broadcast_in_dim3A_3268 : vector<1x192xf32> to vector<9x192xf32>
    %add3A_3270 = arith.addf %slice3A_3265, %add3A_3269 : vector<9x192xf32>
    %max3A_3271 = arith.constant 0.000000e+00 : f32
    %max3A_3272 = vector.broadcast %max3A_3271 : f32 to vector<9x192xf32>
    %max3A_3273 = arith.maximumf %add3A_3270, %max3A_3272 : vector<9x192xf32>
    %add3A_3274 = arith.addf %max3A_3273, %get3A_3264 : vector<9x192xf32>
    %reduce_sum3A_3275 = arith.constant dense<0.000000e+00> : vector<9xf32>
    %reduce_sum3A_3276 = vector.multi_reduction <add>, %add3A_3274, %reduce_sum3A_3275 [1] : vector<9x192xf32> to vector<9xf32>
    %broadcast_in_dim3A_3277 = vector.shape_cast %reduce_sum3A_3276 : vector<9xf32> to vector<9x1xf32>
    %mul3A_3278 = arith.mulf %add3A_3274, %add3A_3274 : vector<9x192xf32>
    %reduce_sum3A_3279 = arith.constant dense<0.000000e+00> : vector<9xf32>
    %reduce_sum3A_3280 = vector.multi_reduction <add>, %mul3A_3278, %reduce_sum3A_3279 [1] : vector<9x192xf32> to vector<9xf32>
    %broadcast_in_dim3A_3281 = vector.shape_cast %reduce_sum3A_3280 : vector<9xf32> to vector<9x1xf32>
    %mul3A_3282 = arith.constant 0.00520833349 : f32
    %mul3A_3283 = vector.broadcast %mul3A_3282 : f32 to vector<9x1xf32>
    %mul3A_3284 = arith.mulf %broadcast_in_dim3A_3277, %mul3A_3283 : vector<9x1xf32>
    %mul3A_3285 = arith.constant 0.00520833349 : f32
    %mul3A_3286 = vector.broadcast %mul3A_3285 : f32 to vector<9x1xf32>
    %mul3A_3287 = arith.mulf %broadcast_in_dim3A_3281, %mul3A_3286 : vector<9x1xf32>
    %mul3A_3288 = arith.mulf %mul3A_3284, %mul3A_3284 : vector<9x1xf32>
    %sub3A_3289 = arith.subf %mul3A_3287, %mul3A_3288 : vector<9x1xf32>
    %max3A_3290 = arith.constant 0.000000e+00 : f32
    %max3A_3291 = vector.broadcast %max3A_3290 : f32 to vector<9x1xf32>
    %max3A_3292 = arith.maximumf %sub3A_3289, %max3A_3291 : vector<9x1xf32>
    %add3A_3293 = arith.constant 9.99999996E-13 : f32
    %add3A_3294 = vector.broadcast %add3A_3293 : f32 to vector<9x1xf32>
    %add3A_3295 = arith.addf %max3A_3292, %add3A_3294 : vector<9x1xf32>
    %rsqrt3A_3296 = math.rsqrt %add3A_3295 : vector<9x1xf32>
    %sub3A_3297 = vector.broadcast %mul3A_3284 : vector<9x1xf32> to vector<9x192xf32>
    %sub3A_3298 = arith.subf %add3A_3274, %sub3A_3297 : vector<9x192xf32>
    %mul3A_3299 = vector.broadcast %rsqrt3A_3296 : vector<9x1xf32> to vector<9x192xf32>
    %mul3A_3300 = vector.broadcast %get3A_29 : vector<1x192xf32> to vector<9x192xf32>
    %mul3A_3301 = arith.mulf %mul3A_3299, %mul3A_3300 : vector<9x192xf32>
    %mul3A_3302 = arith.mulf %sub3A_3298, %mul3A_3301 : vector<9x192xf32>
    %add3A_3303 = vector.broadcast %get3A_32 : vector<1x192xf32> to vector<9x192xf32>
    %add3A_3304 = arith.addf %mul3A_3302, %add3A_3303 : vector<9x192xf32>
    %broadcast_in_dim3A_3305 = arith.constant 0.000000e+00 : f32
    %broadcast_in_dim3A_3306 = vector.broadcast %broadcast_in_dim3A_3305 : f32 to vector<55x192xf32>
    %swap3A_3307 = arith.constant 0 : index
    %swap3A_3308 = arith.constant 3520 : index
    %swap3A_3309 = arith.constant 0 : index
    %swap3A_3310 = vector.load %arg9[%swap3A_3307, %swap3A_3308, %swap3A_3309] : memref<1x4096x192xf32, #tpu.memory_space<vmem>>, vector<1x55x192xf32>
    %swap3A_3311 = vector.shape_cast %swap3A_3310 : vector<1x55x192xf32> to vector<55x192xf32>
    %swap3A_3312 = vector.shape_cast %broadcast_in_dim3A_3306 : vector<55x192xf32> to vector<1x55x192xf32>
    tpu.vector_store %arg9[%swap3A_3307, %swap3A_3308, %swap3A_3309], %swap3A_3312 {strides = array<i32>} : memref<1x4096x192xf32, #tpu.memory_space<vmem>>, vector<1x55x192xf32>,
    %swap3A_3313 = arith.constant 0 : index
    %swap3A_3314 = arith.constant 3575 : index
    %swap3A_3315 = arith.constant 0 : index
    %swap3A_3316 = vector.load %arg9[%swap3A_3313, %swap3A_3314, %swap3A_3315] : memref<1x4096x192xf32, #tpu.memory_space<vmem>>, vector<1x9x192xf32>
    %swap3A_3317 = vector.shape_cast %swap3A_3316 : vector<1x9x192xf32> to vector<9x192xf32>
    %swap3A_3318 = vector.shape_cast %add3A_3304 : vector<9x192xf32> to vector<1x9x192xf32>
    tpu.vector_store %arg9[%swap3A_3313, %swap3A_3314, %swap3A_3315], %swap3A_3318 {strides = array<i32>} : memref<1x4096x192xf32, #tpu.memory_space<vmem>>, vector<1x9x192xf32>,
    %get3A_3319 = arith.constant 0 : index
    %get3A_3320 = arith.constant 2044 : index
    %get3A_3321 = arith.constant 0 : index
    %get3A_3322 = vector.load %arg1[%get3A_3319, %get3A_3320, %get3A_3321] : memref<1x2080x192xf32, #tpu.memory_space<vmem>>, vector<1x8x192xf32>
    %get3A_3323 = vector.shape_cast %get3A_3322 : vector<1x8x192xf32> to vector<8x192xf32>
    %slice3A_3324 = vector.extract_strided_slice %add3A_11 {offsets = [56, 0], sizes = [8, 192], strides = [1, 1]} : vector<64x192xf32> to vector<8x192xf32>
    %slice3A_3325 = vector.extract_strided_slice %add3A_26 {offsets = [56, 0], sizes = [1, 192], strides = [1, 1]} : vector<64x192xf32> to vector<1x192xf32>
    %squeeze3A_3326 = vector.shape_cast %slice3A_3325 : vector<1x192xf32> to vector<192xf32>
    %broadcast_in_dim3A_3327 = vector.shape_cast %squeeze3A_3326 : vector<192xf32> to vector<1x192xf32>
    %add3A_3328 = vector.broadcast %broadcast_in_dim3A_3327 : vector<1x192xf32> to vector<8x192xf32>
    %add3A_3329 = arith.addf %slice3A_3324, %add3A_3328 : vector<8x192xf32>
    %max3A_3330 = arith.constant 0.000000e+00 : f32
    %max3A_3331 = vector.broadcast %max3A_3330 : f32 to vector<8x192xf32>
    %max3A_3332 = arith.maximumf %add3A_3329, %max3A_3331 : vector<8x192xf32>
    %add3A_3333 = arith.addf %max3A_3332, %get3A_3323 : vector<8x192xf32>
    %reduce_sum3A_3334 = arith.constant dense<0.000000e+00> : vector<8xf32>
    %reduce_sum3A_3335 = vector.multi_reduction <add>, %add3A_3333, %reduce_sum3A_3334 [1] : vector<8x192xf32> to vector<8xf32>
    %broadcast_in_dim3A_3336 = vector.shape_cast %reduce_sum3A_3335 : vector<8xf32> to vector<8x1xf32>
    %mul3A_3337 = arith.mulf %add3A_3333, %add3A_3333 : vector<8x192xf32>
    %reduce_sum3A_3338 = arith.constant dense<0.000000e+00> : vector<8xf32>
    %reduce_sum3A_3339 = vector.multi_reduction <add>, %mul3A_3337, %reduce_sum3A_3338 [1] : vector<8x192xf32> to vector<8xf32>
    %broadcast_in_dim3A_3340 = vector.shape_cast %reduce_sum3A_3339 : vector<8xf32> to vector<8x1xf32>
    %mul3A_3341 = arith.constant 0.00520833349 : f32
    %mul3A_3342 = vector.broadcast %mul3A_3341 : f32 to vector<8x1xf32>
    %mul3A_3343 = arith.mulf %broadcast_in_dim3A_3336, %mul3A_3342 : vector<8x1xf32>
    %mul3A_3344 = arith.constant 0.00520833349 : f32
    %mul3A_3345 = vector.broadcast %mul3A_3344 : f32 to vector<8x1xf32>
    %mul3A_3346 = arith.mulf %broadcast_in_dim3A_3340, %mul3A_3345 : vector<8x1xf32>
    %mul3A_3347 = arith.mulf %mul3A_3343, %mul3A_3343 : vector<8x1xf32>
    %sub3A_3348 = arith.subf %mul3A_3346, %mul3A_3347 : vector<8x1xf32>
    %max3A_3349 = arith.constant 0.000000e+00 : f32
    %max3A_3350 = vector.broadcast %max3A_3349 : f32 to vector<8x1xf32>
    %max3A_3351 = arith.maximumf %sub3A_3348, %max3A_3350 : vector<8x1xf32>
    %add3A_3352 = arith.constant 9.99999996E-13 : f32
    %add3A_3353 = vector.broadcast %add3A_3352 : f32 to vector<8x1xf32>
    %add3A_3354 = arith.addf %max3A_3351, %add3A_3353 : vector<8x1xf32>
    %rsqrt3A_3355 = math.rsqrt %add3A_3354 : vector<8x1xf32>
    %sub3A_3356 = vector.broadcast %mul3A_3343 : vector<8x1xf32> to vector<8x192xf32>
    %sub3A_3357 = arith.subf %add3A_3333, %sub3A_3356 : vector<8x192xf32>
    %mul3A_3358 = vector.broadcast %rsqrt3A_3355 : vector<8x1xf32> to vector<8x192xf32>
    %mul3A_3359 = vector.broadcast %get3A_29 : vector<1x192xf32> to vector<8x192xf32>
    %mul3A_3360 = arith.mulf %mul3A_3358, %mul3A_3359 : vector<8x192xf32>
    %mul3A_3361 = arith.mulf %sub3A_3357, %mul3A_3360 : vector<8x192xf32>
    %add3A_3362 = vector.broadcast %get3A_32 : vector<1x192xf32> to vector<8x192xf32>
    %add3A_3363 = arith.addf %mul3A_3361, %add3A_3362 : vector<8x192xf32>
    %broadcast_in_dim3A_3364 = arith.constant 0.000000e+00 : f32
    %broadcast_in_dim3A_3365 = vector.broadcast %broadcast_in_dim3A_3364 : f32 to vector<56x192xf32>
    %swap3A_3366 = arith.constant 0 : index
    %swap3A_3367 = arith.constant 3584 : index
    %swap3A_3368 = arith.constant 0 : index
    %swap3A_3369 = vector.load %arg9[%swap3A_3366, %swap3A_3367, %swap3A_3368] : memref<1x4096x192xf32, #tpu.memory_space<vmem>>, vector<1x56x192xf32>
    %swap3A_3370 = vector.shape_cast %swap3A_3369 : vector<1x56x192xf32> to vector<56x192xf32>
    %swap3A_3371 = vector.shape_cast %broadcast_in_dim3A_3365 : vector<56x192xf32> to vector<1x56x192xf32>
    tpu.vector_store %arg9[%swap3A_3366, %swap3A_3367, %swap3A_3368], %swap3A_3371 {strides = array<i32>} : memref<1x4096x192xf32, #tpu.memory_space<vmem>>, vector<1x56x192xf32>,
    %swap3A_3372 = arith.constant 0 : index
    %swap3A_3373 = arith.constant 3640 : index
    %swap3A_3374 = arith.constant 0 : index
    %swap3A_3375 = vector.load %arg9[%swap3A_3372, %swap3A_3373, %swap3A_3374] : memref<1x4096x192xf32, #tpu.memory_space<vmem>>, vector<1x8x192xf32>
    %swap3A_3376 = vector.shape_cast %swap3A_3375 : vector<1x8x192xf32> to vector<8x192xf32>
    %swap3A_3377 = vector.shape_cast %add3A_3363 : vector<8x192xf32> to vector<1x8x192xf32>
    tpu.vector_store %arg9[%swap3A_3372, %swap3A_3373, %swap3A_3374], %swap3A_3377 {strides = array<i32>} : memref<1x4096x192xf32, #tpu.memory_space<vmem>>, vector<1x8x192xf32>,
    %get3A_3378 = arith.constant 0 : index
    %get3A_3379 = arith.constant 2052 : index
    %get3A_3380 = arith.constant 0 : index
    %get3A_3381 = vector.load %arg1[%get3A_3378, %get3A_3379, %get3A_3380] : memref<1x2080x192xf32, #tpu.memory_space<vmem>>, vector<1x7x192xf32>
    %get3A_3382 = vector.shape_cast %get3A_3381 : vector<1x7x192xf32> to vector<7x192xf32>
    %slice3A_3383 = vector.extract_strided_slice %add3A_11 {offsets = [57, 0], sizes = [7, 192], strides = [1, 1]} : vector<64x192xf32> to vector<7x192xf32>
    %slice3A_3384 = vector.extract_strided_slice %add3A_26 {offsets = [57, 0], sizes = [1, 192], strides = [1, 1]} : vector<64x192xf32> to vector<1x192xf32>
    %squeeze3A_3385 = vector.shape_cast %slice3A_3384 : vector<1x192xf32> to vector<192xf32>
    %broadcast_in_dim3A_3386 = vector.shape_cast %squeeze3A_3385 : vector<192xf32> to vector<1x192xf32>
    %add3A_3387 = vector.broadcast %broadcast_in_dim3A_3386 : vector<1x192xf32> to vector<7x192xf32>
    %add3A_3388 = arith.addf %slice3A_3383, %add3A_3387 : vector<7x192xf32>
    %max3A_3389 = arith.constant 0.000000e+00 : f32
    %max3A_3390 = vector.broadcast %max3A_3389 : f32 to vector<7x192xf32>
    %max3A_3391 = arith.maximumf %add3A_3388, %max3A_3390 : vector<7x192xf32>
    %add3A_3392 = arith.addf %max3A_3391, %get3A_3382 : vector<7x192xf32>
    %reduce_sum3A_3393 = arith.constant dense<0.000000e+00> : vector<7xf32>
    %reduce_sum3A_3394 = vector.multi_reduction <add>, %add3A_3392, %reduce_sum3A_3393 [1] : vector<7x192xf32> to vector<7xf32>
    %broadcast_in_dim3A_3395 = vector.shape_cast %reduce_sum3A_3394 : vector<7xf32> to vector<7x1xf32>
    %mul3A_3396 = arith.mulf %add3A_3392, %add3A_3392 : vector<7x192xf32>
    %reduce_sum3A_3397 = arith.constant dense<0.000000e+00> : vector<7xf32>
    %reduce_sum3A_3398 = vector.multi_reduction <add>, %mul3A_3396, %reduce_sum3A_3397 [1] : vector<7x192xf32> to vector<7xf32>
    %broadcast_in_dim3A_3399 = vector.shape_cast %reduce_sum3A_3398 : vector<7xf32> to vector<7x1xf32>
    %mul3A_3400 = arith.constant 0.00520833349 : f32
    %mul3A_3401 = vector.broadcast %mul3A_3400 : f32 to vector<7x1xf32>
    %mul3A_3402 = arith.mulf %broadcast_in_dim3A_3395, %mul3A_3401 : vector<7x1xf32>
    %mul3A_3403 = arith.constant 0.00520833349 : f32
    %mul3A_3404 = vector.broadcast %mul3A_3403 : f32 to vector<7x1xf32>
    %mul3A_3405 = arith.mulf %broadcast_in_dim3A_3399, %mul3A_3404 : vector<7x1xf32>
    %mul3A_3406 = arith.mulf %mul3A_3402, %mul3A_3402 : vector<7x1xf32>
    %sub3A_3407 = arith.subf %mul3A_3405, %mul3A_3406 : vector<7x1xf32>
    %max3A_3408 = arith.constant 0.000000e+00 : f32
    %max3A_3409 = vector.broadcast %max3A_3408 : f32 to vector<7x1xf32>
    %max3A_3410 = arith.maximumf %sub3A_3407, %max3A_3409 : vector<7x1xf32>
    %add3A_3411 = arith.constant 9.99999996E-13 : f32
    %add3A_3412 = vector.broadcast %add3A_3411 : f32 to vector<7x1xf32>
    %add3A_3413 = arith.addf %max3A_3410, %add3A_3412 : vector<7x1xf32>
    %rsqrt3A_3414 = math.rsqrt %add3A_3413 : vector<7x1xf32>
    %sub3A_3415 = vector.broadcast %mul3A_3402 : vector<7x1xf32> to vector<7x192xf32>
    %sub3A_3416 = arith.subf %add3A_3392, %sub3A_3415 : vector<7x192xf32>
    %mul3A_3417 = vector.broadcast %rsqrt3A_3414 : vector<7x1xf32> to vector<7x192xf32>
    %mul3A_3418 = vector.broadcast %get3A_29 : vector<1x192xf32> to vector<7x192xf32>
    %mul3A_3419 = arith.mulf %mul3A_3417, %mul3A_3418 : vector<7x192xf32>
    %mul3A_3420 = arith.mulf %sub3A_3416, %mul3A_3419 : vector<7x192xf32>
    %add3A_3421 = vector.broadcast %get3A_32 : vector<1x192xf32> to vector<7x192xf32>
    %add3A_3422 = arith.addf %mul3A_3420, %add3A_3421 : vector<7x192xf32>
    %broadcast_in_dim3A_3423 = arith.constant 0.000000e+00 : f32
    %broadcast_in_dim3A_3424 = vector.broadcast %broadcast_in_dim3A_3423 : f32 to vector<57x192xf32>
    %swap3A_3425 = arith.constant 0 : index
    %swap3A_3426 = arith.constant 3648 : index
    %swap3A_3427 = arith.constant 0 : index
    %swap3A_3428 = vector.load %arg9[%swap3A_3425, %swap3A_3426, %swap3A_3427] : memref<1x4096x192xf32, #tpu.memory_space<vmem>>, vector<1x57x192xf32>
    %swap3A_3429 = vector.shape_cast %swap3A_3428 : vector<1x57x192xf32> to vector<57x192xf32>
    %swap3A_3430 = vector.shape_cast %broadcast_in_dim3A_3424 : vector<57x192xf32> to vector<1x57x192xf32>
    tpu.vector_store %arg9[%swap3A_3425, %swap3A_3426, %swap3A_3427], %swap3A_3430 {strides = array<i32>} : memref<1x4096x192xf32, #tpu.memory_space<vmem>>, vector<1x57x192xf32>,
    %swap3A_3431 = arith.constant 0 : index
    %swap3A_3432 = arith.constant 3705 : index
    %swap3A_3433 = arith.constant 0 : index
    %swap3A_3434 = vector.load %arg9[%swap3A_3431, %swap3A_3432, %swap3A_3433] : memref<1x4096x192xf32, #tpu.memory_space<vmem>>, vector<1x7x192xf32>
    %swap3A_3435 = vector.shape_cast %swap3A_3434 : vector<1x7x192xf32> to vector<7x192xf32>
    %swap3A_3436 = vector.shape_cast %add3A_3422 : vector<7x192xf32> to vector<1x7x192xf32>
    tpu.vector_store %arg9[%swap3A_3431, %swap3A_3432, %swap3A_3433], %swap3A_3436 {strides = array<i32>} : memref<1x4096x192xf32, #tpu.memory_space<vmem>>, vector<1x7x192xf32>,
    %get3A_3437 = arith.constant 0 : index
    %get3A_3438 = arith.constant 2059 : index
    %get3A_3439 = arith.constant 0 : index
    %get3A_3440 = vector.load %arg1[%get3A_3437, %get3A_3438, %get3A_3439] : memref<1x2080x192xf32, #tpu.memory_space<vmem>>, vector<1x6x192xf32>
    %get3A_3441 = vector.shape_cast %get3A_3440 : vector<1x6x192xf32> to vector<6x192xf32>
    %slice3A_3442 = vector.extract_strided_slice %add3A_11 {offsets = [58, 0], sizes = [6, 192], strides = [1, 1]} : vector<64x192xf32> to vector<6x192xf32>
    %slice3A_3443 = vector.extract_strided_slice %add3A_26 {offsets = [58, 0], sizes = [1, 192], strides = [1, 1]} : vector<64x192xf32> to vector<1x192xf32>
    %squeeze3A_3444 = vector.shape_cast %slice3A_3443 : vector<1x192xf32> to vector<192xf32>
    %broadcast_in_dim3A_3445 = vector.shape_cast %squeeze3A_3444 : vector<192xf32> to vector<1x192xf32>
    %add3A_3446 = vector.broadcast %broadcast_in_dim3A_3445 : vector<1x192xf32> to vector<6x192xf32>
    %add3A_3447 = arith.addf %slice3A_3442, %add3A_3446 : vector<6x192xf32>
    %max3A_3448 = arith.constant 0.000000e+00 : f32
    %max3A_3449 = vector.broadcast %max3A_3448 : f32 to vector<6x192xf32>
    %max3A_3450 = arith.maximumf %add3A_3447, %max3A_3449 : vector<6x192xf32>
    %add3A_3451 = arith.addf %max3A_3450, %get3A_3441 : vector<6x192xf32>
    %reduce_sum3A_3452 = arith.constant dense<0.000000e+00> : vector<6xf32>
    %reduce_sum3A_3453 = vector.multi_reduction <add>, %add3A_3451, %reduce_sum3A_3452 [1] : vector<6x192xf32> to vector<6xf32>
    %broadcast_in_dim3A_3454 = vector.shape_cast %reduce_sum3A_3453 : vector<6xf32> to vector<6x1xf32>
    %mul3A_3455 = arith.mulf %add3A_3451, %add3A_3451 : vector<6x192xf32>
    %reduce_sum3A_3456 = arith.constant dense<0.000000e+00> : vector<6xf32>
    %reduce_sum3A_3457 = vector.multi_reduction <add>, %mul3A_3455, %reduce_sum3A_3456 [1] : vector<6x192xf32> to vector<6xf32>
    %broadcast_in_dim3A_3458 = vector.shape_cast %reduce_sum3A_3457 : vector<6xf32> to vector<6x1xf32>
    %mul3A_3459 = arith.constant 0.00520833349 : f32
    %mul3A_3460 = vector.broadcast %mul3A_3459 : f32 to vector<6x1xf32>
    %mul3A_3461 = arith.mulf %broadcast_in_dim3A_3454, %mul3A_3460 : vector<6x1xf32>
    %mul3A_3462 = arith.constant 0.00520833349 : f32
    %mul3A_3463 = vector.broadcast %mul3A_3462 : f32 to vector<6x1xf32>
    %mul3A_3464 = arith.mulf %broadcast_in_dim3A_3458, %mul3A_3463 : vector<6x1xf32>
    %mul3A_3465 = arith.mulf %mul3A_3461, %mul3A_3461 : vector<6x1xf32>
    %sub3A_3466 = arith.subf %mul3A_3464, %mul3A_3465 : vector<6x1xf32>
    %max3A_3467 = arith.constant 0.000000e+00 : f32
    %max3A_3468 = vector.broadcast %max3A_3467 : f32 to vector<6x1xf32>
    %max3A_3469 = arith.maximumf %sub3A_3466, %max3A_3468 : vector<6x1xf32>
    %add3A_3470 = arith.constant 9.99999996E-13 : f32
    %add3A_3471 = vector.broadcast %add3A_3470 : f32 to vector<6x1xf32>
    %add3A_3472 = arith.addf %max3A_3469, %add3A_3471 : vector<6x1xf32>
    %rsqrt3A_3473 = math.rsqrt %add3A_3472 : vector<6x1xf32>
    %sub3A_3474 = vector.broadcast %mul3A_3461 : vector<6x1xf32> to vector<6x192xf32>
    %sub3A_3475 = arith.subf %add3A_3451, %sub3A_3474 : vector<6x192xf32>
    %mul3A_3476 = vector.broadcast %rsqrt3A_3473 : vector<6x1xf32> to vector<6x192xf32>
    %mul3A_3477 = vector.broadcast %get3A_29 : vector<1x192xf32> to vector<6x192xf32>
    %mul3A_3478 = arith.mulf %mul3A_3476, %mul3A_3477 : vector<6x192xf32>
    %mul3A_3479 = arith.mulf %sub3A_3475, %mul3A_3478 : vector<6x192xf32>
    %add3A_3480 = vector.broadcast %get3A_32 : vector<1x192xf32> to vector<6x192xf32>
    %add3A_3481 = arith.addf %mul3A_3479, %add3A_3480 : vector<6x192xf32>
    %broadcast_in_dim3A_3482 = arith.constant 0.000000e+00 : f32
    %broadcast_in_dim3A_3483 = vector.broadcast %broadcast_in_dim3A_3482 : f32 to vector<58x192xf32>
    %swap3A_3484 = arith.constant 0 : index
    %swap3A_3485 = arith.constant 3712 : index
    %swap3A_3486 = arith.constant 0 : index
    %swap3A_3487 = vector.load %arg9[%swap3A_3484, %swap3A_3485, %swap3A_3486] : memref<1x4096x192xf32, #tpu.memory_space<vmem>>, vector<1x58x192xf32>
    %swap3A_3488 = vector.shape_cast %swap3A_3487 : vector<1x58x192xf32> to vector<58x192xf32>
    %swap3A_3489 = vector.shape_cast %broadcast_in_dim3A_3483 : vector<58x192xf32> to vector<1x58x192xf32>
    tpu.vector_store %arg9[%swap3A_3484, %swap3A_3485, %swap3A_3486], %swap3A_3489 {strides = array<i32>} : memref<1x4096x192xf32, #tpu.memory_space<vmem>>, vector<1x58x192xf32>,
    %swap3A_3490 = arith.constant 0 : index
    %swap3A_3491 = arith.constant 3770 : index
    %swap3A_3492 = arith.constant 0 : index
    %swap3A_3493 = vector.load %arg9[%swap3A_3490, %swap3A_3491, %swap3A_3492] : memref<1x4096x192xf32, #tpu.memory_space<vmem>>, vector<1x6x192xf32>
    %swap3A_3494 = vector.shape_cast %swap3A_3493 : vector<1x6x192xf32> to vector<6x192xf32>
    %swap3A_3495 = vector.shape_cast %add3A_3481 : vector<6x192xf32> to vector<1x6x192xf32>
    tpu.vector_store %arg9[%swap3A_3490, %swap3A_3491, %swap3A_3492], %swap3A_3495 {strides = array<i32>} : memref<1x4096x192xf32, #tpu.memory_space<vmem>>, vector<1x6x192xf32>,
    %get3A_3496 = arith.constant 0 : index
    %get3A_3497 = arith.constant 2065 : index
    %get3A_3498 = arith.constant 0 : index
    %get3A_3499 = vector.load %arg1[%get3A_3496, %get3A_3497, %get3A_3498] : memref<1x2080x192xf32, #tpu.memory_space<vmem>>, vector<1x5x192xf32>
    %get3A_3500 = vector.shape_cast %get3A_3499 : vector<1x5x192xf32> to vector<5x192xf32>
    %slice3A_3501 = vector.extract_strided_slice %add3A_11 {offsets = [59, 0], sizes = [5, 192], strides = [1, 1]} : vector<64x192xf32> to vector<5x192xf32>
    %slice3A_3502 = vector.extract_strided_slice %add3A_26 {offsets = [59, 0], sizes = [1, 192], strides = [1, 1]} : vector<64x192xf32> to vector<1x192xf32>
    %squeeze3A_3503 = vector.shape_cast %slice3A_3502 : vector<1x192xf32> to vector<192xf32>
    %broadcast_in_dim3A_3504 = vector.shape_cast %squeeze3A_3503 : vector<192xf32> to vector<1x192xf32>
    %add3A_3505 = vector.broadcast %broadcast_in_dim3A_3504 : vector<1x192xf32> to vector<5x192xf32>
    %add3A_3506 = arith.addf %slice3A_3501, %add3A_3505 : vector<5x192xf32>
    %max3A_3507 = arith.constant 0.000000e+00 : f32
    %max3A_3508 = vector.broadcast %max3A_3507 : f32 to vector<5x192xf32>
    %max3A_3509 = arith.maximumf %add3A_3506, %max3A_3508 : vector<5x192xf32>
    %add3A_3510 = arith.addf %max3A_3509, %get3A_3500 : vector<5x192xf32>
    %reduce_sum3A_3511 = arith.constant dense<0.000000e+00> : vector<5xf32>
    %reduce_sum3A_3512 = vector.multi_reduction <add>, %add3A_3510, %reduce_sum3A_3511 [1] : vector<5x192xf32> to vector<5xf32>
    %broadcast_in_dim3A_3513 = vector.shape_cast %reduce_sum3A_3512 : vector<5xf32> to vector<5x1xf32>
    %mul3A_3514 = arith.mulf %add3A_3510, %add3A_3510 : vector<5x192xf32>
    %reduce_sum3A_3515 = arith.constant dense<0.000000e+00> : vector<5xf32>
    %reduce_sum3A_3516 = vector.multi_reduction <add>, %mul3A_3514, %reduce_sum3A_3515 [1] : vector<5x192xf32> to vector<5xf32>
    %broadcast_in_dim3A_3517 = vector.shape_cast %reduce_sum3A_3516 : vector<5xf32> to vector<5x1xf32>
    %mul3A_3518 = arith.constant 0.00520833349 : f32
    %mul3A_3519 = vector.broadcast %mul3A_3518 : f32 to vector<5x1xf32>
    %mul3A_3520 = arith.mulf %broadcast_in_dim3A_3513, %mul3A_3519 : vector<5x1xf32>
    %mul3A_3521 = arith.constant 0.00520833349 : f32
    %mul3A_3522 = vector.broadcast %mul3A_3521 : f32 to vector<5x1xf32>
    %mul3A_3523 = arith.mulf %broadcast_in_dim3A_3517, %mul3A_3522 : vector<5x1xf32>
    %mul3A_3524 = arith.mulf %mul3A_3520, %mul3A_3520 : vector<5x1xf32>
    %sub3A_3525 = arith.subf %mul3A_3523, %mul3A_3524 : vector<5x1xf32>
    %max3A_3526 = arith.constant 0.000000e+00 : f32
    %max3A_3527 = vector.broadcast %max3A_3526 : f32 to vector<5x1xf32>
    %max3A_3528 = arith.maximumf %sub3A_3525, %max3A_3527 : vector<5x1xf32>
    %add3A_3529 = arith.constant 9.99999996E-13 : f32
    %add3A_3530 = vector.broadcast %add3A_3529 : f32 to vector<5x1xf32>
    %add3A_3531 = arith.addf %max3A_3528, %add3A_3530 : vector<5x1xf32>
    %rsqrt3A_3532 = math.rsqrt %add3A_3531 : vector<5x1xf32>
    %sub3A_3533 = vector.broadcast %mul3A_3520 : vector<5x1xf32> to vector<5x192xf32>
    %sub3A_3534 = arith.subf %add3A_3510, %sub3A_3533 : vector<5x192xf32>
    %mul3A_3535 = vector.broadcast %rsqrt3A_3532 : vector<5x1xf32> to vector<5x192xf32>
    %mul3A_3536 = vector.broadcast %get3A_29 : vector<1x192xf32> to vector<5x192xf32>
    %mul3A_3537 = arith.mulf %mul3A_3535, %mul3A_3536 : vector<5x192xf32>
    %mul3A_3538 = arith.mulf %sub3A_3534, %mul3A_3537 : vector<5x192xf32>
    %add3A_3539 = vector.broadcast %get3A_32 : vector<1x192xf32> to vector<5x192xf32>
    %add3A_3540 = arith.addf %mul3A_3538, %add3A_3539 : vector<5x192xf32>
    %broadcast_in_dim3A_3541 = arith.constant 0.000000e+00 : f32
    %broadcast_in_dim3A_3542 = vector.broadcast %broadcast_in_dim3A_3541 : f32 to vector<59x192xf32>
    %swap3A_3543 = arith.constant 0 : index
    %swap3A_3544 = arith.constant 3776 : index
    %swap3A_3545 = arith.constant 0 : index
    %swap3A_3546 = vector.load %arg9[%swap3A_3543, %swap3A_3544, %swap3A_3545] : memref<1x4096x192xf32, #tpu.memory_space<vmem>>, vector<1x59x192xf32>
    %swap3A_3547 = vector.shape_cast %swap3A_3546 : vector<1x59x192xf32> to vector<59x192xf32>
    %swap3A_3548 = vector.shape_cast %broadcast_in_dim3A_3542 : vector<59x192xf32> to vector<1x59x192xf32>
    tpu.vector_store %arg9[%swap3A_3543, %swap3A_3544, %swap3A_3545], %swap3A_3548 {strides = array<i32>} : memref<1x4096x192xf32, #tpu.memory_space<vmem>>, vector<1x59x192xf32>,
    %swap3A_3549 = arith.constant 0 : index
    %swap3A_3550 = arith.constant 3835 : index
    %swap3A_3551 = arith.constant 0 : index
    %swap3A_3552 = vector.load %arg9[%swap3A_3549, %swap3A_3550, %swap3A_3551] : memref<1x4096x192xf32, #tpu.memory_space<vmem>>, vector<1x5x192xf32>
    %swap3A_3553 = vector.shape_cast %swap3A_3552 : vector<1x5x192xf32> to vector<5x192xf32>
    %swap3A_3554 = vector.shape_cast %add3A_3540 : vector<5x192xf32> to vector<1x5x192xf32>
    tpu.vector_store %arg9[%swap3A_3549, %swap3A_3550, %swap3A_3551], %swap3A_3554 {strides = array<i32>} : memref<1x4096x192xf32, #tpu.memory_space<vmem>>, vector<1x5x192xf32>,
    %get3A_3555 = arith.constant 0 : index
    %get3A_3556 = arith.constant 2070 : index
    %get3A_3557 = arith.constant 0 : index
    %get3A_3558 = vector.load %arg1[%get3A_3555, %get3A_3556, %get3A_3557] : memref<1x2080x192xf32, #tpu.memory_space<vmem>>, vector<1x4x192xf32>
    %get3A_3559 = vector.shape_cast %get3A_3558 : vector<1x4x192xf32> to vector<4x192xf32>
    %slice3A_3560 = vector.extract_strided_slice %add3A_11 {offsets = [60, 0], sizes = [4, 192], strides = [1, 1]} : vector<64x192xf32> to vector<4x192xf32>
    %slice3A_3561 = vector.extract_strided_slice %add3A_26 {offsets = [60, 0], sizes = [1, 192], strides = [1, 1]} : vector<64x192xf32> to vector<1x192xf32>
    %squeeze3A_3562 = vector.shape_cast %slice3A_3561 : vector<1x192xf32> to vector<192xf32>
    %broadcast_in_dim3A_3563 = vector.shape_cast %squeeze3A_3562 : vector<192xf32> to vector<1x192xf32>
    %add3A_3564 = vector.broadcast %broadcast_in_dim3A_3563 : vector<1x192xf32> to vector<4x192xf32>
    %add3A_3565 = arith.addf %slice3A_3560, %add3A_3564 : vector<4x192xf32>
    %max3A_3566 = arith.constant 0.000000e+00 : f32
    %max3A_3567 = vector.broadcast %max3A_3566 : f32 to vector<4x192xf32>
    %max3A_3568 = arith.maximumf %add3A_3565, %max3A_3567 : vector<4x192xf32>
    %add3A_3569 = arith.addf %max3A_3568, %get3A_3559 : vector<4x192xf32>
    %reduce_sum3A_3570 = arith.constant dense<0.000000e+00> : vector<4xf32>
    %reduce_sum3A_3571 = vector.multi_reduction <add>, %add3A_3569, %reduce_sum3A_3570 [1] : vector<4x192xf32> to vector<4xf32>
    %broadcast_in_dim3A_3572 = vector.shape_cast %reduce_sum3A_3571 : vector<4xf32> to vector<4x1xf32>
    %mul3A_3573 = arith.mulf %add3A_3569, %add3A_3569 : vector<4x192xf32>
    %reduce_sum3A_3574 = arith.constant dense<0.000000e+00> : vector<4xf32>
    %reduce_sum3A_3575 = vector.multi_reduction <add>, %mul3A_3573, %reduce_sum3A_3574 [1] : vector<4x192xf32> to vector<4xf32>
    %broadcast_in_dim3A_3576 = vector.shape_cast %reduce_sum3A_3575 : vector<4xf32> to vector<4x1xf32>
    %mul3A_3577 = arith.constant 0.00520833349 : f32
    %mul3A_3578 = vector.broadcast %mul3A_3577 : f32 to vector<4x1xf32>
    %mul3A_3579 = arith.mulf %broadcast_in_dim3A_3572, %mul3A_3578 : vector<4x1xf32>
    %mul3A_3580 = arith.constant 0.00520833349 : f32
    %mul3A_3581 = vector.broadcast %mul3A_3580 : f32 to vector<4x1xf32>
    %mul3A_3582 = arith.mulf %broadcast_in_dim3A_3576, %mul3A_3581 : vector<4x1xf32>
    %mul3A_3583 = arith.mulf %mul3A_3579, %mul3A_3579 : vector<4x1xf32>
    %sub3A_3584 = arith.subf %mul3A_3582, %mul3A_3583 : vector<4x1xf32>
    %max3A_3585 = arith.constant 0.000000e+00 : f32
    %max3A_3586 = vector.broadcast %max3A_3585 : f32 to vector<4x1xf32>
    %max3A_3587 = arith.maximumf %sub3A_3584, %max3A_3586 : vector<4x1xf32>
    %add3A_3588 = arith.constant 9.99999996E-13 : f32
    %add3A_3589 = vector.broadcast %add3A_3588 : f32 to vector<4x1xf32>
    %add3A_3590 = arith.addf %max3A_3587, %add3A_3589 : vector<4x1xf32>
    %rsqrt3A_3591 = math.rsqrt %add3A_3590 : vector<4x1xf32>
    %sub3A_3592 = vector.broadcast %mul3A_3579 : vector<4x1xf32> to vector<4x192xf32>
    %sub3A_3593 = arith.subf %add3A_3569, %sub3A_3592 : vector<4x192xf32>
    %mul3A_3594 = vector.broadcast %rsqrt3A_3591 : vector<4x1xf32> to vector<4x192xf32>
    %mul3A_3595 = vector.broadcast %get3A_29 : vector<1x192xf32> to vector<4x192xf32>
    %mul3A_3596 = arith.mulf %mul3A_3594, %mul3A_3595 : vector<4x192xf32>
    %mul3A_3597 = arith.mulf %sub3A_3593, %mul3A_3596 : vector<4x192xf32>
    %add3A_3598 = vector.broadcast %get3A_32 : vector<1x192xf32> to vector<4x192xf32>
    %add3A_3599 = arith.addf %mul3A_3597, %add3A_3598 : vector<4x192xf32>
    %broadcast_in_dim3A_3600 = arith.constant 0.000000e+00 : f32
    %broadcast_in_dim3A_3601 = vector.broadcast %broadcast_in_dim3A_3600 : f32 to vector<60x192xf32>
    %swap3A_3602 = arith.constant 0 : index
    %swap3A_3603 = arith.constant 3840 : index
    %swap3A_3604 = arith.constant 0 : index
    %swap3A_3605 = vector.load %arg9[%swap3A_3602, %swap3A_3603, %swap3A_3604] : memref<1x4096x192xf32, #tpu.memory_space<vmem>>, vector<1x60x192xf32>
    %swap3A_3606 = vector.shape_cast %swap3A_3605 : vector<1x60x192xf32> to vector<60x192xf32>
    %swap3A_3607 = vector.shape_cast %broadcast_in_dim3A_3601 : vector<60x192xf32> to vector<1x60x192xf32>
    tpu.vector_store %arg9[%swap3A_3602, %swap3A_3603, %swap3A_3604], %swap3A_3607 {strides = array<i32>} : memref<1x4096x192xf32, #tpu.memory_space<vmem>>, vector<1x60x192xf32>,
    %swap3A_3608 = arith.constant 0 : index
    %swap3A_3609 = arith.constant 3900 : index
    %swap3A_3610 = arith.constant 0 : index
    %swap3A_3611 = vector.load %arg9[%swap3A_3608, %swap3A_3609, %swap3A_3610] : memref<1x4096x192xf32, #tpu.memory_space<vmem>>, vector<1x4x192xf32>
    %swap3A_3612 = vector.shape_cast %swap3A_3611 : vector<1x4x192xf32> to vector<4x192xf32>
    %swap3A_3613 = vector.shape_cast %add3A_3599 : vector<4x192xf32> to vector<1x4x192xf32>
    tpu.vector_store %arg9[%swap3A_3608, %swap3A_3609, %swap3A_3610], %swap3A_3613 {strides = array<i32>} : memref<1x4096x192xf32, #tpu.memory_space<vmem>>, vector<1x4x192xf32>,
    %get3A_3614 = arith.constant 0 : index
    %get3A_3615 = arith.constant 2074 : index
    %get3A_3616 = arith.constant 0 : index
    %get3A_3617 = vector.load %arg1[%get3A_3614, %get3A_3615, %get3A_3616] : memref<1x2080x192xf32, #tpu.memory_space<vmem>>, vector<1x3x192xf32>
    %get3A_3618 = vector.shape_cast %get3A_3617 : vector<1x3x192xf32> to vector<3x192xf32>
    %slice3A_3619 = vector.extract_strided_slice %add3A_11 {offsets = [61, 0], sizes = [3, 192], strides = [1, 1]} : vector<64x192xf32> to vector<3x192xf32>
    %slice3A_3620 = vector.extract_strided_slice %add3A_26 {offsets = [61, 0], sizes = [1, 192], strides = [1, 1]} : vector<64x192xf32> to vector<1x192xf32>
    %squeeze3A_3621 = vector.shape_cast %slice3A_3620 : vector<1x192xf32> to vector<192xf32>
    %broadcast_in_dim3A_3622 = vector.shape_cast %squeeze3A_3621 : vector<192xf32> to vector<1x192xf32>
    %add3A_3623 = vector.broadcast %broadcast_in_dim3A_3622 : vector<1x192xf32> to vector<3x192xf32>
    %add3A_3624 = arith.addf %slice3A_3619, %add3A_3623 : vector<3x192xf32>
    %max3A_3625 = arith.constant 0.000000e+00 : f32
    %max3A_3626 = vector.broadcast %max3A_3625 : f32 to vector<3x192xf32>
    %max3A_3627 = arith.maximumf %add3A_3624, %max3A_3626 : vector<3x192xf32>
    %add3A_3628 = arith.addf %max3A_3627, %get3A_3618 : vector<3x192xf32>
    %reduce_sum3A_3629 = arith.constant dense<0.000000e+00> : vector<3xf32>
    %reduce_sum3A_3630 = vector.multi_reduction <add>, %add3A_3628, %reduce_sum3A_3629 [1] : vector<3x192xf32> to vector<3xf32>
    %broadcast_in_dim3A_3631 = vector.shape_cast %reduce_sum3A_3630 : vector<3xf32> to vector<3x1xf32>
    %mul3A_3632 = arith.mulf %add3A_3628, %add3A_3628 : vector<3x192xf32>
    %reduce_sum3A_3633 = arith.constant dense<0.000000e+00> : vector<3xf32>
    %reduce_sum3A_3634 = vector.multi_reduction <add>, %mul3A_3632, %reduce_sum3A_3633 [1] : vector<3x192xf32> to vector<3xf32>
    %broadcast_in_dim3A_3635 = vector.shape_cast %reduce_sum3A_3634 : vector<3xf32> to vector<3x1xf32>
    %mul3A_3636 = arith.constant 0.00520833349 : f32
    %mul3A_3637 = vector.broadcast %mul3A_3636 : f32 to vector<3x1xf32>
    %mul3A_3638 = arith.mulf %broadcast_in_dim3A_3631, %mul3A_3637 : vector<3x1xf32>
    %mul3A_3639 = arith.constant 0.00520833349 : f32
    %mul3A_3640 = vector.broadcast %mul3A_3639 : f32 to vector<3x1xf32>
    %mul3A_3641 = arith.mulf %broadcast_in_dim3A_3635, %mul3A_3640 : vector<3x1xf32>
    %mul3A_3642 = arith.mulf %mul3A_3638, %mul3A_3638 : vector<3x1xf32>
    %sub3A_3643 = arith.subf %mul3A_3641, %mul3A_3642 : vector<3x1xf32>
    %max3A_3644 = arith.constant 0.000000e+00 : f32
    %max3A_3645 = vector.broadcast %max3A_3644 : f32 to vector<3x1xf32>
    %max3A_3646 = arith.maximumf %sub3A_3643, %max3A_3645 : vector<3x1xf32>
    %add3A_3647 = arith.constant 9.99999996E-13 : f32
    %add3A_3648 = vector.broadcast %add3A_3647 : f32 to vector<3x1xf32>
    %add3A_3649 = arith.addf %max3A_3646, %add3A_3648 : vector<3x1xf32>
    %rsqrt3A_3650 = math.rsqrt %add3A_3649 : vector<3x1xf32>
    %sub3A_3651 = vector.broadcast %mul3A_3638 : vector<3x1xf32> to vector<3x192xf32>
    %sub3A_3652 = arith.subf %add3A_3628, %sub3A_3651 : vector<3x192xf32>
    %mul3A_3653 = vector.broadcast %rsqrt3A_3650 : vector<3x1xf32> to vector<3x192xf32>
    %mul3A_3654 = vector.broadcast %get3A_29 : vector<1x192xf32> to vector<3x192xf32>
    %mul3A_3655 = arith.mulf %mul3A_3653, %mul3A_3654 : vector<3x192xf32>
    %mul3A_3656 = arith.mulf %sub3A_3652, %mul3A_3655 : vector<3x192xf32>
    %add3A_3657 = vector.broadcast %get3A_32 : vector<1x192xf32> to vector<3x192xf32>
    %add3A_3658 = arith.addf %mul3A_3656, %add3A_3657 : vector<3x192xf32>
    %broadcast_in_dim3A_3659 = arith.constant 0.000000e+00 : f32
    %broadcast_in_dim3A_3660 = vector.broadcast %broadcast_in_dim3A_3659 : f32 to vector<61x192xf32>
    %swap3A_3661 = arith.constant 0 : index
    %swap3A_3662 = arith.constant 3904 : index
    %swap3A_3663 = arith.constant 0 : index
    %swap3A_3664 = vector.load %arg9[%swap3A_3661, %swap3A_3662, %swap3A_3663] : memref<1x4096x192xf32, #tpu.memory_space<vmem>>, vector<1x61x192xf32>
    %swap3A_3665 = vector.shape_cast %swap3A_3664 : vector<1x61x192xf32> to vector<61x192xf32>
    %swap3A_3666 = vector.shape_cast %broadcast_in_dim3A_3660 : vector<61x192xf32> to vector<1x61x192xf32>
    tpu.vector_store %arg9[%swap3A_3661, %swap3A_3662, %swap3A_3663], %swap3A_3666 {strides = array<i32>} : memref<1x4096x192xf32, #tpu.memory_space<vmem>>, vector<1x61x192xf32>,
    %swap3A_3667 = arith.constant 0 : index
    %swap3A_3668 = arith.constant 3965 : index
    %swap3A_3669 = arith.constant 0 : index
    %swap3A_3670 = vector.load %arg9[%swap3A_3667, %swap3A_3668, %swap3A_3669] : memref<1x4096x192xf32, #tpu.memory_space<vmem>>, vector<1x3x192xf32>
    %swap3A_3671 = vector.shape_cast %swap3A_3670 : vector<1x3x192xf32> to vector<3x192xf32>
    %swap3A_3672 = vector.shape_cast %add3A_3658 : vector<3x192xf32> to vector<1x3x192xf32>
    tpu.vector_store %arg9[%swap3A_3667, %swap3A_3668, %swap3A_3669], %swap3A_3672 {strides = array<i32>} : memref<1x4096x192xf32, #tpu.memory_space<vmem>>, vector<1x3x192xf32>,
    %get3A_3673 = arith.constant 0 : index
    %get3A_3674 = arith.constant 2077 : index
    %get3A_3675 = arith.constant 0 : index
    %get3A_3676 = vector.load %arg1[%get3A_3673, %get3A_3674, %get3A_3675] : memref<1x2080x192xf32, #tpu.memory_space<vmem>>, vector<1x2x192xf32>
    %get3A_3677 = vector.shape_cast %get3A_3676 : vector<1x2x192xf32> to vector<2x192xf32>
    %slice3A_3678 = vector.extract_strided_slice %add3A_11 {offsets = [62, 0], sizes = [2, 192], strides = [1, 1]} : vector<64x192xf32> to vector<2x192xf32>
    %slice3A_3679 = vector.extract_strided_slice %add3A_26 {offsets = [62, 0], sizes = [1, 192], strides = [1, 1]} : vector<64x192xf32> to vector<1x192xf32>
    %squeeze3A_3680 = vector.shape_cast %slice3A_3679 : vector<1x192xf32> to vector<192xf32>
    %broadcast_in_dim3A_3681 = vector.shape_cast %squeeze3A_3680 : vector<192xf32> to vector<1x192xf32>
    %add3A_3682 = vector.broadcast %broadcast_in_dim3A_3681 : vector<1x192xf32> to vector<2x192xf32>
    %add3A_3683 = arith.addf %slice3A_3678, %add3A_3682 : vector<2x192xf32>
    %max3A_3684 = arith.constant 0.000000e+00 : f32
    %max3A_3685 = vector.broadcast %max3A_3684 : f32 to vector<2x192xf32>
    %max3A_3686 = arith.maximumf %add3A_3683, %max3A_3685 : vector<2x192xf32>
    %add3A_3687 = arith.addf %max3A_3686, %get3A_3677 : vector<2x192xf32>
    %reduce_sum3A_3688 = arith.constant dense<0.000000e+00> : vector<2xf32>
    %reduce_sum3A_3689 = vector.multi_reduction <add>, %add3A_3687, %reduce_sum3A_3688 [1] : vector<2x192xf32> to vector<2xf32>
    %broadcast_in_dim3A_3690 = vector.shape_cast %reduce_sum3A_3689 : vector<2xf32> to vector<2x1xf32>
    %mul3A_3691 = arith.mulf %add3A_3687, %add3A_3687 : vector<2x192xf32>
    %reduce_sum3A_3692 = arith.constant dense<0.000000e+00> : vector<2xf32>
    %reduce_sum3A_3693 = vector.multi_reduction <add>, %mul3A_3691, %reduce_sum3A_3692 [1] : vector<2x192xf32> to vector<2xf32>
    %broadcast_in_dim3A_3694 = vector.shape_cast %reduce_sum3A_3693 : vector<2xf32> to vector<2x1xf32>
    %mul3A_3695 = arith.constant 0.00520833349 : f32
    %mul3A_3696 = vector.broadcast %mul3A_3695 : f32 to vector<2x1xf32>
    %mul3A_3697 = arith.mulf %broadcast_in_dim3A_3690, %mul3A_3696 : vector<2x1xf32>
    %mul3A_3698 = arith.constant 0.00520833349 : f32
    %mul3A_3699 = vector.broadcast %mul3A_3698 : f32 to vector<2x1xf32>
    %mul3A_3700 = arith.mulf %broadcast_in_dim3A_3694, %mul3A_3699 : vector<2x1xf32>
    %mul3A_3701 = arith.mulf %mul3A_3697, %mul3A_3697 : vector<2x1xf32>
    %sub3A_3702 = arith.subf %mul3A_3700, %mul3A_3701 : vector<2x1xf32>
    %max3A_3703 = arith.constant 0.000000e+00 : f32
    %max3A_3704 = vector.broadcast %max3A_3703 : f32 to vector<2x1xf32>
    %max3A_3705 = arith.maximumf %sub3A_3702, %max3A_3704 : vector<2x1xf32>
    %add3A_3706 = arith.constant 9.99999996E-13 : f32
    %add3A_3707 = vector.broadcast %add3A_3706 : f32 to vector<2x1xf32>
    %add3A_3708 = arith.addf %max3A_3705, %add3A_3707 : vector<2x1xf32>
    %rsqrt3A_3709 = math.rsqrt %add3A_3708 : vector<2x1xf32>
    %sub3A_3710 = vector.broadcast %mul3A_3697 : vector<2x1xf32> to vector<2x192xf32>
    %sub3A_3711 = arith.subf %add3A_3687, %sub3A_3710 : vector<2x192xf32>
    %mul3A_3712 = vector.broadcast %rsqrt3A_3709 : vector<2x1xf32> to vector<2x192xf32>
    %mul3A_3713 = vector.broadcast %get3A_29 : vector<1x192xf32> to vector<2x192xf32>
    %mul3A_3714 = arith.mulf %mul3A_3712, %mul3A_3713 : vector<2x192xf32>
    %mul3A_3715 = arith.mulf %sub3A_3711, %mul3A_3714 : vector<2x192xf32>
    %add3A_3716 = vector.broadcast %get3A_32 : vector<1x192xf32> to vector<2x192xf32>
    %add3A_3717 = arith.addf %mul3A_3715, %add3A_3716 : vector<2x192xf32>
    %broadcast_in_dim3A_3718 = arith.constant 0.000000e+00 : f32
    %broadcast_in_dim3A_3719 = vector.broadcast %broadcast_in_dim3A_3718 : f32 to vector<62x192xf32>
    %swap3A_3720 = arith.constant 0 : index
    %swap3A_3721 = arith.constant 3968 : index
    %swap3A_3722 = arith.constant 0 : index
    %swap3A_3723 = vector.load %arg9[%swap3A_3720, %swap3A_3721, %swap3A_3722] : memref<1x4096x192xf32, #tpu.memory_space<vmem>>, vector<1x62x192xf32>
    %swap3A_3724 = vector.shape_cast %swap3A_3723 : vector<1x62x192xf32> to vector<62x192xf32>
    %swap3A_3725 = vector.shape_cast %broadcast_in_dim3A_3719 : vector<62x192xf32> to vector<1x62x192xf32>
    tpu.vector_store %arg9[%swap3A_3720, %swap3A_3721, %swap3A_3722], %swap3A_3725 {strides = array<i32>} : memref<1x4096x192xf32, #tpu.memory_space<vmem>>, vector<1x62x192xf32>,
    %swap3A_3726 = arith.constant 0 : index
    %swap3A_3727 = arith.constant 4030 : index
    %swap3A_3728 = arith.constant 0 : index
    %swap3A_3729 = vector.load %arg9[%swap3A_3726, %swap3A_3727, %swap3A_3728] : memref<1x4096x192xf32, #tpu.memory_space<vmem>>, vector<1x2x192xf32>
    %swap3A_3730 = vector.shape_cast %swap3A_3729 : vector<1x2x192xf32> to vector<2x192xf32>
    %swap3A_3731 = vector.shape_cast %add3A_3717 : vector<2x192xf32> to vector<1x2x192xf32>
    tpu.vector_store %arg9[%swap3A_3726, %swap3A_3727, %swap3A_3728], %swap3A_3731 {strides = array<i32>} : memref<1x4096x192xf32, #tpu.memory_space<vmem>>, vector<1x2x192xf32>,
    %get3A_3732 = arith.constant 0 : index
    %get3A_3733 = arith.constant 2079 : index
    %get3A_3734 = arith.constant 0 : index
    %get3A_3735 = vector.load %arg1[%get3A_3732, %get3A_3733, %get3A_3734] : memref<1x2080x192xf32, #tpu.memory_space<vmem>>, vector<1x1x192xf32>
    %get3A_3736 = vector.shape_cast %get3A_3735 : vector<1x1x192xf32> to vector<1x192xf32>
    %slice3A_3737 = vector.extract_strided_slice %add3A_11 {offsets = [63, 0], sizes = [1, 192], strides = [1, 1]} : vector<64x192xf32> to vector<1x192xf32>
    %slice3A_3738 = vector.extract_strided_slice %add3A_26 {offsets = [63, 0], sizes = [1, 192], strides = [1, 1]} : vector<64x192xf32> to vector<1x192xf32>
    %squeeze3A_3739 = vector.shape_cast %slice3A_3738 : vector<1x192xf32> to vector<192xf32>
    %broadcast_in_dim3A_3740 = vector.shape_cast %squeeze3A_3739 : vector<192xf32> to vector<1x192xf32>
    %add3A_3741 = arith.addf %slice3A_3737, %broadcast_in_dim3A_3740 : vector<1x192xf32>
    %max3A_3742 = arith.constant 0.000000e+00 : f32
    %max3A_3743 = vector.broadcast %max3A_3742 : f32 to vector<1x192xf32>
    %max3A_3744 = arith.maximumf %add3A_3741, %max3A_3743 : vector<1x192xf32>
    %add3A_3745 = arith.addf %max3A_3744, %get3A_3736 : vector<1x192xf32>
    %reduce_sum3A_3746 = arith.constant dense<0.000000e+00> : vector<1xf32>
    %reduce_sum3A_3747 = vector.multi_reduction <add>, %add3A_3745, %reduce_sum3A_3746 [1] : vector<1x192xf32> to vector<1xf32>
    %broadcast_in_dim3A_3748 = vector.shape_cast %reduce_sum3A_3747 : vector<1xf32> to vector<1x1xf32>
    %mul3A_3749 = arith.mulf %add3A_3745, %add3A_3745 : vector<1x192xf32>
    %reduce_sum3A_3750 = arith.constant dense<0.000000e+00> : vector<1xf32>
    %reduce_sum3A_3751 = vector.multi_reduction <add>, %mul3A_3749, %reduce_sum3A_3750 [1] : vector<1x192xf32> to vector<1xf32>
    %broadcast_in_dim3A_3752 = vector.shape_cast %reduce_sum3A_3751 : vector<1xf32> to vector<1x1xf32>
    %mul3A_3753 = arith.constant 0.00520833349 : f32
    %mul3A_3754 = vector.broadcast %mul3A_3753 : f32 to vector<1x1xf32>
    %mul3A_3755 = arith.mulf %broadcast_in_dim3A_3748, %mul3A_3754 : vector<1x1xf32>
    %mul3A_3756 = arith.constant 0.00520833349 : f32
    %mul3A_3757 = vector.broadcast %mul3A_3756 : f32 to vector<1x1xf32>
    %mul3A_3758 = arith.mulf %broadcast_in_dim3A_3752, %mul3A_3757 : vector<1x1xf32>
    %mul3A_3759 = arith.mulf %mul3A_3755, %mul3A_3755 : vector<1x1xf32>
    %sub3A_3760 = arith.subf %mul3A_3758, %mul3A_3759 : vector<1x1xf32>
    %max3A_3761 = arith.constant 0.000000e+00 : f32
    %max3A_3762 = vector.broadcast %max3A_3761 : f32 to vector<1x1xf32>
    %max3A_3763 = arith.maximumf %sub3A_3760, %max3A_3762 : vector<1x1xf32>
    %add3A_3764 = arith.constant 9.99999996E-13 : f32
    %add3A_3765 = vector.broadcast %add3A_3764 : f32 to vector<1x1xf32>
    %add3A_3766 = arith.addf %max3A_3763, %add3A_3765 : vector<1x1xf32>
    %rsqrt3A_3767 = math.rsqrt %add3A_3766 : vector<1x1xf32>
    %sub3A_3768 = vector.broadcast %mul3A_3755 : vector<1x1xf32> to vector<1x192xf32>
    %sub3A_3769 = arith.subf %add3A_3745, %sub3A_3768 : vector<1x192xf32>
    %mul3A_3770 = vector.broadcast %rsqrt3A_3767 : vector<1x1xf32> to vector<1x192xf32>
    %mul3A_3771 = arith.mulf %mul3A_3770, %get3A_29 : vector<1x192xf32>
    %mul3A_3772 = arith.mulf %sub3A_3769, %mul3A_3771 : vector<1x192xf32>
    %add3A_3773 = arith.addf %mul3A_3772, %get3A_32 : vector<1x192xf32>
    %broadcast_in_dim3A_3774 = arith.constant 0.000000e+00 : f32
    %broadcast_in_dim3A_3775 = vector.broadcast %broadcast_in_dim3A_3774 : f32 to vector<63x192xf32>
    %swap3A_3776 = arith.constant 0 : index
    %swap3A_3777 = arith.constant 4032 : index
    %swap3A_3778 = arith.constant 0 : index
    %swap3A_3779 = vector.load %arg9[%swap3A_3776, %swap3A_3777, %swap3A_3778] : memref<1x4096x192xf32, #tpu.memory_space<vmem>>, vector<1x63x192xf32>
    %swap3A_3780 = vector.shape_cast %swap3A_3779 : vector<1x63x192xf32> to vector<63x192xf32>
    %swap3A_3781 = vector.shape_cast %broadcast_in_dim3A_3775 : vector<63x192xf32> to vector<1x63x192xf32>
    tpu.vector_store %arg9[%swap3A_3776, %swap3A_3777, %swap3A_3778], %swap3A_3781 {strides = array<i32>} : memref<1x4096x192xf32, #tpu.memory_space<vmem>>, vector<1x63x192xf32>,
    %swap3A_3782 = arith.constant 0 : index
    %swap3A_3783 = arith.constant 4095 : index
    %swap3A_3784 = arith.constant 0 : index
    %swap3A_3785 = vector.load %arg9[%swap3A_3782, %swap3A_3783, %swap3A_3784] : memref<1x4096x192xf32, #tpu.memory_space<vmem>>, vector<1x1x192xf32>
    %swap3A_3786 = vector.shape_cast %swap3A_3785 : vector<1x1x192xf32> to vector<1x192xf32>
    %swap3A_3787 = vector.shape_cast %add3A_3773 : vector<1x192xf32> to vector<1x1x192xf32>
    tpu.vector_store %arg9[%swap3A_3782, %swap3A_3783, %swap3A_3784], %swap3A_3787 {strides = array<i32>} : memref<1x4096x192xf32, #tpu.memory_space<vmem>>, vector<1x1x192xf32>,
    return
  }
  func.func @transform_0(%arg0: i32) -> (i32, i32, i32) {
    %c0_i32 = arith.constant 0 : i32
    %c0_i32_0 = arith.constant 0 : i32
    %c0_i32_1 = arith.constant 0 : i32
    return %arg0, %c0_i32, %c0_i32_0 : i32, i32, i32
  }
  func.func @transform_1(%arg0: i32) -> (i32, i32, i32) {
    %c0_i32 = arith.constant 0 : i32
    %c0_i32_0 = arith.constant 0 : i32
    %c0_i32_1 = arith.constant 0 : i32
    return %arg0, %c0_i32, %c0_i32_0 : i32, i32, i32
  }
  func.func @transform_2(%arg0: i32) -> (i32, i32) {
    %c0_i32 = arith.constant 0 : i32
    %c0_i32_0 = arith.constant 0 : i32
    %c0_i32_1 = arith.constant 0 : i32
    return %c0_i32, %c0_i32_0 : i32, i32
  }
  func.func @transform_3(%arg0: i32) -> (i32, i32) {
    %c0_i32 = arith.constant 0 : i32
    %c0_i32_0 = arith.constant 0 : i32
    %c0_i32_1 = arith.constant 0 : i32
    return %c0_i32, %c0_i32_0 : i32, i32
  }
  func.func @transform_4(%arg0: i32) -> (i32, i32) {
    %c0_i32 = arith.constant 0 : i32
    %c0_i32_0 = arith.constant 0 : i32
    %c0_i32_1 = arith.constant 0 : i32
    return %c0_i32, %c0_i32_0 : i32, i32
  }
  func.func @transform_5(%arg0: i32) -> (i32, i32) {
    %c0_i32 = arith.constant 0 : i32
    %c0_i32_0 = arith.constant 0 : i32
    %c0_i32_1 = arith.constant 0 : i32
    return %c0_i32, %c0_i32_0 : i32, i32
  }
  func.func @transform_6(%arg0: i32) -> (i32, i32) {
    %c0_i32 = arith.constant 0 : i32
    %c0_i32_0 = arith.constant 0 : i32
    %c0_i32_1 = arith.constant 0 : i32
    return %c0_i32, %c0_i32_0 : i32, i32
  }
  func.func @transform_7(%arg0: i32) -> (i32, i32) {
    %c0_i32 = arith.constant 0 : i32
    %c0_i32_0 = arith.constant 0 : i32
    %c0_i32_1 = arith.constant 0 : i32
    return %c0_i32, %c0_i32_0 : i32, i32
  }
  func.func @transform_8(%arg0: i32) -> (i32, i32, i32) {
    %c0_i32 = arith.constant 0 : i32
    %c0_i32_0 = arith.constant 0 : i32
    %c0_i32_1 = arith.constant 0 : i32
    return %arg0, %c0_i32, %c0_i32_0 : i32, i32, i32
  }
}

</mosaic_0001>

<sc_bundles>
// kernel: kernel.4.cloned.1.call-start
scs
__scs_entry_jumppad:
0x0: {  	(pc) =	sbr.rel $0x88, $3  }
0x1: {  	(tag) =	ssettag $0x0;
	lr =	simm.s32 $0x1  }
0x2: {  	[smem:$0x3F99] =	sst lr;
	_ =	strace $0xD0000000  }
0x3: {  	_ = 	snop  }
0x4: {  	_ = 	snop  }
0x5: {  	_ = 	snop  }
0x6: {  	_ = 	snop  }
0x7: {  	_ = 	snop  }
__scs_overlays_trampoline_lowered:
0x8: {  	[smem:$0x3FA8] =	sst s0  }
0x9: {  	[smem:$0x3FA9] =	sst s1  }
0xa: {  	[smem:$0x3FAA] =	sst s2  }
0xb: {  	[smem:$0x3FAB] =	sst s3  }
0xc: {  	[smem:$0x3FAC] =	sst s4  }
0xd: {  	[smem:$0x3FAD] =	sst s5  }
0xe: {  	[smem:$0x3FAE] =	sst s6  }
0xf: {  	[smem:$0x3FAF] =	sst s7  }
0x10: {  	[smem:$0x3FB0] =	sst s8  }
0x11: {  	[smem:$0x3FB1] =	sst s9;
	s0 =	simm.s32 @!p0 $0x0  }
0x12: {  	s1 =	sld [smem:$0x3F97];
	s0 =	simm.s32 @p0 $0x1  }
0x13: {  	[smem:$0x3FB2] =	sst s0;
	s0 =	simm.s32 @!p1 $0x0  }
0x14: {  	s2 =	sld [smem:$0x3F96];
	s0 =	simm.s32 @p1 $0x1  }
0x15: {  	[smem:$0x3FB3] =	sst s0;
	s0 =	simm.s32 @!p2 $0x0  }
0x16: {  	s3 =	sld [smem:$0x3FDB];
	s0 =	simm.s32 @p2 $0x1  }
0x17: {  	s4 =	simm.s32 $0x1BF5;
	[smem:$0x3FB5] =	sst s0  }
0x18: {  	s0 =	sld [smem:$0x3F98];
	_ =	swait.ge [sflag:s4], $0x0  }
0x19: {  	s7 =	sld [smem:$0x3F99]  }
0x1a: {  	s8 =	sadd.s32 $0xFFFFE003, lr  }
0x1b: {  	s9 =	sadd.s32 $0xFFFFFEF7, lr;
	s5 =	simm.s32 $0xFFFFFFFF;
	p2 =	slt.u32 s8, $0xFFFFF086  }
0x1c: {  	p1 =	slt.u32 s9, $0xF7A;
	s5 =	simm.s32 @!p2 $0x0  }
0x1d: {  	s5 =	simm.s32 @p1 $0x1;
	p0 =	seq.s32 s7, s2  }
0x1e: {  	s7 =	smul.u32 @!p0 $0xF7A, s2;
	p2 =	seq.s32 @!p0 s5, $0x0  }
0x1f: {  	s9 =	smul.u32 $0xF7A, s1;
	s8 =	simm.s32 @!p0 $0x1BF5;
	p2 =	por !p2, p0  }
0x20: {  	[sflag:s8] =	ssyncset.s32 @!p0 $0xFFFFF086;
	s6 =	sadd.s32 @!p0 s3, s7;
	s7 =	simm.s32 @!p0 $0x108  }
0x21: {  	s3 =	sadd.s32 s3, s9;
	s6 =	sadd.s32 @!p0 $0x88, s6;
	s7 =	simm.s32 @p2 $0x1082  }
0x22: {  	[simem:s7], [sflag:s8] =	dma.local @!p0 [hbm:s6], $0xF7A  }
0x23: {  	s9 =	sor.u32 $0xD0000000, s2;
	s6 =	simm.s32 $0x108;
	_ =	swait.ge @!p0 [sflag:s8], $0x0  }
0x24: {  	s3 =	sadd.s32 $0x88, s3;
	s6 =	simm.s32 @!p1 $0x1082;
	[sflag:s4] =	ssyncset.s32 $0xFFFFF086  }
0x25: {  	[simem:s6], [sflag:s4] =	dma.local [hbm:s3], $0xF7A  }
0x26: {  	[smem:$0x3F99] =	sst s1;
	(tag) =	ssettag s2;
	_ =	strace s9  }
0x27: {  	s1 =	sld [smem:$0x3FA9]  }
0x28: {  	s2 =	sld [smem:$0x3FAA]  }
0x29: {  	s4 =	sld [smem:$0x3FAC]  }
0x2a: {  	p0 =	seq.s32 s5, $0x0;
	s5 =	sld [smem:$0x3FAD]  }
0x2b: {  	s6 =	sld [smem:$0x3FAE]  }
0x2c: {  	s7 =	sld [smem:$0x3FAF]  }
0x2d: {  	s3 =	simm.s32 $0x108;
	s8 =	sld [smem:$0x3FB0]  }
0x2e: {  	s3 =	simm.s32 @!p0 $0x1082;
	s9 =	sld [smem:$0x3FB1]  }
0x2f: {  	lr =	sadd.s32 s0, s3;
	s0 =	sld [smem:$0x3FA8]  }
0x30: {  	s3 =	sld [smem:$0x3FAB]  }
0x31: {  	[smem:$0x3FB4] =	sst s10  }
0x32: {  	s10 =	sld [smem:$0x3FB2];
	_ =	sdelay $0x3  }
0x33: {  	p0 =	seq.s32 s10, $0x1;
	s10 =	sld [smem:$0x3FB4];
	_ =	sdelay $0x3  }
0x34: {  	[smem:$0x3FB4] =	sst s10  }
0x35: {  	s10 =	sld [smem:$0x3FB3];
	_ =	sdelay $0x3  }
0x36: {  	p1 =	seq.s32 s10, $0x1;
	s10 =	sld [smem:$0x3FB4];
	_ =	sdelay $0x3  }
0x37: {  	[smem:$0x3FB4] =	sst s10  }
0x38: {  	s10 =	sld [smem:$0x3FB5]  }
0x39: {  	_ = 	snop;
	(pc) =	sbr.ind lr, $3  }
0x3a: {  	_ = 	snop  }
0x3b: {  	_ = 	snop  }
0x3c: {  	p2 =	seq.s32 s10, $0x1;
	s10 =	sld [smem:$0x3FB4]  }
0x3d: {  	_ =	shalt  }
0x3e: {  	_ =	shalt  }
0x3f: {  	_ =	shalt  }
0x40: {  	_ =	shalt  }
0x41: {  	_ =	shalt  }
0x42: {  	_ =	shalt  }
0x43: {  	_ =	shalt  }
0x44: {  	_ =	shalt  }
0x45: {  	_ =	shalt  }
0x46: {  	_ =	shalt  }
0x47: {  	_ =	shalt  }
0x48: {  	_ =	shalt  }
0x49: {  	_ =	shalt  }
0x4a: {  	_ =	shalt  }
0x4b: {  	_ =	shalt  }
0x4c: {  	_ =	shalt  }
0x4d: {  	_ =	shalt  }
0x4e: {  	_ =	shalt  }
0x4f: {  	_ =	shalt  }
0x50: {  	_ =	shalt  }
0x51: {  	_ =	shalt  }
0x52: {  	_ =	shalt  }
0x53: {  	_ =	shalt  }
0x54: {  	_ =	shalt  }
0x55: {  	_ =	shalt  }
0x56: {  	_ =	shalt  }
0x57: {  	_ =	shalt  }
0x58: {  	_ =	shalt  }
0x59: {  	_ =	shalt  }
0x5a: {  	_ =	shalt  }
0x5b: {  	_ =	shalt  }
0x5c: {  	_ =	shalt  }
0x5d: {  	_ =	shalt  }
0x5e: {  	_ =	shalt  }
0x5f: {  	_ =	shalt  }
0x60: {  	_ =	shalt  }
0x61: {  	_ =	shalt  }
0x62: {  	_ =	shalt  }
0x63: {  	_ =	shalt  }
0x64: {  	_ =	shalt  }
0x65: {  	_ =	shalt  }
0x66: {  	_ =	shalt  }
0x67: {  	_ =	shalt  }
0x68: {  	_ =	shalt  }
0x69: {  	_ =	shalt  }
0x6a: {  	_ =	shalt  }
0x6b: {  	_ =	shalt  }
0x6c: {  	_ =	shalt  }
0x6d: {  	_ =	shalt  }
0x6e: {  	_ =	shalt  }
0x6f: {  	_ =	shalt  }
0x70: {  	_ =	shalt  }
0x71: {  	_ =	shalt  }
0x72: {  	_ =	shalt  }
0x73: {  	_ =	shalt  }
0x74: {  	_ =	shalt  }
0x75: {  	_ =	shalt  }
0x76: {  	_ =	shalt  }
0x77: {  	_ =	shalt  }
0x78: {  	_ =	shalt  }
0x79: {  	_ =	shalt  }
0x7a: {  	_ =	shalt  }
0x7b: {  	_ =	shalt  }
0x7c: {  	_ =	shalt  }
0x7d: {  	_ =	shalt  }
0x7e: {  	_ =	shalt  }
0x7f: {  	_ =	shalt  }
0x80: {  	_ =	shalt  }
0x81: {  	_ =	shalt  }
0x82: {  	_ =	shalt  }
0x83: {  	_ =	shalt  }
0x84: {  	_ =	shalt  }
0x85: {  	_ =	shalt  }
0x86: {  	_ =	shalt  }
0x87: {  	_ =	shalt  }
.Lfunc_end0:
.L_simem_size_0:
called_computation_lowered:
.L_overlay_start_0:
0x88: {  	s2 =	sld [smem:$0x3FD9]  }
0x89: {  	s3 =	sld [smem:$0x3FFE];
	_ =	sdelay $0x1  }
0x8a: {  	s1 =	srdreg.scid  }
0x8b: {  	s0 =	sand.u32 $0x1, s1  }
0x8c: {  	s17 =	sshll.u32 s0, $0xA;
	s2 =	sadd.s32 s3, s2  }
0x8d: {  	s2 =	sadd.s32 s2, s17  }
0x8e: {  	[smem:$0x3FC0] =	sst s2  }
0x8f: {  	_ = 	snop  }
0x90: {  	s2 =	sld [smem:$0x3FD0];
	(tm) =	ssettm $0x1  }
0x91: {  	s18 =	sld [smem:$0x3FFB];
	_ =	sdelay $0x3  }
0x92: {  	_ =	strace s18  }
0x93: {  	s3 =	sld [smem:$0x3FFC];
	_ =	sdelay $0x3  }
0x94: {  	_ =	strace s3  }
0x95: {  	s3 =	sld [smem:$0x3FFD];
	_ =	sdelay $0x3  }
0x96: {  	_ =	strace s3  }
0x97: {  	_ =	strace $0x8FFFFFFF  }
0x98: {  	s19 =	sld [smem:$0x3FDB];
	_ =	sdelay $0x1  }
0x99: {  	s4 =	simm.s32 $_scs_section_size  }
0x9a: {  	s5 =	simm.s32 $_size__tile_overlayer_lowered;
	s6 =	simm.s32 $_tile_overlayer_lowered  }
0x9b: {  	s22 =	simm.s32 $0x1BFF;
	s21 =	sshll.u32 s6, $0x1;
	s3 =	sadd.s32 s4, s19  }
0x9c: {  	s7 =	simm.s32 $0x0;
	s20 =	sshll.u32 s5, $0x1;
	s5 =	sadd.s32 s21, s3  }
0x9d: {  	[timem:s7], [sflag:s22] =	dma.local [hbm:s5], s20  }
0x9e: {  	_ =	swait.ge [sflag:s22], s20  }
0x9f: {  	s4 =	ssub.s32 $0x0, s20;
	[sflag:s22] =	ssyncset.done $0x0  }
0xa0: {  	[sflag:s22] =	ssyncadd.s32 s4;
	_ =	sdelay $0x1  }
0xa1: {  	s23 =	simm.s32 $0x1B8B  }
0xa2: {  	_ =	swait.ge [sflag:s23], $0x1  }
0xa3: {  	[sflag:s23] =	ssyncset.done $0x0  }
0xa4: {  	s25 =	simm.s32 $0x1B8E;
	s24 =	sld [smem:$0x3FFE];
	[sflag:s23] =	ssyncadd.s32 $0xFFFFFFFF  }
0xa5: {  	s26 =	simm.s32 $execute0_lowered;
	[smem:$0x3FD2] =	sst s25  }
0xa6: {  	s5 =	sshll.u32 s26, $0x1;
	_ =	strace $0x80000046;
	[dreg:$0x1] =	wrdreg $0xFFFFFFFF  }
0xa7: {  	s28 =	simm.s32 $_size_execute0_lowered;
	s3 =	sadd.s32 s3, s5;
	[dreg:$0x0] =	wrdreg $0x0  }
0xa8: {  	s5 =	sshll.u32 s28, $0x1;
	[dreg:$0x2] =	wrdreg s3  }
0xa9: {  	[dreg:$0x3] =	wrdreg s5  }
0xaa: {  	[dreg:$0x4] =	wrdreg $0xC0  }
0xab: {  	_ =	task [dreg:s7], $0x5FFFF  }
0xac: {  	[dreg:$0x1] =	wrdreg $0xFFFFFFFF  }
0xad: {  	[dreg:$0x0] =	wrdreg $0x60  }
0xae: {  	[dreg:$0x2] =	wrdreg s2  }
0xaf: {  	[dreg:$0x3] =	wrdreg s24  }
0xb0: {  	[dreg:$0x4] =	wrdreg $0x9  }
0xb1: {  	_ =	task.clear_ibuf [dreg:s7], $0x5FFFF;
	_ =	strace $0x90000046  }
0xb2: {  	s29 =	simm.s32 $0x9;
	_ =	strace $0x80000048  }
0xb3: {  	_ =	swait.ge [sflag:s29], $0x1  }
0xb4: {  	[sflag:s29] =	ssyncadd.s32 $0xFFFFFFFF  }
0xb5: {  	_ =	strace $0x90000048  }
0xb6: {  	_ =	sfence  }
0xb7: {  	s30 =	sld [smem:$0x0];
	_ =	sdelay $0x2  }
0xb8: {  	s31 =	sshll.u32 s1, $0xD;
	s1 =	sshrl.u32 s1, $0x2  }
0xb9: {  	s3 =	sand.u32 $0x4000, s31;
	s1 =	sadd.s32 s1, s30  }
0xba: {  	s0 =	sor.u32 s3, s0;
	s1 =	sshll.u32 s1, $0x11  }
0xbb: {  	s0 =	sor.u32 s1, s0  }
0xbc: {  	s0 =	sadd.s32 $0x8F2B, s0  }
0xbd: {  	[sflag:s0] =	ssyncadd.remote.s32 $0x1  }
0xbe: {  	_ =	sfence.sel $0xFFFF  }
0xbf: {  	[dreg:$0x0] =	wrdreg $0xFFFFFFFF;
	(pc) =	sbr.abs _section_cstart, $3  }
0xc0: {  	[dreg:$0x1] =	wrdreg $0xFFFFFFFF  }
0xc1: {  	_ =	task.clear_ibuf [dreg:s7], $0x2FFFF;
	_ =	strace $0x9FFFFFFF  }
0xc2: {  	(tm) =	ssettm $0x7FFFFFFF  }
0xc3: {  	_ =	shalt  }
tec
execute0_lowered:
.L_overlay_start_1:
0x0: {  	(tag) =	ssettag $0x1  }
0x1: {  	s1 =	srdreg.scid  }
0x2: {  	s0 =	stileid.u32;
	s2 =	rddreg [dreg:$0x0];
	s6 =	sand.u32 $0x1, s1  }
0x3: {  	s8 =	rddreg [dreg:$0x1];
	s30 =	sshll.u32 s0, $0x8;
	s3 =	sshll.u32 s6, $0x7  }
0x4: {  	s1 =	rddreg [dreg:$0x2];
	s7 =	sor.u32 s3, s30  }
0x5: {  	s10 =	ssub.s32 $0x2, s6;
	s3 =	simm.s32 $0x0;
	s4 =	sshrl.u32 s7, $0x3  }
0x6: {  	s6 =	simm.s32 $0x80;
	[smem:$0x7FF] =	sst s3;
	s4 =	sadd.s32 s4, s8  }
0x7: {  	_ =	strace $0x80000047;
	s5 =	sadd.s32 $0x1400, s4;
	s4 =	simm.s32 $0x2  }
0x8: {  	[tilespmem:s3], [sflag:$0x2] =	stream.linear.gather [hbm4b:s5+s3], $0x80, $0x38;
	[tilespmem:$0x6080] =	vst v63  }
0x9: {  	s11 =	sshrl.u32 s10, $0x1;
	s9 =	smul.u32 $0x18, s7;
	_ =	swait.ge [sflag:s4], $0x80  }
0xa: {  	s7 =	simm.s32 $0x1;
	s31 =	ssub.s32 s10, s11;
	[sflag:s4] =	ssyncset.done $0x0  }
0xb: {  	s8 =	sadd.s32 s9, s8;
	s9 =	smax.u32 s31, $0x1;
	[sflag:s4] =	ssyncadd.s32 $0xFFFFFF80  }
0xc: {  	[tilespmem:s6], [sflag:$0x1] =	stream.indirect.gather [hbm4b:s2+s6], $0xC0, s3, s6, $0xb8;
	[tilespmem:$0x6080] =	vst v63  }
0xd: {  	p0 =	sne.s32 s9, $0x1;
	_ =	swait.ge [sflag:s7], $0x6000  }
.Ltmp0:
0xe: {  	[sflag:s7] =	ssyncset.done $0x0;
	(pc) =	sbr.rel @!p0 .LBB2_2-.Ltmp0, $4  }
0xf: {  	s8 =	sadd.s32 $0x411600, s8;
	[sflag:s7] =	ssyncadd.s32 $0xFFFFA000  }
0x10: {  	[hbm4b:s8+s3] =	stream.linear.scatter [tilespmem:s6], [sflag:$0x2], $0x6000, $0x38;
	[tilespmem:$0x6080] =	vst v63  }
0x11: {  	_ =	swait.ge [sflag:s4], $0x6000  }
0x12: {  	s9 =	sadd.s32 $0xFFFFFFFF, s9;
	[sflag:s4] =	ssyncset.done $0x0  }
.LBB2_1:
0x13: {  	p0 =	sne.s32 s9, $0x1;
	s9 =	sadd.s32 $0xFFFFFFFF, s9;
	[sflag:s4] =	ssyncadd.s32 $0xFFFFA000  }
0x14: {  	[tilespmem:s3], [sflag:$0x2] =	stream.linear.gather [hbm4b:s5+s3], $0x80, $0x38;
	[tilespmem:$0x6080] =	vst v63  }
0x15: {  	_ =	swait.ge [sflag:s4], $0x80  }
0x16: {  	[sflag:s4] =	ssyncset.done $0x0  }
0x17: {  	[sflag:s4] =	ssyncadd.s32 $0xFFFFFF80  }
0x18: {  	[tilespmem:s6], [sflag:$0x1] =	stream.indirect.gather [hbm4b:s2+s6], $0xC0, s3, s6, $0xb8;
	[tilespmem:$0x6080] =	vst v63  }
0x19: {  	_ =	swait.ge [sflag:s7], $0x6000  }
.Ltmp1:
0x1a: {  	[sflag:s7] =	ssyncset.done $0x0;
	(pc) =	sbr.rel @p0 .LBB2_1-.Ltmp1, $4  }
0x1b: {  	[sflag:s7] =	ssyncadd.s32 $0xFFFFA000  }
0x1c: {  	[hbm4b:s8+s3] =	stream.linear.scatter [tilespmem:s6], [sflag:$0x2], $0x6000, $0x38;
	[tilespmem:$0x6080] =	vst v63  }
0x1d: {  	_ =	swait.ge [sflag:s4], $0x6000  }
0x1e: {  	[sflag:s4] =	ssyncset.done $0x0  }
.LBB2_2:
0x1f: {  	[sflag:s4] =	ssyncadd.s32 $0xFFFFA000  }
0x20: {  	_ =	sfence.sel $0x180000  }
0x21: {  	[bflag:$0x0] =	sbarrier.arrive $0xFFFF  }
0x22: {  	p0 =	sne.s32 s0, $0x0;
	_ =	strace $0x90000047  }
0x23: {  	s0 =	sadd.s32 @!p0 $0x100000, s1;
	[bflag:$0x2] =	sbarrier.arrive $0xFFFF  }
0x24: {  	[sflag:s0] =	ssyncadd.tile.s32 @!p0 $0x1;
	_ =	shalt  }
.Lfunc_end2:
_tile_overlayer_lowered:
.L_overlay_start_2:
0x25: {  	(tag) =	ssettag $0x2  }
0x26: {  	s0 =	rddreg [dreg:$0x0];
	s2 =	stileid.u32  }
0x27: {  	s1 =	rddreg [dreg:$0x1];
	p0 =	sne.s32 s2, $0x0  }
0x28: {  	s3 =	rddreg [dreg:$0x2];
	[bflag:$0x3] =	sbarrier.arrive $0xFFFF;
	s2 =	simm.s32 @!p0 $0x1C02  }
0x29: {  	[timem:s3], [sflag:s2] =	dma.local @!p0 [hbm:s0], s1  }
0x2a: {  	s0 =	simm.s32 @!p0 $0x2  }
0x2b: {  	_ =	swait.ge @!p0 [sflag:s0], s1  }
0x2c: {  	s1 =	ssub.s32 @!p0 $0x0, s1;
	[sflag:s0] =	ssyncset.done @!p0 $0x0  }
0x2d: {  	[sflag:s0] =	ssyncadd.s32 @!p0 s1  }
0x2e: {  	[bflag:$0x3] =	sbarrier.arrive $0xFFFF  }
0x2f: {  	_ =	shalt  }

</sc_bundles>
